<compile_context>
chip_gen: v7x
topology: tpu7x:2x2x1
jax: 0.10.2.dev20260603
libtpu: 0.0.44.dev20260713+nightly
codegen_flags: <defaults>
</compile_context>

<pallas_src>
import functools

import jax
import jax.numpy as jnp
from jax import lax
from jax.experimental import pallas as pl
from jax.experimental.pallas import tpu as pltpu
from jax.experimental.pallas import tpu_sc as plsc

NUM_EMB = 1000000
DIM = 32
BATCH = 4096
HIST = 200

NC = 2
NS = 16
NW = NC * NS
BB = BATCH // NW

NB = 5

N_TCOL = NUM_EMB // 128
V_TAIL = NUM_EMB - N_TCOL * 128
RING = 3

_mesh = plsc.VectorSubcoreMesh(core_axis_name="c", subcore_axis_name="s")


@functools.partial(
    pl.kernel,
    mesh=_mesh,
    out_type=jax.ShapeDtypeStruct((NUM_EMB // 4, 128), jnp.float32),
    scratch_types=[
        pltpu.VMEM((RING, DIM, 128), jnp.float32),
        pltpu.VMEM((RING, DIM, 128), jnp.float32),
        [pltpu.SemaphoreType.DMA] * RING,
        [pltpu.SemaphoreType.DMA] * RING,
    ],
    compiler_params=pltpu.CompilerParams(
        use_tc_tiling_on_sc=True, needs_layout_passes=False
    ),
)
def _sc_relayout(tt_hbm, tail_hbm, out_hbm, src_v, dst_v, rsems, wsems):
    wid = lax.axis_index("s") * NC + lax.axis_index("c")
    lanes = lax.broadcasted_iota(jnp.int32, (16,), 0)
    row_lo = lanes
    row_hi = lanes + 16

    def fire_read(c, b):
        pltpu.async_copy(
            tt_hbm.at[:, pl.ds(c * 128, 128)], src_v.at[b], rsems[b]
        )

    def wait_read(b):
        pltpu.make_async_copy(
            tt_hbm.at[:, pl.ds(0, 128)], src_v.at[b], rsems[b]
        ).wait()

    def fire_write(c, b):
        pltpu.async_copy(
            dst_v.at[b], out_hbm.at[pl.ds(c * 32, 32)], wsems[b]
        )

    def wait_write(b):
        pltpu.make_async_copy(
            tt_hbm.at[:, pl.ds(0, 128)], src_v.at[b], wsems[b]
        ).wait()

    def transpose(b, n_rows):
        @plsc.parallel_loop(0, n_rows, unroll=4)
        def j_body(j):
            cols = [jnp.full((16,), 0, jnp.int32) + (4 * j + a) for a in range(4)]
            vals = [
                plsc.load_gather(
                    src_v.at[b], [row_lo if h % 2 == 0 else row_hi, cols[h // 2]]
                )
                for h in range(8)
            ]
            for h in range(8):
                dst_v[b, j, pl.ds(16 * h, 16)] = vals[h]

    for b in range(RING):
        fire_read(wid + b * NW, b)

    n_outer = (N_TCOL // NW + RING) // RING

    def outer(r, carry):
        for b in range(RING):
            rnd = r * RING + b
            c = rnd * NW + wid

            @pl.when(c < N_TCOL)
            def _():
                wait_read(b)

                @pl.when(rnd >= RING)
                def _():
                    wait_write(b)

                transpose(b, DIM)
                fire_write(c, b)
                cn = c + RING * NW

                @pl.when(cn < N_TCOL)
                def _():
                    fire_read(cn, b)
        return carry

    lax.fori_loop(0, n_outer, outer, 0)

    for b in range(RING):
        wait_write(b)

    @pl.when(wid == 0)
    def _():
        pltpu.sync_copy(tail_hbm, dst_v.at[0, pl.ds(0, V_TAIL // 4)])
        pltpu.sync_copy(
            dst_v.at[0, pl.ds(0, V_TAIL // 4)],
            out_hbm.at[pl.ds(N_TCOL * 32, V_TAIL // 4)],
        )


@functools.partial(
    pl.kernel,
    mesh=_mesh,
    out_type=jax.ShapeDtypeStruct((HIST, DIM // 8, BATCH // BB, 8, BB), jnp.float32),
    scratch_types=[
        pltpu.VMEM((HIST, BB), jnp.int32),
        pltpu.VMEM((NB, BB, DIM), jnp.float32),
        pltpu.VMEM((NB, DIM // 8, 8, BB), jnp.float32),
        [pltpu.SemaphoreType.DMA] * NB,
        [pltpu.SemaphoreType.DMA] * NB,
    ],
    compiler_params=pltpu.CompilerParams(
        use_tc_tiling_on_sc=False, needs_layout_passes=False
    ),
)
def _sc_gather(idxt_hbm, table_hbm, out_hbm, idx_v, rows_v, tp_v, gsems, osems):
    wid = lax.axis_index("s") * NC + lax.axis_index("c")
    b0 = wid * BB

    lanes = lax.broadcasted_iota(jnp.int32, (16,), 0)
    row_ids = [lanes + 16 * k for k in range(BB // 16)]

    def fire_gather(g, b):
        pltpu.async_copy(
            table_hbm.at[idx_v.at[g]], rows_v.at[b], gsems[b]
        )

    def wait_gather(b):
        pltpu.make_async_copy(
            table_hbm.at[pl.ds(0, BB)], rows_v.at[b], gsems[b]
        ).wait()

    def fire_write(g, b):
        pltpu.async_copy(tp_v.at[b], out_hbm.at[g, :, wid], osems[b])

    def wait_write(b):
        pltpu.make_async_copy(
            table_hbm.at[pl.ds(0, BB)], rows_v.at[b], osems[b]
        ).wait()

    def transpose(b):
        @plsc.parallel_loop(0, DIM // 2, unroll=4)
        def ch_body(i):
            ch0 = 2 * i
            ch1 = 2 * i + 1
            col0 = jnp.full((16,), 0, jnp.int32) + ch0
            col1 = col0 + 1
            vals0 = [
                plsc.load_gather(rows_v.at[b], [row_ids[k], col0])
                for k in range(BB // 16)
            ]
            vals1 = [
                plsc.load_gather(rows_v.at[b], [row_ids[k], col1])
                for k in range(BB // 16)
            ]
            for k in range(BB // 16):
                tp_v[b, ch0 >> 3, ch0 & 7, pl.ds(16 * k, 16)] = vals0[k]
            for k in range(BB // 16):
                tp_v[b, ch1 >> 3, ch1 & 7, pl.ds(16 * k, 16)] = vals1[k]

    pltpu.sync_copy(idxt_hbm.at[:, pl.ds(b0, BB)], idx_v)

    for b in range(NB - 1):
        fire_gather(b, b)

    def outer(p, carry):
        for b in range(NB):
            g = p * NB + b
            bf = (b + NB - 1) % NB
            gf = g + NB - 1
            if b == 0:
                @pl.when(p >= 1)
                def _():
                    wait_write(bf)

                fire_gather(gf, bf)
            else:
                wait_write(bf)

                @pl.when(gf < HIST)
                def _():
                    fire_gather(gf, bf)

            wait_gather(b)
            transpose(b)
            fire_write(g, b)
        return carry

    lax.fori_loop(0, HIST // NB, outer, 0)
    wait_write((HIST - 1) % NB)


def kernel(inp, table):
    tail = table[N_TCOL * 128:].reshape(V_TAIL // 4, 128)
    trm = _sc_relayout(table.T, tail).reshape(NUM_EMB, DIM)
    x = _sc_gather(inp.T, trm)
    y = jnp.transpose(x, (2, 4, 0, 1, 3))
    return y.reshape(BATCH, HIST, DIM)

# --- scband reference (transcript-rebuilt; emitter-appended) ---
"""Pipeline reference for scband-embedding-25632364822671 (READ-ONLY COPY).

The authoritative reference and input builder live on the scoring server;
editing this copy changes nothing except your own understanding.
"""

import jax, jax.numpy as jnp
import numpy as np

NUM_EMBEDDINGS = 1000000
EMBEDDING_DIM = 32
BATCH = 4096
HIST_LEN = 200


def setup_inputs(seed: int = 0) -> dict:
    key = jax.random.key(seed)
    k_idx, k_tab = jax.random.split(key)
    inp = jax.random.randint(k_idx, (BATCH, HIST_LEN), 0, NUM_EMBEDDINGS, dtype=jnp.int32)
    # nn.Embedding default init: N(0, 1)
    table = jax.random.normal(k_tab, (NUM_EMBEDDINGS, EMBEDDING_DIM), dtype=jnp.float32)
    return {"inp": inp, "table": table}


def reference(inp, table):
    # Faithful translation of nn.Embedding forward (padding_idx=None): pure row gather.
    embedded = jnp.take(table, inp, axis=0)
    return embedded

if __name__ == "__main__":
    import jax
    _d = setup_inputs()
    print(jax.jit(kernel)(*tuple(_d.values())))

</pallas_src>

<mosaic_0001>
#map = affine_map<(d0, d1) -> (0, 0)>
module attributes {stable_mosaic.version = 14 : i64} {
  func.func @_sc_relayout(%arg0: i32, %arg1: i32, %arg2: memref<32x1000000xf32, #tpu.memory_space<hbm>>, %arg3: memref<16x128xf32, #tpu.memory_space<hbm>>, %arg4: memref<250000x128xf32, #tpu.memory_space<hbm>>, %arg5: memref<3x32x128xf32, #tpu.memory_space<vmem>>, %arg6: memref<3x32x128xf32, #tpu.memory_space<vmem>>, %arg7: memref<!tpu.dma_semaphore, #tpu.memory_space<semaphore_mem>>, %arg8: memref<!tpu.dma_semaphore, #tpu.memory_space<semaphore_mem>>, %arg9: memref<!tpu.dma_semaphore, #tpu.memory_space<semaphore_mem>>, %arg10: memref<!tpu.dma_semaphore, #tpu.memory_space<semaphore_mem>>, %arg11: memref<!tpu.dma_semaphore, #tpu.memory_space<semaphore_mem>>, %arg12: memref<!tpu.dma_semaphore, #tpu.memory_space<semaphore_mem>>) attributes {dimension_semantics = [#tpu.dimension_semantics<core_parallel>, #tpu.dimension_semantics<subcore_parallel>], iteration_bounds = array<i64: 2, 16>, scalar_prefetch = 0 : i64, scratch_operands = 8 : i64, tpu.core_type = #tpu.core_type<sc_vector_subcore>, window_params = [{transform_indices = #map}, {transform_indices = #map}, {transform_indices = #map}]} {
    %mul3A = arith.constant 2 : i32
    %mul3A_0 = arith.muli %arg1, %mul3A : i32
    %add3A = arith.addi %mul3A_0, %arg0 : i32
    %iota3A = tpu.iota {dimensions = array<i32: 0>} : vector<16xi32>
    %add3A_1 = arith.constant 16 : i32
    %add3A_2 = vector.broadcast %add3A_1 : i32 to vector<16xi32>
    %add3A_3 = arith.addi %iota3A, %add3A_2 : vector<16xi32>
    %add3A_4 = arith.constant 0 : i32
    %add3A_5 = arith.addi %add3A, %add3A_4 : i32
    %mul3A_6 = arith.constant 128 : i32
    %mul3A_7 = arith.muli %add3A_5, %mul3A_6 : i32
    %dma_start3A = arith.constant 0 : i32
    %dma_start3A_8 = arith.constant 0 : i32
    %dma_start3A_9 = arith.constant 0 : i32
    %dma_start3A_10 = tpu.memref_slice %arg5[%dma_start3A, %dma_start3A_8, %dma_start3A_9] : memref<3x32x128xf32, #tpu.memory_space<vmem>> -> memref<1x32x128xf32, #tpu.memory_space<vmem>>
    %dma_start3A_11 = tpu.memref_squeeze %dma_start3A_10 : memref<1x32x128xf32, #tpu.memory_space<vmem>> -> memref<32x128xf32, #tpu.memory_space<vmem>>
    %dma_start3A_12 = arith.constant 0 : i32
    %dma_start3A_13 = tpu.memref_slice %arg2[%dma_start3A_12, %mul3A_7] : memref<32x1000000xf32, #tpu.memory_space<hbm>> -> memref<32x128xf32, #tpu.memory_space<hbm>>
    %dma_start3A_14 = arith.constant 0 : i32
    %dma_start3A_15 = arith.constant 0 : i32
    %dma_start3A_16 = tpu.memref_slice %arg5[%dma_start3A, %dma_start3A_14, %dma_start3A_15] : memref<3x32x128xf32, #tpu.memory_space<vmem>> -> memref<1x32x128xf32, #tpu.memory_space<vmem>>
    %dma_start3A_17 = tpu.memref_squeeze %dma_start3A_16 : memref<1x32x128xf32, #tpu.memory_space<vmem>> -> memref<32x128xf32, #tpu.memory_space<vmem>>
    %dma_start3A_18 = arith.constant 0 : i32
    %dma_start3A_19 = tpu.memref_slice %arg2[%dma_start3A_18, %mul3A_7] : memref<32x1000000xf32, #tpu.memory_space<hbm>> -> memref<32x128xf32, #tpu.memory_space<hbm>>
    tpu.enqueue_dma source(%dma_start3A_19 : memref<32x128xf32, #tpu.memory_space<hbm>>) target(%dma_start3A_17 : memref<32x128xf32, #tpu.memory_space<vmem>>) target_semaphore(%arg7 : memref<!tpu.dma_semaphore, #tpu.memory_space<semaphore_mem>>)
    %add3A_20 = arith.constant 32 : i32
    %add3A_21 = arith.addi %add3A, %add3A_20 : i32
    %mul3A_22 = arith.constant 128 : i32
    %mul3A_23 = arith.muli %add3A_21, %mul3A_22 : i32
    %dma_start3A_24 = arith.constant 1 : i32
    %dma_start3A_25 = arith.constant 0 : i32
    %dma_start3A_26 = arith.constant 0 : i32
    %dma_start3A_27 = tpu.memref_slice %arg5[%dma_start3A_24, %dma_start3A_25, %dma_start3A_26] : memref<3x32x128xf32, #tpu.memory_space<vmem>> -> memref<1x32x128xf32, #tpu.memory_space<vmem>>
    %dma_start3A_28 = tpu.memref_squeeze %dma_start3A_27 : memref<1x32x128xf32, #tpu.memory_space<vmem>> -> memref<32x128xf32, #tpu.memory_space<vmem>>
    %dma_start3A_29 = arith.constant 0 : i32
    %dma_start3A_30 = tpu.memref_slice %arg2[%dma_start3A_29, %mul3A_23] : memref<32x1000000xf32, #tpu.memory_space<hbm>> -> memref<32x128xf32, #tpu.memory_space<hbm>>
    %dma_start3A_31 = arith.constant 0 : i32
    %dma_start3A_32 = arith.constant 0 : i32
    %dma_start3A_33 = tpu.memref_slice %arg5[%dma_start3A_24, %dma_start3A_31, %dma_start3A_32] : memref<3x32x128xf32, #tpu.memory_space<vmem>> -> memref<1x32x128xf32, #tpu.memory_space<vmem>>
    %dma_start3A_34 = tpu.memref_squeeze %dma_start3A_33 : memref<1x32x128xf32, #tpu.memory_space<vmem>> -> memref<32x128xf32, #tpu.memory_space<vmem>>
    %dma_start3A_35 = arith.constant 0 : i32
    %dma_start3A_36 = tpu.memref_slice %arg2[%dma_start3A_35, %mul3A_23] : memref<32x1000000xf32, #tpu.memory_space<hbm>> -> memref<32x128xf32, #tpu.memory_space<hbm>>
    tpu.enqueue_dma source(%dma_start3A_36 : memref<32x128xf32, #tpu.memory_space<hbm>>) target(%dma_start3A_34 : memref<32x128xf32, #tpu.memory_space<vmem>>) target_semaphore(%arg8 : memref<!tpu.dma_semaphore, #tpu.memory_space<semaphore_mem>>)
    %add3A_37 = arith.constant 64 : i32
    %add3A_38 = arith.addi %add3A, %add3A_37 : i32
    %mul3A_39 = arith.constant 128 : i32
    %mul3A_40 = arith.muli %add3A_38, %mul3A_39 : i32
    %dma_start3A_41 = arith.constant 2 : i32
    %dma_start3A_42 = arith.constant 0 : i32
    %dma_start3A_43 = arith.constant 0 : i32
    %dma_start3A_44 = tpu.memref_slice %arg5[%dma_start3A_41, %dma_start3A_42, %dma_start3A_43] : memref<3x32x128xf32, #tpu.memory_space<vmem>> -> memref<1x32x128xf32, #tpu.memory_space<vmem>>
    %dma_start3A_45 = tpu.memref_squeeze %dma_start3A_44 : memref<1x32x128xf32, #tpu.memory_space<vmem>> -> memref<32x128xf32, #tpu.memory_space<vmem>>
    %dma_start3A_46 = arith.constant 0 : i32
    %dma_start3A_47 = tpu.memref_slice %arg2[%dma_start3A_46, %mul3A_40] : memref<32x1000000xf32, #tpu.memory_space<hbm>> -> memref<32x128xf32, #tpu.memory_space<hbm>>
    %dma_start3A_48 = arith.constant 0 : i32
    %dma_start3A_49 = arith.constant 0 : i32
    %dma_start3A_50 = tpu.memref_slice %arg5[%dma_start3A_41, %dma_start3A_48, %dma_start3A_49] : memref<3x32x128xf32, #tpu.memory_space<vmem>> -> memref<1x32x128xf32, #tpu.memory_space<vmem>>
    %dma_start3A_51 = tpu.memref_squeeze %dma_start3A_50 : memref<1x32x128xf32, #tpu.memory_space<vmem>> -> memref<32x128xf32, #tpu.memory_space<vmem>>
    %dma_start3A_52 = arith.constant 0 : i32
    %dma_start3A_53 = tpu.memref_slice %arg2[%dma_start3A_52, %mul3A_40] : memref<32x1000000xf32, #tpu.memory_space<hbm>> -> memref<32x128xf32, #tpu.memory_space<hbm>>
    tpu.enqueue_dma source(%dma_start3A_53 : memref<32x128xf32, #tpu.memory_space<hbm>>) target(%dma_start3A_51 : memref<32x128xf32, #tpu.memory_space<vmem>>) target_semaphore(%arg9 : memref<!tpu.dma_semaphore, #tpu.memory_space<semaphore_mem>>)
    %scan3A = arith.constant 0 : i32
    %scan3A_54 = arith.constant 0 : i32
    %scan3A_55 = arith.constant 82 : i32
    %scan3A_56 = arith.addi %scan3A_54, %scan3A_55 : i32
    %scan3A_57 = arith.constant 1 : i32
    scf.for %scan3A_105 = %scan3A_54 to %scan3A_56 step %scan3A_57  : i32 {
      %mul3A_106 = arith.constant 3 : i32
      %mul3A_107 = arith.muli %scan3A_105, %mul3A_106 : i32
      %add3A_108 = arith.constant 0 : i32
      %add3A_109 = arith.addi %mul3A_107, %add3A_108 : i32
      %mul3A_110 = arith.constant 32 : i32
      %mul3A_111 = arith.muli %add3A_109, %mul3A_110 : i32
      %add3A_112 = arith.addi %mul3A_111, %add3A : i32
      %lt3A = arith.constant 7812 : i32
      %lt3A_113 = arith.cmpi slt, %add3A_112, %lt3A : i32
      %convert_element_type3A_114 = arith.extui %lt3A_113 : i1 to i32
      %cond3A_115 = arith.constant 0 : i32
      %cond3A_116 = arith.cmpi ne, %convert_element_type3A_114, %cond3A_115 : i32
      scf.if %cond3A_116 {
        %dma_wait3A_141 = arith.constant 0 : i32
        %dma_wait3A_142 = arith.constant 0 : i32
        %dma_wait3A_143 = arith.constant 0 : i32
        %dma_wait3A_144 = tpu.memref_slice %arg5[%dma_wait3A_141, %dma_wait3A_142, %dma_wait3A_143] : memref<3x32x128xf32, #tpu.memory_space<vmem>> -> memref<1x32x128xf32, #tpu.memory_space<vmem>>
        %dma_wait3A_145 = tpu.memref_squeeze %dma_wait3A_144 : memref<1x32x128xf32, #tpu.memory_space<vmem>> -> memref<32x128xf32, #tpu.memory_space<vmem>>
        %dma_wait3A_146 = arith.constant 0 : i32
        %dma_wait3A_147 = arith.constant 0 : i32
        %dma_wait3A_148 = tpu.memref_slice %arg2[%dma_wait3A_146, %dma_wait3A_147] : memref<32x1000000xf32, #tpu.memory_space<hbm>> -> memref<32x128xf32, #tpu.memory_space<hbm>>
        %dma_wait3A_149 = arith.constant 0 : i32
        %dma_wait3A_150 = arith.constant 0 : i32
        %dma_wait3A_151 = tpu.memref_slice %arg5[%dma_wait3A_141, %dma_wait3A_149, %dma_wait3A_150] : memref<3x32x128xf32, #tpu.memory_space<vmem>> -> memref<1x32x128xf32, #tpu.memory_space<vmem>>
        %dma_wait3A_152 = tpu.memref_squeeze %dma_wait3A_151 : memref<1x32x128xf32, #tpu.memory_space<vmem>> -> memref<32x128xf32, #tpu.memory_space<vmem>>
        %dma_wait3A_153 = arith.constant 0 : i32
        %dma_wait3A_154 = arith.constant 0 : i32
        %dma_wait3A_155 = tpu.memref_slice %arg2[%dma_wait3A_153, %dma_wait3A_154] : memref<32x1000000xf32, #tpu.memory_space<hbm>> -> memref<32x128xf32, #tpu.memory_space<hbm>>
        tpu.wait_dma2 semaphore(%arg7 : memref<!tpu.dma_semaphore, #tpu.memory_space<semaphore_mem>>) src(%dma_wait3A_155 : memref<32x128xf32, #tpu.memory_space<hbm>>) dst(%dma_wait3A_152 : memref<32x128xf32, #tpu.memory_space<vmem>>)
        %ge3A = arith.constant 3 : i32
        %ge3A_156 = arith.cmpi sge, %add3A_109, %ge3A : i32
        %convert_element_type3A_157 = arith.extui %ge3A_156 : i1 to i32
        %cond3A_158 = arith.constant 0 : i32
        %cond3A_159 = arith.cmpi ne, %convert_element_type3A_157, %cond3A_158 : i32
        scf.if %cond3A_159 {
          %dma_wait3A_184 = arith.constant 0 : i32
          %dma_wait3A_185 = arith.constant 0 : i32
          %dma_wait3A_186 = arith.constant 0 : i32
          %dma_wait3A_187 = tpu.memref_slice %arg5[%dma_wait3A_184, %dma_wait3A_185, %dma_wait3A_186] : memref<3x32x128xf32, #tpu.memory_space<vmem>> -> memref<1x32x128xf32, #tpu.memory_space<vmem>>
          %dma_wait3A_188 = tpu.memref_squeeze %dma_wait3A_187 : memref<1x32x128xf32, #tpu.memory_space<vmem>> -> memref<32x128xf32, #tpu.memory_space<vmem>>
          %dma_wait3A_189 = arith.constant 0 : i32
          %dma_wait3A_190 = arith.constant 0 : i32
          %dma_wait3A_191 = tpu.memref_slice %arg2[%dma_wait3A_189, %dma_wait3A_190] : memref<32x1000000xf32, #tpu.memory_space<hbm>> -> memref<32x128xf32, #tpu.memory_space<hbm>>
          %dma_wait3A_192 = arith.constant 0 : i32
          %dma_wait3A_193 = arith.constant 0 : i32
          %dma_wait3A_194 = tpu.memref_slice %arg5[%dma_wait3A_184, %dma_wait3A_192, %dma_wait3A_193] : memref<3x32x128xf32, #tpu.memory_space<vmem>> -> memref<1x32x128xf32, #tpu.memory_space<vmem>>
          %dma_wait3A_195 = tpu.memref_squeeze %dma_wait3A_194 : memref<1x32x128xf32, #tpu.memory_space<vmem>> -> memref<32x128xf32, #tpu.memory_space<vmem>>
          %dma_wait3A_196 = arith.constant 0 : i32
          %dma_wait3A_197 = arith.constant 0 : i32
          %dma_wait3A_198 = tpu.memref_slice %arg2[%dma_wait3A_196, %dma_wait3A_197] : memref<32x1000000xf32, #tpu.memory_space<hbm>> -> memref<32x128xf32, #tpu.memory_space<hbm>>
          tpu.wait_dma2 semaphore(%arg10 : memref<!tpu.dma_semaphore, #tpu.memory_space<semaphore_mem>>) src(%dma_wait3A_198 : memref<32x128xf32, #tpu.memory_space<hbm>>) dst(%dma_wait3A_195 : memref<32x128xf32, #tpu.memory_space<vmem>>)
        } else {
        }
        %parallel_loop3A = arith.constant 0 : i32
        %parallel_loop3A_160 = arith.constant 32 : i32
        %parallel_loop3A_161 = arith.constant 1 : i32
        scf.for %parallel_loop3A_184 = %parallel_loop3A to %parallel_loop3A_160 step %parallel_loop3A_161  : i32 {
          %parallel_loop3A_185 = arith.constant 0 : i32
          %parallel_loop3A_186 = vector.broadcast %parallel_loop3A_185 : i32 to vector<16xi32>
          %parallel_loop3A_187 = arith.constant 4 : i32
          %parallel_loop3A_188 = arith.muli %parallel_loop3A_187, %parallel_loop3A_184 : i32
          %parallel_loop3A_189 = arith.constant 0 : i32
          %parallel_loop3A_190 = arith.addi %parallel_loop3A_188, %parallel_loop3A_189 : i32
          %parallel_loop3A_191 = vector.broadcast %parallel_loop3A_190 : i32 to vector<16xi32>
          %parallel_loop3A_192 = arith.addi %parallel_loop3A_186, %parallel_loop3A_191 : vector<16xi32>
          %parallel_loop3A_193 = arith.constant 0 : i32
          %parallel_loop3A_194 = vector.broadcast %parallel_loop3A_193 : i32 to vector<16xi32>
          %parallel_loop3A_195 = arith.constant 4 : i32
          %parallel_loop3A_196 = arith.muli %parallel_loop3A_195, %parallel_loop3A_184 : i32
          %parallel_loop3A_197 = arith.constant 1 : i32
          %parallel_loop3A_198 = arith.addi %parallel_loop3A_196, %parallel_loop3A_197 : i32
          %parallel_loop3A_199 = vector.broadcast %parallel_loop3A_198 : i32 to vector<16xi32>
          %parallel_loop3A_200 = arith.addi %parallel_loop3A_194, %parallel_loop3A_199 : vector<16xi32>
          %parallel_loop3A_201 = arith.constant 0 : i32
          %parallel_loop3A_202 = vector.broadcast %parallel_loop3A_201 : i32 to vector<16xi32>
          %parallel_loop3A_203 = arith.constant 4 : i32
          %parallel_loop3A_204 = arith.muli %parallel_loop3A_203, %parallel_loop3A_184 : i32
          %parallel_loop3A_205 = arith.constant 2 : i32
          %parallel_loop3A_206 = arith.addi %parallel_loop3A_204, %parallel_loop3A_205 : i32
          %parallel_loop3A_207 = vector.broadcast %parallel_loop3A_206 : i32 to vector<16xi32>
          %parallel_loop3A_208 = arith.addi %parallel_loop3A_202, %parallel_loop3A_207 : vector<16xi32>
          %parallel_loop3A_209 = arith.constant 0 : i32
          %parallel_loop3A_210 = vector.broadcast %parallel_loop3A_209 : i32 to vector<16xi32>
          %parallel_loop3A_211 = arith.constant 4 : i32
          %parallel_loop3A_212 = arith.muli %parallel_loop3A_211, %parallel_loop3A_184 : i32
          %parallel_loop3A_213 = arith.constant 3 : i32
          %parallel_loop3A_214 = arith.addi %parallel_loop3A_212, %parallel_loop3A_213 : i32
          %parallel_loop3A_215 = vector.broadcast %parallel_loop3A_214 : i32 to vector<16xi32>
          %parallel_loop3A_216 = arith.addi %parallel_loop3A_210, %parallel_loop3A_215 : vector<16xi32>
          %parallel_loop3A_217 = arith.constant 0 : i32
          %parallel_loop3A_218 = arith.constant 0 : i32
          %parallel_loop3A_219 = arith.constant 0 : i32
          %parallel_loop3A_220 = tpu.memref_slice %arg5[%parallel_loop3A_217, %parallel_loop3A_218, %parallel_loop3A_219] : memref<3x32x128xf32, #tpu.memory_space<vmem>> -> memref<1x32x128xf32, #tpu.memory_space<vmem>>
          %parallel_loop3A_221 = tpu.memref_squeeze %parallel_loop3A_220 : memref<1x32x128xf32, #tpu.memory_space<vmem>> -> memref<32x128xf32, #tpu.memory_space<vmem>>
          %parallel_loop3A_222 = tpu.vector_load_idx %parallel_loop3A_221[%iota3A, %parallel_loop3A_192] : memref<32x128xf32, #tpu.memory_space<vmem>>[vector<16xi32>, vector<16xi32>], vector<16xf32>,
          %parallel_loop3A_223 = arith.constant 0 : i32
          %parallel_loop3A_224 = arith.constant 0 : i32
          %parallel_loop3A_225 = arith.constant 0 : i32
          %parallel_loop3A_226 = tpu.memref_slice %arg5[%parallel_loop3A_223, %parallel_loop3A_224, %parallel_loop3A_225] : memref<3x32x128xf32, #tpu.memory_space<vmem>> -> memref<1x32x128xf32, #tpu.memory_space<vmem>>
          %parallel_loop3A_227 = tpu.memref_squeeze %parallel_loop3A_226 : memref<1x32x128xf32, #tpu.memory_space<vmem>> -> memref<32x128xf32, #tpu.memory_space<vmem>>
          %parallel_loop3A_228 = tpu.vector_load_idx %parallel_loop3A_227[%add3A_3, %parallel_loop3A_192] : memref<32x128xf32, #tpu.memory_space<vmem>>[vector<16xi32>, vector<16xi32>], vector<16xf32>,
          %parallel_loop3A_229 = arith.constant 0 : i32
          %parallel_loop3A_230 = arith.constant 0 : i32
          %parallel_loop3A_231 = arith.constant 0 : i32
          %parallel_loop3A_232 = tpu.memref_slice %arg5[%parallel_loop3A_229, %parallel_loop3A_230, %parallel_loop3A_231] : memref<3x32x128xf32, #tpu.memory_space<vmem>> -> memref<1x32x128xf32, #tpu.memory_space<vmem>>
          %parallel_loop3A_233 = tpu.memref_squeeze %parallel_loop3A_232 : memref<1x32x128xf32, #tpu.memory_space<vmem>> -> memref<32x128xf32, #tpu.memory_space<vmem>>
          %parallel_loop3A_234 = tpu.vector_load_idx %parallel_loop3A_233[%iota3A, %parallel_loop3A_200] : memref<32x128xf32, #tpu.memory_space<vmem>>[vector<16xi32>, vector<16xi32>], vector<16xf32>,
          %parallel_loop3A_235 = arith.constant 0 : i32
          %parallel_loop3A_236 = arith.constant 0 : i32
          %parallel_loop3A_237 = arith.constant 0 : i32
          %parallel_loop3A_238 = tpu.memref_slice %arg5[%parallel_loop3A_235, %parallel_loop3A_236, %parallel_loop3A_237] : memref<3x32x128xf32, #tpu.memory_space<vmem>> -> memref<1x32x128xf32, #tpu.memory_space<vmem>>
          %parallel_loop3A_239 = tpu.memref_squeeze %parallel_loop3A_238 : memref<1x32x128xf32, #tpu.memory_space<vmem>> -> memref<32x128xf32, #tpu.memory_space<vmem>>
          %parallel_loop3A_240 = tpu.vector_load_idx %parallel_loop3A_239[%add3A_3, %parallel_loop3A_200] : memref<32x128xf32, #tpu.memory_space<vmem>>[vector<16xi32>, vector<16xi32>], vector<16xf32>,
          %parallel_loop3A_241 = arith.constant 0 : i32
          %parallel_loop3A_242 = arith.constant 0 : i32
          %parallel_loop3A_243 = arith.constant 0 : i32
          %parallel_loop3A_244 = tpu.memref_slice %arg5[%parallel_loop3A_241, %parallel_loop3A_242, %parallel_loop3A_243] : memref<3x32x128xf32, #tpu.memory_space<vmem>> -> memref<1x32x128xf32, #tpu.memory_space<vmem>>
          %parallel_loop3A_245 = tpu.memref_squeeze %parallel_loop3A_244 : memref<1x32x128xf32, #tpu.memory_space<vmem>> -> memref<32x128xf32, #tpu.memory_space<vmem>>
          %parallel_loop3A_246 = tpu.vector_load_idx %parallel_loop3A_245[%iota3A, %parallel_loop3A_208] : memref<32x128xf32, #tpu.memory_space<vmem>>[vector<16xi32>, vector<16xi32>], vector<16xf32>,
          %parallel_loop3A_247 = arith.constant 0 : i32
          %parallel_loop3A_248 = arith.constant 0 : i32
          %parallel_loop3A_249 = arith.constant 0 : i32
          %parallel_loop3A_250 = tpu.memref_slice %arg5[%parallel_loop3A_247, %parallel_loop3A_248, %parallel_loop3A_249] : memref<3x32x128xf32, #tpu.memory_space<vmem>> -> memref<1x32x128xf32, #tpu.memory_space<vmem>>
          %parallel_loop3A_251 = tpu.memref_squeeze %parallel_loop3A_250 : memref<1x32x128xf32, #tpu.memory_space<vmem>> -> memref<32x128xf32, #tpu.memory_space<vmem>>
          %parallel_loop3A_252 = tpu.vector_load_idx %parallel_loop3A_251[%add3A_3, %parallel_loop3A_208] : memref<32x128xf32, #tpu.memory_space<vmem>>[vector<16xi32>, vector<16xi32>], vector<16xf32>,
          %parallel_loop3A_253 = arith.constant 0 : i32
          %parallel_loop3A_254 = arith.constant 0 : i32
          %parallel_loop3A_255 = arith.constant 0 : i32
          %parallel_loop3A_256 = tpu.memref_slice %arg5[%parallel_loop3A_253, %parallel_loop3A_254, %parallel_loop3A_255] : memref<3x32x128xf32, #tpu.memory_space<vmem>> -> memref<1x32x128xf32, #tpu.memory_space<vmem>>
          %parallel_loop3A_257 = tpu.memref_squeeze %parallel_loop3A_256 : memref<1x32x128xf32, #tpu.memory_space<vmem>> -> memref<32x128xf32, #tpu.memory_space<vmem>>
          %parallel_loop3A_258 = tpu.vector_load_idx %parallel_loop3A_257[%iota3A, %parallel_loop3A_216] : memref<32x128xf32, #tpu.memory_space<vmem>>[vector<16xi32>, vector<16xi32>], vector<16xf32>,
          %parallel_loop3A_259 = arith.constant 0 : i32
          %parallel_loop3A_260 = arith.constant 0 : i32
          %parallel_loop3A_261 = arith.constant 0 : i32
          %parallel_loop3A_262 = tpu.memref_slice %arg5[%parallel_loop3A_259, %parallel_loop3A_260, %parallel_loop3A_261] : memref<3x32x128xf32, #tpu.memory_space<vmem>> -> memref<1x32x128xf32, #tpu.memory_space<vmem>>
          %parallel_loop3A_263 = tpu.memref_squeeze %parallel_loop3A_262 : memref<1x32x128xf32, #tpu.memory_space<vmem>> -> memref<32x128xf32, #tpu.memory_space<vmem>>
          %parallel_loop3A_264 = tpu.vector_load_idx %parallel_loop3A_263[%add3A_3, %parallel_loop3A_216] : memref<32x128xf32, #tpu.memory_space<vmem>>[vector<16xi32>, vector<16xi32>], vector<16xf32>,
          %parallel_loop3A_265 = arith.constant 0 : i32
          %parallel_loop3A_266 = arith.index_cast %parallel_loop3A_265 : i32 to index
          %parallel_loop3A_267 = arith.index_cast %parallel_loop3A_184 : i32 to index
          %parallel_loop3A_268 = arith.constant 0 : index
          %parallel_loop3A_269 = tpu.vector_load %arg6[%parallel_loop3A_266, %parallel_loop3A_267, %parallel_loop3A_268] {strides = array<i32>} : memref<3x32x128xf32, #tpu.memory_space<vmem>>, vector<16xf32>,
          tpu.vector_store %arg6[%parallel_loop3A_266, %parallel_loop3A_267, %parallel_loop3A_268], %parallel_loop3A_222 {strides = array<i32>} : memref<3x32x128xf32, #tpu.memory_space<vmem>>, vector<16xf32>,
          %parallel_loop3A_270 = arith.constant 0 : i32
          %parallel_loop3A_271 = arith.index_cast %parallel_loop3A_270 : i32 to index
          %parallel_loop3A_272 = arith.index_cast %parallel_loop3A_184 : i32 to index
          %parallel_loop3A_273 = arith.constant 16 : index
          %parallel_loop3A_274 = tpu.vector_load %arg6[%parallel_loop3A_271, %parallel_loop3A_272, %parallel_loop3A_273] {strides = array<i32>} : memref<3x32x128xf32, #tpu.memory_space<vmem>>, vector<16xf32>,
          tpu.vector_store %arg6[%parallel_loop3A_271, %parallel_loop3A_272, %parallel_loop3A_273], %parallel_loop3A_228 {strides = array<i32>} : memref<3x32x128xf32, #tpu.memory_space<vmem>>, vector<16xf32>,
          %parallel_loop3A_275 = arith.constant 0 : i32
          %parallel_loop3A_276 = arith.index_cast %parallel_loop3A_275 : i32 to index
          %parallel_loop3A_277 = arith.index_cast %parallel_loop3A_184 : i32 to index
          %parallel_loop3A_278 = arith.constant 32 : index
          %parallel_loop3A_279 = tpu.vector_load %arg6[%parallel_loop3A_276, %parallel_loop3A_277, %parallel_loop3A_278] {strides = array<i32>} : memref<3x32x128xf32, #tpu.memory_space<vmem>>, vector<16xf32>,
          tpu.vector_store %arg6[%parallel_loop3A_276, %parallel_loop3A_277, %parallel_loop3A_278], %parallel_loop3A_234 {strides = array<i32>} : memref<3x32x128xf32, #tpu.memory_space<vmem>>, vector<16xf32>,
          %parallel_loop3A_280 = arith.constant 0 : i32
          %parallel_loop3A_281 = arith.index_cast %parallel_loop3A_280 : i32 to index
          %parallel_loop3A_282 = arith.index_cast %parallel_loop3A_184 : i32 to index
          %parallel_loop3A_283 = arith.constant 48 : index
          %parallel_loop3A_284 = tpu.vector_load %arg6[%parallel_loop3A_281, %parallel_loop3A_282, %parallel_loop3A_283] {strides = array<i32>} : memref<3x32x128xf32, #tpu.memory_space<vmem>>, vector<16xf32>,
          tpu.vector_store %arg6[%parallel_loop3A_281, %parallel_loop3A_282, %parallel_loop3A_283], %parallel_loop3A_240 {strides = array<i32>} : memref<3x32x128xf32, #tpu.memory_space<vmem>>, vector<16xf32>,
          %parallel_loop3A_285 = arith.constant 0 : i32
          %parallel_loop3A_286 = arith.index_cast %parallel_loop3A_285 : i32 to index
          %parallel_loop3A_287 = arith.index_cast %parallel_loop3A_184 : i32 to index
          %parallel_loop3A_288 = arith.constant 64 : index
          %parallel_loop3A_289 = tpu.vector_load %arg6[%parallel_loop3A_286, %parallel_loop3A_287, %parallel_loop3A_288] {strides = array<i32>} : memref<3x32x128xf32, #tpu.memory_space<vmem>>, vector<16xf32>,
          tpu.vector_store %arg6[%parallel_loop3A_286, %parallel_loop3A_287, %parallel_loop3A_288], %parallel_loop3A_246 {strides = array<i32>} : memref<3x32x128xf32, #tpu.memory_space<vmem>>, vector<16xf32>,
          %parallel_loop3A_290 = arith.constant 0 : i32
          %parallel_loop3A_291 = arith.index_cast %parallel_loop3A_290 : i32 to index
          %parallel_loop3A_292 = arith.index_cast %parallel_loop3A_184 : i32 to index
          %parallel_loop3A_293 = arith.constant 80 : index
          %parallel_loop3A_294 = tpu.vector_load %arg6[%parallel_loop3A_291, %parallel_loop3A_292, %parallel_loop3A_293] {strides = array<i32>} : memref<3x32x128xf32, #tpu.memory_space<vmem>>, vector<16xf32>,
          tpu.vector_store %arg6[%parallel_loop3A_291, %parallel_loop3A_292, %parallel_loop3A_293], %parallel_loop3A_252 {strides = array<i32>} : memref<3x32x128xf32, #tpu.memory_space<vmem>>, vector<16xf32>,
          %parallel_loop3A_295 = arith.constant 0 : i32
          %parallel_loop3A_296 = arith.index_cast %parallel_loop3A_295 : i32 to index
          %parallel_loop3A_297 = arith.index_cast %parallel_loop3A_184 : i32 to index
          %parallel_loop3A_298 = arith.constant 96 : index
          %parallel_loop3A_299 = tpu.vector_load %arg6[%parallel_loop3A_296, %parallel_loop3A_297, %parallel_loop3A_298] {strides = array<i32>} : memref<3x32x128xf32, #tpu.memory_space<vmem>>, vector<16xf32>,
          tpu.vector_store %arg6[%parallel_loop3A_296, %parallel_loop3A_297, %parallel_loop3A_298], %parallel_loop3A_258 {strides = array<i32>} : memref<3x32x128xf32, #tpu.memory_space<vmem>>, vector<16xf32>,
          %parallel_loop3A_300 = arith.constant 0 : i32
          %parallel_loop3A_301 = arith.index_cast %parallel_loop3A_300 : i32 to index
          %parallel_loop3A_302 = arith.index_cast %parallel_loop3A_184 : i32 to index
          %parallel_loop3A_303 = arith.constant 112 : index
          %parallel_loop3A_304 = tpu.vector_load %arg6[%parallel_loop3A_301, %parallel_loop3A_302, %parallel_loop3A_303] {strides = array<i32>} : memref<3x32x128xf32, #tpu.memory_space<vmem>>, vector<16xf32>,
          tpu.vector_store %arg6[%parallel_loop3A_301, %parallel_loop3A_302, %parallel_loop3A_303], %parallel_loop3A_264 {strides = array<i32>} : memref<3x32x128xf32, #tpu.memory_space<vmem>>, vector<16xf32>,
        } {sc.loop_unroll_factor = 4 : i64, sc.parallel_access}
        %mul3A_162 = arith.constant 32 : i32
        %mul3A_163 = arith.muli %add3A_112, %mul3A_162 : i32
        %dma_start3A_164 = arith.constant 0 : i32
        %dma_start3A_165 = arith.constant 0 : i32
        %dma_start3A_166 = arith.constant 0 : i32
        %dma_start3A_167 = tpu.memref_slice %arg6[%dma_start3A_164, %dma_start3A_165, %dma_start3A_166] : memref<3x32x128xf32, #tpu.memory_space<vmem>> -> memref<1x32x128xf32, #tpu.memory_space<vmem>>
        %dma_start3A_168 = tpu.memref_squeeze %dma_start3A_167 : memref<1x32x128xf32, #tpu.memory_space<vmem>> -> memref<32x128xf32, #tpu.memory_space<vmem>>
        %dma_start3A_169 = arith.constant 0 : i32
        %dma_start3A_170 = tpu.memref_slice %arg4[%mul3A_163, %dma_start3A_169] : memref<250000x128xf32, #tpu.memory_space<hbm>> -> memref<32x128xf32, #tpu.memory_space<hbm>>
        %dma_start3A_171 = arith.constant 0 : i32
        %dma_start3A_172 = tpu.memref_slice %arg4[%mul3A_163, %dma_start3A_171] : memref<250000x128xf32, #tpu.memory_space<hbm>> -> memref<32x128xf32, #tpu.memory_space<hbm>>
        %dma_start3A_173 = arith.constant 0 : i32
        %dma_start3A_174 = arith.constant 0 : i32
        %dma_start3A_175 = tpu.memref_slice %arg6[%dma_start3A_164, %dma_start3A_173, %dma_start3A_174] : memref<3x32x128xf32, #tpu.memory_space<vmem>> -> memref<1x32x128xf32, #tpu.memory_space<vmem>>
        %dma_start3A_176 = tpu.memref_squeeze %dma_start3A_175 : memref<1x32x128xf32, #tpu.memory_space<vmem>> -> memref<32x128xf32, #tpu.memory_space<vmem>>
        tpu.enqueue_dma source(%dma_start3A_176 : memref<32x128xf32, #tpu.memory_space<vmem>>) target(%dma_start3A_172 : memref<32x128xf32, #tpu.memory_space<hbm>>) target_semaphore(%arg10 : memref<!tpu.dma_semaphore, #tpu.memory_space<semaphore_mem>>)
        %add3A_177 = arith.constant 96 : i32
        %add3A_178 = arith.addi %add3A_112, %add3A_177 : i32
        %lt3A_179 = arith.constant 7812 : i32
        %lt3A_180 = arith.cmpi slt, %add3A_178, %lt3A_179 : i32
        %convert_element_type3A_181 = arith.extui %lt3A_180 : i1 to i32
        %cond3A_182 = arith.constant 0 : i32
        %cond3A_183 = arith.cmpi ne, %convert_element_type3A_181, %cond3A_182 : i32
        scf.if %cond3A_183 {
          %mul3A_184 = arith.constant 128 : i32
          %mul3A_185 = arith.muli %add3A_178, %mul3A_184 : i32
          %dma_start3A_186 = arith.constant 0 : i32
          %dma_start3A_187 = arith.constant 0 : i32
          %dma_start3A_188 = arith.constant 0 : i32
          %dma_start3A_189 = tpu.memref_slice %arg5[%dma_start3A_186, %dma_start3A_187, %dma_start3A_188] : memref<3x32x128xf32, #tpu.memory_space<vmem>> -> memref<1x32x128xf32, #tpu.memory_space<vmem>>
          %dma_start3A_190 = tpu.memref_squeeze %dma_start3A_189 : memref<1x32x128xf32, #tpu.memory_space<vmem>> -> memref<32x128xf32, #tpu.memory_space<vmem>>
          %dma_start3A_191 = arith.constant 0 : i32
          %dma_start3A_192 = tpu.memref_slice %arg2[%dma_start3A_191, %mul3A_185] : memref<32x1000000xf32, #tpu.memory_space<hbm>> -> memref<32x128xf32, #tpu.memory_space<hbm>>
          %dma_start3A_193 = arith.constant 0 : i32
          %dma_start3A_194 = arith.constant 0 : i32
          %dma_start3A_195 = tpu.memref_slice %arg5[%dma_start3A_186, %dma_start3A_193, %dma_start3A_194] : memref<3x32x128xf32, #tpu.memory_space<vmem>> -> memref<1x32x128xf32, #tpu.memory_space<vmem>>
          %dma_start3A_196 = tpu.memref_squeeze %dma_start3A_195 : memref<1x32x128xf32, #tpu.memory_space<vmem>> -> memref<32x128xf32, #tpu.memory_space<vmem>>
          %dma_start3A_197 = arith.constant 0 : i32
          %dma_start3A_198 = tpu.memref_slice %arg2[%dma_start3A_197, %mul3A_185] : memref<32x1000000xf32, #tpu.memory_space<hbm>> -> memref<32x128xf32, #tpu.memory_space<hbm>>
          tpu.enqueue_dma source(%dma_start3A_198 : memref<32x128xf32, #tpu.memory_space<hbm>>) target(%dma_start3A_196 : memref<32x128xf32, #tpu.memory_space<vmem>>) target_semaphore(%arg7 : memref<!tpu.dma_semaphore, #tpu.memory_space<semaphore_mem>>)
        } else {
        }
      } else {
      }
      %mul3A_117 = arith.constant 3 : i32
      %mul3A_118 = arith.muli %scan3A_105, %mul3A_117 : i32
      %add3A_119 = arith.constant 1 : i32
      %add3A_120 = arith.addi %mul3A_118, %add3A_119 : i32
      %mul3A_121 = arith.constant 32 : i32
      %mul3A_122 = arith.muli %add3A_120, %mul3A_121 : i32
      %add3A_123 = arith.addi %mul3A_122, %add3A : i32
      %lt3A_124 = arith.constant 7812 : i32
      %lt3A_125 = arith.cmpi slt, %add3A_123, %lt3A_124 : i32
      %convert_element_type3A_126 = arith.extui %lt3A_125 : i1 to i32
      %cond3A_127 = arith.constant 0 : i32
      %cond3A_128 = arith.cmpi ne, %convert_element_type3A_126, %cond3A_127 : i32
      scf.if %cond3A_128 {
        %dma_wait3A_141 = arith.constant 1 : i32
        %dma_wait3A_142 = arith.constant 0 : i32
        %dma_wait3A_143 = arith.constant 0 : i32
        %dma_wait3A_144 = tpu.memref_slice %arg5[%dma_wait3A_141, %dma_wait3A_142, %dma_wait3A_143] : memref<3x32x128xf32, #tpu.memory_space<vmem>> -> memref<1x32x128xf32, #tpu.memory_space<vmem>>
        %dma_wait3A_145 = tpu.memref_squeeze %dma_wait3A_144 : memref<1x32x128xf32, #tpu.memory_space<vmem>> -> memref<32x128xf32, #tpu.memory_space<vmem>>
        %dma_wait3A_146 = arith.constant 0 : i32
        %dma_wait3A_147 = arith.constant 0 : i32
        %dma_wait3A_148 = tpu.memref_slice %arg2[%dma_wait3A_146, %dma_wait3A_147] : memref<32x1000000xf32, #tpu.memory_space<hbm>> -> memref<32x128xf32, #tpu.memory_space<hbm>>
        %dma_wait3A_149 = arith.constant 0 : i32
        %dma_wait3A_150 = arith.constant 0 : i32
        %dma_wait3A_151 = tpu.memref_slice %arg5[%dma_wait3A_141, %dma_wait3A_149, %dma_wait3A_150] : memref<3x32x128xf32, #tpu.memory_space<vmem>> -> memref<1x32x128xf32, #tpu.memory_space<vmem>>
        %dma_wait3A_152 = tpu.memref_squeeze %dma_wait3A_151 : memref<1x32x128xf32, #tpu.memory_space<vmem>> -> memref<32x128xf32, #tpu.memory_space<vmem>>
        %dma_wait3A_153 = arith.constant 0 : i32
        %dma_wait3A_154 = arith.constant 0 : i32
        %dma_wait3A_155 = tpu.memref_slice %arg2[%dma_wait3A_153, %dma_wait3A_154] : memref<32x1000000xf32, #tpu.memory_space<hbm>> -> memref<32x128xf32, #tpu.memory_space<hbm>>
        tpu.wait_dma2 semaphore(%arg8 : memref<!tpu.dma_semaphore, #tpu.memory_space<semaphore_mem>>) src(%dma_wait3A_155 : memref<32x128xf32, #tpu.memory_space<hbm>>) dst(%dma_wait3A_152 : memref<32x128xf32, #tpu.memory_space<vmem>>)
        %ge3A = arith.constant 3 : i32
        %ge3A_156 = arith.cmpi sge, %add3A_120, %ge3A : i32
        %convert_element_type3A_157 = arith.extui %ge3A_156 : i1 to i32
        %cond3A_158 = arith.constant 0 : i32
        %cond3A_159 = arith.cmpi ne, %convert_element_type3A_157, %cond3A_158 : i32
        scf.if %cond3A_159 {
          %dma_wait3A_184 = arith.constant 1 : i32
          %dma_wait3A_185 = arith.constant 0 : i32
          %dma_wait3A_186 = arith.constant 0 : i32
          %dma_wait3A_187 = tpu.memref_slice %arg5[%dma_wait3A_184, %dma_wait3A_185, %dma_wait3A_186] : memref<3x32x128xf32, #tpu.memory_space<vmem>> -> memref<1x32x128xf32, #tpu.memory_space<vmem>>
          %dma_wait3A_188 = tpu.memref_squeeze %dma_wait3A_187 : memref<1x32x128xf32, #tpu.memory_space<vmem>> -> memref<32x128xf32, #tpu.memory_space<vmem>>
          %dma_wait3A_189 = arith.constant 0 : i32
          %dma_wait3A_190 = arith.constant 0 : i32
          %dma_wait3A_191 = tpu.memref_slice %arg2[%dma_wait3A_189, %dma_wait3A_190] : memref<32x1000000xf32, #tpu.memory_space<hbm>> -> memref<32x128xf32, #tpu.memory_space<hbm>>
          %dma_wait3A_192 = arith.constant 0 : i32
          %dma_wait3A_193 = arith.constant 0 : i32
          %dma_wait3A_194 = tpu.memref_slice %arg5[%dma_wait3A_184, %dma_wait3A_192, %dma_wait3A_193] : memref<3x32x128xf32, #tpu.memory_space<vmem>> -> memref<1x32x128xf32, #tpu.memory_space<vmem>>
          %dma_wait3A_195 = tpu.memref_squeeze %dma_wait3A_194 : memref<1x32x128xf32, #tpu.memory_space<vmem>> -> memref<32x128xf32, #tpu.memory_space<vmem>>
          %dma_wait3A_196 = arith.constant 0 : i32
          %dma_wait3A_197 = arith.constant 0 : i32
          %dma_wait3A_198 = tpu.memref_slice %arg2[%dma_wait3A_196, %dma_wait3A_197] : memref<32x1000000xf32, #tpu.memory_space<hbm>> -> memref<32x128xf32, #tpu.memory_space<hbm>>
          tpu.wait_dma2 semaphore(%arg11 : memref<!tpu.dma_semaphore, #tpu.memory_space<semaphore_mem>>) src(%dma_wait3A_198 : memref<32x128xf32, #tpu.memory_space<hbm>>) dst(%dma_wait3A_195 : memref<32x128xf32, #tpu.memory_space<vmem>>)
        } else {
        }
        %parallel_loop3A = arith.constant 0 : i32
        %parallel_loop3A_160 = arith.constant 32 : i32
        %parallel_loop3A_161 = arith.constant 1 : i32
        scf.for %parallel_loop3A_184 = %parallel_loop3A to %parallel_loop3A_160 step %parallel_loop3A_161  : i32 {
          %parallel_loop3A_185 = arith.constant 0 : i32
          %parallel_loop3A_186 = vector.broadcast %parallel_loop3A_185 : i32 to vector<16xi32>
          %parallel_loop3A_187 = arith.constant 4 : i32
          %parallel_loop3A_188 = arith.muli %parallel_loop3A_187, %parallel_loop3A_184 : i32
          %parallel_loop3A_189 = arith.constant 0 : i32
          %parallel_loop3A_190 = arith.addi %parallel_loop3A_188, %parallel_loop3A_189 : i32
          %parallel_loop3A_191 = vector.broadcast %parallel_loop3A_190 : i32 to vector<16xi32>
          %parallel_loop3A_192 = arith.addi %parallel_loop3A_186, %parallel_loop3A_191 : vector<16xi32>
          %parallel_loop3A_193 = arith.constant 0 : i32
          %parallel_loop3A_194 = vector.broadcast %parallel_loop3A_193 : i32 to vector<16xi32>
          %parallel_loop3A_195 = arith.constant 4 : i32
          %parallel_loop3A_196 = arith.muli %parallel_loop3A_195, %parallel_loop3A_184 : i32
          %parallel_loop3A_197 = arith.constant 1 : i32
          %parallel_loop3A_198 = arith.addi %parallel_loop3A_196, %parallel_loop3A_197 : i32
          %parallel_loop3A_199 = vector.broadcast %parallel_loop3A_198 : i32 to vector<16xi32>
          %parallel_loop3A_200 = arith.addi %parallel_loop3A_194, %parallel_loop3A_199 : vector<16xi32>
          %parallel_loop3A_201 = arith.constant 0 : i32
          %parallel_loop3A_202 = vector.broadcast %parallel_loop3A_201 : i32 to vector<16xi32>
          %parallel_loop3A_203 = arith.constant 4 : i32
          %parallel_loop3A_204 = arith.muli %parallel_loop3A_203, %parallel_loop3A_184 : i32
          %parallel_loop3A_205 = arith.constant 2 : i32
          %parallel_loop3A_206 = arith.addi %parallel_loop3A_204, %parallel_loop3A_205 : i32
          %parallel_loop3A_207 = vector.broadcast %parallel_loop3A_206 : i32 to vector<16xi32>
          %parallel_loop3A_208 = arith.addi %parallel_loop3A_202, %parallel_loop3A_207 : vector<16xi32>
          %parallel_loop3A_209 = arith.constant 0 : i32
          %parallel_loop3A_210 = vector.broadcast %parallel_loop3A_209 : i32 to vector<16xi32>
          %parallel_loop3A_211 = arith.constant 4 : i32
          %parallel_loop3A_212 = arith.muli %parallel_loop3A_211, %parallel_loop3A_184 : i32
          %parallel_loop3A_213 = arith.constant 3 : i32
          %parallel_loop3A_214 = arith.addi %parallel_loop3A_212, %parallel_loop3A_213 : i32
          %parallel_loop3A_215 = vector.broadcast %parallel_loop3A_214 : i32 to vector<16xi32>
          %parallel_loop3A_216 = arith.addi %parallel_loop3A_210, %parallel_loop3A_215 : vector<16xi32>
          %parallel_loop3A_217 = arith.constant 1 : i32
          %parallel_loop3A_218 = arith.constant 0 : i32
          %parallel_loop3A_219 = arith.constant 0 : i32
          %parallel_loop3A_220 = tpu.memref_slice %arg5[%parallel_loop3A_217, %parallel_loop3A_218, %parallel_loop3A_219] : memref<3x32x128xf32, #tpu.memory_space<vmem>> -> memref<1x32x128xf32, #tpu.memory_space<vmem>>
          %parallel_loop3A_221 = tpu.memref_squeeze %parallel_loop3A_220 : memref<1x32x128xf32, #tpu.memory_space<vmem>> -> memref<32x128xf32, #tpu.memory_space<vmem>>
          %parallel_loop3A_222 = tpu.vector_load_idx %parallel_loop3A_221[%iota3A, %parallel_loop3A_192] : memref<32x128xf32, #tpu.memory_space<vmem>>[vector<16xi32>, vector<16xi32>], vector<16xf32>,
          %parallel_loop3A_223 = arith.constant 1 : i32
          %parallel_loop3A_224 = arith.constant 0 : i32
          %parallel_loop3A_225 = arith.constant 0 : i32
          %parallel_loop3A_226 = tpu.memref_slice %arg5[%parallel_loop3A_223, %parallel_loop3A_224, %parallel_loop3A_225] : memref<3x32x128xf32, #tpu.memory_space<vmem>> -> memref<1x32x128xf32, #tpu.memory_space<vmem>>
          %parallel_loop3A_227 = tpu.memref_squeeze %parallel_loop3A_226 : memref<1x32x128xf32, #tpu.memory_space<vmem>> -> memref<32x128xf32, #tpu.memory_space<vmem>>
          %parallel_loop3A_228 = tpu.vector_load_idx %parallel_loop3A_227[%add3A_3, %parallel_loop3A_192] : memref<32x128xf32, #tpu.memory_space<vmem>>[vector<16xi32>, vector<16xi32>], vector<16xf32>,
          %parallel_loop3A_229 = arith.constant 1 : i32
          %parallel_loop3A_230 = arith.constant 0 : i32
          %parallel_loop3A_231 = arith.constant 0 : i32
          %parallel_loop3A_232 = tpu.memref_slice %arg5[%parallel_loop3A_229, %parallel_loop3A_230, %parallel_loop3A_231] : memref<3x32x128xf32, #tpu.memory_space<vmem>> -> memref<1x32x128xf32, #tpu.memory_space<vmem>>
          %parallel_loop3A_233 = tpu.memref_squeeze %parallel_loop3A_232 : memref<1x32x128xf32, #tpu.memory_space<vmem>> -> memref<32x128xf32, #tpu.memory_space<vmem>>
          %parallel_loop3A_234 = tpu.vector_load_idx %parallel_loop3A_233[%iota3A, %parallel_loop3A_200] : memref<32x128xf32, #tpu.memory_space<vmem>>[vector<16xi32>, vector<16xi32>], vector<16xf32>,
          %parallel_loop3A_235 = arith.constant 1 : i32
          %parallel_loop3A_236 = arith.constant 0 : i32
          %parallel_loop3A_237 = arith.constant 0 : i32
          %parallel_loop3A_238 = tpu.memref_slice %arg5[%parallel_loop3A_235, %parallel_loop3A_236, %parallel_loop3A_237] : memref<3x32x128xf32, #tpu.memory_space<vmem>> -> memref<1x32x128xf32, #tpu.memory_space<vmem>>
          %parallel_loop3A_239 = tpu.memref_squeeze %parallel_loop3A_238 : memref<1x32x128xf32, #tpu.memory_space<vmem>> -> memref<32x128xf32, #tpu.memory_space<vmem>>
          %parallel_loop3A_240 = tpu.vector_load_idx %parallel_loop3A_239[%add3A_3, %parallel_loop3A_200] : memref<32x128xf32, #tpu.memory_space<vmem>>[vector<16xi32>, vector<16xi32>], vector<16xf32>,
          %parallel_loop3A_241 = arith.constant 1 : i32
          %parallel_loop3A_242 = arith.constant 0 : i32
          %parallel_loop3A_243 = arith.constant 0 : i32
          %parallel_loop3A_244 = tpu.memref_slice %arg5[%parallel_loop3A_241, %parallel_loop3A_242, %parallel_loop3A_243] : memref<3x32x128xf32, #tpu.memory_space<vmem>> -> memref<1x32x128xf32, #tpu.memory_space<vmem>>
          %parallel_loop3A_245 = tpu.memref_squeeze %parallel_loop3A_244 : memref<1x32x128xf32, #tpu.memory_space<vmem>> -> memref<32x128xf32, #tpu.memory_space<vmem>>
          %parallel_loop3A_246 = tpu.vector_load_idx %parallel_loop3A_245[%iota3A, %parallel_loop3A_208] : memref<32x128xf32, #tpu.memory_space<vmem>>[vector<16xi32>, vector<16xi32>], vector<16xf32>,
          %parallel_loop3A_247 = arith.constant 1 : i32
          %parallel_loop3A_248 = arith.constant 0 : i32
          %parallel_loop3A_249 = arith.constant 0 : i32
          %parallel_loop3A_250 = tpu.memref_slice %arg5[%parallel_loop3A_247, %parallel_loop3A_248, %parallel_loop3A_249] : memref<3x32x128xf32, #tpu.memory_space<vmem>> -> memref<1x32x128xf32, #tpu.memory_space<vmem>>
          %parallel_loop3A_251 = tpu.memref_squeeze %parallel_loop3A_250 : memref<1x32x128xf32, #tpu.memory_space<vmem>> -> memref<32x128xf32, #tpu.memory_space<vmem>>
          %parallel_loop3A_252 = tpu.vector_load_idx %parallel_loop3A_251[%add3A_3, %parallel_loop3A_208] : memref<32x128xf32, #tpu.memory_space<vmem>>[vector<16xi32>, vector<16xi32>], vector<16xf32>,
          %parallel_loop3A_253 = arith.constant 1 : i32
          %parallel_loop3A_254 = arith.constant 0 : i32
          %parallel_loop3A_255 = arith.constant 0 : i32
          %parallel_loop3A_256 = tpu.memref_slice %arg5[%parallel_loop3A_253, %parallel_loop3A_254, %parallel_loop3A_255] : memref<3x32x128xf32, #tpu.memory_space<vmem>> -> memref<1x32x128xf32, #tpu.memory_space<vmem>>
          %parallel_loop3A_257 = tpu.memref_squeeze %parallel_loop3A_256 : memref<1x32x128xf32, #tpu.memory_space<vmem>> -> memref<32x128xf32, #tpu.memory_space<vmem>>
          %parallel_loop3A_258 = tpu.vector_load_idx %parallel_loop3A_257[%iota3A, %parallel_loop3A_216] : memref<32x128xf32, #tpu.memory_space<vmem>>[vector<16xi32>, vector<16xi32>], vector<16xf32>,
          %parallel_loop3A_259 = arith.constant 1 : i32
          %parallel_loop3A_260 = arith.constant 0 : i32
          %parallel_loop3A_261 = arith.constant 0 : i32
          %parallel_loop3A_262 = tpu.memref_slice %arg5[%parallel_loop3A_259, %parallel_loop3A_260, %parallel_loop3A_261] : memref<3x32x128xf32, #tpu.memory_space<vmem>> -> memref<1x32x128xf32, #tpu.memory_space<vmem>>
          %parallel_loop3A_263 = tpu.memref_squeeze %parallel_loop3A_262 : memref<1x32x128xf32, #tpu.memory_space<vmem>> -> memref<32x128xf32, #tpu.memory_space<vmem>>
          %parallel_loop3A_264 = tpu.vector_load_idx %parallel_loop3A_263[%add3A_3, %parallel_loop3A_216] : memref<32x128xf32, #tpu.memory_space<vmem>>[vector<16xi32>, vector<16xi32>], vector<16xf32>,
          %parallel_loop3A_265 = arith.constant 1 : i32
          %parallel_loop3A_266 = arith.index_cast %parallel_loop3A_265 : i32 to index
          %parallel_loop3A_267 = arith.index_cast %parallel_loop3A_184 : i32 to index
          %parallel_loop3A_268 = arith.constant 0 : index
          %parallel_loop3A_269 = tpu.vector_load %arg6[%parallel_loop3A_266, %parallel_loop3A_267, %parallel_loop3A_268] {strides = array<i32>} : memref<3x32x128xf32, #tpu.memory_space<vmem>>, vector<16xf32>,
          tpu.vector_store %arg6[%parallel_loop3A_266, %parallel_loop3A_267, %parallel_loop3A_268], %parallel_loop3A_222 {strides = array<i32>} : memref<3x32x128xf32, #tpu.memory_space<vmem>>, vector<16xf32>,
          %parallel_loop3A_270 = arith.constant 1 : i32
          %parallel_loop3A_271 = arith.index_cast %parallel_loop3A_270 : i32 to index
          %parallel_loop3A_272 = arith.index_cast %parallel_loop3A_184 : i32 to index
          %parallel_loop3A_273 = arith.constant 16 : index
          %parallel_loop3A_274 = tpu.vector_load %arg6[%parallel_loop3A_271, %parallel_loop3A_272, %parallel_loop3A_273] {strides = array<i32>} : memref<3x32x128xf32, #tpu.memory_space<vmem>>, vector<16xf32>,
          tpu.vector_store %arg6[%parallel_loop3A_271, %parallel_loop3A_272, %parallel_loop3A_273], %parallel_loop3A_228 {strides = array<i32>} : memref<3x32x128xf32, #tpu.memory_space<vmem>>, vector<16xf32>,
          %parallel_loop3A_275 = arith.constant 1 : i32
          %parallel_loop3A_276 = arith.index_cast %parallel_loop3A_275 : i32 to index
          %parallel_loop3A_277 = arith.index_cast %parallel_loop3A_184 : i32 to index
          %parallel_loop3A_278 = arith.constant 32 : index
          %parallel_loop3A_279 = tpu.vector_load %arg6[%parallel_loop3A_276, %parallel_loop3A_277, %parallel_loop3A_278] {strides = array<i32>} : memref<3x32x128xf32, #tpu.memory_space<vmem>>, vector<16xf32>,
          tpu.vector_store %arg6[%parallel_loop3A_276, %parallel_loop3A_277, %parallel_loop3A_278], %parallel_loop3A_234 {strides = array<i32>} : memref<3x32x128xf32, #tpu.memory_space<vmem>>, vector<16xf32>,
          %parallel_loop3A_280 = arith.constant 1 : i32
          %parallel_loop3A_281 = arith.index_cast %parallel_loop3A_280 : i32 to index
          %parallel_loop3A_282 = arith.index_cast %parallel_loop3A_184 : i32 to index
          %parallel_loop3A_283 = arith.constant 48 : index
          %parallel_loop3A_284 = tpu.vector_load %arg6[%parallel_loop3A_281, %parallel_loop3A_282, %parallel_loop3A_283] {strides = array<i32>} : memref<3x32x128xf32, #tpu.memory_space<vmem>>, vector<16xf32>,
          tpu.vector_store %arg6[%parallel_loop3A_281, %parallel_loop3A_282, %parallel_loop3A_283], %parallel_loop3A_240 {strides = array<i32>} : memref<3x32x128xf32, #tpu.memory_space<vmem>>, vector<16xf32>,
          %parallel_loop3A_285 = arith.constant 1 : i32
          %parallel_loop3A_286 = arith.index_cast %parallel_loop3A_285 : i32 to index
          %parallel_loop3A_287 = arith.index_cast %parallel_loop3A_184 : i32 to index
          %parallel_loop3A_288 = arith.constant 64 : index
          %parallel_loop3A_289 = tpu.vector_load %arg6[%parallel_loop3A_286, %parallel_loop3A_287, %parallel_loop3A_288] {strides = array<i32>} : memref<3x32x128xf32, #tpu.memory_space<vmem>>, vector<16xf32>,
          tpu.vector_store %arg6[%parallel_loop3A_286, %parallel_loop3A_287, %parallel_loop3A_288], %parallel_loop3A_246 {strides = array<i32>} : memref<3x32x128xf32, #tpu.memory_space<vmem>>, vector<16xf32>,
          %parallel_loop3A_290 = arith.constant 1 : i32
          %parallel_loop3A_291 = arith.index_cast %parallel_loop3A_290 : i32 to index
          %parallel_loop3A_292 = arith.index_cast %parallel_loop3A_184 : i32 to index
          %parallel_loop3A_293 = arith.constant 80 : index
          %parallel_loop3A_294 = tpu.vector_load %arg6[%parallel_loop3A_291, %parallel_loop3A_292, %parallel_loop3A_293] {strides = array<i32>} : memref<3x32x128xf32, #tpu.memory_space<vmem>>, vector<16xf32>,
          tpu.vector_store %arg6[%parallel_loop3A_291, %parallel_loop3A_292, %parallel_loop3A_293], %parallel_loop3A_252 {strides = array<i32>} : memref<3x32x128xf32, #tpu.memory_space<vmem>>, vector<16xf32>,
          %parallel_loop3A_295 = arith.constant 1 : i32
          %parallel_loop3A_296 = arith.index_cast %parallel_loop3A_295 : i32 to index
          %parallel_loop3A_297 = arith.index_cast %parallel_loop3A_184 : i32 to index
          %parallel_loop3A_298 = arith.constant 96 : index
          %parallel_loop3A_299 = tpu.vector_load %arg6[%parallel_loop3A_296, %parallel_loop3A_297, %parallel_loop3A_298] {strides = array<i32>} : memref<3x32x128xf32, #tpu.memory_space<vmem>>, vector<16xf32>,
          tpu.vector_store %arg6[%parallel_loop3A_296, %parallel_loop3A_297, %parallel_loop3A_298], %parallel_loop3A_258 {strides = array<i32>} : memref<3x32x128xf32, #tpu.memory_space<vmem>>, vector<16xf32>,
          %parallel_loop3A_300 = arith.constant 1 : i32
          %parallel_loop3A_301 = arith.index_cast %parallel_loop3A_300 : i32 to index
          %parallel_loop3A_302 = arith.index_cast %parallel_loop3A_184 : i32 to index
          %parallel_loop3A_303 = arith.constant 112 : index
          %parallel_loop3A_304 = tpu.vector_load %arg6[%parallel_loop3A_301, %parallel_loop3A_302, %parallel_loop3A_303] {strides = array<i32>} : memref<3x32x128xf32, #tpu.memory_space<vmem>>, vector<16xf32>,
          tpu.vector_store %arg6[%parallel_loop3A_301, %parallel_loop3A_302, %parallel_loop3A_303], %parallel_loop3A_264 {strides = array<i32>} : memref<3x32x128xf32, #tpu.memory_space<vmem>>, vector<16xf32>,
        } {sc.loop_unroll_factor = 4 : i64, sc.parallel_access}
        %mul3A_162 = arith.constant 32 : i32
        %mul3A_163 = arith.muli %add3A_123, %mul3A_162 : i32
        %dma_start3A_164 = arith.constant 1 : i32
        %dma_start3A_165 = arith.constant 0 : i32
        %dma_start3A_166 = arith.constant 0 : i32
        %dma_start3A_167 = tpu.memref_slice %arg6[%dma_start3A_164, %dma_start3A_165, %dma_start3A_166] : memref<3x32x128xf32, #tpu.memory_space<vmem>> -> memref<1x32x128xf32, #tpu.memory_space<vmem>>
        %dma_start3A_168 = tpu.memref_squeeze %dma_start3A_167 : memref<1x32x128xf32, #tpu.memory_space<vmem>> -> memref<32x128xf32, #tpu.memory_space<vmem>>
        %dma_start3A_169 = arith.constant 0 : i32
        %dma_start3A_170 = tpu.memref_slice %arg4[%mul3A_163, %dma_start3A_169] : memref<250000x128xf32, #tpu.memory_space<hbm>> -> memref<32x128xf32, #tpu.memory_space<hbm>>
        %dma_start3A_171 = arith.constant 0 : i32
        %dma_start3A_172 = tpu.memref_slice %arg4[%mul3A_163, %dma_start3A_171] : memref<250000x128xf32, #tpu.memory_space<hbm>> -> memref<32x128xf32, #tpu.memory_space<hbm>>
        %dma_start3A_173 = arith.constant 0 : i32
        %dma_start3A_174 = arith.constant 0 : i32
        %dma_start3A_175 = tpu.memref_slice %arg6[%dma_start3A_164, %dma_start3A_173, %dma_start3A_174] : memref<3x32x128xf32, #tpu.memory_space<vmem>> -> memref<1x32x128xf32, #tpu.memory_space<vmem>>
        %dma_start3A_176 = tpu.memref_squeeze %dma_start3A_175 : memref<1x32x128xf32, #tpu.memory_space<vmem>> -> memref<32x128xf32, #tpu.memory_space<vmem>>
        tpu.enqueue_dma source(%dma_start3A_176 : memref<32x128xf32, #tpu.memory_space<vmem>>) target(%dma_start3A_172 : memref<32x128xf32, #tpu.memory_space<hbm>>) target_semaphore(%arg11 : memref<!tpu.dma_semaphore, #tpu.memory_space<semaphore_mem>>)
        %add3A_177 = arith.constant 96 : i32
        %add3A_178 = arith.addi %add3A_123, %add3A_177 : i32
        %lt3A_179 = arith.constant 7812 : i32
        %lt3A_180 = arith.cmpi slt, %add3A_178, %lt3A_179 : i32
        %convert_element_type3A_181 = arith.extui %lt3A_180 : i1 to i32
        %cond3A_182 = arith.constant 0 : i32
        %cond3A_183 = arith.cmpi ne, %convert_element_type3A_181, %cond3A_182 : i32
        scf.if %cond3A_183 {
          %mul3A_184 = arith.constant 128 : i32
          %mul3A_185 = arith.muli %add3A_178, %mul3A_184 : i32
          %dma_start3A_186 = arith.constant 1 : i32
          %dma_start3A_187 = arith.constant 0 : i32
          %dma_start3A_188 = arith.constant 0 : i32
          %dma_start3A_189 = tpu.memref_slice %arg5[%dma_start3A_186, %dma_start3A_187, %dma_start3A_188] : memref<3x32x128xf32, #tpu.memory_space<vmem>> -> memref<1x32x128xf32, #tpu.memory_space<vmem>>
          %dma_start3A_190 = tpu.memref_squeeze %dma_start3A_189 : memref<1x32x128xf32, #tpu.memory_space<vmem>> -> memref<32x128xf32, #tpu.memory_space<vmem>>
          %dma_start3A_191 = arith.constant 0 : i32
          %dma_start3A_192 = tpu.memref_slice %arg2[%dma_start3A_191, %mul3A_185] : memref<32x1000000xf32, #tpu.memory_space<hbm>> -> memref<32x128xf32, #tpu.memory_space<hbm>>
          %dma_start3A_193 = arith.constant 0 : i32
          %dma_start3A_194 = arith.constant 0 : i32
          %dma_start3A_195 = tpu.memref_slice %arg5[%dma_start3A_186, %dma_start3A_193, %dma_start3A_194] : memref<3x32x128xf32, #tpu.memory_space<vmem>> -> memref<1x32x128xf32, #tpu.memory_space<vmem>>
          %dma_start3A_196 = tpu.memref_squeeze %dma_start3A_195 : memref<1x32x128xf32, #tpu.memory_space<vmem>> -> memref<32x128xf32, #tpu.memory_space<vmem>>
          %dma_start3A_197 = arith.constant 0 : i32
          %dma_start3A_198 = tpu.memref_slice %arg2[%dma_start3A_197, %mul3A_185] : memref<32x1000000xf32, #tpu.memory_space<hbm>> -> memref<32x128xf32, #tpu.memory_space<hbm>>
          tpu.enqueue_dma source(%dma_start3A_198 : memref<32x128xf32, #tpu.memory_space<hbm>>) target(%dma_start3A_196 : memref<32x128xf32, #tpu.memory_space<vmem>>) target_semaphore(%arg8 : memref<!tpu.dma_semaphore, #tpu.memory_space<semaphore_mem>>)
        } else {
        }
      } else {
      }
      %mul3A_129 = arith.constant 3 : i32
      %mul3A_130 = arith.muli %scan3A_105, %mul3A_129 : i32
      %add3A_131 = arith.constant 2 : i32
      %add3A_132 = arith.addi %mul3A_130, %add3A_131 : i32
      %mul3A_133 = arith.constant 32 : i32
      %mul3A_134 = arith.muli %add3A_132, %mul3A_133 : i32
      %add3A_135 = arith.addi %mul3A_134, %add3A : i32
      %lt3A_136 = arith.constant 7812 : i32
      %lt3A_137 = arith.cmpi slt, %add3A_135, %lt3A_136 : i32
      %convert_element_type3A_138 = arith.extui %lt3A_137 : i1 to i32
      %cond3A_139 = arith.constant 0 : i32
      %cond3A_140 = arith.cmpi ne, %convert_element_type3A_138, %cond3A_139 : i32
      scf.if %cond3A_140 {
        %dma_wait3A_141 = arith.constant 2 : i32
        %dma_wait3A_142 = arith.constant 0 : i32
        %dma_wait3A_143 = arith.constant 0 : i32
        %dma_wait3A_144 = tpu.memref_slice %arg5[%dma_wait3A_141, %dma_wait3A_142, %dma_wait3A_143] : memref<3x32x128xf32, #tpu.memory_space<vmem>> -> memref<1x32x128xf32, #tpu.memory_space<vmem>>
        %dma_wait3A_145 = tpu.memref_squeeze %dma_wait3A_144 : memref<1x32x128xf32, #tpu.memory_space<vmem>> -> memref<32x128xf32, #tpu.memory_space<vmem>>
        %dma_wait3A_146 = arith.constant 0 : i32
        %dma_wait3A_147 = arith.constant 0 : i32
        %dma_wait3A_148 = tpu.memref_slice %arg2[%dma_wait3A_146, %dma_wait3A_147] : memref<32x1000000xf32, #tpu.memory_space<hbm>> -> memref<32x128xf32, #tpu.memory_space<hbm>>
        %dma_wait3A_149 = arith.constant 0 : i32
        %dma_wait3A_150 = arith.constant 0 : i32
        %dma_wait3A_151 = tpu.memref_slice %arg5[%dma_wait3A_141, %dma_wait3A_149, %dma_wait3A_150] : memref<3x32x128xf32, #tpu.memory_space<vmem>> -> memref<1x32x128xf32, #tpu.memory_space<vmem>>
        %dma_wait3A_152 = tpu.memref_squeeze %dma_wait3A_151 : memref<1x32x128xf32, #tpu.memory_space<vmem>> -> memref<32x128xf32, #tpu.memory_space<vmem>>
        %dma_wait3A_153 = arith.constant 0 : i32
        %dma_wait3A_154 = arith.constant 0 : i32
        %dma_wait3A_155 = tpu.memref_slice %arg2[%dma_wait3A_153, %dma_wait3A_154] : memref<32x1000000xf32, #tpu.memory_space<hbm>> -> memref<32x128xf32, #tpu.memory_space<hbm>>
        tpu.wait_dma2 semaphore(%arg9 : memref<!tpu.dma_semaphore, #tpu.memory_space<semaphore_mem>>) src(%dma_wait3A_155 : memref<32x128xf32, #tpu.memory_space<hbm>>) dst(%dma_wait3A_152 : memref<32x128xf32, #tpu.memory_space<vmem>>)
        %ge3A = arith.constant 3 : i32
        %ge3A_156 = arith.cmpi sge, %add3A_132, %ge3A : i32
        %convert_element_type3A_157 = arith.extui %ge3A_156 : i1 to i32
        %cond3A_158 = arith.constant 0 : i32
        %cond3A_159 = arith.cmpi ne, %convert_element_type3A_157, %cond3A_158 : i32
        scf.if %cond3A_159 {
          %dma_wait3A_184 = arith.constant 2 : i32
          %dma_wait3A_185 = arith.constant 0 : i32
          %dma_wait3A_186 = arith.constant 0 : i32
          %dma_wait3A_187 = tpu.memref_slice %arg5[%dma_wait3A_184, %dma_wait3A_185, %dma_wait3A_186] : memref<3x32x128xf32, #tpu.memory_space<vmem>> -> memref<1x32x128xf32, #tpu.memory_space<vmem>>
          %dma_wait3A_188 = tpu.memref_squeeze %dma_wait3A_187 : memref<1x32x128xf32, #tpu.memory_space<vmem>> -> memref<32x128xf32, #tpu.memory_space<vmem>>
          %dma_wait3A_189 = arith.constant 0 : i32
          %dma_wait3A_190 = arith.constant 0 : i32
          %dma_wait3A_191 = tpu.memref_slice %arg2[%dma_wait3A_189, %dma_wait3A_190] : memref<32x1000000xf32, #tpu.memory_space<hbm>> -> memref<32x128xf32, #tpu.memory_space<hbm>>
          %dma_wait3A_192 = arith.constant 0 : i32
          %dma_wait3A_193 = arith.constant 0 : i32
          %dma_wait3A_194 = tpu.memref_slice %arg5[%dma_wait3A_184, %dma_wait3A_192, %dma_wait3A_193] : memref<3x32x128xf32, #tpu.memory_space<vmem>> -> memref<1x32x128xf32, #tpu.memory_space<vmem>>
          %dma_wait3A_195 = tpu.memref_squeeze %dma_wait3A_194 : memref<1x32x128xf32, #tpu.memory_space<vmem>> -> memref<32x128xf32, #tpu.memory_space<vmem>>
          %dma_wait3A_196 = arith.constant 0 : i32
          %dma_wait3A_197 = arith.constant 0 : i32
          %dma_wait3A_198 = tpu.memref_slice %arg2[%dma_wait3A_196, %dma_wait3A_197] : memref<32x1000000xf32, #tpu.memory_space<hbm>> -> memref<32x128xf32, #tpu.memory_space<hbm>>
          tpu.wait_dma2 semaphore(%arg12 : memref<!tpu.dma_semaphore, #tpu.memory_space<semaphore_mem>>) src(%dma_wait3A_198 : memref<32x128xf32, #tpu.memory_space<hbm>>) dst(%dma_wait3A_195 : memref<32x128xf32, #tpu.memory_space<vmem>>)
        } else {
        }
        %parallel_loop3A = arith.constant 0 : i32
        %parallel_loop3A_160 = arith.constant 32 : i32
        %parallel_loop3A_161 = arith.constant 1 : i32
        scf.for %parallel_loop3A_184 = %parallel_loop3A to %parallel_loop3A_160 step %parallel_loop3A_161  : i32 {
          %parallel_loop3A_185 = arith.constant 0 : i32
          %parallel_loop3A_186 = vector.broadcast %parallel_loop3A_185 : i32 to vector<16xi32>
          %parallel_loop3A_187 = arith.constant 4 : i32
          %parallel_loop3A_188 = arith.muli %parallel_loop3A_187, %parallel_loop3A_184 : i32
          %parallel_loop3A_189 = arith.constant 0 : i32
          %parallel_loop3A_190 = arith.addi %parallel_loop3A_188, %parallel_loop3A_189 : i32
          %parallel_loop3A_191 = vector.broadcast %parallel_loop3A_190 : i32 to vector<16xi32>
          %parallel_loop3A_192 = arith.addi %parallel_loop3A_186, %parallel_loop3A_191 : vector<16xi32>
          %parallel_loop3A_193 = arith.constant 0 : i32
          %parallel_loop3A_194 = vector.broadcast %parallel_loop3A_193 : i32 to vector<16xi32>
          %parallel_loop3A_195 = arith.constant 4 : i32
          %parallel_loop3A_196 = arith.muli %parallel_loop3A_195, %parallel_loop3A_184 : i32
          %parallel_loop3A_197 = arith.constant 1 : i32
          %parallel_loop3A_198 = arith.addi %parallel_loop3A_196, %parallel_loop3A_197 : i32
          %parallel_loop3A_199 = vector.broadcast %parallel_loop3A_198 : i32 to vector<16xi32>
          %parallel_loop3A_200 = arith.addi %parallel_loop3A_194, %parallel_loop3A_199 : vector<16xi32>
          %parallel_loop3A_201 = arith.constant 0 : i32
          %parallel_loop3A_202 = vector.broadcast %parallel_loop3A_201 : i32 to vector<16xi32>
          %parallel_loop3A_203 = arith.constant 4 : i32
          %parallel_loop3A_204 = arith.muli %parallel_loop3A_203, %parallel_loop3A_184 : i32
          %parallel_loop3A_205 = arith.constant 2 : i32
          %parallel_loop3A_206 = arith.addi %parallel_loop3A_204, %parallel_loop3A_205 : i32
          %parallel_loop3A_207 = vector.broadcast %parallel_loop3A_206 : i32 to vector<16xi32>
          %parallel_loop3A_208 = arith.addi %parallel_loop3A_202, %parallel_loop3A_207 : vector<16xi32>
          %parallel_loop3A_209 = arith.constant 0 : i32
          %parallel_loop3A_210 = vector.broadcast %parallel_loop3A_209 : i32 to vector<16xi32>
          %parallel_loop3A_211 = arith.constant 4 : i32
          %parallel_loop3A_212 = arith.muli %parallel_loop3A_211, %parallel_loop3A_184 : i32
          %parallel_loop3A_213 = arith.constant 3 : i32
          %parallel_loop3A_214 = arith.addi %parallel_loop3A_212, %parallel_loop3A_213 : i32
          %parallel_loop3A_215 = vector.broadcast %parallel_loop3A_214 : i32 to vector<16xi32>
          %parallel_loop3A_216 = arith.addi %parallel_loop3A_210, %parallel_loop3A_215 : vector<16xi32>
          %parallel_loop3A_217 = arith.constant 2 : i32
          %parallel_loop3A_218 = arith.constant 0 : i32
          %parallel_loop3A_219 = arith.constant 0 : i32
          %parallel_loop3A_220 = tpu.memref_slice %arg5[%parallel_loop3A_217, %parallel_loop3A_218, %parallel_loop3A_219] : memref<3x32x128xf32, #tpu.memory_space<vmem>> -> memref<1x32x128xf32, #tpu.memory_space<vmem>>
          %parallel_loop3A_221 = tpu.memref_squeeze %parallel_loop3A_220 : memref<1x32x128xf32, #tpu.memory_space<vmem>> -> memref<32x128xf32, #tpu.memory_space<vmem>>
          %parallel_loop3A_222 = tpu.vector_load_idx %parallel_loop3A_221[%iota3A, %parallel_loop3A_192] : memref<32x128xf32, #tpu.memory_space<vmem>>[vector<16xi32>, vector<16xi32>], vector<16xf32>,
          %parallel_loop3A_223 = arith.constant 2 : i32
          %parallel_loop3A_224 = arith.constant 0 : i32
          %parallel_loop3A_225 = arith.constant 0 : i32
          %parallel_loop3A_226 = tpu.memref_slice %arg5[%parallel_loop3A_223, %parallel_loop3A_224, %parallel_loop3A_225] : memref<3x32x128xf32, #tpu.memory_space<vmem>> -> memref<1x32x128xf32, #tpu.memory_space<vmem>>
          %parallel_loop3A_227 = tpu.memref_squeeze %parallel_loop3A_226 : memref<1x32x128xf32, #tpu.memory_space<vmem>> -> memref<32x128xf32, #tpu.memory_space<vmem>>
          %parallel_loop3A_228 = tpu.vector_load_idx %parallel_loop3A_227[%add3A_3, %parallel_loop3A_192] : memref<32x128xf32, #tpu.memory_space<vmem>>[vector<16xi32>, vector<16xi32>], vector<16xf32>,
          %parallel_loop3A_229 = arith.constant 2 : i32
          %parallel_loop3A_230 = arith.constant 0 : i32
          %parallel_loop3A_231 = arith.constant 0 : i32
          %parallel_loop3A_232 = tpu.memref_slice %arg5[%parallel_loop3A_229, %parallel_loop3A_230, %parallel_loop3A_231] : memref<3x32x128xf32, #tpu.memory_space<vmem>> -> memref<1x32x128xf32, #tpu.memory_space<vmem>>
          %parallel_loop3A_233 = tpu.memref_squeeze %parallel_loop3A_232 : memref<1x32x128xf32, #tpu.memory_space<vmem>> -> memref<32x128xf32, #tpu.memory_space<vmem>>
          %parallel_loop3A_234 = tpu.vector_load_idx %parallel_loop3A_233[%iota3A, %parallel_loop3A_200] : memref<32x128xf32, #tpu.memory_space<vmem>>[vector<16xi32>, vector<16xi32>], vector<16xf32>,
          %parallel_loop3A_235 = arith.constant 2 : i32
          %parallel_loop3A_236 = arith.constant 0 : i32
          %parallel_loop3A_237 = arith.constant 0 : i32
          %parallel_loop3A_238 = tpu.memref_slice %arg5[%parallel_loop3A_235, %parallel_loop3A_236, %parallel_loop3A_237] : memref<3x32x128xf32, #tpu.memory_space<vmem>> -> memref<1x32x128xf32, #tpu.memory_space<vmem>>
          %parallel_loop3A_239 = tpu.memref_squeeze %parallel_loop3A_238 : memref<1x32x128xf32, #tpu.memory_space<vmem>> -> memref<32x128xf32, #tpu.memory_space<vmem>>
          %parallel_loop3A_240 = tpu.vector_load_idx %parallel_loop3A_239[%add3A_3, %parallel_loop3A_200] : memref<32x128xf32, #tpu.memory_space<vmem>>[vector<16xi32>, vector<16xi32>], vector<16xf32>,
          %parallel_loop3A_241 = arith.constant 2 : i32
          %parallel_loop3A_242 = arith.constant 0 : i32
          %parallel_loop3A_243 = arith.constant 0 : i32
          %parallel_loop3A_244 = tpu.memref_slice %arg5[%parallel_loop3A_241, %parallel_loop3A_242, %parallel_loop3A_243] : memref<3x32x128xf32, #tpu.memory_space<vmem>> -> memref<1x32x128xf32, #tpu.memory_space<vmem>>
          %parallel_loop3A_245 = tpu.memref_squeeze %parallel_loop3A_244 : memref<1x32x128xf32, #tpu.memory_space<vmem>> -> memref<32x128xf32, #tpu.memory_space<vmem>>
          %parallel_loop3A_246 = tpu.vector_load_idx %parallel_loop3A_245[%iota3A, %parallel_loop3A_208] : memref<32x128xf32, #tpu.memory_space<vmem>>[vector<16xi32>, vector<16xi32>], vector<16xf32>,
          %parallel_loop3A_247 = arith.constant 2 : i32
          %parallel_loop3A_248 = arith.constant 0 : i32
          %parallel_loop3A_249 = arith.constant 0 : i32
          %parallel_loop3A_250 = tpu.memref_slice %arg5[%parallel_loop3A_247, %parallel_loop3A_248, %parallel_loop3A_249] : memref<3x32x128xf32, #tpu.memory_space<vmem>> -> memref<1x32x128xf32, #tpu.memory_space<vmem>>
          %parallel_loop3A_251 = tpu.memref_squeeze %parallel_loop3A_250 : memref<1x32x128xf32, #tpu.memory_space<vmem>> -> memref<32x128xf32, #tpu.memory_space<vmem>>
          %parallel_loop3A_252 = tpu.vector_load_idx %parallel_loop3A_251[%add3A_3, %parallel_loop3A_208] : memref<32x128xf32, #tpu.memory_space<vmem>>[vector<16xi32>, vector<16xi32>], vector<16xf32>,
          %parallel_loop3A_253 = arith.constant 2 : i32
          %parallel_loop3A_254 = arith.constant 0 : i32
          %parallel_loop3A_255 = arith.constant 0 : i32
          %parallel_loop3A_256 = tpu.memref_slice %arg5[%parallel_loop3A_253, %parallel_loop3A_254, %parallel_loop3A_255] : memref<3x32x128xf32, #tpu.memory_space<vmem>> -> memref<1x32x128xf32, #tpu.memory_space<vmem>>
          %parallel_loop3A_257 = tpu.memref_squeeze %parallel_loop3A_256 : memref<1x32x128xf32, #tpu.memory_space<vmem>> -> memref<32x128xf32, #tpu.memory_space<vmem>>
          %parallel_loop3A_258 = tpu.vector_load_idx %parallel_loop3A_257[%iota3A, %parallel_loop3A_216] : memref<32x128xf32, #tpu.memory_space<vmem>>[vector<16xi32>, vector<16xi32>], vector<16xf32>,
          %parallel_loop3A_259 = arith.constant 2 : i32
          %parallel_loop3A_260 = arith.constant 0 : i32
          %parallel_loop3A_261 = arith.constant 0 : i32
          %parallel_loop3A_262 = tpu.memref_slice %arg5[%parallel_loop3A_259, %parallel_loop3A_260, %parallel_loop3A_261] : memref<3x32x128xf32, #tpu.memory_space<vmem>> -> memref<1x32x128xf32, #tpu.memory_space<vmem>>
          %parallel_loop3A_263 = tpu.memref_squeeze %parallel_loop3A_262 : memref<1x32x128xf32, #tpu.memory_space<vmem>> -> memref<32x128xf32, #tpu.memory_space<vmem>>
          %parallel_loop3A_264 = tpu.vector_load_idx %parallel_loop3A_263[%add3A_3, %parallel_loop3A_216] : memref<32x128xf32, #tpu.memory_space<vmem>>[vector<16xi32>, vector<16xi32>], vector<16xf32>,
          %parallel_loop3A_265 = arith.constant 2 : i32
          %parallel_loop3A_266 = arith.index_cast %parallel_loop3A_265 : i32 to index
          %parallel_loop3A_267 = arith.index_cast %parallel_loop3A_184 : i32 to index
          %parallel_loop3A_268 = arith.constant 0 : index
          %parallel_loop3A_269 = tpu.vector_load %arg6[%parallel_loop3A_266, %parallel_loop3A_267, %parallel_loop3A_268] {strides = array<i32>} : memref<3x32x128xf32, #tpu.memory_space<vmem>>, vector<16xf32>,
          tpu.vector_store %arg6[%parallel_loop3A_266, %parallel_loop3A_267, %parallel_loop3A_268], %parallel_loop3A_222 {strides = array<i32>} : memref<3x32x128xf32, #tpu.memory_space<vmem>>, vector<16xf32>,
          %parallel_loop3A_270 = arith.constant 2 : i32
          %parallel_loop3A_271 = arith.index_cast %parallel_loop3A_270 : i32 to index
          %parallel_loop3A_272 = arith.index_cast %parallel_loop3A_184 : i32 to index
          %parallel_loop3A_273 = arith.constant 16 : index
          %parallel_loop3A_274 = tpu.vector_load %arg6[%parallel_loop3A_271, %parallel_loop3A_272, %parallel_loop3A_273] {strides = array<i32>} : memref<3x32x128xf32, #tpu.memory_space<vmem>>, vector<16xf32>,
          tpu.vector_store %arg6[%parallel_loop3A_271, %parallel_loop3A_272, %parallel_loop3A_273], %parallel_loop3A_228 {strides = array<i32>} : memref<3x32x128xf32, #tpu.memory_space<vmem>>, vector<16xf32>,
          %parallel_loop3A_275 = arith.constant 2 : i32
          %parallel_loop3A_276 = arith.index_cast %parallel_loop3A_275 : i32 to index
          %parallel_loop3A_277 = arith.index_cast %parallel_loop3A_184 : i32 to index
          %parallel_loop3A_278 = arith.constant 32 : index
          %parallel_loop3A_279 = tpu.vector_load %arg6[%parallel_loop3A_276, %parallel_loop3A_277, %parallel_loop3A_278] {strides = array<i32>} : memref<3x32x128xf32, #tpu.memory_space<vmem>>, vector<16xf32>,
          tpu.vector_store %arg6[%parallel_loop3A_276, %parallel_loop3A_277, %parallel_loop3A_278], %parallel_loop3A_234 {strides = array<i32>} : memref<3x32x128xf32, #tpu.memory_space<vmem>>, vector<16xf32>,
          %parallel_loop3A_280 = arith.constant 2 : i32
          %parallel_loop3A_281 = arith.index_cast %parallel_loop3A_280 : i32 to index
          %parallel_loop3A_282 = arith.index_cast %parallel_loop3A_184 : i32 to index
          %parallel_loop3A_283 = arith.constant 48 : index
          %parallel_loop3A_284 = tpu.vector_load %arg6[%parallel_loop3A_281, %parallel_loop3A_282, %parallel_loop3A_283] {strides = array<i32>} : memref<3x32x128xf32, #tpu.memory_space<vmem>>, vector<16xf32>,
          tpu.vector_store %arg6[%parallel_loop3A_281, %parallel_loop3A_282, %parallel_loop3A_283], %parallel_loop3A_240 {strides = array<i32>} : memref<3x32x128xf32, #tpu.memory_space<vmem>>, vector<16xf32>,
          %parallel_loop3A_285 = arith.constant 2 : i32
          %parallel_loop3A_286 = arith.index_cast %parallel_loop3A_285 : i32 to index
          %parallel_loop3A_287 = arith.index_cast %parallel_loop3A_184 : i32 to index
          %parallel_loop3A_288 = arith.constant 64 : index
          %parallel_loop3A_289 = tpu.vector_load %arg6[%parallel_loop3A_286, %parallel_loop3A_287, %parallel_loop3A_288] {strides = array<i32>} : memref<3x32x128xf32, #tpu.memory_space<vmem>>, vector<16xf32>,
          tpu.vector_store %arg6[%parallel_loop3A_286, %parallel_loop3A_287, %parallel_loop3A_288], %parallel_loop3A_246 {strides = array<i32>} : memref<3x32x128xf32, #tpu.memory_space<vmem>>, vector<16xf32>,
          %parallel_loop3A_290 = arith.constant 2 : i32
          %parallel_loop3A_291 = arith.index_cast %parallel_loop3A_290 : i32 to index
          %parallel_loop3A_292 = arith.index_cast %parallel_loop3A_184 : i32 to index
          %parallel_loop3A_293 = arith.constant 80 : index
          %parallel_loop3A_294 = tpu.vector_load %arg6[%parallel_loop3A_291, %parallel_loop3A_292, %parallel_loop3A_293] {strides = array<i32>} : memref<3x32x128xf32, #tpu.memory_space<vmem>>, vector<16xf32>,
          tpu.vector_store %arg6[%parallel_loop3A_291, %parallel_loop3A_292, %parallel_loop3A_293], %parallel_loop3A_252 {strides = array<i32>} : memref<3x32x128xf32, #tpu.memory_space<vmem>>, vector<16xf32>,
          %parallel_loop3A_295 = arith.constant 2 : i32
          %parallel_loop3A_296 = arith.index_cast %parallel_loop3A_295 : i32 to index
          %parallel_loop3A_297 = arith.index_cast %parallel_loop3A_184 : i32 to index
          %parallel_loop3A_298 = arith.constant 96 : index
          %parallel_loop3A_299 = tpu.vector_load %arg6[%parallel_loop3A_296, %parallel_loop3A_297, %parallel_loop3A_298] {strides = array<i32>} : memref<3x32x128xf32, #tpu.memory_space<vmem>>, vector<16xf32>,
          tpu.vector_store %arg6[%parallel_loop3A_296, %parallel_loop3A_297, %parallel_loop3A_298], %parallel_loop3A_258 {strides = array<i32>} : memref<3x32x128xf32, #tpu.memory_space<vmem>>, vector<16xf32>,
          %parallel_loop3A_300 = arith.constant 2 : i32
          %parallel_loop3A_301 = arith.index_cast %parallel_loop3A_300 : i32 to index
          %parallel_loop3A_302 = arith.index_cast %parallel_loop3A_184 : i32 to index
          %parallel_loop3A_303 = arith.constant 112 : index
          %parallel_loop3A_304 = tpu.vector_load %arg6[%parallel_loop3A_301, %parallel_loop3A_302, %parallel_loop3A_303] {strides = array<i32>} : memref<3x32x128xf32, #tpu.memory_space<vmem>>, vector<16xf32>,
          tpu.vector_store %arg6[%parallel_loop3A_301, %parallel_loop3A_302, %parallel_loop3A_303], %parallel_loop3A_264 {strides = array<i32>} : memref<3x32x128xf32, #tpu.memory_space<vmem>>, vector<16xf32>,
        } {sc.loop_unroll_factor = 4 : i64, sc.parallel_access}
        %mul3A_162 = arith.constant 32 : i32
        %mul3A_163 = arith.muli %add3A_135, %mul3A_162 : i32
        %dma_start3A_164 = arith.constant 2 : i32
        %dma_start3A_165 = arith.constant 0 : i32
        %dma_start3A_166 = arith.constant 0 : i32
        %dma_start3A_167 = tpu.memref_slice %arg6[%dma_start3A_164, %dma_start3A_165, %dma_start3A_166] : memref<3x32x128xf32, #tpu.memory_space<vmem>> -> memref<1x32x128xf32, #tpu.memory_space<vmem>>
        %dma_start3A_168 = tpu.memref_squeeze %dma_start3A_167 : memref<1x32x128xf32, #tpu.memory_space<vmem>> -> memref<32x128xf32, #tpu.memory_space<vmem>>
        %dma_start3A_169 = arith.constant 0 : i32
        %dma_start3A_170 = tpu.memref_slice %arg4[%mul3A_163, %dma_start3A_169] : memref<250000x128xf32, #tpu.memory_space<hbm>> -> memref<32x128xf32, #tpu.memory_space<hbm>>
        %dma_start3A_171 = arith.constant 0 : i32
        %dma_start3A_172 = tpu.memref_slice %arg4[%mul3A_163, %dma_start3A_171] : memref<250000x128xf32, #tpu.memory_space<hbm>> -> memref<32x128xf32, #tpu.memory_space<hbm>>
        %dma_start3A_173 = arith.constant 0 : i32
        %dma_start3A_174 = arith.constant 0 : i32
        %dma_start3A_175 = tpu.memref_slice %arg6[%dma_start3A_164, %dma_start3A_173, %dma_start3A_174] : memref<3x32x128xf32, #tpu.memory_space<vmem>> -> memref<1x32x128xf32, #tpu.memory_space<vmem>>
        %dma_start3A_176 = tpu.memref_squeeze %dma_start3A_175 : memref<1x32x128xf32, #tpu.memory_space<vmem>> -> memref<32x128xf32, #tpu.memory_space<vmem>>
        tpu.enqueue_dma source(%dma_start3A_176 : memref<32x128xf32, #tpu.memory_space<vmem>>) target(%dma_start3A_172 : memref<32x128xf32, #tpu.memory_space<hbm>>) target_semaphore(%arg12 : memref<!tpu.dma_semaphore, #tpu.memory_space<semaphore_mem>>)
        %add3A_177 = arith.constant 96 : i32
        %add3A_178 = arith.addi %add3A_135, %add3A_177 : i32
        %lt3A_179 = arith.constant 7812 : i32
        %lt3A_180 = arith.cmpi slt, %add3A_178, %lt3A_179 : i32
        %convert_element_type3A_181 = arith.extui %lt3A_180 : i1 to i32
        %cond3A_182 = arith.constant 0 : i32
        %cond3A_183 = arith.cmpi ne, %convert_element_type3A_181, %cond3A_182 : i32
        scf.if %cond3A_183 {
          %mul3A_184 = arith.constant 128 : i32
          %mul3A_185 = arith.muli %add3A_178, %mul3A_184 : i32
          %dma_start3A_186 = arith.constant 2 : i32
          %dma_start3A_187 = arith.constant 0 : i32
          %dma_start3A_188 = arith.constant 0 : i32
          %dma_start3A_189 = tpu.memref_slice %arg5[%dma_start3A_186, %dma_start3A_187, %dma_start3A_188] : memref<3x32x128xf32, #tpu.memory_space<vmem>> -> memref<1x32x128xf32, #tpu.memory_space<vmem>>
          %dma_start3A_190 = tpu.memref_squeeze %dma_start3A_189 : memref<1x32x128xf32, #tpu.memory_space<vmem>> -> memref<32x128xf32, #tpu.memory_space<vmem>>
          %dma_start3A_191 = arith.constant 0 : i32
          %dma_start3A_192 = tpu.memref_slice %arg2[%dma_start3A_191, %mul3A_185] : memref<32x1000000xf32, #tpu.memory_space<hbm>> -> memref<32x128xf32, #tpu.memory_space<hbm>>
          %dma_start3A_193 = arith.constant 0 : i32
          %dma_start3A_194 = arith.constant 0 : i32
          %dma_start3A_195 = tpu.memref_slice %arg5[%dma_start3A_186, %dma_start3A_193, %dma_start3A_194] : memref<3x32x128xf32, #tpu.memory_space<vmem>> -> memref<1x32x128xf32, #tpu.memory_space<vmem>>
          %dma_start3A_196 = tpu.memref_squeeze %dma_start3A_195 : memref<1x32x128xf32, #tpu.memory_space<vmem>> -> memref<32x128xf32, #tpu.memory_space<vmem>>
          %dma_start3A_197 = arith.constant 0 : i32
          %dma_start3A_198 = tpu.memref_slice %arg2[%dma_start3A_197, %mul3A_185] : memref<32x1000000xf32, #tpu.memory_space<hbm>> -> memref<32x128xf32, #tpu.memory_space<hbm>>
          tpu.enqueue_dma source(%dma_start3A_198 : memref<32x128xf32, #tpu.memory_space<hbm>>) target(%dma_start3A_196 : memref<32x128xf32, #tpu.memory_space<vmem>>) target_semaphore(%arg9 : memref<!tpu.dma_semaphore, #tpu.memory_space<semaphore_mem>>)
        } else {
        }
      } else {
      }
    }
    %scan3A_58 = arith.constant 82 : i32
    %dma_wait3A = arith.constant 0 : i32
    %dma_wait3A_59 = arith.constant 0 : i32
    %dma_wait3A_60 = arith.constant 0 : i32
    %dma_wait3A_61 = tpu.memref_slice %arg5[%dma_wait3A, %dma_wait3A_59, %dma_wait3A_60] : memref<3x32x128xf32, #tpu.memory_space<vmem>> -> memref<1x32x128xf32, #tpu.memory_space<vmem>>
    %dma_wait3A_62 = tpu.memref_squeeze %dma_wait3A_61 : memref<1x32x128xf32, #tpu.memory_space<vmem>> -> memref<32x128xf32, #tpu.memory_space<vmem>>
    %dma_wait3A_63 = arith.constant 0 : i32
    %dma_wait3A_64 = arith.constant 0 : i32
    %dma_wait3A_65 = tpu.memref_slice %arg2[%dma_wait3A_63, %dma_wait3A_64] : memref<32x1000000xf32, #tpu.memory_space<hbm>> -> memref<32x128xf32, #tpu.memory_space<hbm>>
    %dma_wait3A_66 = arith.constant 0 : i32
    %dma_wait3A_67 = arith.constant 0 : i32
    %dma_wait3A_68 = tpu.memref_slice %arg5[%dma_wait3A, %dma_wait3A_66, %dma_wait3A_67] : memref<3x32x128xf32, #tpu.memory_space<vmem>> -> memref<1x32x128xf32, #tpu.memory_space<vmem>>
    %dma_wait3A_69 = tpu.memref_squeeze %dma_wait3A_68 : memref<1x32x128xf32, #tpu.memory_space<vmem>> -> memref<32x128xf32, #tpu.memory_space<vmem>>
    %dma_wait3A_70 = arith.constant 0 : i32
    %dma_wait3A_71 = arith.constant 0 : i32
    %dma_wait3A_72 = tpu.memref_slice %arg2[%dma_wait3A_70, %dma_wait3A_71] : memref<32x1000000xf32, #tpu.memory_space<hbm>> -> memref<32x128xf32, #tpu.memory_space<hbm>>
    tpu.wait_dma2 semaphore(%arg10 : memref<!tpu.dma_semaphore, #tpu.memory_space<semaphore_mem>>) src(%dma_wait3A_72 : memref<32x128xf32, #tpu.memory_space<hbm>>) dst(%dma_wait3A_69 : memref<32x128xf32, #tpu.memory_space<vmem>>)
    %dma_wait3A_73 = arith.constant 1 : i32
    %dma_wait3A_74 = arith.constant 0 : i32
    %dma_wait3A_75 = arith.constant 0 : i32
    %dma_wait3A_76 = tpu.memref_slice %arg5[%dma_wait3A_73, %dma_wait3A_74, %dma_wait3A_75] : memref<3x32x128xf32, #tpu.memory_space<vmem>> -> memref<1x32x128xf32, #tpu.memory_space<vmem>>
    %dma_wait3A_77 = tpu.memref_squeeze %dma_wait3A_76 : memref<1x32x128xf32, #tpu.memory_space<vmem>> -> memref<32x128xf32, #tpu.memory_space<vmem>>
    %dma_wait3A_78 = arith.constant 0 : i32
    %dma_wait3A_79 = arith.constant 0 : i32
    %dma_wait3A_80 = tpu.memref_slice %arg2[%dma_wait3A_78, %dma_wait3A_79] : memref<32x1000000xf32, #tpu.memory_space<hbm>> -> memref<32x128xf32, #tpu.memory_space<hbm>>
    %dma_wait3A_81 = arith.constant 0 : i32
    %dma_wait3A_82 = arith.constant 0 : i32
    %dma_wait3A_83 = tpu.memref_slice %arg5[%dma_wait3A_73, %dma_wait3A_81, %dma_wait3A_82] : memref<3x32x128xf32, #tpu.memory_space<vmem>> -> memref<1x32x128xf32, #tpu.memory_space<vmem>>
    %dma_wait3A_84 = tpu.memref_squeeze %dma_wait3A_83 : memref<1x32x128xf32, #tpu.memory_space<vmem>> -> memref<32x128xf32, #tpu.memory_space<vmem>>
    %dma_wait3A_85 = arith.constant 0 : i32
    %dma_wait3A_86 = arith.constant 0 : i32
    %dma_wait3A_87 = tpu.memref_slice %arg2[%dma_wait3A_85, %dma_wait3A_86] : memref<32x1000000xf32, #tpu.memory_space<hbm>> -> memref<32x128xf32, #tpu.memory_space<hbm>>
    tpu.wait_dma2 semaphore(%arg11 : memref<!tpu.dma_semaphore, #tpu.memory_space<semaphore_mem>>) src(%dma_wait3A_87 : memref<32x128xf32, #tpu.memory_space<hbm>>) dst(%dma_wait3A_84 : memref<32x128xf32, #tpu.memory_space<vmem>>)
    %dma_wait3A_88 = arith.constant 2 : i32
    %dma_wait3A_89 = arith.constant 0 : i32
    %dma_wait3A_90 = arith.constant 0 : i32
    %dma_wait3A_91 = tpu.memref_slice %arg5[%dma_wait3A_88, %dma_wait3A_89, %dma_wait3A_90] : memref<3x32x128xf32, #tpu.memory_space<vmem>> -> memref<1x32x128xf32, #tpu.memory_space<vmem>>
    %dma_wait3A_92 = tpu.memref_squeeze %dma_wait3A_91 : memref<1x32x128xf32, #tpu.memory_space<vmem>> -> memref<32x128xf32, #tpu.memory_space<vmem>>
    %dma_wait3A_93 = arith.constant 0 : i32
    %dma_wait3A_94 = arith.constant 0 : i32
    %dma_wait3A_95 = tpu.memref_slice %arg2[%dma_wait3A_93, %dma_wait3A_94] : memref<32x1000000xf32, #tpu.memory_space<hbm>> -> memref<32x128xf32, #tpu.memory_space<hbm>>
    %dma_wait3A_96 = arith.constant 0 : i32
    %dma_wait3A_97 = arith.constant 0 : i32
    %dma_wait3A_98 = tpu.memref_slice %arg5[%dma_wait3A_88, %dma_wait3A_96, %dma_wait3A_97] : memref<3x32x128xf32, #tpu.memory_space<vmem>> -> memref<1x32x128xf32, #tpu.memory_space<vmem>>
    %dma_wait3A_99 = tpu.memref_squeeze %dma_wait3A_98 : memref<1x32x128xf32, #tpu.memory_space<vmem>> -> memref<32x128xf32, #tpu.memory_space<vmem>>
    %dma_wait3A_100 = arith.constant 0 : i32
    %dma_wait3A_101 = arith.constant 0 : i32
    %dma_wait3A_102 = tpu.memref_slice %arg2[%dma_wait3A_100, %dma_wait3A_101] : memref<32x1000000xf32, #tpu.memory_space<hbm>> -> memref<32x128xf32, #tpu.memory_space<hbm>>
    tpu.wait_dma2 semaphore(%arg12 : memref<!tpu.dma_semaphore, #tpu.memory_space<semaphore_mem>>) src(%dma_wait3A_102 : memref<32x128xf32, #tpu.memory_space<hbm>>) dst(%dma_wait3A_99 : memref<32x128xf32, #tpu.memory_space<vmem>>)
    %eq3A = arith.constant 0 : i32
    %eq3A_103 = arith.cmpi eq, %add3A, %eq3A : i32
    %convert_element_type3A = arith.extui %eq3A_103 : i1 to i32
    %cond3A = arith.constant 0 : i32
    %cond3A_104 = arith.cmpi ne, %convert_element_type3A, %cond3A : i32
    scf.if %cond3A_104 {
      %run_scoped3A = arith.constant 0 : i32
      "tpu.region"() ({
        %run_scoped3A_106 = tpu.sem_alloc : memref<!tpu.dma_semaphore, #tpu.memory_space<semaphore_mem>>
        %dma_start3A_107 = arith.constant 0 : i32
        %dma_start3A_108 = arith.constant 0 : i32
        %dma_start3A_109 = tpu.memref_slice %arg6[%run_scoped3A, %dma_start3A_107, %dma_start3A_108] : memref<3x32x128xf32, #tpu.memory_space<vmem>> -> memref<1x16x128xf32, #tpu.memory_space<vmem>>
        %dma_start3A_110 = tpu.memref_squeeze %dma_start3A_109 : memref<1x16x128xf32, #tpu.memory_space<vmem>> -> memref<16x128xf32, #tpu.memory_space<vmem>>
        %dma_start3A_111 = arith.constant 0 : i32
        %dma_start3A_112 = arith.constant 0 : i32
        %dma_start3A_113 = tpu.memref_slice %arg6[%run_scoped3A, %dma_start3A_111, %dma_start3A_112] : memref<3x32x128xf32, #tpu.memory_space<vmem>> -> memref<1x16x128xf32, #tpu.memory_space<vmem>>
        %dma_start3A_114 = tpu.memref_squeeze %dma_start3A_113 : memref<1x16x128xf32, #tpu.memory_space<vmem>> -> memref<16x128xf32, #tpu.memory_space<vmem>>
        tpu.enqueue_dma source(%arg3 : memref<16x128xf32, #tpu.memory_space<hbm>>) target(%dma_start3A_114 : memref<16x128xf32, #tpu.memory_space<vmem>>) target_semaphore(%run_scoped3A_106 : memref<!tpu.dma_semaphore, #tpu.memory_space<semaphore_mem>>)
        %dma_wait3A_115 = arith.constant 0 : i32
        %dma_wait3A_116 = arith.constant 0 : i32
        %dma_wait3A_117 = tpu.memref_slice %arg6[%run_scoped3A, %dma_wait3A_115, %dma_wait3A_116] : memref<3x32x128xf32, #tpu.memory_space<vmem>> -> memref<1x16x128xf32, #tpu.memory_space<vmem>>
        %dma_wait3A_118 = tpu.memref_squeeze %dma_wait3A_117 : memref<1x16x128xf32, #tpu.memory_space<vmem>> -> memref<16x128xf32, #tpu.memory_space<vmem>>
        %dma_wait3A_119 = arith.constant 0 : i32
        %dma_wait3A_120 = arith.constant 0 : i32
        %dma_wait3A_121 = tpu.memref_slice %arg6[%run_scoped3A, %dma_wait3A_119, %dma_wait3A_120] : memref<3x32x128xf32, #tpu.memory_space<vmem>> -> memref<1x16x128xf32, #tpu.memory_space<vmem>>
        %dma_wait3A_122 = tpu.memref_squeeze %dma_wait3A_121 : memref<1x16x128xf32, #tpu.memory_space<vmem>> -> memref<16x128xf32, #tpu.memory_space<vmem>>
        tpu.wait_dma2 semaphore(%run_scoped3A_106 : memref<!tpu.dma_semaphore, #tpu.memory_space<semaphore_mem>>) src(%arg3 : memref<16x128xf32, #tpu.memory_space<hbm>>) dst(%dma_wait3A_122 : memref<16x128xf32, #tpu.memory_space<vmem>>)
        tpu.yield
      }) : () -> ()
      %run_scoped3A_105 = arith.constant 0 : i32
      "tpu.region"() ({
        %run_scoped3A_106 = tpu.sem_alloc : memref<!tpu.dma_semaphore, #tpu.memory_space<semaphore_mem>>
        %dma_start3A_107 = arith.constant 0 : i32
        %dma_start3A_108 = arith.constant 0 : i32
        %dma_start3A_109 = tpu.memref_slice %arg6[%run_scoped3A_105, %dma_start3A_107, %dma_start3A_108] : memref<3x32x128xf32, #tpu.memory_space<vmem>> -> memref<1x16x128xf32, #tpu.memory_space<vmem>>
        %dma_start3A_110 = tpu.memref_squeeze %dma_start3A_109 : memref<1x16x128xf32, #tpu.memory_space<vmem>> -> memref<16x128xf32, #tpu.memory_space<vmem>>
        %dma_start3A_111 = arith.constant 249984 : i32
        %dma_start3A_112 = arith.constant 0 : i32
        %dma_start3A_113 = tpu.memref_slice %arg4[%dma_start3A_111, %dma_start3A_112] : memref<250000x128xf32, #tpu.memory_space<hbm>> -> memref<16x128xf32, #tpu.memory_space<hbm>>
        %dma_start3A_114 = arith.constant 249984 : i32
        %dma_start3A_115 = arith.constant 0 : i32
        %dma_start3A_116 = tpu.memref_slice %arg4[%dma_start3A_114, %dma_start3A_115] : memref<250000x128xf32, #tpu.memory_space<hbm>> -> memref<16x128xf32, #tpu.memory_space<hbm>>
        %dma_start3A_117 = arith.constant 0 : i32
        %dma_start3A_118 = arith.constant 0 : i32
        %dma_start3A_119 = tpu.memref_slice %arg6[%run_scoped3A_105, %dma_start3A_117, %dma_start3A_118] : memref<3x32x128xf32, #tpu.memory_space<vmem>> -> memref<1x16x128xf32, #tpu.memory_space<vmem>>
        %dma_start3A_120 = tpu.memref_squeeze %dma_start3A_119 : memref<1x16x128xf32, #tpu.memory_space<vmem>> -> memref<16x128xf32, #tpu.memory_space<vmem>>
        tpu.enqueue_dma source(%dma_start3A_120 : memref<16x128xf32, #tpu.memory_space<vmem>>) target(%dma_start3A_116 : memref<16x128xf32, #tpu.memory_space<hbm>>) target_semaphore(%run_scoped3A_106 : memref<!tpu.dma_semaphore, #tpu.memory_space<semaphore_mem>>)
        %dma_wait3A_121 = arith.constant 0 : i32
        %dma_wait3A_122 = arith.constant 0 : i32
        %dma_wait3A_123 = tpu.memref_slice %arg6[%run_scoped3A_105, %dma_wait3A_121, %dma_wait3A_122] : memref<3x32x128xf32, #tpu.memory_space<vmem>> -> memref<1x16x128xf32, #tpu.memory_space<vmem>>
        %dma_wait3A_124 = tpu.memref_squeeze %dma_wait3A_123 : memref<1x16x128xf32, #tpu.memory_space<vmem>> -> memref<16x128xf32, #tpu.memory_space<vmem>>
        %dma_wait3A_125 = arith.constant 249984 : i32
        %dma_wait3A_126 = arith.constant 0 : i32
        %dma_wait3A_127 = tpu.memref_slice %arg4[%dma_wait3A_125, %dma_wait3A_126] : memref<250000x128xf32, #tpu.memory_space<hbm>> -> memref<16x128xf32, #tpu.memory_space<hbm>>
        %dma_wait3A_128 = arith.constant 249984 : i32
        %dma_wait3A_129 = arith.constant 0 : i32
        %dma_wait3A_130 = tpu.memref_slice %arg4[%dma_wait3A_128, %dma_wait3A_129] : memref<250000x128xf32, #tpu.memory_space<hbm>> -> memref<16x128xf32, #tpu.memory_space<hbm>>
        %dma_wait3A_131 = arith.constant 0 : i32
        %dma_wait3A_132 = arith.constant 0 : i32
        %dma_wait3A_133 = tpu.memref_slice %arg6[%run_scoped3A_105, %dma_wait3A_131, %dma_wait3A_132] : memref<3x32x128xf32, #tpu.memory_space<vmem>> -> memref<1x16x128xf32, #tpu.memory_space<vmem>>
        %dma_wait3A_134 = tpu.memref_squeeze %dma_wait3A_133 : memref<1x16x128xf32, #tpu.memory_space<vmem>> -> memref<16x128xf32, #tpu.memory_space<vmem>>
        tpu.wait_dma2 semaphore(%run_scoped3A_106 : memref<!tpu.dma_semaphore, #tpu.memory_space<semaphore_mem>>) src(%dma_wait3A_134 : memref<16x128xf32, #tpu.memory_space<vmem>>) dst(%dma_wait3A_130 : memref<16x128xf32, #tpu.memory_space<hbm>>)
        tpu.yield
      }) : () -> ()
    } else {
    }
    return
  }
}

#map = affine_map<(d0, d1) -> (0, 0)>
#map1 = affine_map<(d0, d1) -> (0, 0, 0, 0, 0)>
module attributes {stable_mosaic.version = 14 : i64} {
  func.func @_sc_gather(%arg0: i32, %arg1: i32, %arg2: memref<200x4096xi32, #tpu.memory_space<hbm>>, %arg3: memref<1000000x32xf32, #tpu.memory_space<hbm>>, %arg4: memref<200x4x32x8x128xf32, #tpu.memory_space<hbm>>, %arg5: memref<200x128xi32, #tpu.memory_space<vmem>>, %arg6: memref<5x128x32xf32, #tpu.memory_space<vmem>>, %arg7: memref<5x4x8x128xf32, #tpu.memory_space<vmem>>, %arg8: memref<!tpu.dma_semaphore, #tpu.memory_space<semaphore_mem>>, %arg9: memref<!tpu.dma_semaphore, #tpu.memory_space<semaphore_mem>>, %arg10: memref<!tpu.dma_semaphore, #tpu.memory_space<semaphore_mem>>, %arg11: memref<!tpu.dma_semaphore, #tpu.memory_space<semaphore_mem>>, %arg12: memref<!tpu.dma_semaphore, #tpu.memory_space<semaphore_mem>>, %arg13: memref<!tpu.dma_semaphore, #tpu.memory_space<semaphore_mem>>, %arg14: memref<!tpu.dma_semaphore, #tpu.memory_space<semaphore_mem>>, %arg15: memref<!tpu.dma_semaphore, #tpu.memory_space<semaphore_mem>>, %arg16: memref<!tpu.dma_semaphore, #tpu.memory_space<semaphore_mem>>, %arg17: memref<!tpu.dma_semaphore, #tpu.memory_space<semaphore_mem>>) attributes {dimension_semantics = [#tpu.dimension_semantics<core_parallel>, #tpu.dimension_semantics<subcore_parallel>], iteration_bounds = array<i64: 2, 16>, scalar_prefetch = 0 : i64, scratch_operands = 13 : i64, tpu.core_type = #tpu.core_type<sc_vector_subcore>, window_params = [{transform_indices = #map}, {transform_indices = #map}, {transform_indices = #map1}]} {
    %mul3A = arith.constant 2 : i32
    %mul3A_0 = arith.muli %arg1, %mul3A : i32
    %add3A = arith.addi %mul3A_0, %arg0 : i32
    %mul3A_1 = arith.constant 128 : i32
    %mul3A_2 = arith.muli %add3A, %mul3A_1 : i32
    %iota3A = tpu.iota {dimensions = array<i32: 0>} : vector<16xi32>
    %add3A_3 = arith.constant 0 : i32
    %add3A_4 = vector.broadcast %add3A_3 : i32 to vector<16xi32>
    %add3A_5 = arith.addi %iota3A, %add3A_4 : vector<16xi32>
    %add3A_6 = arith.constant 16 : i32
    %add3A_7 = vector.broadcast %add3A_6 : i32 to vector<16xi32>
    %add3A_8 = arith.addi %iota3A, %add3A_7 : vector<16xi32>
    %add3A_9 = arith.constant 32 : i32
    %add3A_10 = vector.broadcast %add3A_9 : i32 to vector<16xi32>
    %add3A_11 = arith.addi %iota3A, %add3A_10 : vector<16xi32>
    %add3A_12 = arith.constant 48 : i32
    %add3A_13 = vector.broadcast %add3A_12 : i32 to vector<16xi32>
    %add3A_14 = arith.addi %iota3A, %add3A_13 : vector<16xi32>
    %add3A_15 = arith.constant 64 : i32
    %add3A_16 = vector.broadcast %add3A_15 : i32 to vector<16xi32>
    %add3A_17 = arith.addi %iota3A, %add3A_16 : vector<16xi32>
    %add3A_18 = arith.constant 80 : i32
    %add3A_19 = vector.broadcast %add3A_18 : i32 to vector<16xi32>
    %add3A_20 = arith.addi %iota3A, %add3A_19 : vector<16xi32>
    %add3A_21 = arith.constant 96 : i32
    %add3A_22 = vector.broadcast %add3A_21 : i32 to vector<16xi32>
    %add3A_23 = arith.addi %iota3A, %add3A_22 : vector<16xi32>
    %add3A_24 = arith.constant 112 : i32
    %add3A_25 = vector.broadcast %add3A_24 : i32 to vector<16xi32>
    %add3A_26 = arith.addi %iota3A, %add3A_25 : vector<16xi32>
    "tpu.region"() ({
      %run_scoped3A = tpu.sem_alloc : memref<!tpu.dma_semaphore, #tpu.memory_space<semaphore_mem>>
      %dma_start3A_93 = arith.constant 0 : i32
      %dma_start3A_94 = tpu.memref_slice %arg2[%dma_start3A_93, %mul3A_2] : memref<200x4096xi32, #tpu.memory_space<hbm>> -> memref<200x128xi32, #tpu.memory_space<hbm>>
      %dma_start3A_95 = arith.constant 0 : i32
      %dma_start3A_96 = tpu.memref_slice %arg2[%dma_start3A_95, %mul3A_2] : memref<200x4096xi32, #tpu.memory_space<hbm>> -> memref<200x128xi32, #tpu.memory_space<hbm>>
      tpu.enqueue_dma source(%dma_start3A_96 : memref<200x128xi32, #tpu.memory_space<hbm>>) target(%arg5 : memref<200x128xi32, #tpu.memory_space<vmem>>) target_semaphore(%run_scoped3A : memref<!tpu.dma_semaphore, #tpu.memory_space<semaphore_mem>>)
      %dma_wait3A_97 = arith.constant 0 : i32
      %dma_wait3A_98 = tpu.memref_slice %arg2[%dma_wait3A_97, %mul3A_2] : memref<200x4096xi32, #tpu.memory_space<hbm>> -> memref<200x128xi32, #tpu.memory_space<hbm>>
      %dma_wait3A_99 = arith.constant 0 : i32
      %dma_wait3A_100 = tpu.memref_slice %arg2[%dma_wait3A_99, %mul3A_2] : memref<200x4096xi32, #tpu.memory_space<hbm>> -> memref<200x128xi32, #tpu.memory_space<hbm>>
      tpu.wait_dma2 semaphore(%run_scoped3A : memref<!tpu.dma_semaphore, #tpu.memory_space<semaphore_mem>>) src(%dma_wait3A_100 : memref<200x128xi32, #tpu.memory_space<hbm>>) dst(%arg5 : memref<200x128xi32, #tpu.memory_space<vmem>>)
      tpu.yield
    }) : () -> ()
    %dma_start3A = arith.constant 0 : i32
    %dma_start3A_27 = arith.constant 0 : i32
    %dma_start3A_28 = arith.constant 0 : i32
    %dma_start3A_29 = arith.constant 0 : i32
    %dma_start3A_30 = tpu.memref_slice %arg6[%dma_start3A_27, %dma_start3A_28, %dma_start3A_29] : memref<5x128x32xf32, #tpu.memory_space<vmem>> -> memref<1x128x32xf32, #tpu.memory_space<vmem>>
    %dma_start3A_31 = tpu.memref_squeeze %dma_start3A_30 : memref<1x128x32xf32, #tpu.memory_space<vmem>> -> memref<128x32xf32, #tpu.memory_space<vmem>>
    %dma_start3A_32 = arith.constant 0 : i32
    %dma_start3A_33 = tpu.memref_slice %arg5[%dma_start3A, %dma_start3A_32] : memref<200x128xi32, #tpu.memory_space<vmem>> -> memref<1x128xi32, #tpu.memory_space<vmem>>
    %dma_start3A_34 = tpu.memref_squeeze %dma_start3A_33 : memref<1x128xi32, #tpu.memory_space<vmem>> -> memref<128xi32, #tpu.memory_space<vmem>>
    %dma_start3A_35 = arith.constant 0 : i32
    %dma_start3A_36 = arith.constant 0 : i32
    %dma_start3A_37 = tpu.memref_slice %arg3[%dma_start3A_35, %dma_start3A_36] : memref<1000000x32xf32, #tpu.memory_space<hbm>> -> memref<1000000x32xf32, #tpu.memory_space<hbm>>
    tpu.enqueue_indirect_dma source(%dma_start3A_37 : memref<1000000x32xf32, #tpu.memory_space<hbm>>) target(%dma_start3A_31 : memref<128x32xf32, #tpu.memory_space<vmem>>) offsets(%dma_start3A_34 : memref<128xi32, #tpu.memory_space<vmem>>) semaphore(%arg8 : memref<!tpu.dma_semaphore, #tpu.memory_space<semaphore_mem>>)
    %dma_start3A_38 = arith.constant 1 : i32
    %dma_start3A_39 = arith.constant 1 : i32
    %dma_start3A_40 = arith.constant 0 : i32
    %dma_start3A_41 = arith.constant 0 : i32
    %dma_start3A_42 = tpu.memref_slice %arg6[%dma_start3A_39, %dma_start3A_40, %dma_start3A_41] : memref<5x128x32xf32, #tpu.memory_space<vmem>> -> memref<1x128x32xf32, #tpu.memory_space<vmem>>
    %dma_start3A_43 = tpu.memref_squeeze %dma_start3A_42 : memref<1x128x32xf32, #tpu.memory_space<vmem>> -> memref<128x32xf32, #tpu.memory_space<vmem>>
    %dma_start3A_44 = arith.constant 0 : i32
    %dma_start3A_45 = tpu.memref_slice %arg5[%dma_start3A_38, %dma_start3A_44] : memref<200x128xi32, #tpu.memory_space<vmem>> -> memref<1x128xi32, #tpu.memory_space<vmem>>
    %dma_start3A_46 = tpu.memref_squeeze %dma_start3A_45 : memref<1x128xi32, #tpu.memory_space<vmem>> -> memref<128xi32, #tpu.memory_space<vmem>>
    %dma_start3A_47 = arith.constant 0 : i32
    %dma_start3A_48 = arith.constant 0 : i32
    %dma_start3A_49 = tpu.memref_slice %arg3[%dma_start3A_47, %dma_start3A_48] : memref<1000000x32xf32, #tpu.memory_space<hbm>> -> memref<1000000x32xf32, #tpu.memory_space<hbm>>
    tpu.enqueue_indirect_dma source(%dma_start3A_49 : memref<1000000x32xf32, #tpu.memory_space<hbm>>) target(%dma_start3A_43 : memref<128x32xf32, #tpu.memory_space<vmem>>) offsets(%dma_start3A_46 : memref<128xi32, #tpu.memory_space<vmem>>) semaphore(%arg9 : memref<!tpu.dma_semaphore, #tpu.memory_space<semaphore_mem>>)
    %dma_start3A_50 = arith.constant 2 : i32
    %dma_start3A_51 = arith.constant 2 : i32
    %dma_start3A_52 = arith.constant 0 : i32
    %dma_start3A_53 = arith.constant 0 : i32
    %dma_start3A_54 = tpu.memref_slice %arg6[%dma_start3A_51, %dma_start3A_52, %dma_start3A_53] : memref<5x128x32xf32, #tpu.memory_space<vmem>> -> memref<1x128x32xf32, #tpu.memory_space<vmem>>
    %dma_start3A_55 = tpu.memref_squeeze %dma_start3A_54 : memref<1x128x32xf32, #tpu.memory_space<vmem>> -> memref<128x32xf32, #tpu.memory_space<vmem>>
    %dma_start3A_56 = arith.constant 0 : i32
    %dma_start3A_57 = tpu.memref_slice %arg5[%dma_start3A_50, %dma_start3A_56] : memref<200x128xi32, #tpu.memory_space<vmem>> -> memref<1x128xi32, #tpu.memory_space<vmem>>
    %dma_start3A_58 = tpu.memref_squeeze %dma_start3A_57 : memref<1x128xi32, #tpu.memory_space<vmem>> -> memref<128xi32, #tpu.memory_space<vmem>>
    %dma_start3A_59 = arith.constant 0 : i32
    %dma_start3A_60 = arith.constant 0 : i32
    %dma_start3A_61 = tpu.memref_slice %arg3[%dma_start3A_59, %dma_start3A_60] : memref<1000000x32xf32, #tpu.memory_space<hbm>> -> memref<1000000x32xf32, #tpu.memory_space<hbm>>
    tpu.enqueue_indirect_dma source(%dma_start3A_61 : memref<1000000x32xf32, #tpu.memory_space<hbm>>) target(%dma_start3A_55 : memref<128x32xf32, #tpu.memory_space<vmem>>) offsets(%dma_start3A_58 : memref<128xi32, #tpu.memory_space<vmem>>) semaphore(%arg10 : memref<!tpu.dma_semaphore, #tpu.memory_space<semaphore_mem>>)
    %dma_start3A_62 = arith.constant 3 : i32
    %dma_start3A_63 = arith.constant 3 : i32
    %dma_start3A_64 = arith.constant 0 : i32
    %dma_start3A_65 = arith.constant 0 : i32
    %dma_start3A_66 = tpu.memref_slice %arg6[%dma_start3A_63, %dma_start3A_64, %dma_start3A_65] : memref<5x128x32xf32, #tpu.memory_space<vmem>> -> memref<1x128x32xf32, #tpu.memory_space<vmem>>
    %dma_start3A_67 = tpu.memref_squeeze %dma_start3A_66 : memref<1x128x32xf32, #tpu.memory_space<vmem>> -> memref<128x32xf32, #tpu.memory_space<vmem>>
    %dma_start3A_68 = arith.constant 0 : i32
    %dma_start3A_69 = tpu.memref_slice %arg5[%dma_start3A_62, %dma_start3A_68] : memref<200x128xi32, #tpu.memory_space<vmem>> -> memref<1x128xi32, #tpu.memory_space<vmem>>
    %dma_start3A_70 = tpu.memref_squeeze %dma_start3A_69 : memref<1x128xi32, #tpu.memory_space<vmem>> -> memref<128xi32, #tpu.memory_space<vmem>>
    %dma_start3A_71 = arith.constant 0 : i32
    %dma_start3A_72 = arith.constant 0 : i32
    %dma_start3A_73 = tpu.memref_slice %arg3[%dma_start3A_71, %dma_start3A_72] : memref<1000000x32xf32, #tpu.memory_space<hbm>> -> memref<1000000x32xf32, #tpu.memory_space<hbm>>
    tpu.enqueue_indirect_dma source(%dma_start3A_73 : memref<1000000x32xf32, #tpu.memory_space<hbm>>) target(%dma_start3A_67 : memref<128x32xf32, #tpu.memory_space<vmem>>) offsets(%dma_start3A_70 : memref<128xi32, #tpu.memory_space<vmem>>) semaphore(%arg11 : memref<!tpu.dma_semaphore, #tpu.memory_space<semaphore_mem>>)
    %scan3A = arith.constant 0 : i32
    %scan3A_74 = arith.constant 0 : i32
    %scan3A_75 = arith.constant 40 : i32
    %scan3A_76 = arith.addi %scan3A_74, %scan3A_75 : i32
    %scan3A_77 = arith.constant 1 : i32
    scf.for %scan3A_93 = %scan3A_74 to %scan3A_76 step %scan3A_77  : i32 {
      %mul3A_94 = arith.constant 5 : i32
      %mul3A_95 = arith.muli %scan3A_93, %mul3A_94 : i32
      %add3A_96 = arith.constant 0 : i32
      %add3A_97 = arith.addi %mul3A_95, %add3A_96 : i32
      %add3A_98 = arith.constant 5 : i32
      %add3A_99 = arith.addi %add3A_97, %add3A_98 : i32
      %sub3A = arith.constant 1 : i32
      %sub3A_100 = arith.subi %add3A_99, %sub3A : i32
      %ge3A = arith.constant 1 : i32
      %ge3A_101 = arith.cmpi sge, %scan3A_93, %ge3A : i32
      %convert_element_type3A = arith.extui %ge3A_101 : i1 to i32
      %cond3A = arith.constant 0 : i32
      %cond3A_102 = arith.cmpi ne, %convert_element_type3A, %cond3A : i32
      scf.if %cond3A_102 {
        %dma_wait3A_419 = arith.constant 4 : i32
        %dma_wait3A_420 = arith.constant 0 : i32
        %dma_wait3A_421 = arith.constant 0 : i32
        %dma_wait3A_422 = tpu.memref_slice %arg6[%dma_wait3A_419, %dma_wait3A_420, %dma_wait3A_421] : memref<5x128x32xf32, #tpu.memory_space<vmem>> -> memref<1x128x32xf32, #tpu.memory_space<vmem>>
        %dma_wait3A_423 = tpu.memref_squeeze %dma_wait3A_422 : memref<1x128x32xf32, #tpu.memory_space<vmem>> -> memref<128x32xf32, #tpu.memory_space<vmem>>
        %dma_wait3A_424 = arith.constant 0 : i32
        %dma_wait3A_425 = arith.constant 0 : i32
        %dma_wait3A_426 = tpu.memref_slice %arg3[%dma_wait3A_424, %dma_wait3A_425] : memref<1000000x32xf32, #tpu.memory_space<hbm>> -> memref<128x32xf32, #tpu.memory_space<hbm>>
        %dma_wait3A_427 = arith.constant 0 : i32
        %dma_wait3A_428 = arith.constant 0 : i32
        %dma_wait3A_429 = tpu.memref_slice %arg6[%dma_wait3A_419, %dma_wait3A_427, %dma_wait3A_428] : memref<5x128x32xf32, #tpu.memory_space<vmem>> -> memref<1x128x32xf32, #tpu.memory_space<vmem>>
        %dma_wait3A_430 = tpu.memref_squeeze %dma_wait3A_429 : memref<1x128x32xf32, #tpu.memory_space<vmem>> -> memref<128x32xf32, #tpu.memory_space<vmem>>
        %dma_wait3A_431 = arith.constant 0 : i32
        %dma_wait3A_432 = arith.constant 0 : i32
        %dma_wait3A_433 = tpu.memref_slice %arg3[%dma_wait3A_431, %dma_wait3A_432] : memref<1000000x32xf32, #tpu.memory_space<hbm>> -> memref<128x32xf32, #tpu.memory_space<hbm>>
        tpu.wait_dma2 semaphore(%arg17 : memref<!tpu.dma_semaphore, #tpu.memory_space<semaphore_mem>>) src(%dma_wait3A_433 : memref<128x32xf32, #tpu.memory_space<hbm>>) dst(%dma_wait3A_430 : memref<128x32xf32, #tpu.memory_space<vmem>>)
      } else {
      }
      %dma_start3A_103 = arith.constant 4 : i32
      %dma_start3A_104 = arith.constant 0 : i32
      %dma_start3A_105 = arith.constant 0 : i32
      %dma_start3A_106 = tpu.memref_slice %arg6[%dma_start3A_103, %dma_start3A_104, %dma_start3A_105] : memref<5x128x32xf32, #tpu.memory_space<vmem>> -> memref<1x128x32xf32, #tpu.memory_space<vmem>>
      %dma_start3A_107 = tpu.memref_squeeze %dma_start3A_106 : memref<1x128x32xf32, #tpu.memory_space<vmem>> -> memref<128x32xf32, #tpu.memory_space<vmem>>
      %dma_start3A_108 = arith.constant 0 : i32
      %dma_start3A_109 = tpu.memref_slice %arg5[%sub3A_100, %dma_start3A_108] : memref<200x128xi32, #tpu.memory_space<vmem>> -> memref<1x128xi32, #tpu.memory_space<vmem>>
      %dma_start3A_110 = tpu.memref_squeeze %dma_start3A_109 : memref<1x128xi32, #tpu.memory_space<vmem>> -> memref<128xi32, #tpu.memory_space<vmem>>
      %dma_start3A_111 = arith.constant 0 : i32
      %dma_start3A_112 = arith.constant 0 : i32
      %dma_start3A_113 = tpu.memref_slice %arg3[%dma_start3A_111, %dma_start3A_112] : memref<1000000x32xf32, #tpu.memory_space<hbm>> -> memref<1000000x32xf32, #tpu.memory_space<hbm>>
      tpu.enqueue_indirect_dma source(%dma_start3A_113 : memref<1000000x32xf32, #tpu.memory_space<hbm>>) target(%dma_start3A_107 : memref<128x32xf32, #tpu.memory_space<vmem>>) offsets(%dma_start3A_110 : memref<128xi32, #tpu.memory_space<vmem>>) semaphore(%arg12 : memref<!tpu.dma_semaphore, #tpu.memory_space<semaphore_mem>>)
      %dma_wait3A_114 = arith.constant 0 : i32
      %dma_wait3A_115 = arith.constant 0 : i32
      %dma_wait3A_116 = arith.constant 0 : i32
      %dma_wait3A_117 = tpu.memref_slice %arg6[%dma_wait3A_114, %dma_wait3A_115, %dma_wait3A_116] : memref<5x128x32xf32, #tpu.memory_space<vmem>> -> memref<1x128x32xf32, #tpu.memory_space<vmem>>
      %dma_wait3A_118 = tpu.memref_squeeze %dma_wait3A_117 : memref<1x128x32xf32, #tpu.memory_space<vmem>> -> memref<128x32xf32, #tpu.memory_space<vmem>>
      %dma_wait3A_119 = arith.constant 0 : i32
      %dma_wait3A_120 = arith.constant 0 : i32
      %dma_wait3A_121 = tpu.memref_slice %arg3[%dma_wait3A_119, %dma_wait3A_120] : memref<1000000x32xf32, #tpu.memory_space<hbm>> -> memref<128x32xf32, #tpu.memory_space<hbm>>
      %dma_wait3A_122 = arith.constant 0 : i32
      %dma_wait3A_123 = arith.constant 0 : i32
      %dma_wait3A_124 = tpu.memref_slice %arg6[%dma_wait3A_114, %dma_wait3A_122, %dma_wait3A_123] : memref<5x128x32xf32, #tpu.memory_space<vmem>> -> memref<1x128x32xf32, #tpu.memory_space<vmem>>
      %dma_wait3A_125 = tpu.memref_squeeze %dma_wait3A_124 : memref<1x128x32xf32, #tpu.memory_space<vmem>> -> memref<128x32xf32, #tpu.memory_space<vmem>>
      %dma_wait3A_126 = arith.constant 0 : i32
      %dma_wait3A_127 = arith.constant 0 : i32
      %dma_wait3A_128 = tpu.memref_slice %arg3[%dma_wait3A_126, %dma_wait3A_127] : memref<1000000x32xf32, #tpu.memory_space<hbm>> -> memref<128x32xf32, #tpu.memory_space<hbm>>
      tpu.wait_dma2 semaphore(%arg8 : memref<!tpu.dma_semaphore, #tpu.memory_space<semaphore_mem>>) src(%dma_wait3A_128 : memref<128x32xf32, #tpu.memory_space<hbm>>) dst(%dma_wait3A_125 : memref<128x32xf32, #tpu.memory_space<vmem>>)
      %parallel_loop3A = arith.constant 0 : i32
      %parallel_loop3A_129 = arith.constant 16 : i32
      %parallel_loop3A_130 = arith.constant 1 : i32
      scf.for %parallel_loop3A_419 = %parallel_loop3A to %parallel_loop3A_129 step %parallel_loop3A_130  : i32 {
        %parallel_loop3A_420 = arith.constant 2 : i32
        %parallel_loop3A_421 = arith.muli %parallel_loop3A_420, %parallel_loop3A_419 : i32
        %parallel_loop3A_422 = arith.constant 2 : i32
        %parallel_loop3A_423 = arith.muli %parallel_loop3A_422, %parallel_loop3A_419 : i32
        %parallel_loop3A_424 = arith.constant 1 : i32
        %parallel_loop3A_425 = arith.addi %parallel_loop3A_423, %parallel_loop3A_424 : i32
        %parallel_loop3A_426 = arith.constant 0 : i32
        %parallel_loop3A_427 = vector.broadcast %parallel_loop3A_426 : i32 to vector<16xi32>
        %parallel_loop3A_428 = vector.broadcast %parallel_loop3A_421 : i32 to vector<16xi32>
        %parallel_loop3A_429 = arith.addi %parallel_loop3A_427, %parallel_loop3A_428 : vector<16xi32>
        %parallel_loop3A_430 = arith.constant 1 : i32
        %parallel_loop3A_431 = vector.broadcast %parallel_loop3A_430 : i32 to vector<16xi32>
        %parallel_loop3A_432 = arith.addi %parallel_loop3A_429, %parallel_loop3A_431 : vector<16xi32>
        %parallel_loop3A_433 = arith.constant 0 : i32
        %parallel_loop3A_434 = arith.constant 0 : i32
        %parallel_loop3A_435 = arith.constant 0 : i32
        %parallel_loop3A_436 = tpu.memref_slice %arg6[%parallel_loop3A_433, %parallel_loop3A_434, %parallel_loop3A_435] : memref<5x128x32xf32, #tpu.memory_space<vmem>> -> memref<1x128x32xf32, #tpu.memory_space<vmem>>
        %parallel_loop3A_437 = tpu.memref_squeeze %parallel_loop3A_436 : memref<1x128x32xf32, #tpu.memory_space<vmem>> -> memref<128x32xf32, #tpu.memory_space<vmem>>
        %parallel_loop3A_438 = tpu.vector_load_idx %parallel_loop3A_437[%add3A_5, %parallel_loop3A_429] : memref<128x32xf32, #tpu.memory_space<vmem>>[vector<16xi32>, vector<16xi32>], vector<16xf32>,
        %parallel_loop3A_439 = arith.constant 0 : i32
        %parallel_loop3A_440 = arith.constant 0 : i32
        %parallel_loop3A_441 = arith.constant 0 : i32
        %parallel_loop3A_442 = tpu.memref_slice %arg6[%parallel_loop3A_439, %parallel_loop3A_440, %parallel_loop3A_441] : memref<5x128x32xf32, #tpu.memory_space<vmem>> -> memref<1x128x32xf32, #tpu.memory_space<vmem>>
        %parallel_loop3A_443 = tpu.memref_squeeze %parallel_loop3A_442 : memref<1x128x32xf32, #tpu.memory_space<vmem>> -> memref<128x32xf32, #tpu.memory_space<vmem>>
        %parallel_loop3A_444 = tpu.vector_load_idx %parallel_loop3A_443[%add3A_8, %parallel_loop3A_429] : memref<128x32xf32, #tpu.memory_space<vmem>>[vector<16xi32>, vector<16xi32>], vector<16xf32>,
        %parallel_loop3A_445 = arith.constant 0 : i32
        %parallel_loop3A_446 = arith.constant 0 : i32
        %parallel_loop3A_447 = arith.constant 0 : i32
        %parallel_loop3A_448 = tpu.memref_slice %arg6[%parallel_loop3A_445, %parallel_loop3A_446, %parallel_loop3A_447] : memref<5x128x32xf32, #tpu.memory_space<vmem>> -> memref<1x128x32xf32, #tpu.memory_space<vmem>>
        %parallel_loop3A_449 = tpu.memref_squeeze %parallel_loop3A_448 : memref<1x128x32xf32, #tpu.memory_space<vmem>> -> memref<128x32xf32, #tpu.memory_space<vmem>>
        %parallel_loop3A_450 = tpu.vector_load_idx %parallel_loop3A_449[%add3A_11, %parallel_loop3A_429] : memref<128x32xf32, #tpu.memory_space<vmem>>[vector<16xi32>, vector<16xi32>], vector<16xf32>,
        %parallel_loop3A_451 = arith.constant 0 : i32
        %parallel_loop3A_452 = arith.constant 0 : i32
        %parallel_loop3A_453 = arith.constant 0 : i32
        %parallel_loop3A_454 = tpu.memref_slice %arg6[%parallel_loop3A_451, %parallel_loop3A_452, %parallel_loop3A_453] : memref<5x128x32xf32, #tpu.memory_space<vmem>> -> memref<1x128x32xf32, #tpu.memory_space<vmem>>
        %parallel_loop3A_455 = tpu.memref_squeeze %parallel_loop3A_454 : memref<1x128x32xf32, #tpu.memory_space<vmem>> -> memref<128x32xf32, #tpu.memory_space<vmem>>
        %parallel_loop3A_456 = tpu.vector_load_idx %parallel_loop3A_455[%add3A_14, %parallel_loop3A_429] : memref<128x32xf32, #tpu.memory_space<vmem>>[vector<16xi32>, vector<16xi32>], vector<16xf32>,
        %parallel_loop3A_457 = arith.constant 0 : i32
        %parallel_loop3A_458 = arith.constant 0 : i32
        %parallel_loop3A_459 = arith.constant 0 : i32
        %parallel_loop3A_460 = tpu.memref_slice %arg6[%parallel_loop3A_457, %parallel_loop3A_458, %parallel_loop3A_459] : memref<5x128x32xf32, #tpu.memory_space<vmem>> -> memref<1x128x32xf32, #tpu.memory_space<vmem>>
        %parallel_loop3A_461 = tpu.memref_squeeze %parallel_loop3A_460 : memref<1x128x32xf32, #tpu.memory_space<vmem>> -> memref<128x32xf32, #tpu.memory_space<vmem>>
        %parallel_loop3A_462 = tpu.vector_load_idx %parallel_loop3A_461[%add3A_17, %parallel_loop3A_429] : memref<128x32xf32, #tpu.memory_space<vmem>>[vector<16xi32>, vector<16xi32>], vector<16xf32>,
        %parallel_loop3A_463 = arith.constant 0 : i32
        %parallel_loop3A_464 = arith.constant 0 : i32
        %parallel_loop3A_465 = arith.constant 0 : i32
        %parallel_loop3A_466 = tpu.memref_slice %arg6[%parallel_loop3A_463, %parallel_loop3A_464, %parallel_loop3A_465] : memref<5x128x32xf32, #tpu.memory_space<vmem>> -> memref<1x128x32xf32, #tpu.memory_space<vmem>>
        %parallel_loop3A_467 = tpu.memref_squeeze %parallel_loop3A_466 : memref<1x128x32xf32, #tpu.memory_space<vmem>> -> memref<128x32xf32, #tpu.memory_space<vmem>>
        %parallel_loop3A_468 = tpu.vector_load_idx %parallel_loop3A_467[%add3A_20, %parallel_loop3A_429] : memref<128x32xf32, #tpu.memory_space<vmem>>[vector<16xi32>, vector<16xi32>], vector<16xf32>,
        %parallel_loop3A_469 = arith.constant 0 : i32
        %parallel_loop3A_470 = arith.constant 0 : i32
        %parallel_loop3A_471 = arith.constant 0 : i32
        %parallel_loop3A_472 = tpu.memref_slice %arg6[%parallel_loop3A_469, %parallel_loop3A_470, %parallel_loop3A_471] : memref<5x128x32xf32, #tpu.memory_space<vmem>> -> memref<1x128x32xf32, #tpu.memory_space<vmem>>
        %parallel_loop3A_473 = tpu.memref_squeeze %parallel_loop3A_472 : memref<1x128x32xf32, #tpu.memory_space<vmem>> -> memref<128x32xf32, #tpu.memory_space<vmem>>
        %parallel_loop3A_474 = tpu.vector_load_idx %parallel_loop3A_473[%add3A_23, %parallel_loop3A_429] : memref<128x32xf32, #tpu.memory_space<vmem>>[vector<16xi32>, vector<16xi32>], vector<16xf32>,
        %parallel_loop3A_475 = arith.constant 0 : i32
        %parallel_loop3A_476 = arith.constant 0 : i32
        %parallel_loop3A_477 = arith.constant 0 : i32
        %parallel_loop3A_478 = tpu.memref_slice %arg6[%parallel_loop3A_475, %parallel_loop3A_476, %parallel_loop3A_477] : memref<5x128x32xf32, #tpu.memory_space<vmem>> -> memref<1x128x32xf32, #tpu.memory_space<vmem>>
        %parallel_loop3A_479 = tpu.memref_squeeze %parallel_loop3A_478 : memref<1x128x32xf32, #tpu.memory_space<vmem>> -> memref<128x32xf32, #tpu.memory_space<vmem>>
        %parallel_loop3A_480 = tpu.vector_load_idx %parallel_loop3A_479[%add3A_26, %parallel_loop3A_429] : memref<128x32xf32, #tpu.memory_space<vmem>>[vector<16xi32>, vector<16xi32>], vector<16xf32>,
        %parallel_loop3A_481 = arith.constant 0 : i32
        %parallel_loop3A_482 = arith.constant 0 : i32
        %parallel_loop3A_483 = arith.constant 0 : i32
        %parallel_loop3A_484 = tpu.memref_slice %arg6[%parallel_loop3A_481, %parallel_loop3A_482, %parallel_loop3A_483] : memref<5x128x32xf32, #tpu.memory_space<vmem>> -> memref<1x128x32xf32, #tpu.memory_space<vmem>>
        %parallel_loop3A_485 = tpu.memref_squeeze %parallel_loop3A_484 : memref<1x128x32xf32, #tpu.memory_space<vmem>> -> memref<128x32xf32, #tpu.memory_space<vmem>>
        %parallel_loop3A_486 = tpu.vector_load_idx %parallel_loop3A_485[%add3A_5, %parallel_loop3A_432] : memref<128x32xf32, #tpu.memory_space<vmem>>[vector<16xi32>, vector<16xi32>], vector<16xf32>,
        %parallel_loop3A_487 = arith.constant 0 : i32
        %parallel_loop3A_488 = arith.constant 0 : i32
        %parallel_loop3A_489 = arith.constant 0 : i32
        %parallel_loop3A_490 = tpu.memref_slice %arg6[%parallel_loop3A_487, %parallel_loop3A_488, %parallel_loop3A_489] : memref<5x128x32xf32, #tpu.memory_space<vmem>> -> memref<1x128x32xf32, #tpu.memory_space<vmem>>
        %parallel_loop3A_491 = tpu.memref_squeeze %parallel_loop3A_490 : memref<1x128x32xf32, #tpu.memory_space<vmem>> -> memref<128x32xf32, #tpu.memory_space<vmem>>
        %parallel_loop3A_492 = tpu.vector_load_idx %parallel_loop3A_491[%add3A_8, %parallel_loop3A_432] : memref<128x32xf32, #tpu.memory_space<vmem>>[vector<16xi32>, vector<16xi32>], vector<16xf32>,
        %parallel_loop3A_493 = arith.constant 0 : i32
        %parallel_loop3A_494 = arith.constant 0 : i32
        %parallel_loop3A_495 = arith.constant 0 : i32
        %parallel_loop3A_496 = tpu.memref_slice %arg6[%parallel_loop3A_493, %parallel_loop3A_494, %parallel_loop3A_495] : memref<5x128x32xf32, #tpu.memory_space<vmem>> -> memref<1x128x32xf32, #tpu.memory_space<vmem>>
        %parallel_loop3A_497 = tpu.memref_squeeze %parallel_loop3A_496 : memref<1x128x32xf32, #tpu.memory_space<vmem>> -> memref<128x32xf32, #tpu.memory_space<vmem>>
        %parallel_loop3A_498 = tpu.vector_load_idx %parallel_loop3A_497[%add3A_11, %parallel_loop3A_432] : memref<128x32xf32, #tpu.memory_space<vmem>>[vector<16xi32>, vector<16xi32>], vector<16xf32>,
        %parallel_loop3A_499 = arith.constant 0 : i32
        %parallel_loop3A_500 = arith.constant 0 : i32
        %parallel_loop3A_501 = arith.constant 0 : i32
        %parallel_loop3A_502 = tpu.memref_slice %arg6[%parallel_loop3A_499, %parallel_loop3A_500, %parallel_loop3A_501] : memref<5x128x32xf32, #tpu.memory_space<vmem>> -> memref<1x128x32xf32, #tpu.memory_space<vmem>>
        %parallel_loop3A_503 = tpu.memref_squeeze %parallel_loop3A_502 : memref<1x128x32xf32, #tpu.memory_space<vmem>> -> memref<128x32xf32, #tpu.memory_space<vmem>>
        %parallel_loop3A_504 = tpu.vector_load_idx %parallel_loop3A_503[%add3A_14, %parallel_loop3A_432] : memref<128x32xf32, #tpu.memory_space<vmem>>[vector<16xi32>, vector<16xi32>], vector<16xf32>,
        %parallel_loop3A_505 = arith.constant 0 : i32
        %parallel_loop3A_506 = arith.constant 0 : i32
        %parallel_loop3A_507 = arith.constant 0 : i32
        %parallel_loop3A_508 = tpu.memref_slice %arg6[%parallel_loop3A_505, %parallel_loop3A_506, %parallel_loop3A_507] : memref<5x128x32xf32, #tpu.memory_space<vmem>> -> memref<1x128x32xf32, #tpu.memory_space<vmem>>
        %parallel_loop3A_509 = tpu.memref_squeeze %parallel_loop3A_508 : memref<1x128x32xf32, #tpu.memory_space<vmem>> -> memref<128x32xf32, #tpu.memory_space<vmem>>
        %parallel_loop3A_510 = tpu.vector_load_idx %parallel_loop3A_509[%add3A_17, %parallel_loop3A_432] : memref<128x32xf32, #tpu.memory_space<vmem>>[vector<16xi32>, vector<16xi32>], vector<16xf32>,
        %parallel_loop3A_511 = arith.constant 0 : i32
        %parallel_loop3A_512 = arith.constant 0 : i32
        %parallel_loop3A_513 = arith.constant 0 : i32
        %parallel_loop3A_514 = tpu.memref_slice %arg6[%parallel_loop3A_511, %parallel_loop3A_512, %parallel_loop3A_513] : memref<5x128x32xf32, #tpu.memory_space<vmem>> -> memref<1x128x32xf32, #tpu.memory_space<vmem>>
        %parallel_loop3A_515 = tpu.memref_squeeze %parallel_loop3A_514 : memref<1x128x32xf32, #tpu.memory_space<vmem>> -> memref<128x32xf32, #tpu.memory_space<vmem>>
        %parallel_loop3A_516 = tpu.vector_load_idx %parallel_loop3A_515[%add3A_20, %parallel_loop3A_432] : memref<128x32xf32, #tpu.memory_space<vmem>>[vector<16xi32>, vector<16xi32>], vector<16xf32>,
        %parallel_loop3A_517 = arith.constant 0 : i32
        %parallel_loop3A_518 = arith.constant 0 : i32
        %parallel_loop3A_519 = arith.constant 0 : i32
        %parallel_loop3A_520 = tpu.memref_slice %arg6[%parallel_loop3A_517, %parallel_loop3A_518, %parallel_loop3A_519] : memref<5x128x32xf32, #tpu.memory_space<vmem>> -> memref<1x128x32xf32, #tpu.memory_space<vmem>>
        %parallel_loop3A_521 = tpu.memref_squeeze %parallel_loop3A_520 : memref<1x128x32xf32, #tpu.memory_space<vmem>> -> memref<128x32xf32, #tpu.memory_space<vmem>>
        %parallel_loop3A_522 = tpu.vector_load_idx %parallel_loop3A_521[%add3A_23, %parallel_loop3A_432] : memref<128x32xf32, #tpu.memory_space<vmem>>[vector<16xi32>, vector<16xi32>], vector<16xf32>,
        %parallel_loop3A_523 = arith.constant 0 : i32
        %parallel_loop3A_524 = arith.constant 0 : i32
        %parallel_loop3A_525 = arith.constant 0 : i32
        %parallel_loop3A_526 = tpu.memref_slice %arg6[%parallel_loop3A_523, %parallel_loop3A_524, %parallel_loop3A_525] : memref<5x128x32xf32, #tpu.memory_space<vmem>> -> memref<1x128x32xf32, #tpu.memory_space<vmem>>
        %parallel_loop3A_527 = tpu.memref_squeeze %parallel_loop3A_526 : memref<1x128x32xf32, #tpu.memory_space<vmem>> -> memref<128x32xf32, #tpu.memory_space<vmem>>
        %parallel_loop3A_528 = tpu.vector_load_idx %parallel_loop3A_527[%add3A_26, %parallel_loop3A_432] : memref<128x32xf32, #tpu.memory_space<vmem>>[vector<16xi32>, vector<16xi32>], vector<16xf32>,
        %parallel_loop3A_529 = arith.constant 3 : i32
        %parallel_loop3A_530 = arith.shrsi %parallel_loop3A_421, %parallel_loop3A_529 : i32
        %parallel_loop3A_531 = arith.constant 7 : i32
        %parallel_loop3A_532 = arith.andi %parallel_loop3A_421, %parallel_loop3A_531 : i32
        %parallel_loop3A_533 = arith.constant 0 : i32
        %parallel_loop3A_534 = arith.index_cast %parallel_loop3A_533 : i32 to index
        %parallel_loop3A_535 = arith.index_cast %parallel_loop3A_530 : i32 to index
        %parallel_loop3A_536 = arith.index_cast %parallel_loop3A_532 : i32 to index
        %parallel_loop3A_537 = arith.constant 0 : index
        %parallel_loop3A_538 = tpu.vector_load %arg7[%parallel_loop3A_534, %parallel_loop3A_535, %parallel_loop3A_536, %parallel_loop3A_537] {strides = array<i32>} : memref<5x4x8x128xf32, #tpu.memory_space<vmem>>, vector<16xf32>,
        tpu.vector_store %arg7[%parallel_loop3A_534, %parallel_loop3A_535, %parallel_loop3A_536, %parallel_loop3A_537], %parallel_loop3A_438 {strides = array<i32>} : memref<5x4x8x128xf32, #tpu.memory_space<vmem>>, vector<16xf32>,
        %parallel_loop3A_539 = arith.constant 3 : i32
        %parallel_loop3A_540 = arith.shrsi %parallel_loop3A_421, %parallel_loop3A_539 : i32
        %parallel_loop3A_541 = arith.constant 7 : i32
        %parallel_loop3A_542 = arith.andi %parallel_loop3A_421, %parallel_loop3A_541 : i32
        %parallel_loop3A_543 = arith.constant 0 : i32
        %parallel_loop3A_544 = arith.index_cast %parallel_loop3A_543 : i32 to index
        %parallel_loop3A_545 = arith.index_cast %parallel_loop3A_540 : i32 to index
        %parallel_loop3A_546 = arith.index_cast %parallel_loop3A_542 : i32 to index
        %parallel_loop3A_547 = arith.constant 16 : index
        %parallel_loop3A_548 = tpu.vector_load %arg7[%parallel_loop3A_544, %parallel_loop3A_545, %parallel_loop3A_546, %parallel_loop3A_547] {strides = array<i32>} : memref<5x4x8x128xf32, #tpu.memory_space<vmem>>, vector<16xf32>,
        tpu.vector_store %arg7[%parallel_loop3A_544, %parallel_loop3A_545, %parallel_loop3A_546, %parallel_loop3A_547], %parallel_loop3A_444 {strides = array<i32>} : memref<5x4x8x128xf32, #tpu.memory_space<vmem>>, vector<16xf32>,
        %parallel_loop3A_549 = arith.constant 3 : i32
        %parallel_loop3A_550 = arith.shrsi %parallel_loop3A_421, %parallel_loop3A_549 : i32
        %parallel_loop3A_551 = arith.constant 7 : i32
        %parallel_loop3A_552 = arith.andi %parallel_loop3A_421, %parallel_loop3A_551 : i32
        %parallel_loop3A_553 = arith.constant 0 : i32
        %parallel_loop3A_554 = arith.index_cast %parallel_loop3A_553 : i32 to index
        %parallel_loop3A_555 = arith.index_cast %parallel_loop3A_550 : i32 to index
        %parallel_loop3A_556 = arith.index_cast %parallel_loop3A_552 : i32 to index
        %parallel_loop3A_557 = arith.constant 32 : index
        %parallel_loop3A_558 = tpu.vector_load %arg7[%parallel_loop3A_554, %parallel_loop3A_555, %parallel_loop3A_556, %parallel_loop3A_557] {strides = array<i32>} : memref<5x4x8x128xf32, #tpu.memory_space<vmem>>, vector<16xf32>,
        tpu.vector_store %arg7[%parallel_loop3A_554, %parallel_loop3A_555, %parallel_loop3A_556, %parallel_loop3A_557], %parallel_loop3A_450 {strides = array<i32>} : memref<5x4x8x128xf32, #tpu.memory_space<vmem>>, vector<16xf32>,
        %parallel_loop3A_559 = arith.constant 3 : i32
        %parallel_loop3A_560 = arith.shrsi %parallel_loop3A_421, %parallel_loop3A_559 : i32
        %parallel_loop3A_561 = arith.constant 7 : i32
        %parallel_loop3A_562 = arith.andi %parallel_loop3A_421, %parallel_loop3A_561 : i32
        %parallel_loop3A_563 = arith.constant 0 : i32
        %parallel_loop3A_564 = arith.index_cast %parallel_loop3A_563 : i32 to index
        %parallel_loop3A_565 = arith.index_cast %parallel_loop3A_560 : i32 to index
        %parallel_loop3A_566 = arith.index_cast %parallel_loop3A_562 : i32 to index
        %parallel_loop3A_567 = arith.constant 48 : index
        %parallel_loop3A_568 = tpu.vector_load %arg7[%parallel_loop3A_564, %parallel_loop3A_565, %parallel_loop3A_566, %parallel_loop3A_567] {strides = array<i32>} : memref<5x4x8x128xf32, #tpu.memory_space<vmem>>, vector<16xf32>,
        tpu.vector_store %arg7[%parallel_loop3A_564, %parallel_loop3A_565, %parallel_loop3A_566, %parallel_loop3A_567], %parallel_loop3A_456 {strides = array<i32>} : memref<5x4x8x128xf32, #tpu.memory_space<vmem>>, vector<16xf32>,
        %parallel_loop3A_569 = arith.constant 3 : i32
        %parallel_loop3A_570 = arith.shrsi %parallel_loop3A_421, %parallel_loop3A_569 : i32
        %parallel_loop3A_571 = arith.constant 7 : i32
        %parallel_loop3A_572 = arith.andi %parallel_loop3A_421, %parallel_loop3A_571 : i32
        %parallel_loop3A_573 = arith.constant 0 : i32
        %parallel_loop3A_574 = arith.index_cast %parallel_loop3A_573 : i32 to index
        %parallel_loop3A_575 = arith.index_cast %parallel_loop3A_570 : i32 to index
        %parallel_loop3A_576 = arith.index_cast %parallel_loop3A_572 : i32 to index
        %parallel_loop3A_577 = arith.constant 64 : index
        %parallel_loop3A_578 = tpu.vector_load %arg7[%parallel_loop3A_574, %parallel_loop3A_575, %parallel_loop3A_576, %parallel_loop3A_577] {strides = array<i32>} : memref<5x4x8x128xf32, #tpu.memory_space<vmem>>, vector<16xf32>,
        tpu.vector_store %arg7[%parallel_loop3A_574, %parallel_loop3A_575, %parallel_loop3A_576, %parallel_loop3A_577], %parallel_loop3A_462 {strides = array<i32>} : memref<5x4x8x128xf32, #tpu.memory_space<vmem>>, vector<16xf32>,
        %parallel_loop3A_579 = arith.constant 3 : i32
        %parallel_loop3A_580 = arith.shrsi %parallel_loop3A_421, %parallel_loop3A_579 : i32
        %parallel_loop3A_581 = arith.constant 7 : i32
        %parallel_loop3A_582 = arith.andi %parallel_loop3A_421, %parallel_loop3A_581 : i32
        %parallel_loop3A_583 = arith.constant 0 : i32
        %parallel_loop3A_584 = arith.index_cast %parallel_loop3A_583 : i32 to index
        %parallel_loop3A_585 = arith.index_cast %parallel_loop3A_580 : i32 to index
        %parallel_loop3A_586 = arith.index_cast %parallel_loop3A_582 : i32 to index
        %parallel_loop3A_587 = arith.constant 80 : index
        %parallel_loop3A_588 = tpu.vector_load %arg7[%parallel_loop3A_584, %parallel_loop3A_585, %parallel_loop3A_586, %parallel_loop3A_587] {strides = array<i32>} : memref<5x4x8x128xf32, #tpu.memory_space<vmem>>, vector<16xf32>,
        tpu.vector_store %arg7[%parallel_loop3A_584, %parallel_loop3A_585, %parallel_loop3A_586, %parallel_loop3A_587], %parallel_loop3A_468 {strides = array<i32>} : memref<5x4x8x128xf32, #tpu.memory_space<vmem>>, vector<16xf32>,
        %parallel_loop3A_589 = arith.constant 3 : i32
        %parallel_loop3A_590 = arith.shrsi %parallel_loop3A_421, %parallel_loop3A_589 : i32
        %parallel_loop3A_591 = arith.constant 7 : i32
        %parallel_loop3A_592 = arith.andi %parallel_loop3A_421, %parallel_loop3A_591 : i32
        %parallel_loop3A_593 = arith.constant 0 : i32
        %parallel_loop3A_594 = arith.index_cast %parallel_loop3A_593 : i32 to index
        %parallel_loop3A_595 = arith.index_cast %parallel_loop3A_590 : i32 to index
        %parallel_loop3A_596 = arith.index_cast %parallel_loop3A_592 : i32 to index
        %parallel_loop3A_597 = arith.constant 96 : index
        %parallel_loop3A_598 = tpu.vector_load %arg7[%parallel_loop3A_594, %parallel_loop3A_595, %parallel_loop3A_596, %parallel_loop3A_597] {strides = array<i32>} : memref<5x4x8x128xf32, #tpu.memory_space<vmem>>, vector<16xf32>,
        tpu.vector_store %arg7[%parallel_loop3A_594, %parallel_loop3A_595, %parallel_loop3A_596, %parallel_loop3A_597], %parallel_loop3A_474 {strides = array<i32>} : memref<5x4x8x128xf32, #tpu.memory_space<vmem>>, vector<16xf32>,
        %parallel_loop3A_599 = arith.constant 3 : i32
        %parallel_loop3A_600 = arith.shrsi %parallel_loop3A_421, %parallel_loop3A_599 : i32
        %parallel_loop3A_601 = arith.constant 7 : i32
        %parallel_loop3A_602 = arith.andi %parallel_loop3A_421, %parallel_loop3A_601 : i32
        %parallel_loop3A_603 = arith.constant 0 : i32
        %parallel_loop3A_604 = arith.index_cast %parallel_loop3A_603 : i32 to index
        %parallel_loop3A_605 = arith.index_cast %parallel_loop3A_600 : i32 to index
        %parallel_loop3A_606 = arith.index_cast %parallel_loop3A_602 : i32 to index
        %parallel_loop3A_607 = arith.constant 112 : index
        %parallel_loop3A_608 = tpu.vector_load %arg7[%parallel_loop3A_604, %parallel_loop3A_605, %parallel_loop3A_606, %parallel_loop3A_607] {strides = array<i32>} : memref<5x4x8x128xf32, #tpu.memory_space<vmem>>, vector<16xf32>,
        tpu.vector_store %arg7[%parallel_loop3A_604, %parallel_loop3A_605, %parallel_loop3A_606, %parallel_loop3A_607], %parallel_loop3A_480 {strides = array<i32>} : memref<5x4x8x128xf32, #tpu.memory_space<vmem>>, vector<16xf32>,
        %parallel_loop3A_609 = arith.constant 3 : i32
        %parallel_loop3A_610 = arith.shrsi %parallel_loop3A_425, %parallel_loop3A_609 : i32
        %parallel_loop3A_611 = arith.constant 7 : i32
        %parallel_loop3A_612 = arith.andi %parallel_loop3A_425, %parallel_loop3A_611 : i32
        %parallel_loop3A_613 = arith.constant 0 : i32
        %parallel_loop3A_614 = arith.index_cast %parallel_loop3A_613 : i32 to index
        %parallel_loop3A_615 = arith.index_cast %parallel_loop3A_610 : i32 to index
        %parallel_loop3A_616 = arith.index_cast %parallel_loop3A_612 : i32 to index
        %parallel_loop3A_617 = arith.constant 0 : index
        %parallel_loop3A_618 = tpu.vector_load %arg7[%parallel_loop3A_614, %parallel_loop3A_615, %parallel_loop3A_616, %parallel_loop3A_617] {strides = array<i32>} : memref<5x4x8x128xf32, #tpu.memory_space<vmem>>, vector<16xf32>,
        tpu.vector_store %arg7[%parallel_loop3A_614, %parallel_loop3A_615, %parallel_loop3A_616, %parallel_loop3A_617], %parallel_loop3A_486 {strides = array<i32>} : memref<5x4x8x128xf32, #tpu.memory_space<vmem>>, vector<16xf32>,
        %parallel_loop3A_619 = arith.constant 3 : i32
        %parallel_loop3A_620 = arith.shrsi %parallel_loop3A_425, %parallel_loop3A_619 : i32
        %parallel_loop3A_621 = arith.constant 7 : i32
        %parallel_loop3A_622 = arith.andi %parallel_loop3A_425, %parallel_loop3A_621 : i32
        %parallel_loop3A_623 = arith.constant 0 : i32
        %parallel_loop3A_624 = arith.index_cast %parallel_loop3A_623 : i32 to index
        %parallel_loop3A_625 = arith.index_cast %parallel_loop3A_620 : i32 to index
        %parallel_loop3A_626 = arith.index_cast %parallel_loop3A_622 : i32 to index
        %parallel_loop3A_627 = arith.constant 16 : index
        %parallel_loop3A_628 = tpu.vector_load %arg7[%parallel_loop3A_624, %parallel_loop3A_625, %parallel_loop3A_626, %parallel_loop3A_627] {strides = array<i32>} : memref<5x4x8x128xf32, #tpu.memory_space<vmem>>, vector<16xf32>,
        tpu.vector_store %arg7[%parallel_loop3A_624, %parallel_loop3A_625, %parallel_loop3A_626, %parallel_loop3A_627], %parallel_loop3A_492 {strides = array<i32>} : memref<5x4x8x128xf32, #tpu.memory_space<vmem>>, vector<16xf32>,
        %parallel_loop3A_629 = arith.constant 3 : i32
        %parallel_loop3A_630 = arith.shrsi %parallel_loop3A_425, %parallel_loop3A_629 : i32
        %parallel_loop3A_631 = arith.constant 7 : i32
        %parallel_loop3A_632 = arith.andi %parallel_loop3A_425, %parallel_loop3A_631 : i32
        %parallel_loop3A_633 = arith.constant 0 : i32
        %parallel_loop3A_634 = arith.index_cast %parallel_loop3A_633 : i32 to index
        %parallel_loop3A_635 = arith.index_cast %parallel_loop3A_630 : i32 to index
        %parallel_loop3A_636 = arith.index_cast %parallel_loop3A_632 : i32 to index
        %parallel_loop3A_637 = arith.constant 32 : index
        %parallel_loop3A_638 = tpu.vector_load %arg7[%parallel_loop3A_634, %parallel_loop3A_635, %parallel_loop3A_636, %parallel_loop3A_637] {strides = array<i32>} : memref<5x4x8x128xf32, #tpu.memory_space<vmem>>, vector<16xf32>,
        tpu.vector_store %arg7[%parallel_loop3A_634, %parallel_loop3A_635, %parallel_loop3A_636, %parallel_loop3A_637], %parallel_loop3A_498 {strides = array<i32>} : memref<5x4x8x128xf32, #tpu.memory_space<vmem>>, vector<16xf32>,
        %parallel_loop3A_639 = arith.constant 3 : i32
        %parallel_loop3A_640 = arith.shrsi %parallel_loop3A_425, %parallel_loop3A_639 : i32
        %parallel_loop3A_641 = arith.constant 7 : i32
        %parallel_loop3A_642 = arith.andi %parallel_loop3A_425, %parallel_loop3A_641 : i32
        %parallel_loop3A_643 = arith.constant 0 : i32
        %parallel_loop3A_644 = arith.index_cast %parallel_loop3A_643 : i32 to index
        %parallel_loop3A_645 = arith.index_cast %parallel_loop3A_640 : i32 to index
        %parallel_loop3A_646 = arith.index_cast %parallel_loop3A_642 : i32 to index
        %parallel_loop3A_647 = arith.constant 48 : index
        %parallel_loop3A_648 = tpu.vector_load %arg7[%parallel_loop3A_644, %parallel_loop3A_645, %parallel_loop3A_646, %parallel_loop3A_647] {strides = array<i32>} : memref<5x4x8x128xf32, #tpu.memory_space<vmem>>, vector<16xf32>,
        tpu.vector_store %arg7[%parallel_loop3A_644, %parallel_loop3A_645, %parallel_loop3A_646, %parallel_loop3A_647], %parallel_loop3A_504 {strides = array<i32>} : memref<5x4x8x128xf32, #tpu.memory_space<vmem>>, vector<16xf32>,
        %parallel_loop3A_649 = arith.constant 3 : i32
        %parallel_loop3A_650 = arith.shrsi %parallel_loop3A_425, %parallel_loop3A_649 : i32
        %parallel_loop3A_651 = arith.constant 7 : i32
        %parallel_loop3A_652 = arith.andi %parallel_loop3A_425, %parallel_loop3A_651 : i32
        %parallel_loop3A_653 = arith.constant 0 : i32
        %parallel_loop3A_654 = arith.index_cast %parallel_loop3A_653 : i32 to index
        %parallel_loop3A_655 = arith.index_cast %parallel_loop3A_650 : i32 to index
        %parallel_loop3A_656 = arith.index_cast %parallel_loop3A_652 : i32 to index
        %parallel_loop3A_657 = arith.constant 64 : index
        %parallel_loop3A_658 = tpu.vector_load %arg7[%parallel_loop3A_654, %parallel_loop3A_655, %parallel_loop3A_656, %parallel_loop3A_657] {strides = array<i32>} : memref<5x4x8x128xf32, #tpu.memory_space<vmem>>, vector<16xf32>,
        tpu.vector_store %arg7[%parallel_loop3A_654, %parallel_loop3A_655, %parallel_loop3A_656, %parallel_loop3A_657], %parallel_loop3A_510 {strides = array<i32>} : memref<5x4x8x128xf32, #tpu.memory_space<vmem>>, vector<16xf32>,
        %parallel_loop3A_659 = arith.constant 3 : i32
        %parallel_loop3A_660 = arith.shrsi %parallel_loop3A_425, %parallel_loop3A_659 : i32
        %parallel_loop3A_661 = arith.constant 7 : i32
        %parallel_loop3A_662 = arith.andi %parallel_loop3A_425, %parallel_loop3A_661 : i32
        %parallel_loop3A_663 = arith.constant 0 : i32
        %parallel_loop3A_664 = arith.index_cast %parallel_loop3A_663 : i32 to index
        %parallel_loop3A_665 = arith.index_cast %parallel_loop3A_660 : i32 to index
        %parallel_loop3A_666 = arith.index_cast %parallel_loop3A_662 : i32 to index
        %parallel_loop3A_667 = arith.constant 80 : index
        %parallel_loop3A_668 = tpu.vector_load %arg7[%parallel_loop3A_664, %parallel_loop3A_665, %parallel_loop3A_666, %parallel_loop3A_667] {strides = array<i32>} : memref<5x4x8x128xf32, #tpu.memory_space<vmem>>, vector<16xf32>,
        tpu.vector_store %arg7[%parallel_loop3A_664, %parallel_loop3A_665, %parallel_loop3A_666, %parallel_loop3A_667], %parallel_loop3A_516 {strides = array<i32>} : memref<5x4x8x128xf32, #tpu.memory_space<vmem>>, vector<16xf32>,
        %parallel_loop3A_669 = arith.constant 3 : i32
        %parallel_loop3A_670 = arith.shrsi %parallel_loop3A_425, %parallel_loop3A_669 : i32
        %parallel_loop3A_671 = arith.constant 7 : i32
        %parallel_loop3A_672 = arith.andi %parallel_loop3A_425, %parallel_loop3A_671 : i32
        %parallel_loop3A_673 = arith.constant 0 : i32
        %parallel_loop3A_674 = arith.index_cast %parallel_loop3A_673 : i32 to index
        %parallel_loop3A_675 = arith.index_cast %parallel_loop3A_670 : i32 to index
        %parallel_loop3A_676 = arith.index_cast %parallel_loop3A_672 : i32 to index
        %parallel_loop3A_677 = arith.constant 96 : index
        %parallel_loop3A_678 = tpu.vector_load %arg7[%parallel_loop3A_674, %parallel_loop3A_675, %parallel_loop3A_676, %parallel_loop3A_677] {strides = array<i32>} : memref<5x4x8x128xf32, #tpu.memory_space<vmem>>, vector<16xf32>,
        tpu.vector_store %arg7[%parallel_loop3A_674, %parallel_loop3A_675, %parallel_loop3A_676, %parallel_loop3A_677], %parallel_loop3A_522 {strides = array<i32>} : memref<5x4x8x128xf32, #tpu.memory_space<vmem>>, vector<16xf32>,
        %parallel_loop3A_679 = arith.constant 3 : i32
        %parallel_loop3A_680 = arith.shrsi %parallel_loop3A_425, %parallel_loop3A_679 : i32
        %parallel_loop3A_681 = arith.constant 7 : i32
        %parallel_loop3A_682 = arith.andi %parallel_loop3A_425, %parallel_loop3A_681 : i32
        %parallel_loop3A_683 = arith.constant 0 : i32
        %parallel_loop3A_684 = arith.index_cast %parallel_loop3A_683 : i32 to index
        %parallel_loop3A_685 = arith.index_cast %parallel_loop3A_680 : i32 to index
        %parallel_loop3A_686 = arith.index_cast %parallel_loop3A_682 : i32 to index
        %parallel_loop3A_687 = arith.constant 112 : index
        %parallel_loop3A_688 = tpu.vector_load %arg7[%parallel_loop3A_684, %parallel_loop3A_685, %parallel_loop3A_686, %parallel_loop3A_687] {strides = array<i32>} : memref<5x4x8x128xf32, #tpu.memory_space<vmem>>, vector<16xf32>,
        tpu.vector_store %arg7[%parallel_loop3A_684, %parallel_loop3A_685, %parallel_loop3A_686, %parallel_loop3A_687], %parallel_loop3A_528 {strides = array<i32>} : memref<5x4x8x128xf32, #tpu.memory_space<vmem>>, vector<16xf32>,
      } {sc.loop_unroll_factor = 4 : i64, sc.parallel_access}
      %dma_start3A_131 = arith.constant 0 : i32
      %dma_start3A_132 = arith.constant 0 : i32
      %dma_start3A_133 = arith.constant 0 : i32
      %dma_start3A_134 = arith.constant 0 : i32
      %dma_start3A_135 = tpu.memref_slice %arg7[%dma_start3A_131, %dma_start3A_132, %dma_start3A_133, %dma_start3A_134] : memref<5x4x8x128xf32, #tpu.memory_space<vmem>> -> memref<1x4x8x128xf32, #tpu.memory_space<vmem>>
      %dma_start3A_136 = tpu.memref_squeeze %dma_start3A_135 : memref<1x4x8x128xf32, #tpu.memory_space<vmem>> -> memref<4x8x128xf32, #tpu.memory_space<vmem>>
      %dma_start3A_137 = arith.constant 0 : i32
      %dma_start3A_138 = arith.constant 0 : i32
      %dma_start3A_139 = arith.constant 0 : i32
      %dma_start3A_140 = tpu.memref_slice %arg4[%add3A_97, %dma_start3A_137, %add3A, %dma_start3A_138, %dma_start3A_139] : memref<200x4x32x8x128xf32, #tpu.memory_space<hbm>> -> memref<1x4x1x8x128xf32, #tpu.memory_space<hbm>>
      %dma_start3A_141 = tpu.memref_squeeze %dma_start3A_140 : memref<1x4x1x8x128xf32, #tpu.memory_space<hbm>> -> memref<4x8x128xf32, #tpu.memory_space<hbm>>
      %dma_start3A_142 = arith.constant 0 : i32
      %dma_start3A_143 = arith.constant 0 : i32
      %dma_start3A_144 = arith.constant 0 : i32
      %dma_start3A_145 = tpu.memref_slice %arg4[%add3A_97, %dma_start3A_142, %add3A, %dma_start3A_143, %dma_start3A_144] : memref<200x4x32x8x128xf32, #tpu.memory_space<hbm>> -> memref<1x4x1x8x128xf32, #tpu.memory_space<hbm>>
      %dma_start3A_146 = tpu.memref_squeeze %dma_start3A_145 : memref<1x4x1x8x128xf32, #tpu.memory_space<hbm>> -> memref<4x8x128xf32, #tpu.memory_space<hbm>>
      %dma_start3A_147 = arith.constant 0 : i32
      %dma_start3A_148 = arith.constant 0 : i32
      %dma_start3A_149 = arith.constant 0 : i32
      %dma_start3A_150 = tpu.memref_slice %arg7[%dma_start3A_131, %dma_start3A_147, %dma_start3A_148, %dma_start3A_149] : memref<5x4x8x128xf32, #tpu.memory_space<vmem>> -> memref<1x4x8x128xf32, #tpu.memory_space<vmem>>
      %dma_start3A_151 = tpu.memref_squeeze %dma_start3A_150 : memref<1x4x8x128xf32, #tpu.memory_space<vmem>> -> memref<4x8x128xf32, #tpu.memory_space<vmem>>
      tpu.enqueue_dma source(%dma_start3A_151 : memref<4x8x128xf32, #tpu.memory_space<vmem>>) target(%dma_start3A_146 : memref<4x8x128xf32, #tpu.memory_space<hbm>>) target_semaphore(%arg13 : memref<!tpu.dma_semaphore, #tpu.memory_space<semaphore_mem>>)
      %mul3A_152 = arith.constant 5 : i32
      %mul3A_153 = arith.muli %scan3A_93, %mul3A_152 : i32
      %add3A_154 = arith.constant 1 : i32
      %add3A_155 = arith.addi %mul3A_153, %add3A_154 : i32
      %add3A_156 = arith.constant 5 : i32
      %add3A_157 = arith.addi %add3A_155, %add3A_156 : i32
      %sub3A_158 = arith.constant 1 : i32
      %sub3A_159 = arith.subi %add3A_157, %sub3A_158 : i32
      %dma_wait3A_160 = arith.constant 0 : i32
      %dma_wait3A_161 = arith.constant 0 : i32
      %dma_wait3A_162 = arith.constant 0 : i32
      %dma_wait3A_163 = tpu.memref_slice %arg6[%dma_wait3A_160, %dma_wait3A_161, %dma_wait3A_162] : memref<5x128x32xf32, #tpu.memory_space<vmem>> -> memref<1x128x32xf32, #tpu.memory_space<vmem>>
      %dma_wait3A_164 = tpu.memref_squeeze %dma_wait3A_163 : memref<1x128x32xf32, #tpu.memory_space<vmem>> -> memref<128x32xf32, #tpu.memory_space<vmem>>
      %dma_wait3A_165 = arith.constant 0 : i32
      %dma_wait3A_166 = arith.constant 0 : i32
      %dma_wait3A_167 = tpu.memref_slice %arg3[%dma_wait3A_165, %dma_wait3A_166] : memref<1000000x32xf32, #tpu.memory_space<hbm>> -> memref<128x32xf32, #tpu.memory_space<hbm>>
      %dma_wait3A_168 = arith.constant 0 : i32
      %dma_wait3A_169 = arith.constant 0 : i32
      %dma_wait3A_170 = tpu.memref_slice %arg6[%dma_wait3A_160, %dma_wait3A_168, %dma_wait3A_169] : memref<5x128x32xf32, #tpu.memory_space<vmem>> -> memref<1x128x32xf32, #tpu.memory_space<vmem>>
      %dma_wait3A_171 = tpu.memref_squeeze %dma_wait3A_170 : memref<1x128x32xf32, #tpu.memory_space<vmem>> -> memref<128x32xf32, #tpu.memory_space<vmem>>
      %dma_wait3A_172 = arith.constant 0 : i32
      %dma_wait3A_173 = arith.constant 0 : i32
      %dma_wait3A_174 = tpu.memref_slice %arg3[%dma_wait3A_172, %dma_wait3A_173] : memref<1000000x32xf32, #tpu.memory_space<hbm>> -> memref<128x32xf32, #tpu.memory_space<hbm>>
      tpu.wait_dma2 semaphore(%arg13 : memref<!tpu.dma_semaphore, #tpu.memory_space<semaphore_mem>>) src(%dma_wait3A_174 : memref<128x32xf32, #tpu.memory_space<hbm>>) dst(%dma_wait3A_171 : memref<128x32xf32, #tpu.memory_space<vmem>>)
      %lt3A = arith.constant 200 : i32
      %lt3A_175 = arith.cmpi slt, %sub3A_159, %lt3A : i32
      %convert_element_type3A_176 = arith.extui %lt3A_175 : i1 to i32
      %cond3A_177 = arith.constant 0 : i32
      %cond3A_178 = arith.cmpi ne, %convert_element_type3A_176, %cond3A_177 : i32
      scf.if %cond3A_178 {
        %dma_start3A_419 = arith.constant 0 : i32
        %dma_start3A_420 = arith.constant 0 : i32
        %dma_start3A_421 = arith.constant 0 : i32
        %dma_start3A_422 = tpu.memref_slice %arg6[%dma_start3A_419, %dma_start3A_420, %dma_start3A_421] : memref<5x128x32xf32, #tpu.memory_space<vmem>> -> memref<1x128x32xf32, #tpu.memory_space<vmem>>
        %dma_start3A_423 = tpu.memref_squeeze %dma_start3A_422 : memref<1x128x32xf32, #tpu.memory_space<vmem>> -> memref<128x32xf32, #tpu.memory_space<vmem>>
        %dma_start3A_424 = arith.constant 0 : i32
        %dma_start3A_425 = tpu.memref_slice %arg5[%sub3A_159, %dma_start3A_424] : memref<200x128xi32, #tpu.memory_space<vmem>> -> memref<1x128xi32, #tpu.memory_space<vmem>>
        %dma_start3A_426 = tpu.memref_squeeze %dma_start3A_425 : memref<1x128xi32, #tpu.memory_space<vmem>> -> memref<128xi32, #tpu.memory_space<vmem>>
        %dma_start3A_427 = arith.constant 0 : i32
        %dma_start3A_428 = arith.constant 0 : i32
        %dma_start3A_429 = tpu.memref_slice %arg3[%dma_start3A_427, %dma_start3A_428] : memref<1000000x32xf32, #tpu.memory_space<hbm>> -> memref<1000000x32xf32, #tpu.memory_space<hbm>>
        tpu.enqueue_indirect_dma source(%dma_start3A_429 : memref<1000000x32xf32, #tpu.memory_space<hbm>>) target(%dma_start3A_423 : memref<128x32xf32, #tpu.memory_space<vmem>>) offsets(%dma_start3A_426 : memref<128xi32, #tpu.memory_space<vmem>>) semaphore(%arg8 : memref<!tpu.dma_semaphore, #tpu.memory_space<semaphore_mem>>)
      } else {
      }
      %dma_wait3A_179 = arith.constant 1 : i32
      %dma_wait3A_180 = arith.constant 0 : i32
      %dma_wait3A_181 = arith.constant 0 : i32
      %dma_wait3A_182 = tpu.memref_slice %arg6[%dma_wait3A_179, %dma_wait3A_180, %dma_wait3A_181] : memref<5x128x32xf32, #tpu.memory_space<vmem>> -> memref<1x128x32xf32, #tpu.memory_space<vmem>>
      %dma_wait3A_183 = tpu.memref_squeeze %dma_wait3A_182 : memref<1x128x32xf32, #tpu.memory_space<vmem>> -> memref<128x32xf32, #tpu.memory_space<vmem>>
      %dma_wait3A_184 = arith.constant 0 : i32
      %dma_wait3A_185 = arith.constant 0 : i32
      %dma_wait3A_186 = tpu.memref_slice %arg3[%dma_wait3A_184, %dma_wait3A_185] : memref<1000000x32xf32, #tpu.memory_space<hbm>> -> memref<128x32xf32, #tpu.memory_space<hbm>>
      %dma_wait3A_187 = arith.constant 0 : i32
      %dma_wait3A_188 = arith.constant 0 : i32
      %dma_wait3A_189 = tpu.memref_slice %arg6[%dma_wait3A_179, %dma_wait3A_187, %dma_wait3A_188] : memref<5x128x32xf32, #tpu.memory_space<vmem>> -> memref<1x128x32xf32, #tpu.memory_space<vmem>>
      %dma_wait3A_190 = tpu.memref_squeeze %dma_wait3A_189 : memref<1x128x32xf32, #tpu.memory_space<vmem>> -> memref<128x32xf32, #tpu.memory_space<vmem>>
      %dma_wait3A_191 = arith.constant 0 : i32
      %dma_wait3A_192 = arith.constant 0 : i32
      %dma_wait3A_193 = tpu.memref_slice %arg3[%dma_wait3A_191, %dma_wait3A_192] : memref<1000000x32xf32, #tpu.memory_space<hbm>> -> memref<128x32xf32, #tpu.memory_space<hbm>>
      tpu.wait_dma2 semaphore(%arg9 : memref<!tpu.dma_semaphore, #tpu.memory_space<semaphore_mem>>) src(%dma_wait3A_193 : memref<128x32xf32, #tpu.memory_space<hbm>>) dst(%dma_wait3A_190 : memref<128x32xf32, #tpu.memory_space<vmem>>)
      %parallel_loop3A_194 = arith.constant 0 : i32
      %parallel_loop3A_195 = arith.constant 16 : i32
      %parallel_loop3A_196 = arith.constant 1 : i32
      scf.for %parallel_loop3A_419 = %parallel_loop3A_194 to %parallel_loop3A_195 step %parallel_loop3A_196  : i32 {
        %parallel_loop3A_420 = arith.constant 2 : i32
        %parallel_loop3A_421 = arith.muli %parallel_loop3A_420, %parallel_loop3A_419 : i32
        %parallel_loop3A_422 = arith.constant 2 : i32
        %parallel_loop3A_423 = arith.muli %parallel_loop3A_422, %parallel_loop3A_419 : i32
        %parallel_loop3A_424 = arith.constant 1 : i32
        %parallel_loop3A_425 = arith.addi %parallel_loop3A_423, %parallel_loop3A_424 : i32
        %parallel_loop3A_426 = arith.constant 0 : i32
        %parallel_loop3A_427 = vector.broadcast %parallel_loop3A_426 : i32 to vector<16xi32>
        %parallel_loop3A_428 = vector.broadcast %parallel_loop3A_421 : i32 to vector<16xi32>
        %parallel_loop3A_429 = arith.addi %parallel_loop3A_427, %parallel_loop3A_428 : vector<16xi32>
        %parallel_loop3A_430 = arith.constant 1 : i32
        %parallel_loop3A_431 = vector.broadcast %parallel_loop3A_430 : i32 to vector<16xi32>
        %parallel_loop3A_432 = arith.addi %parallel_loop3A_429, %parallel_loop3A_431 : vector<16xi32>
        %parallel_loop3A_433 = arith.constant 1 : i32
        %parallel_loop3A_434 = arith.constant 0 : i32
        %parallel_loop3A_435 = arith.constant 0 : i32
        %parallel_loop3A_436 = tpu.memref_slice %arg6[%parallel_loop3A_433, %parallel_loop3A_434, %parallel_loop3A_435] : memref<5x128x32xf32, #tpu.memory_space<vmem>> -> memref<1x128x32xf32, #tpu.memory_space<vmem>>
        %parallel_loop3A_437 = tpu.memref_squeeze %parallel_loop3A_436 : memref<1x128x32xf32, #tpu.memory_space<vmem>> -> memref<128x32xf32, #tpu.memory_space<vmem>>
        %parallel_loop3A_438 = tpu.vector_load_idx %parallel_loop3A_437[%add3A_5, %parallel_loop3A_429] : memref<128x32xf32, #tpu.memory_space<vmem>>[vector<16xi32>, vector<16xi32>], vector<16xf32>,
        %parallel_loop3A_439 = arith.constant 1 : i32
        %parallel_loop3A_440 = arith.constant 0 : i32
        %parallel_loop3A_441 = arith.constant 0 : i32
        %parallel_loop3A_442 = tpu.memref_slice %arg6[%parallel_loop3A_439, %parallel_loop3A_440, %parallel_loop3A_441] : memref<5x128x32xf32, #tpu.memory_space<vmem>> -> memref<1x128x32xf32, #tpu.memory_space<vmem>>
        %parallel_loop3A_443 = tpu.memref_squeeze %parallel_loop3A_442 : memref<1x128x32xf32, #tpu.memory_space<vmem>> -> memref<128x32xf32, #tpu.memory_space<vmem>>
        %parallel_loop3A_444 = tpu.vector_load_idx %parallel_loop3A_443[%add3A_8, %parallel_loop3A_429] : memref<128x32xf32, #tpu.memory_space<vmem>>[vector<16xi32>, vector<16xi32>], vector<16xf32>,
        %parallel_loop3A_445 = arith.constant 1 : i32
        %parallel_loop3A_446 = arith.constant 0 : i32
        %parallel_loop3A_447 = arith.constant 0 : i32
        %parallel_loop3A_448 = tpu.memref_slice %arg6[%parallel_loop3A_445, %parallel_loop3A_446, %parallel_loop3A_447] : memref<5x128x32xf32, #tpu.memory_space<vmem>> -> memref<1x128x32xf32, #tpu.memory_space<vmem>>
        %parallel_loop3A_449 = tpu.memref_squeeze %parallel_loop3A_448 : memref<1x128x32xf32, #tpu.memory_space<vmem>> -> memref<128x32xf32, #tpu.memory_space<vmem>>
        %parallel_loop3A_450 = tpu.vector_load_idx %parallel_loop3A_449[%add3A_11, %parallel_loop3A_429] : memref<128x32xf32, #tpu.memory_space<vmem>>[vector<16xi32>, vector<16xi32>], vector<16xf32>,
        %parallel_loop3A_451 = arith.constant 1 : i32
        %parallel_loop3A_452 = arith.constant 0 : i32
        %parallel_loop3A_453 = arith.constant 0 : i32
        %parallel_loop3A_454 = tpu.memref_slice %arg6[%parallel_loop3A_451, %parallel_loop3A_452, %parallel_loop3A_453] : memref<5x128x32xf32, #tpu.memory_space<vmem>> -> memref<1x128x32xf32, #tpu.memory_space<vmem>>
        %parallel_loop3A_455 = tpu.memref_squeeze %parallel_loop3A_454 : memref<1x128x32xf32, #tpu.memory_space<vmem>> -> memref<128x32xf32, #tpu.memory_space<vmem>>
        %parallel_loop3A_456 = tpu.vector_load_idx %parallel_loop3A_455[%add3A_14, %parallel_loop3A_429] : memref<128x32xf32, #tpu.memory_space<vmem>>[vector<16xi32>, vector<16xi32>], vector<16xf32>,
        %parallel_loop3A_457 = arith.constant 1 : i32
        %parallel_loop3A_458 = arith.constant 0 : i32
        %parallel_loop3A_459 = arith.constant 0 : i32
        %parallel_loop3A_460 = tpu.memref_slice %arg6[%parallel_loop3A_457, %parallel_loop3A_458, %parallel_loop3A_459] : memref<5x128x32xf32, #tpu.memory_space<vmem>> -> memref<1x128x32xf32, #tpu.memory_space<vmem>>
        %parallel_loop3A_461 = tpu.memref_squeeze %parallel_loop3A_460 : memref<1x128x32xf32, #tpu.memory_space<vmem>> -> memref<128x32xf32, #tpu.memory_space<vmem>>
        %parallel_loop3A_462 = tpu.vector_load_idx %parallel_loop3A_461[%add3A_17, %parallel_loop3A_429] : memref<128x32xf32, #tpu.memory_space<vmem>>[vector<16xi32>, vector<16xi32>], vector<16xf32>,
        %parallel_loop3A_463 = arith.constant 1 : i32
        %parallel_loop3A_464 = arith.constant 0 : i32
        %parallel_loop3A_465 = arith.constant 0 : i32
        %parallel_loop3A_466 = tpu.memref_slice %arg6[%parallel_loop3A_463, %parallel_loop3A_464, %parallel_loop3A_465] : memref<5x128x32xf32, #tpu.memory_space<vmem>> -> memref<1x128x32xf32, #tpu.memory_space<vmem>>
        %parallel_loop3A_467 = tpu.memref_squeeze %parallel_loop3A_466 : memref<1x128x32xf32, #tpu.memory_space<vmem>> -> memref<128x32xf32, #tpu.memory_space<vmem>>
        %parallel_loop3A_468 = tpu.vector_load_idx %parallel_loop3A_467[%add3A_20, %parallel_loop3A_429] : memref<128x32xf32, #tpu.memory_space<vmem>>[vector<16xi32>, vector<16xi32>], vector<16xf32>,
        %parallel_loop3A_469 = arith.constant 1 : i32
        %parallel_loop3A_470 = arith.constant 0 : i32
        %parallel_loop3A_471 = arith.constant 0 : i32
        %parallel_loop3A_472 = tpu.memref_slice %arg6[%parallel_loop3A_469, %parallel_loop3A_470, %parallel_loop3A_471] : memref<5x128x32xf32, #tpu.memory_space<vmem>> -> memref<1x128x32xf32, #tpu.memory_space<vmem>>
        %parallel_loop3A_473 = tpu.memref_squeeze %parallel_loop3A_472 : memref<1x128x32xf32, #tpu.memory_space<vmem>> -> memref<128x32xf32, #tpu.memory_space<vmem>>
        %parallel_loop3A_474 = tpu.vector_load_idx %parallel_loop3A_473[%add3A_23, %parallel_loop3A_429] : memref<128x32xf32, #tpu.memory_space<vmem>>[vector<16xi32>, vector<16xi32>], vector<16xf32>,
        %parallel_loop3A_475 = arith.constant 1 : i32
        %parallel_loop3A_476 = arith.constant 0 : i32
        %parallel_loop3A_477 = arith.constant 0 : i32
        %parallel_loop3A_478 = tpu.memref_slice %arg6[%parallel_loop3A_475, %parallel_loop3A_476, %parallel_loop3A_477] : memref<5x128x32xf32, #tpu.memory_space<vmem>> -> memref<1x128x32xf32, #tpu.memory_space<vmem>>
        %parallel_loop3A_479 = tpu.memref_squeeze %parallel_loop3A_478 : memref<1x128x32xf32, #tpu.memory_space<vmem>> -> memref<128x32xf32, #tpu.memory_space<vmem>>
        %parallel_loop3A_480 = tpu.vector_load_idx %parallel_loop3A_479[%add3A_26, %parallel_loop3A_429] : memref<128x32xf32, #tpu.memory_space<vmem>>[vector<16xi32>, vector<16xi32>], vector<16xf32>,
        %parallel_loop3A_481 = arith.constant 1 : i32
        %parallel_loop3A_482 = arith.constant 0 : i32
        %parallel_loop3A_483 = arith.constant 0 : i32
        %parallel_loop3A_484 = tpu.memref_slice %arg6[%parallel_loop3A_481, %parallel_loop3A_482, %parallel_loop3A_483] : memref<5x128x32xf32, #tpu.memory_space<vmem>> -> memref<1x128x32xf32, #tpu.memory_space<vmem>>
        %parallel_loop3A_485 = tpu.memref_squeeze %parallel_loop3A_484 : memref<1x128x32xf32, #tpu.memory_space<vmem>> -> memref<128x32xf32, #tpu.memory_space<vmem>>
        %parallel_loop3A_486 = tpu.vector_load_idx %parallel_loop3A_485[%add3A_5, %parallel_loop3A_432] : memref<128x32xf32, #tpu.memory_space<vmem>>[vector<16xi32>, vector<16xi32>], vector<16xf32>,
        %parallel_loop3A_487 = arith.constant 1 : i32
        %parallel_loop3A_488 = arith.constant 0 : i32
        %parallel_loop3A_489 = arith.constant 0 : i32
        %parallel_loop3A_490 = tpu.memref_slice %arg6[%parallel_loop3A_487, %parallel_loop3A_488, %parallel_loop3A_489] : memref<5x128x32xf32, #tpu.memory_space<vmem>> -> memref<1x128x32xf32, #tpu.memory_space<vmem>>
        %parallel_loop3A_491 = tpu.memref_squeeze %parallel_loop3A_490 : memref<1x128x32xf32, #tpu.memory_space<vmem>> -> memref<128x32xf32, #tpu.memory_space<vmem>>
        %parallel_loop3A_492 = tpu.vector_load_idx %parallel_loop3A_491[%add3A_8, %parallel_loop3A_432] : memref<128x32xf32, #tpu.memory_space<vmem>>[vector<16xi32>, vector<16xi32>], vector<16xf32>,
        %parallel_loop3A_493 = arith.constant 1 : i32
        %parallel_loop3A_494 = arith.constant 0 : i32
        %parallel_loop3A_495 = arith.constant 0 : i32
        %parallel_loop3A_496 = tpu.memref_slice %arg6[%parallel_loop3A_493, %parallel_loop3A_494, %parallel_loop3A_495] : memref<5x128x32xf32, #tpu.memory_space<vmem>> -> memref<1x128x32xf32, #tpu.memory_space<vmem>>
        %parallel_loop3A_497 = tpu.memref_squeeze %parallel_loop3A_496 : memref<1x128x32xf32, #tpu.memory_space<vmem>> -> memref<128x32xf32, #tpu.memory_space<vmem>>
        %parallel_loop3A_498 = tpu.vector_load_idx %parallel_loop3A_497[%add3A_11, %parallel_loop3A_432] : memref<128x32xf32, #tpu.memory_space<vmem>>[vector<16xi32>, vector<16xi32>], vector<16xf32>,
        %parallel_loop3A_499 = arith.constant 1 : i32
        %parallel_loop3A_500 = arith.constant 0 : i32
        %parallel_loop3A_501 = arith.constant 0 : i32
        %parallel_loop3A_502 = tpu.memref_slice %arg6[%parallel_loop3A_499, %parallel_loop3A_500, %parallel_loop3A_501] : memref<5x128x32xf32, #tpu.memory_space<vmem>> -> memref<1x128x32xf32, #tpu.memory_space<vmem>>
        %parallel_loop3A_503 = tpu.memref_squeeze %parallel_loop3A_502 : memref<1x128x32xf32, #tpu.memory_space<vmem>> -> memref<128x32xf32, #tpu.memory_space<vmem>>
        %parallel_loop3A_504 = tpu.vector_load_idx %parallel_loop3A_503[%add3A_14, %parallel_loop3A_432] : memref<128x32xf32, #tpu.memory_space<vmem>>[vector<16xi32>, vector<16xi32>], vector<16xf32>,
        %parallel_loop3A_505 = arith.constant 1 : i32
        %parallel_loop3A_506 = arith.constant 0 : i32
        %parallel_loop3A_507 = arith.constant 0 : i32
        %parallel_loop3A_508 = tpu.memref_slice %arg6[%parallel_loop3A_505, %parallel_loop3A_506, %parallel_loop3A_507] : memref<5x128x32xf32, #tpu.memory_space<vmem>> -> memref<1x128x32xf32, #tpu.memory_space<vmem>>
        %parallel_loop3A_509 = tpu.memref_squeeze %parallel_loop3A_508 : memref<1x128x32xf32, #tpu.memory_space<vmem>> -> memref<128x32xf32, #tpu.memory_space<vmem>>
        %parallel_loop3A_510 = tpu.vector_load_idx %parallel_loop3A_509[%add3A_17, %parallel_loop3A_432] : memref<128x32xf32, #tpu.memory_space<vmem>>[vector<16xi32>, vector<16xi32>], vector<16xf32>,
        %parallel_loop3A_511 = arith.constant 1 : i32
        %parallel_loop3A_512 = arith.constant 0 : i32
        %parallel_loop3A_513 = arith.constant 0 : i32
        %parallel_loop3A_514 = tpu.memref_slice %arg6[%parallel_loop3A_511, %parallel_loop3A_512, %parallel_loop3A_513] : memref<5x128x32xf32, #tpu.memory_space<vmem>> -> memref<1x128x32xf32, #tpu.memory_space<vmem>>
        %parallel_loop3A_515 = tpu.memref_squeeze %parallel_loop3A_514 : memref<1x128x32xf32, #tpu.memory_space<vmem>> -> memref<128x32xf32, #tpu.memory_space<vmem>>
        %parallel_loop3A_516 = tpu.vector_load_idx %parallel_loop3A_515[%add3A_20, %parallel_loop3A_432] : memref<128x32xf32, #tpu.memory_space<vmem>>[vector<16xi32>, vector<16xi32>], vector<16xf32>,
        %parallel_loop3A_517 = arith.constant 1 : i32
        %parallel_loop3A_518 = arith.constant 0 : i32
        %parallel_loop3A_519 = arith.constant 0 : i32
        %parallel_loop3A_520 = tpu.memref_slice %arg6[%parallel_loop3A_517, %parallel_loop3A_518, %parallel_loop3A_519] : memref<5x128x32xf32, #tpu.memory_space<vmem>> -> memref<1x128x32xf32, #tpu.memory_space<vmem>>
        %parallel_loop3A_521 = tpu.memref_squeeze %parallel_loop3A_520 : memref<1x128x32xf32, #tpu.memory_space<vmem>> -> memref<128x32xf32, #tpu.memory_space<vmem>>
        %parallel_loop3A_522 = tpu.vector_load_idx %parallel_loop3A_521[%add3A_23, %parallel_loop3A_432] : memref<128x32xf32, #tpu.memory_space<vmem>>[vector<16xi32>, vector<16xi32>], vector<16xf32>,
        %parallel_loop3A_523 = arith.constant 1 : i32
        %parallel_loop3A_524 = arith.constant 0 : i32
        %parallel_loop3A_525 = arith.constant 0 : i32
        %parallel_loop3A_526 = tpu.memref_slice %arg6[%parallel_loop3A_523, %parallel_loop3A_524, %parallel_loop3A_525] : memref<5x128x32xf32, #tpu.memory_space<vmem>> -> memref<1x128x32xf32, #tpu.memory_space<vmem>>
        %parallel_loop3A_527 = tpu.memref_squeeze %parallel_loop3A_526 : memref<1x128x32xf32, #tpu.memory_space<vmem>> -> memref<128x32xf32, #tpu.memory_space<vmem>>
        %parallel_loop3A_528 = tpu.vector_load_idx %parallel_loop3A_527[%add3A_26, %parallel_loop3A_432] : memref<128x32xf32, #tpu.memory_space<vmem>>[vector<16xi32>, vector<16xi32>], vector<16xf32>,
        %parallel_loop3A_529 = arith.constant 3 : i32
        %parallel_loop3A_530 = arith.shrsi %parallel_loop3A_421, %parallel_loop3A_529 : i32
        %parallel_loop3A_531 = arith.constant 7 : i32
        %parallel_loop3A_532 = arith.andi %parallel_loop3A_421, %parallel_loop3A_531 : i32
        %parallel_loop3A_533 = arith.constant 1 : i32
        %parallel_loop3A_534 = arith.index_cast %parallel_loop3A_533 : i32 to index
        %parallel_loop3A_535 = arith.index_cast %parallel_loop3A_530 : i32 to index
        %parallel_loop3A_536 = arith.index_cast %parallel_loop3A_532 : i32 to index
        %parallel_loop3A_537 = arith.constant 0 : index
        %parallel_loop3A_538 = tpu.vector_load %arg7[%parallel_loop3A_534, %parallel_loop3A_535, %parallel_loop3A_536, %parallel_loop3A_537] {strides = array<i32>} : memref<5x4x8x128xf32, #tpu.memory_space<vmem>>, vector<16xf32>,
        tpu.vector_store %arg7[%parallel_loop3A_534, %parallel_loop3A_535, %parallel_loop3A_536, %parallel_loop3A_537], %parallel_loop3A_438 {strides = array<i32>} : memref<5x4x8x128xf32, #tpu.memory_space<vmem>>, vector<16xf32>,
        %parallel_loop3A_539 = arith.constant 3 : i32
        %parallel_loop3A_540 = arith.shrsi %parallel_loop3A_421, %parallel_loop3A_539 : i32
        %parallel_loop3A_541 = arith.constant 7 : i32
        %parallel_loop3A_542 = arith.andi %parallel_loop3A_421, %parallel_loop3A_541 : i32
        %parallel_loop3A_543 = arith.constant 1 : i32
        %parallel_loop3A_544 = arith.index_cast %parallel_loop3A_543 : i32 to index
        %parallel_loop3A_545 = arith.index_cast %parallel_loop3A_540 : i32 to index
        %parallel_loop3A_546 = arith.index_cast %parallel_loop3A_542 : i32 to index
        %parallel_loop3A_547 = arith.constant 16 : index
        %parallel_loop3A_548 = tpu.vector_load %arg7[%parallel_loop3A_544, %parallel_loop3A_545, %parallel_loop3A_546, %parallel_loop3A_547] {strides = array<i32>} : memref<5x4x8x128xf32, #tpu.memory_space<vmem>>, vector<16xf32>,
        tpu.vector_store %arg7[%parallel_loop3A_544, %parallel_loop3A_545, %parallel_loop3A_546, %parallel_loop3A_547], %parallel_loop3A_444 {strides = array<i32>} : memref<5x4x8x128xf32, #tpu.memory_space<vmem>>, vector<16xf32>,
        %parallel_loop3A_549 = arith.constant 3 : i32
        %parallel_loop3A_550 = arith.shrsi %parallel_loop3A_421, %parallel_loop3A_549 : i32
        %parallel_loop3A_551 = arith.constant 7 : i32
        %parallel_loop3A_552 = arith.andi %parallel_loop3A_421, %parallel_loop3A_551 : i32
        %parallel_loop3A_553 = arith.constant 1 : i32
        %parallel_loop3A_554 = arith.index_cast %parallel_loop3A_553 : i32 to index
        %parallel_loop3A_555 = arith.index_cast %parallel_loop3A_550 : i32 to index
        %parallel_loop3A_556 = arith.index_cast %parallel_loop3A_552 : i32 to index
        %parallel_loop3A_557 = arith.constant 32 : index
        %parallel_loop3A_558 = tpu.vector_load %arg7[%parallel_loop3A_554, %parallel_loop3A_555, %parallel_loop3A_556, %parallel_loop3A_557] {strides = array<i32>} : memref<5x4x8x128xf32, #tpu.memory_space<vmem>>, vector<16xf32>,
        tpu.vector_store %arg7[%parallel_loop3A_554, %parallel_loop3A_555, %parallel_loop3A_556, %parallel_loop3A_557], %parallel_loop3A_450 {strides = array<i32>} : memref<5x4x8x128xf32, #tpu.memory_space<vmem>>, vector<16xf32>,
        %parallel_loop3A_559 = arith.constant 3 : i32
        %parallel_loop3A_560 = arith.shrsi %parallel_loop3A_421, %parallel_loop3A_559 : i32
        %parallel_loop3A_561 = arith.constant 7 : i32
        %parallel_loop3A_562 = arith.andi %parallel_loop3A_421, %parallel_loop3A_561 : i32
        %parallel_loop3A_563 = arith.constant 1 : i32
        %parallel_loop3A_564 = arith.index_cast %parallel_loop3A_563 : i32 to index
        %parallel_loop3A_565 = arith.index_cast %parallel_loop3A_560 : i32 to index
        %parallel_loop3A_566 = arith.index_cast %parallel_loop3A_562 : i32 to index
        %parallel_loop3A_567 = arith.constant 48 : index
        %parallel_loop3A_568 = tpu.vector_load %arg7[%parallel_loop3A_564, %parallel_loop3A_565, %parallel_loop3A_566, %parallel_loop3A_567] {strides = array<i32>} : memref<5x4x8x128xf32, #tpu.memory_space<vmem>>, vector<16xf32>,
        tpu.vector_store %arg7[%parallel_loop3A_564, %parallel_loop3A_565, %parallel_loop3A_566, %parallel_loop3A_567], %parallel_loop3A_456 {strides = array<i32>} : memref<5x4x8x128xf32, #tpu.memory_space<vmem>>, vector<16xf32>,
        %parallel_loop3A_569 = arith.constant 3 : i32
        %parallel_loop3A_570 = arith.shrsi %parallel_loop3A_421, %parallel_loop3A_569 : i32
        %parallel_loop3A_571 = arith.constant 7 : i32
        %parallel_loop3A_572 = arith.andi %parallel_loop3A_421, %parallel_loop3A_571 : i32
        %parallel_loop3A_573 = arith.constant 1 : i32
        %parallel_loop3A_574 = arith.index_cast %parallel_loop3A_573 : i32 to index
        %parallel_loop3A_575 = arith.index_cast %parallel_loop3A_570 : i32 to index
        %parallel_loop3A_576 = arith.index_cast %parallel_loop3A_572 : i32 to index
        %parallel_loop3A_577 = arith.constant 64 : index
        %parallel_loop3A_578 = tpu.vector_load %arg7[%parallel_loop3A_574, %parallel_loop3A_575, %parallel_loop3A_576, %parallel_loop3A_577] {strides = array<i32>} : memref<5x4x8x128xf32, #tpu.memory_space<vmem>>, vector<16xf32>,
        tpu.vector_store %arg7[%parallel_loop3A_574, %parallel_loop3A_575, %parallel_loop3A_576, %parallel_loop3A_577], %parallel_loop3A_462 {strides = array<i32>} : memref<5x4x8x128xf32, #tpu.memory_space<vmem>>, vector<16xf32>,
        %parallel_loop3A_579 = arith.constant 3 : i32
        %parallel_loop3A_580 = arith.shrsi %parallel_loop3A_421, %parallel_loop3A_579 : i32
        %parallel_loop3A_581 = arith.constant 7 : i32
        %parallel_loop3A_582 = arith.andi %parallel_loop3A_421, %parallel_loop3A_581 : i32
        %parallel_loop3A_583 = arith.constant 1 : i32
        %parallel_loop3A_584 = arith.index_cast %parallel_loop3A_583 : i32 to index
        %parallel_loop3A_585 = arith.index_cast %parallel_loop3A_580 : i32 to index
        %parallel_loop3A_586 = arith.index_cast %parallel_loop3A_582 : i32 to index
        %parallel_loop3A_587 = arith.constant 80 : index
        %parallel_loop3A_588 = tpu.vector_load %arg7[%parallel_loop3A_584, %parallel_loop3A_585, %parallel_loop3A_586, %parallel_loop3A_587] {strides = array<i32>} : memref<5x4x8x128xf32, #tpu.memory_space<vmem>>, vector<16xf32>,
        tpu.vector_store %arg7[%parallel_loop3A_584, %parallel_loop3A_585, %parallel_loop3A_586, %parallel_loop3A_587], %parallel_loop3A_468 {strides = array<i32>} : memref<5x4x8x128xf32, #tpu.memory_space<vmem>>, vector<16xf32>,
        %parallel_loop3A_589 = arith.constant 3 : i32
        %parallel_loop3A_590 = arith.shrsi %parallel_loop3A_421, %parallel_loop3A_589 : i32
        %parallel_loop3A_591 = arith.constant 7 : i32
        %parallel_loop3A_592 = arith.andi %parallel_loop3A_421, %parallel_loop3A_591 : i32
        %parallel_loop3A_593 = arith.constant 1 : i32
        %parallel_loop3A_594 = arith.index_cast %parallel_loop3A_593 : i32 to index
        %parallel_loop3A_595 = arith.index_cast %parallel_loop3A_590 : i32 to index
        %parallel_loop3A_596 = arith.index_cast %parallel_loop3A_592 : i32 to index
        %parallel_loop3A_597 = arith.constant 96 : index
        %parallel_loop3A_598 = tpu.vector_load %arg7[%parallel_loop3A_594, %parallel_loop3A_595, %parallel_loop3A_596, %parallel_loop3A_597] {strides = array<i32>} : memref<5x4x8x128xf32, #tpu.memory_space<vmem>>, vector<16xf32>,
        tpu.vector_store %arg7[%parallel_loop3A_594, %parallel_loop3A_595, %parallel_loop3A_596, %parallel_loop3A_597], %parallel_loop3A_474 {strides = array<i32>} : memref<5x4x8x128xf32, #tpu.memory_space<vmem>>, vector<16xf32>,
        %parallel_loop3A_599 = arith.constant 3 : i32
        %parallel_loop3A_600 = arith.shrsi %parallel_loop3A_421, %parallel_loop3A_599 : i32
        %parallel_loop3A_601 = arith.constant 7 : i32
        %parallel_loop3A_602 = arith.andi %parallel_loop3A_421, %parallel_loop3A_601 : i32
        %parallel_loop3A_603 = arith.constant 1 : i32
        %parallel_loop3A_604 = arith.index_cast %parallel_loop3A_603 : i32 to index
        %parallel_loop3A_605 = arith.index_cast %parallel_loop3A_600 : i32 to index
        %parallel_loop3A_606 = arith.index_cast %parallel_loop3A_602 : i32 to index
        %parallel_loop3A_607 = arith.constant 112 : index
        %parallel_loop3A_608 = tpu.vector_load %arg7[%parallel_loop3A_604, %parallel_loop3A_605, %parallel_loop3A_606, %parallel_loop3A_607] {strides = array<i32>} : memref<5x4x8x128xf32, #tpu.memory_space<vmem>>, vector<16xf32>,
        tpu.vector_store %arg7[%parallel_loop3A_604, %parallel_loop3A_605, %parallel_loop3A_606, %parallel_loop3A_607], %parallel_loop3A_480 {strides = array<i32>} : memref<5x4x8x128xf32, #tpu.memory_space<vmem>>, vector<16xf32>,
        %parallel_loop3A_609 = arith.constant 3 : i32
        %parallel_loop3A_610 = arith.shrsi %parallel_loop3A_425, %parallel_loop3A_609 : i32
        %parallel_loop3A_611 = arith.constant 7 : i32
        %parallel_loop3A_612 = arith.andi %parallel_loop3A_425, %parallel_loop3A_611 : i32
        %parallel_loop3A_613 = arith.constant 1 : i32
        %parallel_loop3A_614 = arith.index_cast %parallel_loop3A_613 : i32 to index
        %parallel_loop3A_615 = arith.index_cast %parallel_loop3A_610 : i32 to index
        %parallel_loop3A_616 = arith.index_cast %parallel_loop3A_612 : i32 to index
        %parallel_loop3A_617 = arith.constant 0 : index
        %parallel_loop3A_618 = tpu.vector_load %arg7[%parallel_loop3A_614, %parallel_loop3A_615, %parallel_loop3A_616, %parallel_loop3A_617] {strides = array<i32>} : memref<5x4x8x128xf32, #tpu.memory_space<vmem>>, vector<16xf32>,
        tpu.vector_store %arg7[%parallel_loop3A_614, %parallel_loop3A_615, %parallel_loop3A_616, %parallel_loop3A_617], %parallel_loop3A_486 {strides = array<i32>} : memref<5x4x8x128xf32, #tpu.memory_space<vmem>>, vector<16xf32>,
        %parallel_loop3A_619 = arith.constant 3 : i32
        %parallel_loop3A_620 = arith.shrsi %parallel_loop3A_425, %parallel_loop3A_619 : i32
        %parallel_loop3A_621 = arith.constant 7 : i32
        %parallel_loop3A_622 = arith.andi %parallel_loop3A_425, %parallel_loop3A_621 : i32
        %parallel_loop3A_623 = arith.constant 1 : i32
        %parallel_loop3A_624 = arith.index_cast %parallel_loop3A_623 : i32 to index
        %parallel_loop3A_625 = arith.index_cast %parallel_loop3A_620 : i32 to index
        %parallel_loop3A_626 = arith.index_cast %parallel_loop3A_622 : i32 to index
        %parallel_loop3A_627 = arith.constant 16 : index
        %parallel_loop3A_628 = tpu.vector_load %arg7[%parallel_loop3A_624, %parallel_loop3A_625, %parallel_loop3A_626, %parallel_loop3A_627] {strides = array<i32>} : memref<5x4x8x128xf32, #tpu.memory_space<vmem>>, vector<16xf32>,
        tpu.vector_store %arg7[%parallel_loop3A_624, %parallel_loop3A_625, %parallel_loop3A_626, %parallel_loop3A_627], %parallel_loop3A_492 {strides = array<i32>} : memref<5x4x8x128xf32, #tpu.memory_space<vmem>>, vector<16xf32>,
        %parallel_loop3A_629 = arith.constant 3 : i32
        %parallel_loop3A_630 = arith.shrsi %parallel_loop3A_425, %parallel_loop3A_629 : i32
        %parallel_loop3A_631 = arith.constant 7 : i32
        %parallel_loop3A_632 = arith.andi %parallel_loop3A_425, %parallel_loop3A_631 : i32
        %parallel_loop3A_633 = arith.constant 1 : i32
        %parallel_loop3A_634 = arith.index_cast %parallel_loop3A_633 : i32 to index
        %parallel_loop3A_635 = arith.index_cast %parallel_loop3A_630 : i32 to index
        %parallel_loop3A_636 = arith.index_cast %parallel_loop3A_632 : i32 to index
        %parallel_loop3A_637 = arith.constant 32 : index
        %parallel_loop3A_638 = tpu.vector_load %arg7[%parallel_loop3A_634, %parallel_loop3A_635, %parallel_loop3A_636, %parallel_loop3A_637] {strides = array<i32>} : memref<5x4x8x128xf32, #tpu.memory_space<vmem>>, vector<16xf32>,
        tpu.vector_store %arg7[%parallel_loop3A_634, %parallel_loop3A_635, %parallel_loop3A_636, %parallel_loop3A_637], %parallel_loop3A_498 {strides = array<i32>} : memref<5x4x8x128xf32, #tpu.memory_space<vmem>>, vector<16xf32>,
        %parallel_loop3A_639 = arith.constant 3 : i32
        %parallel_loop3A_640 = arith.shrsi %parallel_loop3A_425, %parallel_loop3A_639 : i32
        %parallel_loop3A_641 = arith.constant 7 : i32
        %parallel_loop3A_642 = arith.andi %parallel_loop3A_425, %parallel_loop3A_641 : i32
        %parallel_loop3A_643 = arith.constant 1 : i32
        %parallel_loop3A_644 = arith.index_cast %parallel_loop3A_643 : i32 to index
        %parallel_loop3A_645 = arith.index_cast %parallel_loop3A_640 : i32 to index
        %parallel_loop3A_646 = arith.index_cast %parallel_loop3A_642 : i32 to index
        %parallel_loop3A_647 = arith.constant 48 : index
        %parallel_loop3A_648 = tpu.vector_load %arg7[%parallel_loop3A_644, %parallel_loop3A_645, %parallel_loop3A_646, %parallel_loop3A_647] {strides = array<i32>} : memref<5x4x8x128xf32, #tpu.memory_space<vmem>>, vector<16xf32>,
        tpu.vector_store %arg7[%parallel_loop3A_644, %parallel_loop3A_645, %parallel_loop3A_646, %parallel_loop3A_647], %parallel_loop3A_504 {strides = array<i32>} : memref<5x4x8x128xf32, #tpu.memory_space<vmem>>, vector<16xf32>,
        %parallel_loop3A_649 = arith.constant 3 : i32
        %parallel_loop3A_650 = arith.shrsi %parallel_loop3A_425, %parallel_loop3A_649 : i32
        %parallel_loop3A_651 = arith.constant 7 : i32
        %parallel_loop3A_652 = arith.andi %parallel_loop3A_425, %parallel_loop3A_651 : i32
        %parallel_loop3A_653 = arith.constant 1 : i32
        %parallel_loop3A_654 = arith.index_cast %parallel_loop3A_653 : i32 to index
        %parallel_loop3A_655 = arith.index_cast %parallel_loop3A_650 : i32 to index
        %parallel_loop3A_656 = arith.index_cast %parallel_loop3A_652 : i32 to index
        %parallel_loop3A_657 = arith.constant 64 : index
        %parallel_loop3A_658 = tpu.vector_load %arg7[%parallel_loop3A_654, %parallel_loop3A_655, %parallel_loop3A_656, %parallel_loop3A_657] {strides = array<i32>} : memref<5x4x8x128xf32, #tpu.memory_space<vmem>>, vector<16xf32>,
        tpu.vector_store %arg7[%parallel_loop3A_654, %parallel_loop3A_655, %parallel_loop3A_656, %parallel_loop3A_657], %parallel_loop3A_510 {strides = array<i32>} : memref<5x4x8x128xf32, #tpu.memory_space<vmem>>, vector<16xf32>,
        %parallel_loop3A_659 = arith.constant 3 : i32
        %parallel_loop3A_660 = arith.shrsi %parallel_loop3A_425, %parallel_loop3A_659 : i32
        %parallel_loop3A_661 = arith.constant 7 : i32
        %parallel_loop3A_662 = arith.andi %parallel_loop3A_425, %parallel_loop3A_661 : i32
        %parallel_loop3A_663 = arith.constant 1 : i32
        %parallel_loop3A_664 = arith.index_cast %parallel_loop3A_663 : i32 to index
        %parallel_loop3A_665 = arith.index_cast %parallel_loop3A_660 : i32 to index
        %parallel_loop3A_666 = arith.index_cast %parallel_loop3A_662 : i32 to index
        %parallel_loop3A_667 = arith.constant 80 : index
        %parallel_loop3A_668 = tpu.vector_load %arg7[%parallel_loop3A_664, %parallel_loop3A_665, %parallel_loop3A_666, %parallel_loop3A_667] {strides = array<i32>} : memref<5x4x8x128xf32, #tpu.memory_space<vmem>>, vector<16xf32>,
        tpu.vector_store %arg7[%parallel_loop3A_664, %parallel_loop3A_665, %parallel_loop3A_666, %parallel_loop3A_667], %parallel_loop3A_516 {strides = array<i32>} : memref<5x4x8x128xf32, #tpu.memory_space<vmem>>, vector<16xf32>,
        %parallel_loop3A_669 = arith.constant 3 : i32
        %parallel_loop3A_670 = arith.shrsi %parallel_loop3A_425, %parallel_loop3A_669 : i32
        %parallel_loop3A_671 = arith.constant 7 : i32
        %parallel_loop3A_672 = arith.andi %parallel_loop3A_425, %parallel_loop3A_671 : i32
        %parallel_loop3A_673 = arith.constant 1 : i32
        %parallel_loop3A_674 = arith.index_cast %parallel_loop3A_673 : i32 to index
        %parallel_loop3A_675 = arith.index_cast %parallel_loop3A_670 : i32 to index
        %parallel_loop3A_676 = arith.index_cast %parallel_loop3A_672 : i32 to index
        %parallel_loop3A_677 = arith.constant 96 : index
        %parallel_loop3A_678 = tpu.vector_load %arg7[%parallel_loop3A_674, %parallel_loop3A_675, %parallel_loop3A_676, %parallel_loop3A_677] {strides = array<i32>} : memref<5x4x8x128xf32, #tpu.memory_space<vmem>>, vector<16xf32>,
        tpu.vector_store %arg7[%parallel_loop3A_674, %parallel_loop3A_675, %parallel_loop3A_676, %parallel_loop3A_677], %parallel_loop3A_522 {strides = array<i32>} : memref<5x4x8x128xf32, #tpu.memory_space<vmem>>, vector<16xf32>,
        %parallel_loop3A_679 = arith.constant 3 : i32
        %parallel_loop3A_680 = arith.shrsi %parallel_loop3A_425, %parallel_loop3A_679 : i32
        %parallel_loop3A_681 = arith.constant 7 : i32
        %parallel_loop3A_682 = arith.andi %parallel_loop3A_425, %parallel_loop3A_681 : i32
        %parallel_loop3A_683 = arith.constant 1 : i32
        %parallel_loop3A_684 = arith.index_cast %parallel_loop3A_683 : i32 to index
        %parallel_loop3A_685 = arith.index_cast %parallel_loop3A_680 : i32 to index
        %parallel_loop3A_686 = arith.index_cast %parallel_loop3A_682 : i32 to index
        %parallel_loop3A_687 = arith.constant 112 : index
        %parallel_loop3A_688 = tpu.vector_load %arg7[%parallel_loop3A_684, %parallel_loop3A_685, %parallel_loop3A_686, %parallel_loop3A_687] {strides = array<i32>} : memref<5x4x8x128xf32, #tpu.memory_space<vmem>>, vector<16xf32>,
        tpu.vector_store %arg7[%parallel_loop3A_684, %parallel_loop3A_685, %parallel_loop3A_686, %parallel_loop3A_687], %parallel_loop3A_528 {strides = array<i32>} : memref<5x4x8x128xf32, #tpu.memory_space<vmem>>, vector<16xf32>,
      } {sc.loop_unroll_factor = 4 : i64, sc.parallel_access}
      %dma_start3A_197 = arith.constant 1 : i32
      %dma_start3A_198 = arith.constant 0 : i32
      %dma_start3A_199 = arith.constant 0 : i32
      %dma_start3A_200 = arith.constant 0 : i32
      %dma_start3A_201 = tpu.memref_slice %arg7[%dma_start3A_197, %dma_start3A_198, %dma_start3A_199, %dma_start3A_200] : memref<5x4x8x128xf32, #tpu.memory_space<vmem>> -> memref<1x4x8x128xf32, #tpu.memory_space<vmem>>
      %dma_start3A_202 = tpu.memref_squeeze %dma_start3A_201 : memref<1x4x8x128xf32, #tpu.memory_space<vmem>> -> memref<4x8x128xf32, #tpu.memory_space<vmem>>
      %dma_start3A_203 = arith.constant 0 : i32
      %dma_start3A_204 = arith.constant 0 : i32
      %dma_start3A_205 = arith.constant 0 : i32
      %dma_start3A_206 = tpu.memref_slice %arg4[%add3A_155, %dma_start3A_203, %add3A, %dma_start3A_204, %dma_start3A_205] : memref<200x4x32x8x128xf32, #tpu.memory_space<hbm>> -> memref<1x4x1x8x128xf32, #tpu.memory_space<hbm>>
      %dma_start3A_207 = tpu.memref_squeeze %dma_start3A_206 : memref<1x4x1x8x128xf32, #tpu.memory_space<hbm>> -> memref<4x8x128xf32, #tpu.memory_space<hbm>>
      %dma_start3A_208 = arith.constant 0 : i32
      %dma_start3A_209 = arith.constant 0 : i32
      %dma_start3A_210 = arith.constant 0 : i32
      %dma_start3A_211 = tpu.memref_slice %arg4[%add3A_155, %dma_start3A_208, %add3A, %dma_start3A_209, %dma_start3A_210] : memref<200x4x32x8x128xf32, #tpu.memory_space<hbm>> -> memref<1x4x1x8x128xf32, #tpu.memory_space<hbm>>
      %dma_start3A_212 = tpu.memref_squeeze %dma_start3A_211 : memref<1x4x1x8x128xf32, #tpu.memory_space<hbm>> -> memref<4x8x128xf32, #tpu.memory_space<hbm>>
      %dma_start3A_213 = arith.constant 0 : i32
      %dma_start3A_214 = arith.constant 0 : i32
      %dma_start3A_215 = arith.constant 0 : i32
      %dma_start3A_216 = tpu.memref_slice %arg7[%dma_start3A_197, %dma_start3A_213, %dma_start3A_214, %dma_start3A_215] : memref<5x4x8x128xf32, #tpu.memory_space<vmem>> -> memref<1x4x8x128xf32, #tpu.memory_space<vmem>>
      %dma_start3A_217 = tpu.memref_squeeze %dma_start3A_216 : memref<1x4x8x128xf32, #tpu.memory_space<vmem>> -> memref<4x8x128xf32, #tpu.memory_space<vmem>>
      tpu.enqueue_dma source(%dma_start3A_217 : memref<4x8x128xf32, #tpu.memory_space<vmem>>) target(%dma_start3A_212 : memref<4x8x128xf32, #tpu.memory_space<hbm>>) target_semaphore(%arg14 : memref<!tpu.dma_semaphore, #tpu.memory_space<semaphore_mem>>)
      %mul3A_218 = arith.constant 5 : i32
      %mul3A_219 = arith.muli %scan3A_93, %mul3A_218 : i32
      %add3A_220 = arith.constant 2 : i32
      %add3A_221 = arith.addi %mul3A_219, %add3A_220 : i32
      %add3A_222 = arith.constant 5 : i32
      %add3A_223 = arith.addi %add3A_221, %add3A_222 : i32
      %sub3A_224 = arith.constant 1 : i32
      %sub3A_225 = arith.subi %add3A_223, %sub3A_224 : i32
      %dma_wait3A_226 = arith.constant 1 : i32
      %dma_wait3A_227 = arith.constant 0 : i32
      %dma_wait3A_228 = arith.constant 0 : i32
      %dma_wait3A_229 = tpu.memref_slice %arg6[%dma_wait3A_226, %dma_wait3A_227, %dma_wait3A_228] : memref<5x128x32xf32, #tpu.memory_space<vmem>> -> memref<1x128x32xf32, #tpu.memory_space<vmem>>
      %dma_wait3A_230 = tpu.memref_squeeze %dma_wait3A_229 : memref<1x128x32xf32, #tpu.memory_space<vmem>> -> memref<128x32xf32, #tpu.memory_space<vmem>>
      %dma_wait3A_231 = arith.constant 0 : i32
      %dma_wait3A_232 = arith.constant 0 : i32
      %dma_wait3A_233 = tpu.memref_slice %arg3[%dma_wait3A_231, %dma_wait3A_232] : memref<1000000x32xf32, #tpu.memory_space<hbm>> -> memref<128x32xf32, #tpu.memory_space<hbm>>
      %dma_wait3A_234 = arith.constant 0 : i32
      %dma_wait3A_235 = arith.constant 0 : i32
      %dma_wait3A_236 = tpu.memref_slice %arg6[%dma_wait3A_226, %dma_wait3A_234, %dma_wait3A_235] : memref<5x128x32xf32, #tpu.memory_space<vmem>> -> memref<1x128x32xf32, #tpu.memory_space<vmem>>
      %dma_wait3A_237 = tpu.memref_squeeze %dma_wait3A_236 : memref<1x128x32xf32, #tpu.memory_space<vmem>> -> memref<128x32xf32, #tpu.memory_space<vmem>>
      %dma_wait3A_238 = arith.constant 0 : i32
      %dma_wait3A_239 = arith.constant 0 : i32
      %dma_wait3A_240 = tpu.memref_slice %arg3[%dma_wait3A_238, %dma_wait3A_239] : memref<1000000x32xf32, #tpu.memory_space<hbm>> -> memref<128x32xf32, #tpu.memory_space<hbm>>
      tpu.wait_dma2 semaphore(%arg14 : memref<!tpu.dma_semaphore, #tpu.memory_space<semaphore_mem>>) src(%dma_wait3A_240 : memref<128x32xf32, #tpu.memory_space<hbm>>) dst(%dma_wait3A_237 : memref<128x32xf32, #tpu.memory_space<vmem>>)
      %lt3A_241 = arith.constant 200 : i32
      %lt3A_242 = arith.cmpi slt, %sub3A_225, %lt3A_241 : i32
      %convert_element_type3A_243 = arith.extui %lt3A_242 : i1 to i32
      %cond3A_244 = arith.constant 0 : i32
      %cond3A_245 = arith.cmpi ne, %convert_element_type3A_243, %cond3A_244 : i32
      scf.if %cond3A_245 {
        %dma_start3A_419 = arith.constant 1 : i32
        %dma_start3A_420 = arith.constant 0 : i32
        %dma_start3A_421 = arith.constant 0 : i32
        %dma_start3A_422 = tpu.memref_slice %arg6[%dma_start3A_419, %dma_start3A_420, %dma_start3A_421] : memref<5x128x32xf32, #tpu.memory_space<vmem>> -> memref<1x128x32xf32, #tpu.memory_space<vmem>>
        %dma_start3A_423 = tpu.memref_squeeze %dma_start3A_422 : memref<1x128x32xf32, #tpu.memory_space<vmem>> -> memref<128x32xf32, #tpu.memory_space<vmem>>
        %dma_start3A_424 = arith.constant 0 : i32
        %dma_start3A_425 = tpu.memref_slice %arg5[%sub3A_225, %dma_start3A_424] : memref<200x128xi32, #tpu.memory_space<vmem>> -> memref<1x128xi32, #tpu.memory_space<vmem>>
        %dma_start3A_426 = tpu.memref_squeeze %dma_start3A_425 : memref<1x128xi32, #tpu.memory_space<vmem>> -> memref<128xi32, #tpu.memory_space<vmem>>
        %dma_start3A_427 = arith.constant 0 : i32
        %dma_start3A_428 = arith.constant 0 : i32
        %dma_start3A_429 = tpu.memref_slice %arg3[%dma_start3A_427, %dma_start3A_428] : memref<1000000x32xf32, #tpu.memory_space<hbm>> -> memref<1000000x32xf32, #tpu.memory_space<hbm>>
        tpu.enqueue_indirect_dma source(%dma_start3A_429 : memref<1000000x32xf32, #tpu.memory_space<hbm>>) target(%dma_start3A_423 : memref<128x32xf32, #tpu.memory_space<vmem>>) offsets(%dma_start3A_426 : memref<128xi32, #tpu.memory_space<vmem>>) semaphore(%arg9 : memref<!tpu.dma_semaphore, #tpu.memory_space<semaphore_mem>>)
      } else {
      }
      %dma_wait3A_246 = arith.constant 2 : i32
      %dma_wait3A_247 = arith.constant 0 : i32
      %dma_wait3A_248 = arith.constant 0 : i32
      %dma_wait3A_249 = tpu.memref_slice %arg6[%dma_wait3A_246, %dma_wait3A_247, %dma_wait3A_248] : memref<5x128x32xf32, #tpu.memory_space<vmem>> -> memref<1x128x32xf32, #tpu.memory_space<vmem>>
      %dma_wait3A_250 = tpu.memref_squeeze %dma_wait3A_249 : memref<1x128x32xf32, #tpu.memory_space<vmem>> -> memref<128x32xf32, #tpu.memory_space<vmem>>
      %dma_wait3A_251 = arith.constant 0 : i32
      %dma_wait3A_252 = arith.constant 0 : i32
      %dma_wait3A_253 = tpu.memref_slice %arg3[%dma_wait3A_251, %dma_wait3A_252] : memref<1000000x32xf32, #tpu.memory_space<hbm>> -> memref<128x32xf32, #tpu.memory_space<hbm>>
      %dma_wait3A_254 = arith.constant 0 : i32
      %dma_wait3A_255 = arith.constant 0 : i32
      %dma_wait3A_256 = tpu.memref_slice %arg6[%dma_wait3A_246, %dma_wait3A_254, %dma_wait3A_255] : memref<5x128x32xf32, #tpu.memory_space<vmem>> -> memref<1x128x32xf32, #tpu.memory_space<vmem>>
      %dma_wait3A_257 = tpu.memref_squeeze %dma_wait3A_256 : memref<1x128x32xf32, #tpu.memory_space<vmem>> -> memref<128x32xf32, #tpu.memory_space<vmem>>
      %dma_wait3A_258 = arith.constant 0 : i32
      %dma_wait3A_259 = arith.constant 0 : i32
      %dma_wait3A_260 = tpu.memref_slice %arg3[%dma_wait3A_258, %dma_wait3A_259] : memref<1000000x32xf32, #tpu.memory_space<hbm>> -> memref<128x32xf32, #tpu.memory_space<hbm>>
      tpu.wait_dma2 semaphore(%arg10 : memref<!tpu.dma_semaphore, #tpu.memory_space<semaphore_mem>>) src(%dma_wait3A_260 : memref<128x32xf32, #tpu.memory_space<hbm>>) dst(%dma_wait3A_257 : memref<128x32xf32, #tpu.memory_space<vmem>>)
      %parallel_loop3A_261 = arith.constant 0 : i32
      %parallel_loop3A_262 = arith.constant 16 : i32
      %parallel_loop3A_263 = arith.constant 1 : i32
      scf.for %parallel_loop3A_419 = %parallel_loop3A_261 to %parallel_loop3A_262 step %parallel_loop3A_263  : i32 {
        %parallel_loop3A_420 = arith.constant 2 : i32
        %parallel_loop3A_421 = arith.muli %parallel_loop3A_420, %parallel_loop3A_419 : i32
        %parallel_loop3A_422 = arith.constant 2 : i32
        %parallel_loop3A_423 = arith.muli %parallel_loop3A_422, %parallel_loop3A_419 : i32
        %parallel_loop3A_424 = arith.constant 1 : i32
        %parallel_loop3A_425 = arith.addi %parallel_loop3A_423, %parallel_loop3A_424 : i32
        %parallel_loop3A_426 = arith.constant 0 : i32
        %parallel_loop3A_427 = vector.broadcast %parallel_loop3A_426 : i32 to vector<16xi32>
        %parallel_loop3A_428 = vector.broadcast %parallel_loop3A_421 : i32 to vector<16xi32>
        %parallel_loop3A_429 = arith.addi %parallel_loop3A_427, %parallel_loop3A_428 : vector<16xi32>
        %parallel_loop3A_430 = arith.constant 1 : i32
        %parallel_loop3A_431 = vector.broadcast %parallel_loop3A_430 : i32 to vector<16xi32>
        %parallel_loop3A_432 = arith.addi %parallel_loop3A_429, %parallel_loop3A_431 : vector<16xi32>
        %parallel_loop3A_433 = arith.constant 2 : i32
        %parallel_loop3A_434 = arith.constant 0 : i32
        %parallel_loop3A_435 = arith.constant 0 : i32
        %parallel_loop3A_436 = tpu.memref_slice %arg6[%parallel_loop3A_433, %parallel_loop3A_434, %parallel_loop3A_435] : memref<5x128x32xf32, #tpu.memory_space<vmem>> -> memref<1x128x32xf32, #tpu.memory_space<vmem>>
        %parallel_loop3A_437 = tpu.memref_squeeze %parallel_loop3A_436 : memref<1x128x32xf32, #tpu.memory_space<vmem>> -> memref<128x32xf32, #tpu.memory_space<vmem>>
        %parallel_loop3A_438 = tpu.vector_load_idx %parallel_loop3A_437[%add3A_5, %parallel_loop3A_429] : memref<128x32xf32, #tpu.memory_space<vmem>>[vector<16xi32>, vector<16xi32>], vector<16xf32>,
        %parallel_loop3A_439 = arith.constant 2 : i32
        %parallel_loop3A_440 = arith.constant 0 : i32
        %parallel_loop3A_441 = arith.constant 0 : i32
        %parallel_loop3A_442 = tpu.memref_slice %arg6[%parallel_loop3A_439, %parallel_loop3A_440, %parallel_loop3A_441] : memref<5x128x32xf32, #tpu.memory_space<vmem>> -> memref<1x128x32xf32, #tpu.memory_space<vmem>>
        %parallel_loop3A_443 = tpu.memref_squeeze %parallel_loop3A_442 : memref<1x128x32xf32, #tpu.memory_space<vmem>> -> memref<128x32xf32, #tpu.memory_space<vmem>>
        %parallel_loop3A_444 = tpu.vector_load_idx %parallel_loop3A_443[%add3A_8, %parallel_loop3A_429] : memref<128x32xf32, #tpu.memory_space<vmem>>[vector<16xi32>, vector<16xi32>], vector<16xf32>,
        %parallel_loop3A_445 = arith.constant 2 : i32
        %parallel_loop3A_446 = arith.constant 0 : i32
        %parallel_loop3A_447 = arith.constant 0 : i32
        %parallel_loop3A_448 = tpu.memref_slice %arg6[%parallel_loop3A_445, %parallel_loop3A_446, %parallel_loop3A_447] : memref<5x128x32xf32, #tpu.memory_space<vmem>> -> memref<1x128x32xf32, #tpu.memory_space<vmem>>
        %parallel_loop3A_449 = tpu.memref_squeeze %parallel_loop3A_448 : memref<1x128x32xf32, #tpu.memory_space<vmem>> -> memref<128x32xf32, #tpu.memory_space<vmem>>
        %parallel_loop3A_450 = tpu.vector_load_idx %parallel_loop3A_449[%add3A_11, %parallel_loop3A_429] : memref<128x32xf32, #tpu.memory_space<vmem>>[vector<16xi32>, vector<16xi32>], vector<16xf32>,
        %parallel_loop3A_451 = arith.constant 2 : i32
        %parallel_loop3A_452 = arith.constant 0 : i32
        %parallel_loop3A_453 = arith.constant 0 : i32
        %parallel_loop3A_454 = tpu.memref_slice %arg6[%parallel_loop3A_451, %parallel_loop3A_452, %parallel_loop3A_453] : memref<5x128x32xf32, #tpu.memory_space<vmem>> -> memref<1x128x32xf32, #tpu.memory_space<vmem>>
        %parallel_loop3A_455 = tpu.memref_squeeze %parallel_loop3A_454 : memref<1x128x32xf32, #tpu.memory_space<vmem>> -> memref<128x32xf32, #tpu.memory_space<vmem>>
        %parallel_loop3A_456 = tpu.vector_load_idx %parallel_loop3A_455[%add3A_14, %parallel_loop3A_429] : memref<128x32xf32, #tpu.memory_space<vmem>>[vector<16xi32>, vector<16xi32>], vector<16xf32>,
        %parallel_loop3A_457 = arith.constant 2 : i32
        %parallel_loop3A_458 = arith.constant 0 : i32
        %parallel_loop3A_459 = arith.constant 0 : i32
        %parallel_loop3A_460 = tpu.memref_slice %arg6[%parallel_loop3A_457, %parallel_loop3A_458, %parallel_loop3A_459] : memref<5x128x32xf32, #tpu.memory_space<vmem>> -> memref<1x128x32xf32, #tpu.memory_space<vmem>>
        %parallel_loop3A_461 = tpu.memref_squeeze %parallel_loop3A_460 : memref<1x128x32xf32, #tpu.memory_space<vmem>> -> memref<128x32xf32, #tpu.memory_space<vmem>>
        %parallel_loop3A_462 = tpu.vector_load_idx %parallel_loop3A_461[%add3A_17, %parallel_loop3A_429] : memref<128x32xf32, #tpu.memory_space<vmem>>[vector<16xi32>, vector<16xi32>], vector<16xf32>,
        %parallel_loop3A_463 = arith.constant 2 : i32
        %parallel_loop3A_464 = arith.constant 0 : i32
        %parallel_loop3A_465 = arith.constant 0 : i32
        %parallel_loop3A_466 = tpu.memref_slice %arg6[%parallel_loop3A_463, %parallel_loop3A_464, %parallel_loop3A_465] : memref<5x128x32xf32, #tpu.memory_space<vmem>> -> memref<1x128x32xf32, #tpu.memory_space<vmem>>
        %parallel_loop3A_467 = tpu.memref_squeeze %parallel_loop3A_466 : memref<1x128x32xf32, #tpu.memory_space<vmem>> -> memref<128x32xf32, #tpu.memory_space<vmem>>
        %parallel_loop3A_468 = tpu.vector_load_idx %parallel_loop3A_467[%add3A_20, %parallel_loop3A_429] : memref<128x32xf32, #tpu.memory_space<vmem>>[vector<16xi32>, vector<16xi32>], vector<16xf32>,
        %parallel_loop3A_469 = arith.constant 2 : i32
        %parallel_loop3A_470 = arith.constant 0 : i32
        %parallel_loop3A_471 = arith.constant 0 : i32
        %parallel_loop3A_472 = tpu.memref_slice %arg6[%parallel_loop3A_469, %parallel_loop3A_470, %parallel_loop3A_471] : memref<5x128x32xf32, #tpu.memory_space<vmem>> -> memref<1x128x32xf32, #tpu.memory_space<vmem>>
        %parallel_loop3A_473 = tpu.memref_squeeze %parallel_loop3A_472 : memref<1x128x32xf32, #tpu.memory_space<vmem>> -> memref<128x32xf32, #tpu.memory_space<vmem>>
        %parallel_loop3A_474 = tpu.vector_load_idx %parallel_loop3A_473[%add3A_23, %parallel_loop3A_429] : memref<128x32xf32, #tpu.memory_space<vmem>>[vector<16xi32>, vector<16xi32>], vector<16xf32>,
        %parallel_loop3A_475 = arith.constant 2 : i32
        %parallel_loop3A_476 = arith.constant 0 : i32
        %parallel_loop3A_477 = arith.constant 0 : i32
        %parallel_loop3A_478 = tpu.memref_slice %arg6[%parallel_loop3A_475, %parallel_loop3A_476, %parallel_loop3A_477] : memref<5x128x32xf32, #tpu.memory_space<vmem>> -> memref<1x128x32xf32, #tpu.memory_space<vmem>>
        %parallel_loop3A_479 = tpu.memref_squeeze %parallel_loop3A_478 : memref<1x128x32xf32, #tpu.memory_space<vmem>> -> memref<128x32xf32, #tpu.memory_space<vmem>>
        %parallel_loop3A_480 = tpu.vector_load_idx %parallel_loop3A_479[%add3A_26, %parallel_loop3A_429] : memref<128x32xf32, #tpu.memory_space<vmem>>[vector<16xi32>, vector<16xi32>], vector<16xf32>,
        %parallel_loop3A_481 = arith.constant 2 : i32
        %parallel_loop3A_482 = arith.constant 0 : i32
        %parallel_loop3A_483 = arith.constant 0 : i32
        %parallel_loop3A_484 = tpu.memref_slice %arg6[%parallel_loop3A_481, %parallel_loop3A_482, %parallel_loop3A_483] : memref<5x128x32xf32, #tpu.memory_space<vmem>> -> memref<1x128x32xf32, #tpu.memory_space<vmem>>
        %parallel_loop3A_485 = tpu.memref_squeeze %parallel_loop3A_484 : memref<1x128x32xf32, #tpu.memory_space<vmem>> -> memref<128x32xf32, #tpu.memory_space<vmem>>
        %parallel_loop3A_486 = tpu.vector_load_idx %parallel_loop3A_485[%add3A_5, %parallel_loop3A_432] : memref<128x32xf32, #tpu.memory_space<vmem>>[vector<16xi32>, vector<16xi32>], vector<16xf32>,
        %parallel_loop3A_487 = arith.constant 2 : i32
        %parallel_loop3A_488 = arith.constant 0 : i32
        %parallel_loop3A_489 = arith.constant 0 : i32
        %parallel_loop3A_490 = tpu.memref_slice %arg6[%parallel_loop3A_487, %parallel_loop3A_488, %parallel_loop3A_489] : memref<5x128x32xf32, #tpu.memory_space<vmem>> -> memref<1x128x32xf32, #tpu.memory_space<vmem>>
        %parallel_loop3A_491 = tpu.memref_squeeze %parallel_loop3A_490 : memref<1x128x32xf32, #tpu.memory_space<vmem>> -> memref<128x32xf32, #tpu.memory_space<vmem>>
        %parallel_loop3A_492 = tpu.vector_load_idx %parallel_loop3A_491[%add3A_8, %parallel_loop3A_432] : memref<128x32xf32, #tpu.memory_space<vmem>>[vector<16xi32>, vector<16xi32>], vector<16xf32>,
        %parallel_loop3A_493 = arith.constant 2 : i32
        %parallel_loop3A_494 = arith.constant 0 : i32
        %parallel_loop3A_495 = arith.constant 0 : i32
        %parallel_loop3A_496 = tpu.memref_slice %arg6[%parallel_loop3A_493, %parallel_loop3A_494, %parallel_loop3A_495] : memref<5x128x32xf32, #tpu.memory_space<vmem>> -> memref<1x128x32xf32, #tpu.memory_space<vmem>>
        %parallel_loop3A_497 = tpu.memref_squeeze %parallel_loop3A_496 : memref<1x128x32xf32, #tpu.memory_space<vmem>> -> memref<128x32xf32, #tpu.memory_space<vmem>>
        %parallel_loop3A_498 = tpu.vector_load_idx %parallel_loop3A_497[%add3A_11, %parallel_loop3A_432] : memref<128x32xf32, #tpu.memory_space<vmem>>[vector<16xi32>, vector<16xi32>], vector<16xf32>,
        %parallel_loop3A_499 = arith.constant 2 : i32
        %parallel_loop3A_500 = arith.constant 0 : i32
        %parallel_loop3A_501 = arith.constant 0 : i32
        %parallel_loop3A_502 = tpu.memref_slice %arg6[%parallel_loop3A_499, %parallel_loop3A_500, %parallel_loop3A_501] : memref<5x128x32xf32, #tpu.memory_space<vmem>> -> memref<1x128x32xf32, #tpu.memory_space<vmem>>
        %parallel_loop3A_503 = tpu.memref_squeeze %parallel_loop3A_502 : memref<1x128x32xf32, #tpu.memory_space<vmem>> -> memref<128x32xf32, #tpu.memory_space<vmem>>
        %parallel_loop3A_504 = tpu.vector_load_idx %parallel_loop3A_503[%add3A_14, %parallel_loop3A_432] : memref<128x32xf32, #tpu.memory_space<vmem>>[vector<16xi32>, vector<16xi32>], vector<16xf32>,
        %parallel_loop3A_505 = arith.constant 2 : i32
        %parallel_loop3A_506 = arith.constant 0 : i32
        %parallel_loop3A_507 = arith.constant 0 : i32
        %parallel_loop3A_508 = tpu.memref_slice %arg6[%parallel_loop3A_505, %parallel_loop3A_506, %parallel_loop3A_507] : memref<5x128x32xf32, #tpu.memory_space<vmem>> -> memref<1x128x32xf32, #tpu.memory_space<vmem>>
        %parallel_loop3A_509 = tpu.memref_squeeze %parallel_loop3A_508 : memref<1x128x32xf32, #tpu.memory_space<vmem>> -> memref<128x32xf32, #tpu.memory_space<vmem>>
        %parallel_loop3A_510 = tpu.vector_load_idx %parallel_loop3A_509[%add3A_17, %parallel_loop3A_432] : memref<128x32xf32, #tpu.memory_space<vmem>>[vector<16xi32>, vector<16xi32>], vector<16xf32>,
        %parallel_loop3A_511 = arith.constant 2 : i32
        %parallel_loop3A_512 = arith.constant 0 : i32
        %parallel_loop3A_513 = arith.constant 0 : i32
        %parallel_loop3A_514 = tpu.memref_slice %arg6[%parallel_loop3A_511, %parallel_loop3A_512, %parallel_loop3A_513] : memref<5x128x32xf32, #tpu.memory_space<vmem>> -> memref<1x128x32xf32, #tpu.memory_space<vmem>>
        %parallel_loop3A_515 = tpu.memref_squeeze %parallel_loop3A_514 : memref<1x128x32xf32, #tpu.memory_space<vmem>> -> memref<128x32xf32, #tpu.memory_space<vmem>>
        %parallel_loop3A_516 = tpu.vector_load_idx %parallel_loop3A_515[%add3A_20, %parallel_loop3A_432] : memref<128x32xf32, #tpu.memory_space<vmem>>[vector<16xi32>, vector<16xi32>], vector<16xf32>,
        %parallel_loop3A_517 = arith.constant 2 : i32
        %parallel_loop3A_518 = arith.constant 0 : i32
        %parallel_loop3A_519 = arith.constant 0 : i32
        %parallel_loop3A_520 = tpu.memref_slice %arg6[%parallel_loop3A_517, %parallel_loop3A_518, %parallel_loop3A_519] : memref<5x128x32xf32, #tpu.memory_space<vmem>> -> memref<1x128x32xf32, #tpu.memory_space<vmem>>
        %parallel_loop3A_521 = tpu.memref_squeeze %parallel_loop3A_520 : memref<1x128x32xf32, #tpu.memory_space<vmem>> -> memref<128x32xf32, #tpu.memory_space<vmem>>
        %parallel_loop3A_522 = tpu.vector_load_idx %parallel_loop3A_521[%add3A_23, %parallel_loop3A_432] : memref<128x32xf32, #tpu.memory_space<vmem>>[vector<16xi32>, vector<16xi32>], vector<16xf32>,
        %parallel_loop3A_523 = arith.constant 2 : i32
        %parallel_loop3A_524 = arith.constant 0 : i32
        %parallel_loop3A_525 = arith.constant 0 : i32
        %parallel_loop3A_526 = tpu.memref_slice %arg6[%parallel_loop3A_523, %parallel_loop3A_524, %parallel_loop3A_525] : memref<5x128x32xf32, #tpu.memory_space<vmem>> -> memref<1x128x32xf32, #tpu.memory_space<vmem>>
        %parallel_loop3A_527 = tpu.memref_squeeze %parallel_loop3A_526 : memref<1x128x32xf32, #tpu.memory_space<vmem>> -> memref<128x32xf32, #tpu.memory_space<vmem>>
        %parallel_loop3A_528 = tpu.vector_load_idx %parallel_loop3A_527[%add3A_26, %parallel_loop3A_432] : memref<128x32xf32, #tpu.memory_space<vmem>>[vector<16xi32>, vector<16xi32>], vector<16xf32>,
        %parallel_loop3A_529 = arith.constant 3 : i32
        %parallel_loop3A_530 = arith.shrsi %parallel_loop3A_421, %parallel_loop3A_529 : i32
        %parallel_loop3A_531 = arith.constant 7 : i32
        %parallel_loop3A_532 = arith.andi %parallel_loop3A_421, %parallel_loop3A_531 : i32
        %parallel_loop3A_533 = arith.constant 2 : i32
        %parallel_loop3A_534 = arith.index_cast %parallel_loop3A_533 : i32 to index
        %parallel_loop3A_535 = arith.index_cast %parallel_loop3A_530 : i32 to index
        %parallel_loop3A_536 = arith.index_cast %parallel_loop3A_532 : i32 to index
        %parallel_loop3A_537 = arith.constant 0 : index
        %parallel_loop3A_538 = tpu.vector_load %arg7[%parallel_loop3A_534, %parallel_loop3A_535, %parallel_loop3A_536, %parallel_loop3A_537] {strides = array<i32>} : memref<5x4x8x128xf32, #tpu.memory_space<vmem>>, vector<16xf32>,
        tpu.vector_store %arg7[%parallel_loop3A_534, %parallel_loop3A_535, %parallel_loop3A_536, %parallel_loop3A_537], %parallel_loop3A_438 {strides = array<i32>} : memref<5x4x8x128xf32, #tpu.memory_space<vmem>>, vector<16xf32>,
        %parallel_loop3A_539 = arith.constant 3 : i32
        %parallel_loop3A_540 = arith.shrsi %parallel_loop3A_421, %parallel_loop3A_539 : i32
        %parallel_loop3A_541 = arith.constant 7 : i32
        %parallel_loop3A_542 = arith.andi %parallel_loop3A_421, %parallel_loop3A_541 : i32
        %parallel_loop3A_543 = arith.constant 2 : i32
        %parallel_loop3A_544 = arith.index_cast %parallel_loop3A_543 : i32 to index
        %parallel_loop3A_545 = arith.index_cast %parallel_loop3A_540 : i32 to index
        %parallel_loop3A_546 = arith.index_cast %parallel_loop3A_542 : i32 to index
        %parallel_loop3A_547 = arith.constant 16 : index
        %parallel_loop3A_548 = tpu.vector_load %arg7[%parallel_loop3A_544, %parallel_loop3A_545, %parallel_loop3A_546, %parallel_loop3A_547] {strides = array<i32>} : memref<5x4x8x128xf32, #tpu.memory_space<vmem>>, vector<16xf32>,
        tpu.vector_store %arg7[%parallel_loop3A_544, %parallel_loop3A_545, %parallel_loop3A_546, %parallel_loop3A_547], %parallel_loop3A_444 {strides = array<i32>} : memref<5x4x8x128xf32, #tpu.memory_space<vmem>>, vector<16xf32>,
        %parallel_loop3A_549 = arith.constant 3 : i32
        %parallel_loop3A_550 = arith.shrsi %parallel_loop3A_421, %parallel_loop3A_549 : i32
        %parallel_loop3A_551 = arith.constant 7 : i32
        %parallel_loop3A_552 = arith.andi %parallel_loop3A_421, %parallel_loop3A_551 : i32
        %parallel_loop3A_553 = arith.constant 2 : i32
        %parallel_loop3A_554 = arith.index_cast %parallel_loop3A_553 : i32 to index
        %parallel_loop3A_555 = arith.index_cast %parallel_loop3A_550 : i32 to index
        %parallel_loop3A_556 = arith.index_cast %parallel_loop3A_552 : i32 to index
        %parallel_loop3A_557 = arith.constant 32 : index
        %parallel_loop3A_558 = tpu.vector_load %arg7[%parallel_loop3A_554, %parallel_loop3A_555, %parallel_loop3A_556, %parallel_loop3A_557] {strides = array<i32>} : memref<5x4x8x128xf32, #tpu.memory_space<vmem>>, vector<16xf32>,
        tpu.vector_store %arg7[%parallel_loop3A_554, %parallel_loop3A_555, %parallel_loop3A_556, %parallel_loop3A_557], %parallel_loop3A_450 {strides = array<i32>} : memref<5x4x8x128xf32, #tpu.memory_space<vmem>>, vector<16xf32>,
        %parallel_loop3A_559 = arith.constant 3 : i32
        %parallel_loop3A_560 = arith.shrsi %parallel_loop3A_421, %parallel_loop3A_559 : i32
        %parallel_loop3A_561 = arith.constant 7 : i32
        %parallel_loop3A_562 = arith.andi %parallel_loop3A_421, %parallel_loop3A_561 : i32
        %parallel_loop3A_563 = arith.constant 2 : i32
        %parallel_loop3A_564 = arith.index_cast %parallel_loop3A_563 : i32 to index
        %parallel_loop3A_565 = arith.index_cast %parallel_loop3A_560 : i32 to index
        %parallel_loop3A_566 = arith.index_cast %parallel_loop3A_562 : i32 to index
        %parallel_loop3A_567 = arith.constant 48 : index
        %parallel_loop3A_568 = tpu.vector_load %arg7[%parallel_loop3A_564, %parallel_loop3A_565, %parallel_loop3A_566, %parallel_loop3A_567] {strides = array<i32>} : memref<5x4x8x128xf32, #tpu.memory_space<vmem>>, vector<16xf32>,
        tpu.vector_store %arg7[%parallel_loop3A_564, %parallel_loop3A_565, %parallel_loop3A_566, %parallel_loop3A_567], %parallel_loop3A_456 {strides = array<i32>} : memref<5x4x8x128xf32, #tpu.memory_space<vmem>>, vector<16xf32>,
        %parallel_loop3A_569 = arith.constant 3 : i32
        %parallel_loop3A_570 = arith.shrsi %parallel_loop3A_421, %parallel_loop3A_569 : i32
        %parallel_loop3A_571 = arith.constant 7 : i32
        %parallel_loop3A_572 = arith.andi %parallel_loop3A_421, %parallel_loop3A_571 : i32
        %parallel_loop3A_573 = arith.constant 2 : i32
        %parallel_loop3A_574 = arith.index_cast %parallel_loop3A_573 : i32 to index
        %parallel_loop3A_575 = arith.index_cast %parallel_loop3A_570 : i32 to index
        %parallel_loop3A_576 = arith.index_cast %parallel_loop3A_572 : i32 to index
        %parallel_loop3A_577 = arith.constant 64 : index
        %parallel_loop3A_578 = tpu.vector_load %arg7[%parallel_loop3A_574, %parallel_loop3A_575, %parallel_loop3A_576, %parallel_loop3A_577] {strides = array<i32>} : memref<5x4x8x128xf32, #tpu.memory_space<vmem>>, vector<16xf32>,
        tpu.vector_store %arg7[%parallel_loop3A_574, %parallel_loop3A_575, %parallel_loop3A_576, %parallel_loop3A_577], %parallel_loop3A_462 {strides = array<i32>} : memref<5x4x8x128xf32, #tpu.memory_space<vmem>>, vector<16xf32>,
        %parallel_loop3A_579 = arith.constant 3 : i32
        %parallel_loop3A_580 = arith.shrsi %parallel_loop3A_421, %parallel_loop3A_579 : i32
        %parallel_loop3A_581 = arith.constant 7 : i32
        %parallel_loop3A_582 = arith.andi %parallel_loop3A_421, %parallel_loop3A_581 : i32
        %parallel_loop3A_583 = arith.constant 2 : i32
        %parallel_loop3A_584 = arith.index_cast %parallel_loop3A_583 : i32 to index
        %parallel_loop3A_585 = arith.index_cast %parallel_loop3A_580 : i32 to index
        %parallel_loop3A_586 = arith.index_cast %parallel_loop3A_582 : i32 to index
        %parallel_loop3A_587 = arith.constant 80 : index
        %parallel_loop3A_588 = tpu.vector_load %arg7[%parallel_loop3A_584, %parallel_loop3A_585, %parallel_loop3A_586, %parallel_loop3A_587] {strides = array<i32>} : memref<5x4x8x128xf32, #tpu.memory_space<vmem>>, vector<16xf32>,
        tpu.vector_store %arg7[%parallel_loop3A_584, %parallel_loop3A_585, %parallel_loop3A_586, %parallel_loop3A_587], %parallel_loop3A_468 {strides = array<i32>} : memref<5x4x8x128xf32, #tpu.memory_space<vmem>>, vector<16xf32>,
        %parallel_loop3A_589 = arith.constant 3 : i32
        %parallel_loop3A_590 = arith.shrsi %parallel_loop3A_421, %parallel_loop3A_589 : i32
        %parallel_loop3A_591 = arith.constant 7 : i32
        %parallel_loop3A_592 = arith.andi %parallel_loop3A_421, %parallel_loop3A_591 : i32
        %parallel_loop3A_593 = arith.constant 2 : i32
        %parallel_loop3A_594 = arith.index_cast %parallel_loop3A_593 : i32 to index
        %parallel_loop3A_595 = arith.index_cast %parallel_loop3A_590 : i32 to index
        %parallel_loop3A_596 = arith.index_cast %parallel_loop3A_592 : i32 to index
        %parallel_loop3A_597 = arith.constant 96 : index
        %parallel_loop3A_598 = tpu.vector_load %arg7[%parallel_loop3A_594, %parallel_loop3A_595, %parallel_loop3A_596, %parallel_loop3A_597] {strides = array<i32>} : memref<5x4x8x128xf32, #tpu.memory_space<vmem>>, vector<16xf32>,
        tpu.vector_store %arg7[%parallel_loop3A_594, %parallel_loop3A_595, %parallel_loop3A_596, %parallel_loop3A_597], %parallel_loop3A_474 {strides = array<i32>} : memref<5x4x8x128xf32, #tpu.memory_space<vmem>>, vector<16xf32>,
        %parallel_loop3A_599 = arith.constant 3 : i32
        %parallel_loop3A_600 = arith.shrsi %parallel_loop3A_421, %parallel_loop3A_599 : i32
        %parallel_loop3A_601 = arith.constant 7 : i32
        %parallel_loop3A_602 = arith.andi %parallel_loop3A_421, %parallel_loop3A_601 : i32
        %parallel_loop3A_603 = arith.constant 2 : i32
        %parallel_loop3A_604 = arith.index_cast %parallel_loop3A_603 : i32 to index
        %parallel_loop3A_605 = arith.index_cast %parallel_loop3A_600 : i32 to index
        %parallel_loop3A_606 = arith.index_cast %parallel_loop3A_602 : i32 to index
        %parallel_loop3A_607 = arith.constant 112 : index
        %parallel_loop3A_608 = tpu.vector_load %arg7[%parallel_loop3A_604, %parallel_loop3A_605, %parallel_loop3A_606, %parallel_loop3A_607] {strides = array<i32>} : memref<5x4x8x128xf32, #tpu.memory_space<vmem>>, vector<16xf32>,
        tpu.vector_store %arg7[%parallel_loop3A_604, %parallel_loop3A_605, %parallel_loop3A_606, %parallel_loop3A_607], %parallel_loop3A_480 {strides = array<i32>} : memref<5x4x8x128xf32, #tpu.memory_space<vmem>>, vector<16xf32>,
        %parallel_loop3A_609 = arith.constant 3 : i32
        %parallel_loop3A_610 = arith.shrsi %parallel_loop3A_425, %parallel_loop3A_609 : i32
        %parallel_loop3A_611 = arith.constant 7 : i32
        %parallel_loop3A_612 = arith.andi %parallel_loop3A_425, %parallel_loop3A_611 : i32
        %parallel_loop3A_613 = arith.constant 2 : i32
        %parallel_loop3A_614 = arith.index_cast %parallel_loop3A_613 : i32 to index
        %parallel_loop3A_615 = arith.index_cast %parallel_loop3A_610 : i32 to index
        %parallel_loop3A_616 = arith.index_cast %parallel_loop3A_612 : i32 to index
        %parallel_loop3A_617 = arith.constant 0 : index
        %parallel_loop3A_618 = tpu.vector_load %arg7[%parallel_loop3A_614, %parallel_loop3A_615, %parallel_loop3A_616, %parallel_loop3A_617] {strides = array<i32>} : memref<5x4x8x128xf32, #tpu.memory_space<vmem>>, vector<16xf32>,
        tpu.vector_store %arg7[%parallel_loop3A_614, %parallel_loop3A_615, %parallel_loop3A_616, %parallel_loop3A_617], %parallel_loop3A_486 {strides = array<i32>} : memref<5x4x8x128xf32, #tpu.memory_space<vmem>>, vector<16xf32>,
        %parallel_loop3A_619 = arith.constant 3 : i32
        %parallel_loop3A_620 = arith.shrsi %parallel_loop3A_425, %parallel_loop3A_619 : i32
        %parallel_loop3A_621 = arith.constant 7 : i32
        %parallel_loop3A_622 = arith.andi %parallel_loop3A_425, %parallel_loop3A_621 : i32
        %parallel_loop3A_623 = arith.constant 2 : i32
        %parallel_loop3A_624 = arith.index_cast %parallel_loop3A_623 : i32 to index
        %parallel_loop3A_625 = arith.index_cast %parallel_loop3A_620 : i32 to index
        %parallel_loop3A_626 = arith.index_cast %parallel_loop3A_622 : i32 to index
        %parallel_loop3A_627 = arith.constant 16 : index
        %parallel_loop3A_628 = tpu.vector_load %arg7[%parallel_loop3A_624, %parallel_loop3A_625, %parallel_loop3A_626, %parallel_loop3A_627] {strides = array<i32>} : memref<5x4x8x128xf32, #tpu.memory_space<vmem>>, vector<16xf32>,
        tpu.vector_store %arg7[%parallel_loop3A_624, %parallel_loop3A_625, %parallel_loop3A_626, %parallel_loop3A_627], %parallel_loop3A_492 {strides = array<i32>} : memref<5x4x8x128xf32, #tpu.memory_space<vmem>>, vector<16xf32>,
        %parallel_loop3A_629 = arith.constant 3 : i32
        %parallel_loop3A_630 = arith.shrsi %parallel_loop3A_425, %parallel_loop3A_629 : i32
        %parallel_loop3A_631 = arith.constant 7 : i32
        %parallel_loop3A_632 = arith.andi %parallel_loop3A_425, %parallel_loop3A_631 : i32
        %parallel_loop3A_633 = arith.constant 2 : i32
        %parallel_loop3A_634 = arith.index_cast %parallel_loop3A_633 : i32 to index
        %parallel_loop3A_635 = arith.index_cast %parallel_loop3A_630 : i32 to index
        %parallel_loop3A_636 = arith.index_cast %parallel_loop3A_632 : i32 to index
        %parallel_loop3A_637 = arith.constant 32 : index
        %parallel_loop3A_638 = tpu.vector_load %arg7[%parallel_loop3A_634, %parallel_loop3A_635, %parallel_loop3A_636, %parallel_loop3A_637] {strides = array<i32>} : memref<5x4x8x128xf32, #tpu.memory_space<vmem>>, vector<16xf32>,
        tpu.vector_store %arg7[%parallel_loop3A_634, %parallel_loop3A_635, %parallel_loop3A_636, %parallel_loop3A_637], %parallel_loop3A_498 {strides = array<i32>} : memref<5x4x8x128xf32, #tpu.memory_space<vmem>>, vector<16xf32>,
        %parallel_loop3A_639 = arith.constant 3 : i32
        %parallel_loop3A_640 = arith.shrsi %parallel_loop3A_425, %parallel_loop3A_639 : i32
        %parallel_loop3A_641 = arith.constant 7 : i32
        %parallel_loop3A_642 = arith.andi %parallel_loop3A_425, %parallel_loop3A_641 : i32
        %parallel_loop3A_643 = arith.constant 2 : i32
        %parallel_loop3A_644 = arith.index_cast %parallel_loop3A_643 : i32 to index
        %parallel_loop3A_645 = arith.index_cast %parallel_loop3A_640 : i32 to index
        %parallel_loop3A_646 = arith.index_cast %parallel_loop3A_642 : i32 to index
        %parallel_loop3A_647 = arith.constant 48 : index
        %parallel_loop3A_648 = tpu.vector_load %arg7[%parallel_loop3A_644, %parallel_loop3A_645, %parallel_loop3A_646, %parallel_loop3A_647] {strides = array<i32>} : memref<5x4x8x128xf32, #tpu.memory_space<vmem>>, vector<16xf32>,
        tpu.vector_store %arg7[%parallel_loop3A_644, %parallel_loop3A_645, %parallel_loop3A_646, %parallel_loop3A_647], %parallel_loop3A_504 {strides = array<i32>} : memref<5x4x8x128xf32, #tpu.memory_space<vmem>>, vector<16xf32>,
        %parallel_loop3A_649 = arith.constant 3 : i32
        %parallel_loop3A_650 = arith.shrsi %parallel_loop3A_425, %parallel_loop3A_649 : i32
        %parallel_loop3A_651 = arith.constant 7 : i32
        %parallel_loop3A_652 = arith.andi %parallel_loop3A_425, %parallel_loop3A_651 : i32
        %parallel_loop3A_653 = arith.constant 2 : i32
        %parallel_loop3A_654 = arith.index_cast %parallel_loop3A_653 : i32 to index
        %parallel_loop3A_655 = arith.index_cast %parallel_loop3A_650 : i32 to index
        %parallel_loop3A_656 = arith.index_cast %parallel_loop3A_652 : i32 to index
        %parallel_loop3A_657 = arith.constant 64 : index
        %parallel_loop3A_658 = tpu.vector_load %arg7[%parallel_loop3A_654, %parallel_loop3A_655, %parallel_loop3A_656, %parallel_loop3A_657] {strides = array<i32>} : memref<5x4x8x128xf32, #tpu.memory_space<vmem>>, vector<16xf32>,
        tpu.vector_store %arg7[%parallel_loop3A_654, %parallel_loop3A_655, %parallel_loop3A_656, %parallel_loop3A_657], %parallel_loop3A_510 {strides = array<i32>} : memref<5x4x8x128xf32, #tpu.memory_space<vmem>>, vector<16xf32>,
        %parallel_loop3A_659 = arith.constant 3 : i32
        %parallel_loop3A_660 = arith.shrsi %parallel_loop3A_425, %parallel_loop3A_659 : i32
        %parallel_loop3A_661 = arith.constant 7 : i32
        %parallel_loop3A_662 = arith.andi %parallel_loop3A_425, %parallel_loop3A_661 : i32
        %parallel_loop3A_663 = arith.constant 2 : i32
        %parallel_loop3A_664 = arith.index_cast %parallel_loop3A_663 : i32 to index
        %parallel_loop3A_665 = arith.index_cast %parallel_loop3A_660 : i32 to index
        %parallel_loop3A_666 = arith.index_cast %parallel_loop3A_662 : i32 to index
        %parallel_loop3A_667 = arith.constant 80 : index
        %parallel_loop3A_668 = tpu.vector_load %arg7[%parallel_loop3A_664, %parallel_loop3A_665, %parallel_loop3A_666, %parallel_loop3A_667] {strides = array<i32>} : memref<5x4x8x128xf32, #tpu.memory_space<vmem>>, vector<16xf32>,
        tpu.vector_store %arg7[%parallel_loop3A_664, %parallel_loop3A_665, %parallel_loop3A_666, %parallel_loop3A_667], %parallel_loop3A_516 {strides = array<i32>} : memref<5x4x8x128xf32, #tpu.memory_space<vmem>>, vector<16xf32>,
        %parallel_loop3A_669 = arith.constant 3 : i32
        %parallel_loop3A_670 = arith.shrsi %parallel_loop3A_425, %parallel_loop3A_669 : i32
        %parallel_loop3A_671 = arith.constant 7 : i32
        %parallel_loop3A_672 = arith.andi %parallel_loop3A_425, %parallel_loop3A_671 : i32
        %parallel_loop3A_673 = arith.constant 2 : i32
        %parallel_loop3A_674 = arith.index_cast %parallel_loop3A_673 : i32 to index
        %parallel_loop3A_675 = arith.index_cast %parallel_loop3A_670 : i32 to index
        %parallel_loop3A_676 = arith.index_cast %parallel_loop3A_672 : i32 to index
        %parallel_loop3A_677 = arith.constant 96 : index
        %parallel_loop3A_678 = tpu.vector_load %arg7[%parallel_loop3A_674, %parallel_loop3A_675, %parallel_loop3A_676, %parallel_loop3A_677] {strides = array<i32>} : memref<5x4x8x128xf32, #tpu.memory_space<vmem>>, vector<16xf32>,
        tpu.vector_store %arg7[%parallel_loop3A_674, %parallel_loop3A_675, %parallel_loop3A_676, %parallel_loop3A_677], %parallel_loop3A_522 {strides = array<i32>} : memref<5x4x8x128xf32, #tpu.memory_space<vmem>>, vector<16xf32>,
        %parallel_loop3A_679 = arith.constant 3 : i32
        %parallel_loop3A_680 = arith.shrsi %parallel_loop3A_425, %parallel_loop3A_679 : i32
        %parallel_loop3A_681 = arith.constant 7 : i32
        %parallel_loop3A_682 = arith.andi %parallel_loop3A_425, %parallel_loop3A_681 : i32
        %parallel_loop3A_683 = arith.constant 2 : i32
        %parallel_loop3A_684 = arith.index_cast %parallel_loop3A_683 : i32 to index
        %parallel_loop3A_685 = arith.index_cast %parallel_loop3A_680 : i32 to index
        %parallel_loop3A_686 = arith.index_cast %parallel_loop3A_682 : i32 to index
        %parallel_loop3A_687 = arith.constant 112 : index
        %parallel_loop3A_688 = tpu.vector_load %arg7[%parallel_loop3A_684, %parallel_loop3A_685, %parallel_loop3A_686, %parallel_loop3A_687] {strides = array<i32>} : memref<5x4x8x128xf32, #tpu.memory_space<vmem>>, vector<16xf32>,
        tpu.vector_store %arg7[%parallel_loop3A_684, %parallel_loop3A_685, %parallel_loop3A_686, %parallel_loop3A_687], %parallel_loop3A_528 {strides = array<i32>} : memref<5x4x8x128xf32, #tpu.memory_space<vmem>>, vector<16xf32>,
      } {sc.loop_unroll_factor = 4 : i64, sc.parallel_access}
      %dma_start3A_264 = arith.constant 2 : i32
      %dma_start3A_265 = arith.constant 0 : i32
      %dma_start3A_266 = arith.constant 0 : i32
      %dma_start3A_267 = arith.constant 0 : i32
      %dma_start3A_268 = tpu.memref_slice %arg7[%dma_start3A_264, %dma_start3A_265, %dma_start3A_266, %dma_start3A_267] : memref<5x4x8x128xf32, #tpu.memory_space<vmem>> -> memref<1x4x8x128xf32, #tpu.memory_space<vmem>>
      %dma_start3A_269 = tpu.memref_squeeze %dma_start3A_268 : memref<1x4x8x128xf32, #tpu.memory_space<vmem>> -> memref<4x8x128xf32, #tpu.memory_space<vmem>>
      %dma_start3A_270 = arith.constant 0 : i32
      %dma_start3A_271 = arith.constant 0 : i32
      %dma_start3A_272 = arith.constant 0 : i32
      %dma_start3A_273 = tpu.memref_slice %arg4[%add3A_221, %dma_start3A_270, %add3A, %dma_start3A_271, %dma_start3A_272] : memref<200x4x32x8x128xf32, #tpu.memory_space<hbm>> -> memref<1x4x1x8x128xf32, #tpu.memory_space<hbm>>
      %dma_start3A_274 = tpu.memref_squeeze %dma_start3A_273 : memref<1x4x1x8x128xf32, #tpu.memory_space<hbm>> -> memref<4x8x128xf32, #tpu.memory_space<hbm>>
      %dma_start3A_275 = arith.constant 0 : i32
      %dma_start3A_276 = arith.constant 0 : i32
      %dma_start3A_277 = arith.constant 0 : i32
      %dma_start3A_278 = tpu.memref_slice %arg4[%add3A_221, %dma_start3A_275, %add3A, %dma_start3A_276, %dma_start3A_277] : memref<200x4x32x8x128xf32, #tpu.memory_space<hbm>> -> memref<1x4x1x8x128xf32, #tpu.memory_space<hbm>>
      %dma_start3A_279 = tpu.memref_squeeze %dma_start3A_278 : memref<1x4x1x8x128xf32, #tpu.memory_space<hbm>> -> memref<4x8x128xf32, #tpu.memory_space<hbm>>
      %dma_start3A_280 = arith.constant 0 : i32
      %dma_start3A_281 = arith.constant 0 : i32
      %dma_start3A_282 = arith.constant 0 : i32
      %dma_start3A_283 = tpu.memref_slice %arg7[%dma_start3A_264, %dma_start3A_280, %dma_start3A_281, %dma_start3A_282] : memref<5x4x8x128xf32, #tpu.memory_space<vmem>> -> memref<1x4x8x128xf32, #tpu.memory_space<vmem>>
      %dma_start3A_284 = tpu.memref_squeeze %dma_start3A_283 : memref<1x4x8x128xf32, #tpu.memory_space<vmem>> -> memref<4x8x128xf32, #tpu.memory_space<vmem>>
      tpu.enqueue_dma source(%dma_start3A_284 : memref<4x8x128xf32, #tpu.memory_space<vmem>>) target(%dma_start3A_279 : memref<4x8x128xf32, #tpu.memory_space<hbm>>) target_semaphore(%arg15 : memref<!tpu.dma_semaphore, #tpu.memory_space<semaphore_mem>>)
      %mul3A_285 = arith.constant 5 : i32
      %mul3A_286 = arith.muli %scan3A_93, %mul3A_285 : i32
      %add3A_287 = arith.constant 3 : i32
      %add3A_288 = arith.addi %mul3A_286, %add3A_287 : i32
      %add3A_289 = arith.constant 5 : i32
      %add3A_290 = arith.addi %add3A_288, %add3A_289 : i32
      %sub3A_291 = arith.constant 1 : i32
      %sub3A_292 = arith.subi %add3A_290, %sub3A_291 : i32
      %dma_wait3A_293 = arith.constant 2 : i32
      %dma_wait3A_294 = arith.constant 0 : i32
      %dma_wait3A_295 = arith.constant 0 : i32
      %dma_wait3A_296 = tpu.memref_slice %arg6[%dma_wait3A_293, %dma_wait3A_294, %dma_wait3A_295] : memref<5x128x32xf32, #tpu.memory_space<vmem>> -> memref<1x128x32xf32, #tpu.memory_space<vmem>>
      %dma_wait3A_297 = tpu.memref_squeeze %dma_wait3A_296 : memref<1x128x32xf32, #tpu.memory_space<vmem>> -> memref<128x32xf32, #tpu.memory_space<vmem>>
      %dma_wait3A_298 = arith.constant 0 : i32
      %dma_wait3A_299 = arith.constant 0 : i32
      %dma_wait3A_300 = tpu.memref_slice %arg3[%dma_wait3A_298, %dma_wait3A_299] : memref<1000000x32xf32, #tpu.memory_space<hbm>> -> memref<128x32xf32, #tpu.memory_space<hbm>>
      %dma_wait3A_301 = arith.constant 0 : i32
      %dma_wait3A_302 = arith.constant 0 : i32
      %dma_wait3A_303 = tpu.memref_slice %arg6[%dma_wait3A_293, %dma_wait3A_301, %dma_wait3A_302] : memref<5x128x32xf32, #tpu.memory_space<vmem>> -> memref<1x128x32xf32, #tpu.memory_space<vmem>>
      %dma_wait3A_304 = tpu.memref_squeeze %dma_wait3A_303 : memref<1x128x32xf32, #tpu.memory_space<vmem>> -> memref<128x32xf32, #tpu.memory_space<vmem>>
      %dma_wait3A_305 = arith.constant 0 : i32
      %dma_wait3A_306 = arith.constant 0 : i32
      %dma_wait3A_307 = tpu.memref_slice %arg3[%dma_wait3A_305, %dma_wait3A_306] : memref<1000000x32xf32, #tpu.memory_space<hbm>> -> memref<128x32xf32, #tpu.memory_space<hbm>>
      tpu.wait_dma2 semaphore(%arg15 : memref<!tpu.dma_semaphore, #tpu.memory_space<semaphore_mem>>) src(%dma_wait3A_307 : memref<128x32xf32, #tpu.memory_space<hbm>>) dst(%dma_wait3A_304 : memref<128x32xf32, #tpu.memory_space<vmem>>)
      %lt3A_308 = arith.constant 200 : i32
      %lt3A_309 = arith.cmpi slt, %sub3A_292, %lt3A_308 : i32
      %convert_element_type3A_310 = arith.extui %lt3A_309 : i1 to i32
      %cond3A_311 = arith.constant 0 : i32
      %cond3A_312 = arith.cmpi ne, %convert_element_type3A_310, %cond3A_311 : i32
      scf.if %cond3A_312 {
        %dma_start3A_419 = arith.constant 2 : i32
        %dma_start3A_420 = arith.constant 0 : i32
        %dma_start3A_421 = arith.constant 0 : i32
        %dma_start3A_422 = tpu.memref_slice %arg6[%dma_start3A_419, %dma_start3A_420, %dma_start3A_421] : memref<5x128x32xf32, #tpu.memory_space<vmem>> -> memref<1x128x32xf32, #tpu.memory_space<vmem>>
        %dma_start3A_423 = tpu.memref_squeeze %dma_start3A_422 : memref<1x128x32xf32, #tpu.memory_space<vmem>> -> memref<128x32xf32, #tpu.memory_space<vmem>>
        %dma_start3A_424 = arith.constant 0 : i32
        %dma_start3A_425 = tpu.memref_slice %arg5[%sub3A_292, %dma_start3A_424] : memref<200x128xi32, #tpu.memory_space<vmem>> -> memref<1x128xi32, #tpu.memory_space<vmem>>
        %dma_start3A_426 = tpu.memref_squeeze %dma_start3A_425 : memref<1x128xi32, #tpu.memory_space<vmem>> -> memref<128xi32, #tpu.memory_space<vmem>>
        %dma_start3A_427 = arith.constant 0 : i32
        %dma_start3A_428 = arith.constant 0 : i32
        %dma_start3A_429 = tpu.memref_slice %arg3[%dma_start3A_427, %dma_start3A_428] : memref<1000000x32xf32, #tpu.memory_space<hbm>> -> memref<1000000x32xf32, #tpu.memory_space<hbm>>
        tpu.enqueue_indirect_dma source(%dma_start3A_429 : memref<1000000x32xf32, #tpu.memory_space<hbm>>) target(%dma_start3A_423 : memref<128x32xf32, #tpu.memory_space<vmem>>) offsets(%dma_start3A_426 : memref<128xi32, #tpu.memory_space<vmem>>) semaphore(%arg10 : memref<!tpu.dma_semaphore, #tpu.memory_space<semaphore_mem>>)
      } else {
      }
      %dma_wait3A_313 = arith.constant 3 : i32
      %dma_wait3A_314 = arith.constant 0 : i32
      %dma_wait3A_315 = arith.constant 0 : i32
      %dma_wait3A_316 = tpu.memref_slice %arg6[%dma_wait3A_313, %dma_wait3A_314, %dma_wait3A_315] : memref<5x128x32xf32, #tpu.memory_space<vmem>> -> memref<1x128x32xf32, #tpu.memory_space<vmem>>
      %dma_wait3A_317 = tpu.memref_squeeze %dma_wait3A_316 : memref<1x128x32xf32, #tpu.memory_space<vmem>> -> memref<128x32xf32, #tpu.memory_space<vmem>>
      %dma_wait3A_318 = arith.constant 0 : i32
      %dma_wait3A_319 = arith.constant 0 : i32
      %dma_wait3A_320 = tpu.memref_slice %arg3[%dma_wait3A_318, %dma_wait3A_319] : memref<1000000x32xf32, #tpu.memory_space<hbm>> -> memref<128x32xf32, #tpu.memory_space<hbm>>
      %dma_wait3A_321 = arith.constant 0 : i32
      %dma_wait3A_322 = arith.constant 0 : i32
      %dma_wait3A_323 = tpu.memref_slice %arg6[%dma_wait3A_313, %dma_wait3A_321, %dma_wait3A_322] : memref<5x128x32xf32, #tpu.memory_space<vmem>> -> memref<1x128x32xf32, #tpu.memory_space<vmem>>
      %dma_wait3A_324 = tpu.memref_squeeze %dma_wait3A_323 : memref<1x128x32xf32, #tpu.memory_space<vmem>> -> memref<128x32xf32, #tpu.memory_space<vmem>>
      %dma_wait3A_325 = arith.constant 0 : i32
      %dma_wait3A_326 = arith.constant 0 : i32
      %dma_wait3A_327 = tpu.memref_slice %arg3[%dma_wait3A_325, %dma_wait3A_326] : memref<1000000x32xf32, #tpu.memory_space<hbm>> -> memref<128x32xf32, #tpu.memory_space<hbm>>
      tpu.wait_dma2 semaphore(%arg11 : memref<!tpu.dma_semaphore, #tpu.memory_space<semaphore_mem>>) src(%dma_wait3A_327 : memref<128x32xf32, #tpu.memory_space<hbm>>) dst(%dma_wait3A_324 : memref<128x32xf32, #tpu.memory_space<vmem>>)
      %parallel_loop3A_328 = arith.constant 0 : i32
      %parallel_loop3A_329 = arith.constant 16 : i32
      %parallel_loop3A_330 = arith.constant 1 : i32
      scf.for %parallel_loop3A_419 = %parallel_loop3A_328 to %parallel_loop3A_329 step %parallel_loop3A_330  : i32 {
        %parallel_loop3A_420 = arith.constant 2 : i32
        %parallel_loop3A_421 = arith.muli %parallel_loop3A_420, %parallel_loop3A_419 : i32
        %parallel_loop3A_422 = arith.constant 2 : i32
        %parallel_loop3A_423 = arith.muli %parallel_loop3A_422, %parallel_loop3A_419 : i32
        %parallel_loop3A_424 = arith.constant 1 : i32
        %parallel_loop3A_425 = arith.addi %parallel_loop3A_423, %parallel_loop3A_424 : i32
        %parallel_loop3A_426 = arith.constant 0 : i32
        %parallel_loop3A_427 = vector.broadcast %parallel_loop3A_426 : i32 to vector<16xi32>
        %parallel_loop3A_428 = vector.broadcast %parallel_loop3A_421 : i32 to vector<16xi32>
        %parallel_loop3A_429 = arith.addi %parallel_loop3A_427, %parallel_loop3A_428 : vector<16xi32>
        %parallel_loop3A_430 = arith.constant 1 : i32
        %parallel_loop3A_431 = vector.broadcast %parallel_loop3A_430 : i32 to vector<16xi32>
        %parallel_loop3A_432 = arith.addi %parallel_loop3A_429, %parallel_loop3A_431 : vector<16xi32>
        %parallel_loop3A_433 = arith.constant 3 : i32
        %parallel_loop3A_434 = arith.constant 0 : i32
        %parallel_loop3A_435 = arith.constant 0 : i32
        %parallel_loop3A_436 = tpu.memref_slice %arg6[%parallel_loop3A_433, %parallel_loop3A_434, %parallel_loop3A_435] : memref<5x128x32xf32, #tpu.memory_space<vmem>> -> memref<1x128x32xf32, #tpu.memory_space<vmem>>
        %parallel_loop3A_437 = tpu.memref_squeeze %parallel_loop3A_436 : memref<1x128x32xf32, #tpu.memory_space<vmem>> -> memref<128x32xf32, #tpu.memory_space<vmem>>
        %parallel_loop3A_438 = tpu.vector_load_idx %parallel_loop3A_437[%add3A_5, %parallel_loop3A_429] : memref<128x32xf32, #tpu.memory_space<vmem>>[vector<16xi32>, vector<16xi32>], vector<16xf32>,
        %parallel_loop3A_439 = arith.constant 3 : i32
        %parallel_loop3A_440 = arith.constant 0 : i32
        %parallel_loop3A_441 = arith.constant 0 : i32
        %parallel_loop3A_442 = tpu.memref_slice %arg6[%parallel_loop3A_439, %parallel_loop3A_440, %parallel_loop3A_441] : memref<5x128x32xf32, #tpu.memory_space<vmem>> -> memref<1x128x32xf32, #tpu.memory_space<vmem>>
        %parallel_loop3A_443 = tpu.memref_squeeze %parallel_loop3A_442 : memref<1x128x32xf32, #tpu.memory_space<vmem>> -> memref<128x32xf32, #tpu.memory_space<vmem>>
        %parallel_loop3A_444 = tpu.vector_load_idx %parallel_loop3A_443[%add3A_8, %parallel_loop3A_429] : memref<128x32xf32, #tpu.memory_space<vmem>>[vector<16xi32>, vector<16xi32>], vector<16xf32>,
        %parallel_loop3A_445 = arith.constant 3 : i32
        %parallel_loop3A_446 = arith.constant 0 : i32
        %parallel_loop3A_447 = arith.constant 0 : i32
        %parallel_loop3A_448 = tpu.memref_slice %arg6[%parallel_loop3A_445, %parallel_loop3A_446, %parallel_loop3A_447] : memref<5x128x32xf32, #tpu.memory_space<vmem>> -> memref<1x128x32xf32, #tpu.memory_space<vmem>>
        %parallel_loop3A_449 = tpu.memref_squeeze %parallel_loop3A_448 : memref<1x128x32xf32, #tpu.memory_space<vmem>> -> memref<128x32xf32, #tpu.memory_space<vmem>>
        %parallel_loop3A_450 = tpu.vector_load_idx %parallel_loop3A_449[%add3A_11, %parallel_loop3A_429] : memref<128x32xf32, #tpu.memory_space<vmem>>[vector<16xi32>, vector<16xi32>], vector<16xf32>,
        %parallel_loop3A_451 = arith.constant 3 : i32
        %parallel_loop3A_452 = arith.constant 0 : i32
        %parallel_loop3A_453 = arith.constant 0 : i32
        %parallel_loop3A_454 = tpu.memref_slice %arg6[%parallel_loop3A_451, %parallel_loop3A_452, %parallel_loop3A_453] : memref<5x128x32xf32, #tpu.memory_space<vmem>> -> memref<1x128x32xf32, #tpu.memory_space<vmem>>
        %parallel_loop3A_455 = tpu.memref_squeeze %parallel_loop3A_454 : memref<1x128x32xf32, #tpu.memory_space<vmem>> -> memref<128x32xf32, #tpu.memory_space<vmem>>
        %parallel_loop3A_456 = tpu.vector_load_idx %parallel_loop3A_455[%add3A_14, %parallel_loop3A_429] : memref<128x32xf32, #tpu.memory_space<vmem>>[vector<16xi32>, vector<16xi32>], vector<16xf32>,
        %parallel_loop3A_457 = arith.constant 3 : i32
        %parallel_loop3A_458 = arith.constant 0 : i32
        %parallel_loop3A_459 = arith.constant 0 : i32
        %parallel_loop3A_460 = tpu.memref_slice %arg6[%parallel_loop3A_457, %parallel_loop3A_458, %parallel_loop3A_459] : memref<5x128x32xf32, #tpu.memory_space<vmem>> -> memref<1x128x32xf32, #tpu.memory_space<vmem>>
        %parallel_loop3A_461 = tpu.memref_squeeze %parallel_loop3A_460 : memref<1x128x32xf32, #tpu.memory_space<vmem>> -> memref<128x32xf32, #tpu.memory_space<vmem>>
        %parallel_loop3A_462 = tpu.vector_load_idx %parallel_loop3A_461[%add3A_17, %parallel_loop3A_429] : memref<128x32xf32, #tpu.memory_space<vmem>>[vector<16xi32>, vector<16xi32>], vector<16xf32>,
        %parallel_loop3A_463 = arith.constant 3 : i32
        %parallel_loop3A_464 = arith.constant 0 : i32
        %parallel_loop3A_465 = arith.constant 0 : i32
        %parallel_loop3A_466 = tpu.memref_slice %arg6[%parallel_loop3A_463, %parallel_loop3A_464, %parallel_loop3A_465] : memref<5x128x32xf32, #tpu.memory_space<vmem>> -> memref<1x128x32xf32, #tpu.memory_space<vmem>>
        %parallel_loop3A_467 = tpu.memref_squeeze %parallel_loop3A_466 : memref<1x128x32xf32, #tpu.memory_space<vmem>> -> memref<128x32xf32, #tpu.memory_space<vmem>>
        %parallel_loop3A_468 = tpu.vector_load_idx %parallel_loop3A_467[%add3A_20, %parallel_loop3A_429] : memref<128x32xf32, #tpu.memory_space<vmem>>[vector<16xi32>, vector<16xi32>], vector<16xf32>,
        %parallel_loop3A_469 = arith.constant 3 : i32
        %parallel_loop3A_470 = arith.constant 0 : i32
        %parallel_loop3A_471 = arith.constant 0 : i32
        %parallel_loop3A_472 = tpu.memref_slice %arg6[%parallel_loop3A_469, %parallel_loop3A_470, %parallel_loop3A_471] : memref<5x128x32xf32, #tpu.memory_space<vmem>> -> memref<1x128x32xf32, #tpu.memory_space<vmem>>
        %parallel_loop3A_473 = tpu.memref_squeeze %parallel_loop3A_472 : memref<1x128x32xf32, #tpu.memory_space<vmem>> -> memref<128x32xf32, #tpu.memory_space<vmem>>
        %parallel_loop3A_474 = tpu.vector_load_idx %parallel_loop3A_473[%add3A_23, %parallel_loop3A_429] : memref<128x32xf32, #tpu.memory_space<vmem>>[vector<16xi32>, vector<16xi32>], vector<16xf32>,
        %parallel_loop3A_475 = arith.constant 3 : i32
        %parallel_loop3A_476 = arith.constant 0 : i32
        %parallel_loop3A_477 = arith.constant 0 : i32
        %parallel_loop3A_478 = tpu.memref_slice %arg6[%parallel_loop3A_475, %parallel_loop3A_476, %parallel_loop3A_477] : memref<5x128x32xf32, #tpu.memory_space<vmem>> -> memref<1x128x32xf32, #tpu.memory_space<vmem>>
        %parallel_loop3A_479 = tpu.memref_squeeze %parallel_loop3A_478 : memref<1x128x32xf32, #tpu.memory_space<vmem>> -> memref<128x32xf32, #tpu.memory_space<vmem>>
        %parallel_loop3A_480 = tpu.vector_load_idx %parallel_loop3A_479[%add3A_26, %parallel_loop3A_429] : memref<128x32xf32, #tpu.memory_space<vmem>>[vector<16xi32>, vector<16xi32>], vector<16xf32>,
        %parallel_loop3A_481 = arith.constant 3 : i32
        %parallel_loop3A_482 = arith.constant 0 : i32
        %parallel_loop3A_483 = arith.constant 0 : i32
        %parallel_loop3A_484 = tpu.memref_slice %arg6[%parallel_loop3A_481, %parallel_loop3A_482, %parallel_loop3A_483] : memref<5x128x32xf32, #tpu.memory_space<vmem>> -> memref<1x128x32xf32, #tpu.memory_space<vmem>>
        %parallel_loop3A_485 = tpu.memref_squeeze %parallel_loop3A_484 : memref<1x128x32xf32, #tpu.memory_space<vmem>> -> memref<128x32xf32, #tpu.memory_space<vmem>>
        %parallel_loop3A_486 = tpu.vector_load_idx %parallel_loop3A_485[%add3A_5, %parallel_loop3A_432] : memref<128x32xf32, #tpu.memory_space<vmem>>[vector<16xi32>, vector<16xi32>], vector<16xf32>,
        %parallel_loop3A_487 = arith.constant 3 : i32
        %parallel_loop3A_488 = arith.constant 0 : i32
        %parallel_loop3A_489 = arith.constant 0 : i32
        %parallel_loop3A_490 = tpu.memref_slice %arg6[%parallel_loop3A_487, %parallel_loop3A_488, %parallel_loop3A_489] : memref<5x128x32xf32, #tpu.memory_space<vmem>> -> memref<1x128x32xf32, #tpu.memory_space<vmem>>
        %parallel_loop3A_491 = tpu.memref_squeeze %parallel_loop3A_490 : memref<1x128x32xf32, #tpu.memory_space<vmem>> -> memref<128x32xf32, #tpu.memory_space<vmem>>
        %parallel_loop3A_492 = tpu.vector_load_idx %parallel_loop3A_491[%add3A_8, %parallel_loop3A_432] : memref<128x32xf32, #tpu.memory_space<vmem>>[vector<16xi32>, vector<16xi32>], vector<16xf32>,
        %parallel_loop3A_493 = arith.constant 3 : i32
        %parallel_loop3A_494 = arith.constant 0 : i32
        %parallel_loop3A_495 = arith.constant 0 : i32
        %parallel_loop3A_496 = tpu.memref_slice %arg6[%parallel_loop3A_493, %parallel_loop3A_494, %parallel_loop3A_495] : memref<5x128x32xf32, #tpu.memory_space<vmem>> -> memref<1x128x32xf32, #tpu.memory_space<vmem>>
        %parallel_loop3A_497 = tpu.memref_squeeze %parallel_loop3A_496 : memref<1x128x32xf32, #tpu.memory_space<vmem>> -> memref<128x32xf32, #tpu.memory_space<vmem>>
        %parallel_loop3A_498 = tpu.vector_load_idx %parallel_loop3A_497[%add3A_11, %parallel_loop3A_432] : memref<128x32xf32, #tpu.memory_space<vmem>>[vector<16xi32>, vector<16xi32>], vector<16xf32>,
        %parallel_loop3A_499 = arith.constant 3 : i32
        %parallel_loop3A_500 = arith.constant 0 : i32
        %parallel_loop3A_501 = arith.constant 0 : i32
        %parallel_loop3A_502 = tpu.memref_slice %arg6[%parallel_loop3A_499, %parallel_loop3A_500, %parallel_loop3A_501] : memref<5x128x32xf32, #tpu.memory_space<vmem>> -> memref<1x128x32xf32, #tpu.memory_space<vmem>>
        %parallel_loop3A_503 = tpu.memref_squeeze %parallel_loop3A_502 : memref<1x128x32xf32, #tpu.memory_space<vmem>> -> memref<128x32xf32, #tpu.memory_space<vmem>>
        %parallel_loop3A_504 = tpu.vector_load_idx %parallel_loop3A_503[%add3A_14, %parallel_loop3A_432] : memref<128x32xf32, #tpu.memory_space<vmem>>[vector<16xi32>, vector<16xi32>], vector<16xf32>,
        %parallel_loop3A_505 = arith.constant 3 : i32
        %parallel_loop3A_506 = arith.constant 0 : i32
        %parallel_loop3A_507 = arith.constant 0 : i32
        %parallel_loop3A_508 = tpu.memref_slice %arg6[%parallel_loop3A_505, %parallel_loop3A_506, %parallel_loop3A_507] : memref<5x128x32xf32, #tpu.memory_space<vmem>> -> memref<1x128x32xf32, #tpu.memory_space<vmem>>
        %parallel_loop3A_509 = tpu.memref_squeeze %parallel_loop3A_508 : memref<1x128x32xf32, #tpu.memory_space<vmem>> -> memref<128x32xf32, #tpu.memory_space<vmem>>
        %parallel_loop3A_510 = tpu.vector_load_idx %parallel_loop3A_509[%add3A_17, %parallel_loop3A_432] : memref<128x32xf32, #tpu.memory_space<vmem>>[vector<16xi32>, vector<16xi32>], vector<16xf32>,
        %parallel_loop3A_511 = arith.constant 3 : i32
        %parallel_loop3A_512 = arith.constant 0 : i32
        %parallel_loop3A_513 = arith.constant 0 : i32
        %parallel_loop3A_514 = tpu.memref_slice %arg6[%parallel_loop3A_511, %parallel_loop3A_512, %parallel_loop3A_513] : memref<5x128x32xf32, #tpu.memory_space<vmem>> -> memref<1x128x32xf32, #tpu.memory_space<vmem>>
        %parallel_loop3A_515 = tpu.memref_squeeze %parallel_loop3A_514 : memref<1x128x32xf32, #tpu.memory_space<vmem>> -> memref<128x32xf32, #tpu.memory_space<vmem>>
        %parallel_loop3A_516 = tpu.vector_load_idx %parallel_loop3A_515[%add3A_20, %parallel_loop3A_432] : memref<128x32xf32, #tpu.memory_space<vmem>>[vector<16xi32>, vector<16xi32>], vector<16xf32>,
        %parallel_loop3A_517 = arith.constant 3 : i32
        %parallel_loop3A_518 = arith.constant 0 : i32
        %parallel_loop3A_519 = arith.constant 0 : i32
        %parallel_loop3A_520 = tpu.memref_slice %arg6[%parallel_loop3A_517, %parallel_loop3A_518, %parallel_loop3A_519] : memref<5x128x32xf32, #tpu.memory_space<vmem>> -> memref<1x128x32xf32, #tpu.memory_space<vmem>>
        %parallel_loop3A_521 = tpu.memref_squeeze %parallel_loop3A_520 : memref<1x128x32xf32, #tpu.memory_space<vmem>> -> memref<128x32xf32, #tpu.memory_space<vmem>>
        %parallel_loop3A_522 = tpu.vector_load_idx %parallel_loop3A_521[%add3A_23, %parallel_loop3A_432] : memref<128x32xf32, #tpu.memory_space<vmem>>[vector<16xi32>, vector<16xi32>], vector<16xf32>,
        %parallel_loop3A_523 = arith.constant 3 : i32
        %parallel_loop3A_524 = arith.constant 0 : i32
        %parallel_loop3A_525 = arith.constant 0 : i32
        %parallel_loop3A_526 = tpu.memref_slice %arg6[%parallel_loop3A_523, %parallel_loop3A_524, %parallel_loop3A_525] : memref<5x128x32xf32, #tpu.memory_space<vmem>> -> memref<1x128x32xf32, #tpu.memory_space<vmem>>
        %parallel_loop3A_527 = tpu.memref_squeeze %parallel_loop3A_526 : memref<1x128x32xf32, #tpu.memory_space<vmem>> -> memref<128x32xf32, #tpu.memory_space<vmem>>
        %parallel_loop3A_528 = tpu.vector_load_idx %parallel_loop3A_527[%add3A_26, %parallel_loop3A_432] : memref<128x32xf32, #tpu.memory_space<vmem>>[vector<16xi32>, vector<16xi32>], vector<16xf32>,
        %parallel_loop3A_529 = arith.constant 3 : i32
        %parallel_loop3A_530 = arith.shrsi %parallel_loop3A_421, %parallel_loop3A_529 : i32
        %parallel_loop3A_531 = arith.constant 7 : i32
        %parallel_loop3A_532 = arith.andi %parallel_loop3A_421, %parallel_loop3A_531 : i32
        %parallel_loop3A_533 = arith.constant 3 : i32
        %parallel_loop3A_534 = arith.index_cast %parallel_loop3A_533 : i32 to index
        %parallel_loop3A_535 = arith.index_cast %parallel_loop3A_530 : i32 to index
        %parallel_loop3A_536 = arith.index_cast %parallel_loop3A_532 : i32 to index
        %parallel_loop3A_537 = arith.constant 0 : index
        %parallel_loop3A_538 = tpu.vector_load %arg7[%parallel_loop3A_534, %parallel_loop3A_535, %parallel_loop3A_536, %parallel_loop3A_537] {strides = array<i32>} : memref<5x4x8x128xf32, #tpu.memory_space<vmem>>, vector<16xf32>,
        tpu.vector_store %arg7[%parallel_loop3A_534, %parallel_loop3A_535, %parallel_loop3A_536, %parallel_loop3A_537], %parallel_loop3A_438 {strides = array<i32>} : memref<5x4x8x128xf32, #tpu.memory_space<vmem>>, vector<16xf32>,
        %parallel_loop3A_539 = arith.constant 3 : i32
        %parallel_loop3A_540 = arith.shrsi %parallel_loop3A_421, %parallel_loop3A_539 : i32
        %parallel_loop3A_541 = arith.constant 7 : i32
        %parallel_loop3A_542 = arith.andi %parallel_loop3A_421, %parallel_loop3A_541 : i32
        %parallel_loop3A_543 = arith.constant 3 : i32
        %parallel_loop3A_544 = arith.index_cast %parallel_loop3A_543 : i32 to index
        %parallel_loop3A_545 = arith.index_cast %parallel_loop3A_540 : i32 to index
        %parallel_loop3A_546 = arith.index_cast %parallel_loop3A_542 : i32 to index
        %parallel_loop3A_547 = arith.constant 16 : index
        %parallel_loop3A_548 = tpu.vector_load %arg7[%parallel_loop3A_544, %parallel_loop3A_545, %parallel_loop3A_546, %parallel_loop3A_547] {strides = array<i32>} : memref<5x4x8x128xf32, #tpu.memory_space<vmem>>, vector<16xf32>,
        tpu.vector_store %arg7[%parallel_loop3A_544, %parallel_loop3A_545, %parallel_loop3A_546, %parallel_loop3A_547], %parallel_loop3A_444 {strides = array<i32>} : memref<5x4x8x128xf32, #tpu.memory_space<vmem>>, vector<16xf32>,
        %parallel_loop3A_549 = arith.constant 3 : i32
        %parallel_loop3A_550 = arith.shrsi %parallel_loop3A_421, %parallel_loop3A_549 : i32
        %parallel_loop3A_551 = arith.constant 7 : i32
        %parallel_loop3A_552 = arith.andi %parallel_loop3A_421, %parallel_loop3A_551 : i32
        %parallel_loop3A_553 = arith.constant 3 : i32
        %parallel_loop3A_554 = arith.index_cast %parallel_loop3A_553 : i32 to index
        %parallel_loop3A_555 = arith.index_cast %parallel_loop3A_550 : i32 to index
        %parallel_loop3A_556 = arith.index_cast %parallel_loop3A_552 : i32 to index
        %parallel_loop3A_557 = arith.constant 32 : index
        %parallel_loop3A_558 = tpu.vector_load %arg7[%parallel_loop3A_554, %parallel_loop3A_555, %parallel_loop3A_556, %parallel_loop3A_557] {strides = array<i32>} : memref<5x4x8x128xf32, #tpu.memory_space<vmem>>, vector<16xf32>,
        tpu.vector_store %arg7[%parallel_loop3A_554, %parallel_loop3A_555, %parallel_loop3A_556, %parallel_loop3A_557], %parallel_loop3A_450 {strides = array<i32>} : memref<5x4x8x128xf32, #tpu.memory_space<vmem>>, vector<16xf32>,
        %parallel_loop3A_559 = arith.constant 3 : i32
        %parallel_loop3A_560 = arith.shrsi %parallel_loop3A_421, %parallel_loop3A_559 : i32
        %parallel_loop3A_561 = arith.constant 7 : i32
        %parallel_loop3A_562 = arith.andi %parallel_loop3A_421, %parallel_loop3A_561 : i32
        %parallel_loop3A_563 = arith.constant 3 : i32
        %parallel_loop3A_564 = arith.index_cast %parallel_loop3A_563 : i32 to index
        %parallel_loop3A_565 = arith.index_cast %parallel_loop3A_560 : i32 to index
        %parallel_loop3A_566 = arith.index_cast %parallel_loop3A_562 : i32 to index
        %parallel_loop3A_567 = arith.constant 48 : index
        %parallel_loop3A_568 = tpu.vector_load %arg7[%parallel_loop3A_564, %parallel_loop3A_565, %parallel_loop3A_566, %parallel_loop3A_567] {strides = array<i32>} : memref<5x4x8x128xf32, #tpu.memory_space<vmem>>, vector<16xf32>,
        tpu.vector_store %arg7[%parallel_loop3A_564, %parallel_loop3A_565, %parallel_loop3A_566, %parallel_loop3A_567], %parallel_loop3A_456 {strides = array<i32>} : memref<5x4x8x128xf32, #tpu.memory_space<vmem>>, vector<16xf32>,
        %parallel_loop3A_569 = arith.constant 3 : i32
        %parallel_loop3A_570 = arith.shrsi %parallel_loop3A_421, %parallel_loop3A_569 : i32
        %parallel_loop3A_571 = arith.constant 7 : i32
        %parallel_loop3A_572 = arith.andi %parallel_loop3A_421, %parallel_loop3A_571 : i32
        %parallel_loop3A_573 = arith.constant 3 : i32
        %parallel_loop3A_574 = arith.index_cast %parallel_loop3A_573 : i32 to index
        %parallel_loop3A_575 = arith.index_cast %parallel_loop3A_570 : i32 to index
        %parallel_loop3A_576 = arith.index_cast %parallel_loop3A_572 : i32 to index
        %parallel_loop3A_577 = arith.constant 64 : index
        %parallel_loop3A_578 = tpu.vector_load %arg7[%parallel_loop3A_574, %parallel_loop3A_575, %parallel_loop3A_576, %parallel_loop3A_577] {strides = array<i32>} : memref<5x4x8x128xf32, #tpu.memory_space<vmem>>, vector<16xf32>,
        tpu.vector_store %arg7[%parallel_loop3A_574, %parallel_loop3A_575, %parallel_loop3A_576, %parallel_loop3A_577], %parallel_loop3A_462 {strides = array<i32>} : memref<5x4x8x128xf32, #tpu.memory_space<vmem>>, vector<16xf32>,
        %parallel_loop3A_579 = arith.constant 3 : i32
        %parallel_loop3A_580 = arith.shrsi %parallel_loop3A_421, %parallel_loop3A_579 : i32
        %parallel_loop3A_581 = arith.constant 7 : i32
        %parallel_loop3A_582 = arith.andi %parallel_loop3A_421, %parallel_loop3A_581 : i32
        %parallel_loop3A_583 = arith.constant 3 : i32
        %parallel_loop3A_584 = arith.index_cast %parallel_loop3A_583 : i32 to index
        %parallel_loop3A_585 = arith.index_cast %parallel_loop3A_580 : i32 to index
        %parallel_loop3A_586 = arith.index_cast %parallel_loop3A_582 : i32 to index
        %parallel_loop3A_587 = arith.constant 80 : index
        %parallel_loop3A_588 = tpu.vector_load %arg7[%parallel_loop3A_584, %parallel_loop3A_585, %parallel_loop3A_586, %parallel_loop3A_587] {strides = array<i32>} : memref<5x4x8x128xf32, #tpu.memory_space<vmem>>, vector<16xf32>,
        tpu.vector_store %arg7[%parallel_loop3A_584, %parallel_loop3A_585, %parallel_loop3A_586, %parallel_loop3A_587], %parallel_loop3A_468 {strides = array<i32>} : memref<5x4x8x128xf32, #tpu.memory_space<vmem>>, vector<16xf32>,
        %parallel_loop3A_589 = arith.constant 3 : i32
        %parallel_loop3A_590 = arith.shrsi %parallel_loop3A_421, %parallel_loop3A_589 : i32
        %parallel_loop3A_591 = arith.constant 7 : i32
        %parallel_loop3A_592 = arith.andi %parallel_loop3A_421, %parallel_loop3A_591 : i32
        %parallel_loop3A_593 = arith.constant 3 : i32
        %parallel_loop3A_594 = arith.index_cast %parallel_loop3A_593 : i32 to index
        %parallel_loop3A_595 = arith.index_cast %parallel_loop3A_590 : i32 to index
        %parallel_loop3A_596 = arith.index_cast %parallel_loop3A_592 : i32 to index
        %parallel_loop3A_597 = arith.constant 96 : index
        %parallel_loop3A_598 = tpu.vector_load %arg7[%parallel_loop3A_594, %parallel_loop3A_595, %parallel_loop3A_596, %parallel_loop3A_597] {strides = array<i32>} : memref<5x4x8x128xf32, #tpu.memory_space<vmem>>, vector<16xf32>,
        tpu.vector_store %arg7[%parallel_loop3A_594, %parallel_loop3A_595, %parallel_loop3A_596, %parallel_loop3A_597], %parallel_loop3A_474 {strides = array<i32>} : memref<5x4x8x128xf32, #tpu.memory_space<vmem>>, vector<16xf32>,
        %parallel_loop3A_599 = arith.constant 3 : i32
        %parallel_loop3A_600 = arith.shrsi %parallel_loop3A_421, %parallel_loop3A_599 : i32
        %parallel_loop3A_601 = arith.constant 7 : i32
        %parallel_loop3A_602 = arith.andi %parallel_loop3A_421, %parallel_loop3A_601 : i32
        %parallel_loop3A_603 = arith.constant 3 : i32
        %parallel_loop3A_604 = arith.index_cast %parallel_loop3A_603 : i32 to index
        %parallel_loop3A_605 = arith.index_cast %parallel_loop3A_600 : i32 to index
        %parallel_loop3A_606 = arith.index_cast %parallel_loop3A_602 : i32 to index
        %parallel_loop3A_607 = arith.constant 112 : index
        %parallel_loop3A_608 = tpu.vector_load %arg7[%parallel_loop3A_604, %parallel_loop3A_605, %parallel_loop3A_606, %parallel_loop3A_607] {strides = array<i32>} : memref<5x4x8x128xf32, #tpu.memory_space<vmem>>, vector<16xf32>,
        tpu.vector_store %arg7[%parallel_loop3A_604, %parallel_loop3A_605, %parallel_loop3A_606, %parallel_loop3A_607], %parallel_loop3A_480 {strides = array<i32>} : memref<5x4x8x128xf32, #tpu.memory_space<vmem>>, vector<16xf32>,
        %parallel_loop3A_609 = arith.constant 3 : i32
        %parallel_loop3A_610 = arith.shrsi %parallel_loop3A_425, %parallel_loop3A_609 : i32
        %parallel_loop3A_611 = arith.constant 7 : i32
        %parallel_loop3A_612 = arith.andi %parallel_loop3A_425, %parallel_loop3A_611 : i32
        %parallel_loop3A_613 = arith.constant 3 : i32
        %parallel_loop3A_614 = arith.index_cast %parallel_loop3A_613 : i32 to index
        %parallel_loop3A_615 = arith.index_cast %parallel_loop3A_610 : i32 to index
        %parallel_loop3A_616 = arith.index_cast %parallel_loop3A_612 : i32 to index
        %parallel_loop3A_617 = arith.constant 0 : index
        %parallel_loop3A_618 = tpu.vector_load %arg7[%parallel_loop3A_614, %parallel_loop3A_615, %parallel_loop3A_616, %parallel_loop3A_617] {strides = array<i32>} : memref<5x4x8x128xf32, #tpu.memory_space<vmem>>, vector<16xf32>,
        tpu.vector_store %arg7[%parallel_loop3A_614, %parallel_loop3A_615, %parallel_loop3A_616, %parallel_loop3A_617], %parallel_loop3A_486 {strides = array<i32>} : memref<5x4x8x128xf32, #tpu.memory_space<vmem>>, vector<16xf32>,
        %parallel_loop3A_619 = arith.constant 3 : i32
        %parallel_loop3A_620 = arith.shrsi %parallel_loop3A_425, %parallel_loop3A_619 : i32
        %parallel_loop3A_621 = arith.constant 7 : i32
        %parallel_loop3A_622 = arith.andi %parallel_loop3A_425, %parallel_loop3A_621 : i32
        %parallel_loop3A_623 = arith.constant 3 : i32
        %parallel_loop3A_624 = arith.index_cast %parallel_loop3A_623 : i32 to index
        %parallel_loop3A_625 = arith.index_cast %parallel_loop3A_620 : i32 to index
        %parallel_loop3A_626 = arith.index_cast %parallel_loop3A_622 : i32 to index
        %parallel_loop3A_627 = arith.constant 16 : index
        %parallel_loop3A_628 = tpu.vector_load %arg7[%parallel_loop3A_624, %parallel_loop3A_625, %parallel_loop3A_626, %parallel_loop3A_627] {strides = array<i32>} : memref<5x4x8x128xf32, #tpu.memory_space<vmem>>, vector<16xf32>,
        tpu.vector_store %arg7[%parallel_loop3A_624, %parallel_loop3A_625, %parallel_loop3A_626, %parallel_loop3A_627], %parallel_loop3A_492 {strides = array<i32>} : memref<5x4x8x128xf32, #tpu.memory_space<vmem>>, vector<16xf32>,
        %parallel_loop3A_629 = arith.constant 3 : i32
        %parallel_loop3A_630 = arith.shrsi %parallel_loop3A_425, %parallel_loop3A_629 : i32
        %parallel_loop3A_631 = arith.constant 7 : i32
        %parallel_loop3A_632 = arith.andi %parallel_loop3A_425, %parallel_loop3A_631 : i32
        %parallel_loop3A_633 = arith.constant 3 : i32
        %parallel_loop3A_634 = arith.index_cast %parallel_loop3A_633 : i32 to index
        %parallel_loop3A_635 = arith.index_cast %parallel_loop3A_630 : i32 to index
        %parallel_loop3A_636 = arith.index_cast %parallel_loop3A_632 : i32 to index
        %parallel_loop3A_637 = arith.constant 32 : index
        %parallel_loop3A_638 = tpu.vector_load %arg7[%parallel_loop3A_634, %parallel_loop3A_635, %parallel_loop3A_636, %parallel_loop3A_637] {strides = array<i32>} : memref<5x4x8x128xf32, #tpu.memory_space<vmem>>, vector<16xf32>,
        tpu.vector_store %arg7[%parallel_loop3A_634, %parallel_loop3A_635, %parallel_loop3A_636, %parallel_loop3A_637], %parallel_loop3A_498 {strides = array<i32>} : memref<5x4x8x128xf32, #tpu.memory_space<vmem>>, vector<16xf32>,
        %parallel_loop3A_639 = arith.constant 3 : i32
        %parallel_loop3A_640 = arith.shrsi %parallel_loop3A_425, %parallel_loop3A_639 : i32
        %parallel_loop3A_641 = arith.constant 7 : i32
        %parallel_loop3A_642 = arith.andi %parallel_loop3A_425, %parallel_loop3A_641 : i32
        %parallel_loop3A_643 = arith.constant 3 : i32
        %parallel_loop3A_644 = arith.index_cast %parallel_loop3A_643 : i32 to index
        %parallel_loop3A_645 = arith.index_cast %parallel_loop3A_640 : i32 to index
        %parallel_loop3A_646 = arith.index_cast %parallel_loop3A_642 : i32 to index
        %parallel_loop3A_647 = arith.constant 48 : index
        %parallel_loop3A_648 = tpu.vector_load %arg7[%parallel_loop3A_644, %parallel_loop3A_645, %parallel_loop3A_646, %parallel_loop3A_647] {strides = array<i32>} : memref<5x4x8x128xf32, #tpu.memory_space<vmem>>, vector<16xf32>,
        tpu.vector_store %arg7[%parallel_loop3A_644, %parallel_loop3A_645, %parallel_loop3A_646, %parallel_loop3A_647], %parallel_loop3A_504 {strides = array<i32>} : memref<5x4x8x128xf32, #tpu.memory_space<vmem>>, vector<16xf32>,
        %parallel_loop3A_649 = arith.constant 3 : i32
        %parallel_loop3A_650 = arith.shrsi %parallel_loop3A_425, %parallel_loop3A_649 : i32
        %parallel_loop3A_651 = arith.constant 7 : i32
        %parallel_loop3A_652 = arith.andi %parallel_loop3A_425, %parallel_loop3A_651 : i32
        %parallel_loop3A_653 = arith.constant 3 : i32
        %parallel_loop3A_654 = arith.index_cast %parallel_loop3A_653 : i32 to index
        %parallel_loop3A_655 = arith.index_cast %parallel_loop3A_650 : i32 to index
        %parallel_loop3A_656 = arith.index_cast %parallel_loop3A_652 : i32 to index
        %parallel_loop3A_657 = arith.constant 64 : index
        %parallel_loop3A_658 = tpu.vector_load %arg7[%parallel_loop3A_654, %parallel_loop3A_655, %parallel_loop3A_656, %parallel_loop3A_657] {strides = array<i32>} : memref<5x4x8x128xf32, #tpu.memory_space<vmem>>, vector<16xf32>,
        tpu.vector_store %arg7[%parallel_loop3A_654, %parallel_loop3A_655, %parallel_loop3A_656, %parallel_loop3A_657], %parallel_loop3A_510 {strides = array<i32>} : memref<5x4x8x128xf32, #tpu.memory_space<vmem>>, vector<16xf32>,
        %parallel_loop3A_659 = arith.constant 3 : i32
        %parallel_loop3A_660 = arith.shrsi %parallel_loop3A_425, %parallel_loop3A_659 : i32
        %parallel_loop3A_661 = arith.constant 7 : i32
        %parallel_loop3A_662 = arith.andi %parallel_loop3A_425, %parallel_loop3A_661 : i32
        %parallel_loop3A_663 = arith.constant 3 : i32
        %parallel_loop3A_664 = arith.index_cast %parallel_loop3A_663 : i32 to index
        %parallel_loop3A_665 = arith.index_cast %parallel_loop3A_660 : i32 to index
        %parallel_loop3A_666 = arith.index_cast %parallel_loop3A_662 : i32 to index
        %parallel_loop3A_667 = arith.constant 80 : index
        %parallel_loop3A_668 = tpu.vector_load %arg7[%parallel_loop3A_664, %parallel_loop3A_665, %parallel_loop3A_666, %parallel_loop3A_667] {strides = array<i32>} : memref<5x4x8x128xf32, #tpu.memory_space<vmem>>, vector<16xf32>,
        tpu.vector_store %arg7[%parallel_loop3A_664, %parallel_loop3A_665, %parallel_loop3A_666, %parallel_loop3A_667], %parallel_loop3A_516 {strides = array<i32>} : memref<5x4x8x128xf32, #tpu.memory_space<vmem>>, vector<16xf32>,
        %parallel_loop3A_669 = arith.constant 3 : i32
        %parallel_loop3A_670 = arith.shrsi %parallel_loop3A_425, %parallel_loop3A_669 : i32
        %parallel_loop3A_671 = arith.constant 7 : i32
        %parallel_loop3A_672 = arith.andi %parallel_loop3A_425, %parallel_loop3A_671 : i32
        %parallel_loop3A_673 = arith.constant 3 : i32
        %parallel_loop3A_674 = arith.index_cast %parallel_loop3A_673 : i32 to index
        %parallel_loop3A_675 = arith.index_cast %parallel_loop3A_670 : i32 to index
        %parallel_loop3A_676 = arith.index_cast %parallel_loop3A_672 : i32 to index
        %parallel_loop3A_677 = arith.constant 96 : index
        %parallel_loop3A_678 = tpu.vector_load %arg7[%parallel_loop3A_674, %parallel_loop3A_675, %parallel_loop3A_676, %parallel_loop3A_677] {strides = array<i32>} : memref<5x4x8x128xf32, #tpu.memory_space<vmem>>, vector<16xf32>,
        tpu.vector_store %arg7[%parallel_loop3A_674, %parallel_loop3A_675, %parallel_loop3A_676, %parallel_loop3A_677], %parallel_loop3A_522 {strides = array<i32>} : memref<5x4x8x128xf32, #tpu.memory_space<vmem>>, vector<16xf32>,
        %parallel_loop3A_679 = arith.constant 3 : i32
        %parallel_loop3A_680 = arith.shrsi %parallel_loop3A_425, %parallel_loop3A_679 : i32
        %parallel_loop3A_681 = arith.constant 7 : i32
        %parallel_loop3A_682 = arith.andi %parallel_loop3A_425, %parallel_loop3A_681 : i32
        %parallel_loop3A_683 = arith.constant 3 : i32
        %parallel_loop3A_684 = arith.index_cast %parallel_loop3A_683 : i32 to index
        %parallel_loop3A_685 = arith.index_cast %parallel_loop3A_680 : i32 to index
        %parallel_loop3A_686 = arith.index_cast %parallel_loop3A_682 : i32 to index
        %parallel_loop3A_687 = arith.constant 112 : index
        %parallel_loop3A_688 = tpu.vector_load %arg7[%parallel_loop3A_684, %parallel_loop3A_685, %parallel_loop3A_686, %parallel_loop3A_687] {strides = array<i32>} : memref<5x4x8x128xf32, #tpu.memory_space<vmem>>, vector<16xf32>,
        tpu.vector_store %arg7[%parallel_loop3A_684, %parallel_loop3A_685, %parallel_loop3A_686, %parallel_loop3A_687], %parallel_loop3A_528 {strides = array<i32>} : memref<5x4x8x128xf32, #tpu.memory_space<vmem>>, vector<16xf32>,
      } {sc.loop_unroll_factor = 4 : i64, sc.parallel_access}
      %dma_start3A_331 = arith.constant 3 : i32
      %dma_start3A_332 = arith.constant 0 : i32
      %dma_start3A_333 = arith.constant 0 : i32
      %dma_start3A_334 = arith.constant 0 : i32
      %dma_start3A_335 = tpu.memref_slice %arg7[%dma_start3A_331, %dma_start3A_332, %dma_start3A_333, %dma_start3A_334] : memref<5x4x8x128xf32, #tpu.memory_space<vmem>> -> memref<1x4x8x128xf32, #tpu.memory_space<vmem>>
      %dma_start3A_336 = tpu.memref_squeeze %dma_start3A_335 : memref<1x4x8x128xf32, #tpu.memory_space<vmem>> -> memref<4x8x128xf32, #tpu.memory_space<vmem>>
      %dma_start3A_337 = arith.constant 0 : i32
      %dma_start3A_338 = arith.constant 0 : i32
      %dma_start3A_339 = arith.constant 0 : i32
      %dma_start3A_340 = tpu.memref_slice %arg4[%add3A_288, %dma_start3A_337, %add3A, %dma_start3A_338, %dma_start3A_339] : memref<200x4x32x8x128xf32, #tpu.memory_space<hbm>> -> memref<1x4x1x8x128xf32, #tpu.memory_space<hbm>>
      %dma_start3A_341 = tpu.memref_squeeze %dma_start3A_340 : memref<1x4x1x8x128xf32, #tpu.memory_space<hbm>> -> memref<4x8x128xf32, #tpu.memory_space<hbm>>
      %dma_start3A_342 = arith.constant 0 : i32
      %dma_start3A_343 = arith.constant 0 : i32
      %dma_start3A_344 = arith.constant 0 : i32
      %dma_start3A_345 = tpu.memref_slice %arg4[%add3A_288, %dma_start3A_342, %add3A, %dma_start3A_343, %dma_start3A_344] : memref<200x4x32x8x128xf32, #tpu.memory_space<hbm>> -> memref<1x4x1x8x128xf32, #tpu.memory_space<hbm>>
      %dma_start3A_346 = tpu.memref_squeeze %dma_start3A_345 : memref<1x4x1x8x128xf32, #tpu.memory_space<hbm>> -> memref<4x8x128xf32, #tpu.memory_space<hbm>>
      %dma_start3A_347 = arith.constant 0 : i32
      %dma_start3A_348 = arith.constant 0 : i32
      %dma_start3A_349 = arith.constant 0 : i32
      %dma_start3A_350 = tpu.memref_slice %arg7[%dma_start3A_331, %dma_start3A_347, %dma_start3A_348, %dma_start3A_349] : memref<5x4x8x128xf32, #tpu.memory_space<vmem>> -> memref<1x4x8x128xf32, #tpu.memory_space<vmem>>
      %dma_start3A_351 = tpu.memref_squeeze %dma_start3A_350 : memref<1x4x8x128xf32, #tpu.memory_space<vmem>> -> memref<4x8x128xf32, #tpu.memory_space<vmem>>
      tpu.enqueue_dma source(%dma_start3A_351 : memref<4x8x128xf32, #tpu.memory_space<vmem>>) target(%dma_start3A_346 : memref<4x8x128xf32, #tpu.memory_space<hbm>>) target_semaphore(%arg16 : memref<!tpu.dma_semaphore, #tpu.memory_space<semaphore_mem>>)
      %mul3A_352 = arith.constant 5 : i32
      %mul3A_353 = arith.muli %scan3A_93, %mul3A_352 : i32
      %add3A_354 = arith.constant 4 : i32
      %add3A_355 = arith.addi %mul3A_353, %add3A_354 : i32
      %add3A_356 = arith.constant 5 : i32
      %add3A_357 = arith.addi %add3A_355, %add3A_356 : i32
      %sub3A_358 = arith.constant 1 : i32
      %sub3A_359 = arith.subi %add3A_357, %sub3A_358 : i32
      %dma_wait3A_360 = arith.constant 3 : i32
      %dma_wait3A_361 = arith.constant 0 : i32
      %dma_wait3A_362 = arith.constant 0 : i32
      %dma_wait3A_363 = tpu.memref_slice %arg6[%dma_wait3A_360, %dma_wait3A_361, %dma_wait3A_362] : memref<5x128x32xf32, #tpu.memory_space<vmem>> -> memref<1x128x32xf32, #tpu.memory_space<vmem>>
      %dma_wait3A_364 = tpu.memref_squeeze %dma_wait3A_363 : memref<1x128x32xf32, #tpu.memory_space<vmem>> -> memref<128x32xf32, #tpu.memory_space<vmem>>
      %dma_wait3A_365 = arith.constant 0 : i32
      %dma_wait3A_366 = arith.constant 0 : i32
      %dma_wait3A_367 = tpu.memref_slice %arg3[%dma_wait3A_365, %dma_wait3A_366] : memref<1000000x32xf32, #tpu.memory_space<hbm>> -> memref<128x32xf32, #tpu.memory_space<hbm>>
      %dma_wait3A_368 = arith.constant 0 : i32
      %dma_wait3A_369 = arith.constant 0 : i32
      %dma_wait3A_370 = tpu.memref_slice %arg6[%dma_wait3A_360, %dma_wait3A_368, %dma_wait3A_369] : memref<5x128x32xf32, #tpu.memory_space<vmem>> -> memref<1x128x32xf32, #tpu.memory_space<vmem>>
      %dma_wait3A_371 = tpu.memref_squeeze %dma_wait3A_370 : memref<1x128x32xf32, #tpu.memory_space<vmem>> -> memref<128x32xf32, #tpu.memory_space<vmem>>
      %dma_wait3A_372 = arith.constant 0 : i32
      %dma_wait3A_373 = arith.constant 0 : i32
      %dma_wait3A_374 = tpu.memref_slice %arg3[%dma_wait3A_372, %dma_wait3A_373] : memref<1000000x32xf32, #tpu.memory_space<hbm>> -> memref<128x32xf32, #tpu.memory_space<hbm>>
      tpu.wait_dma2 semaphore(%arg16 : memref<!tpu.dma_semaphore, #tpu.memory_space<semaphore_mem>>) src(%dma_wait3A_374 : memref<128x32xf32, #tpu.memory_space<hbm>>) dst(%dma_wait3A_371 : memref<128x32xf32, #tpu.memory_space<vmem>>)
      %lt3A_375 = arith.constant 200 : i32
      %lt3A_376 = arith.cmpi slt, %sub3A_359, %lt3A_375 : i32
      %convert_element_type3A_377 = arith.extui %lt3A_376 : i1 to i32
      %cond3A_378 = arith.constant 0 : i32
      %cond3A_379 = arith.cmpi ne, %convert_element_type3A_377, %cond3A_378 : i32
      scf.if %cond3A_379 {
        %dma_start3A_419 = arith.constant 3 : i32
        %dma_start3A_420 = arith.constant 0 : i32
        %dma_start3A_421 = arith.constant 0 : i32
        %dma_start3A_422 = tpu.memref_slice %arg6[%dma_start3A_419, %dma_start3A_420, %dma_start3A_421] : memref<5x128x32xf32, #tpu.memory_space<vmem>> -> memref<1x128x32xf32, #tpu.memory_space<vmem>>
        %dma_start3A_423 = tpu.memref_squeeze %dma_start3A_422 : memref<1x128x32xf32, #tpu.memory_space<vmem>> -> memref<128x32xf32, #tpu.memory_space<vmem>>
        %dma_start3A_424 = arith.constant 0 : i32
        %dma_start3A_425 = tpu.memref_slice %arg5[%sub3A_359, %dma_start3A_424] : memref<200x128xi32, #tpu.memory_space<vmem>> -> memref<1x128xi32, #tpu.memory_space<vmem>>
        %dma_start3A_426 = tpu.memref_squeeze %dma_start3A_425 : memref<1x128xi32, #tpu.memory_space<vmem>> -> memref<128xi32, #tpu.memory_space<vmem>>
        %dma_start3A_427 = arith.constant 0 : i32
        %dma_start3A_428 = arith.constant 0 : i32
        %dma_start3A_429 = tpu.memref_slice %arg3[%dma_start3A_427, %dma_start3A_428] : memref<1000000x32xf32, #tpu.memory_space<hbm>> -> memref<1000000x32xf32, #tpu.memory_space<hbm>>
        tpu.enqueue_indirect_dma source(%dma_start3A_429 : memref<1000000x32xf32, #tpu.memory_space<hbm>>) target(%dma_start3A_423 : memref<128x32xf32, #tpu.memory_space<vmem>>) offsets(%dma_start3A_426 : memref<128xi32, #tpu.memory_space<vmem>>) semaphore(%arg11 : memref<!tpu.dma_semaphore, #tpu.memory_space<semaphore_mem>>)
      } else {
      }
      %dma_wait3A_380 = arith.constant 4 : i32
      %dma_wait3A_381 = arith.constant 0 : i32
      %dma_wait3A_382 = arith.constant 0 : i32
      %dma_wait3A_383 = tpu.memref_slice %arg6[%dma_wait3A_380, %dma_wait3A_381, %dma_wait3A_382] : memref<5x128x32xf32, #tpu.memory_space<vmem>> -> memref<1x128x32xf32, #tpu.memory_space<vmem>>
      %dma_wait3A_384 = tpu.memref_squeeze %dma_wait3A_383 : memref<1x128x32xf32, #tpu.memory_space<vmem>> -> memref<128x32xf32, #tpu.memory_space<vmem>>
      %dma_wait3A_385 = arith.constant 0 : i32
      %dma_wait3A_386 = arith.constant 0 : i32
      %dma_wait3A_387 = tpu.memref_slice %arg3[%dma_wait3A_385, %dma_wait3A_386] : memref<1000000x32xf32, #tpu.memory_space<hbm>> -> memref<128x32xf32, #tpu.memory_space<hbm>>
      %dma_wait3A_388 = arith.constant 0 : i32
      %dma_wait3A_389 = arith.constant 0 : i32
      %dma_wait3A_390 = tpu.memref_slice %arg6[%dma_wait3A_380, %dma_wait3A_388, %dma_wait3A_389] : memref<5x128x32xf32, #tpu.memory_space<vmem>> -> memref<1x128x32xf32, #tpu.memory_space<vmem>>
      %dma_wait3A_391 = tpu.memref_squeeze %dma_wait3A_390 : memref<1x128x32xf32, #tpu.memory_space<vmem>> -> memref<128x32xf32, #tpu.memory_space<vmem>>
      %dma_wait3A_392 = arith.constant 0 : i32
      %dma_wait3A_393 = arith.constant 0 : i32
      %dma_wait3A_394 = tpu.memref_slice %arg3[%dma_wait3A_392, %dma_wait3A_393] : memref<1000000x32xf32, #tpu.memory_space<hbm>> -> memref<128x32xf32, #tpu.memory_space<hbm>>
      tpu.wait_dma2 semaphore(%arg12 : memref<!tpu.dma_semaphore, #tpu.memory_space<semaphore_mem>>) src(%dma_wait3A_394 : memref<128x32xf32, #tpu.memory_space<hbm>>) dst(%dma_wait3A_391 : memref<128x32xf32, #tpu.memory_space<vmem>>)
      %parallel_loop3A_395 = arith.constant 0 : i32
      %parallel_loop3A_396 = arith.constant 16 : i32
      %parallel_loop3A_397 = arith.constant 1 : i32
      scf.for %parallel_loop3A_419 = %parallel_loop3A_395 to %parallel_loop3A_396 step %parallel_loop3A_397  : i32 {
        %parallel_loop3A_420 = arith.constant 2 : i32
        %parallel_loop3A_421 = arith.muli %parallel_loop3A_420, %parallel_loop3A_419 : i32
        %parallel_loop3A_422 = arith.constant 2 : i32
        %parallel_loop3A_423 = arith.muli %parallel_loop3A_422, %parallel_loop3A_419 : i32
        %parallel_loop3A_424 = arith.constant 1 : i32
        %parallel_loop3A_425 = arith.addi %parallel_loop3A_423, %parallel_loop3A_424 : i32
        %parallel_loop3A_426 = arith.constant 0 : i32
        %parallel_loop3A_427 = vector.broadcast %parallel_loop3A_426 : i32 to vector<16xi32>
        %parallel_loop3A_428 = vector.broadcast %parallel_loop3A_421 : i32 to vector<16xi32>
        %parallel_loop3A_429 = arith.addi %parallel_loop3A_427, %parallel_loop3A_428 : vector<16xi32>
        %parallel_loop3A_430 = arith.constant 1 : i32
        %parallel_loop3A_431 = vector.broadcast %parallel_loop3A_430 : i32 to vector<16xi32>
        %parallel_loop3A_432 = arith.addi %parallel_loop3A_429, %parallel_loop3A_431 : vector<16xi32>
        %parallel_loop3A_433 = arith.constant 4 : i32
        %parallel_loop3A_434 = arith.constant 0 : i32
        %parallel_loop3A_435 = arith.constant 0 : i32
        %parallel_loop3A_436 = tpu.memref_slice %arg6[%parallel_loop3A_433, %parallel_loop3A_434, %parallel_loop3A_435] : memref<5x128x32xf32, #tpu.memory_space<vmem>> -> memref<1x128x32xf32, #tpu.memory_space<vmem>>
        %parallel_loop3A_437 = tpu.memref_squeeze %parallel_loop3A_436 : memref<1x128x32xf32, #tpu.memory_space<vmem>> -> memref<128x32xf32, #tpu.memory_space<vmem>>
        %parallel_loop3A_438 = tpu.vector_load_idx %parallel_loop3A_437[%add3A_5, %parallel_loop3A_429] : memref<128x32xf32, #tpu.memory_space<vmem>>[vector<16xi32>, vector<16xi32>], vector<16xf32>,
        %parallel_loop3A_439 = arith.constant 4 : i32
        %parallel_loop3A_440 = arith.constant 0 : i32
        %parallel_loop3A_441 = arith.constant 0 : i32
        %parallel_loop3A_442 = tpu.memref_slice %arg6[%parallel_loop3A_439, %parallel_loop3A_440, %parallel_loop3A_441] : memref<5x128x32xf32, #tpu.memory_space<vmem>> -> memref<1x128x32xf32, #tpu.memory_space<vmem>>
        %parallel_loop3A_443 = tpu.memref_squeeze %parallel_loop3A_442 : memref<1x128x32xf32, #tpu.memory_space<vmem>> -> memref<128x32xf32, #tpu.memory_space<vmem>>
        %parallel_loop3A_444 = tpu.vector_load_idx %parallel_loop3A_443[%add3A_8, %parallel_loop3A_429] : memref<128x32xf32, #tpu.memory_space<vmem>>[vector<16xi32>, vector<16xi32>], vector<16xf32>,
        %parallel_loop3A_445 = arith.constant 4 : i32
        %parallel_loop3A_446 = arith.constant 0 : i32
        %parallel_loop3A_447 = arith.constant 0 : i32
        %parallel_loop3A_448 = tpu.memref_slice %arg6[%parallel_loop3A_445, %parallel_loop3A_446, %parallel_loop3A_447] : memref<5x128x32xf32, #tpu.memory_space<vmem>> -> memref<1x128x32xf32, #tpu.memory_space<vmem>>
        %parallel_loop3A_449 = tpu.memref_squeeze %parallel_loop3A_448 : memref<1x128x32xf32, #tpu.memory_space<vmem>> -> memref<128x32xf32, #tpu.memory_space<vmem>>
        %parallel_loop3A_450 = tpu.vector_load_idx %parallel_loop3A_449[%add3A_11, %parallel_loop3A_429] : memref<128x32xf32, #tpu.memory_space<vmem>>[vector<16xi32>, vector<16xi32>], vector<16xf32>,
        %parallel_loop3A_451 = arith.constant 4 : i32
        %parallel_loop3A_452 = arith.constant 0 : i32
        %parallel_loop3A_453 = arith.constant 0 : i32
        %parallel_loop3A_454 = tpu.memref_slice %arg6[%parallel_loop3A_451, %parallel_loop3A_452, %parallel_loop3A_453] : memref<5x128x32xf32, #tpu.memory_space<vmem>> -> memref<1x128x32xf32, #tpu.memory_space<vmem>>
        %parallel_loop3A_455 = tpu.memref_squeeze %parallel_loop3A_454 : memref<1x128x32xf32, #tpu.memory_space<vmem>> -> memref<128x32xf32, #tpu.memory_space<vmem>>
        %parallel_loop3A_456 = tpu.vector_load_idx %parallel_loop3A_455[%add3A_14, %parallel_loop3A_429] : memref<128x32xf32, #tpu.memory_space<vmem>>[vector<16xi32>, vector<16xi32>], vector<16xf32>,
        %parallel_loop3A_457 = arith.constant 4 : i32
        %parallel_loop3A_458 = arith.constant 0 : i32
        %parallel_loop3A_459 = arith.constant 0 : i32
        %parallel_loop3A_460 = tpu.memref_slice %arg6[%parallel_loop3A_457, %parallel_loop3A_458, %parallel_loop3A_459] : memref<5x128x32xf32, #tpu.memory_space<vmem>> -> memref<1x128x32xf32, #tpu.memory_space<vmem>>
        %parallel_loop3A_461 = tpu.memref_squeeze %parallel_loop3A_460 : memref<1x128x32xf32, #tpu.memory_space<vmem>> -> memref<128x32xf32, #tpu.memory_space<vmem>>
        %parallel_loop3A_462 = tpu.vector_load_idx %parallel_loop3A_461[%add3A_17, %parallel_loop3A_429] : memref<128x32xf32, #tpu.memory_space<vmem>>[vector<16xi32>, vector<16xi32>], vector<16xf32>,
        %parallel_loop3A_463 = arith.constant 4 : i32
        %parallel_loop3A_464 = arith.constant 0 : i32
        %parallel_loop3A_465 = arith.constant 0 : i32
        %parallel_loop3A_466 = tpu.memref_slice %arg6[%parallel_loop3A_463, %parallel_loop3A_464, %parallel_loop3A_465] : memref<5x128x32xf32, #tpu.memory_space<vmem>> -> memref<1x128x32xf32, #tpu.memory_space<vmem>>
        %parallel_loop3A_467 = tpu.memref_squeeze %parallel_loop3A_466 : memref<1x128x32xf32, #tpu.memory_space<vmem>> -> memref<128x32xf32, #tpu.memory_space<vmem>>
        %parallel_loop3A_468 = tpu.vector_load_idx %parallel_loop3A_467[%add3A_20, %parallel_loop3A_429] : memref<128x32xf32, #tpu.memory_space<vmem>>[vector<16xi32>, vector<16xi32>], vector<16xf32>,
        %parallel_loop3A_469 = arith.constant 4 : i32
        %parallel_loop3A_470 = arith.constant 0 : i32
        %parallel_loop3A_471 = arith.constant 0 : i32
        %parallel_loop3A_472 = tpu.memref_slice %arg6[%parallel_loop3A_469, %parallel_loop3A_470, %parallel_loop3A_471] : memref<5x128x32xf32, #tpu.memory_space<vmem>> -> memref<1x128x32xf32, #tpu.memory_space<vmem>>
        %parallel_loop3A_473 = tpu.memref_squeeze %parallel_loop3A_472 : memref<1x128x32xf32, #tpu.memory_space<vmem>> -> memref<128x32xf32, #tpu.memory_space<vmem>>
        %parallel_loop3A_474 = tpu.vector_load_idx %parallel_loop3A_473[%add3A_23, %parallel_loop3A_429] : memref<128x32xf32, #tpu.memory_space<vmem>>[vector<16xi32>, vector<16xi32>], vector<16xf32>,
        %parallel_loop3A_475 = arith.constant 4 : i32
        %parallel_loop3A_476 = arith.constant 0 : i32
        %parallel_loop3A_477 = arith.constant 0 : i32
        %parallel_loop3A_478 = tpu.memref_slice %arg6[%parallel_loop3A_475, %parallel_loop3A_476, %parallel_loop3A_477] : memref<5x128x32xf32, #tpu.memory_space<vmem>> -> memref<1x128x32xf32, #tpu.memory_space<vmem>>
        %parallel_loop3A_479 = tpu.memref_squeeze %parallel_loop3A_478 : memref<1x128x32xf32, #tpu.memory_space<vmem>> -> memref<128x32xf32, #tpu.memory_space<vmem>>
        %parallel_loop3A_480 = tpu.vector_load_idx %parallel_loop3A_479[%add3A_26, %parallel_loop3A_429] : memref<128x32xf32, #tpu.memory_space<vmem>>[vector<16xi32>, vector<16xi32>], vector<16xf32>,
        %parallel_loop3A_481 = arith.constant 4 : i32
        %parallel_loop3A_482 = arith.constant 0 : i32
        %parallel_loop3A_483 = arith.constant 0 : i32
        %parallel_loop3A_484 = tpu.memref_slice %arg6[%parallel_loop3A_481, %parallel_loop3A_482, %parallel_loop3A_483] : memref<5x128x32xf32, #tpu.memory_space<vmem>> -> memref<1x128x32xf32, #tpu.memory_space<vmem>>
        %parallel_loop3A_485 = tpu.memref_squeeze %parallel_loop3A_484 : memref<1x128x32xf32, #tpu.memory_space<vmem>> -> memref<128x32xf32, #tpu.memory_space<vmem>>
        %parallel_loop3A_486 = tpu.vector_load_idx %parallel_loop3A_485[%add3A_5, %parallel_loop3A_432] : memref<128x32xf32, #tpu.memory_space<vmem>>[vector<16xi32>, vector<16xi32>], vector<16xf32>,
        %parallel_loop3A_487 = arith.constant 4 : i32
        %parallel_loop3A_488 = arith.constant 0 : i32
        %parallel_loop3A_489 = arith.constant 0 : i32
        %parallel_loop3A_490 = tpu.memref_slice %arg6[%parallel_loop3A_487, %parallel_loop3A_488, %parallel_loop3A_489] : memref<5x128x32xf32, #tpu.memory_space<vmem>> -> memref<1x128x32xf32, #tpu.memory_space<vmem>>
        %parallel_loop3A_491 = tpu.memref_squeeze %parallel_loop3A_490 : memref<1x128x32xf32, #tpu.memory_space<vmem>> -> memref<128x32xf32, #tpu.memory_space<vmem>>
        %parallel_loop3A_492 = tpu.vector_load_idx %parallel_loop3A_491[%add3A_8, %parallel_loop3A_432] : memref<128x32xf32, #tpu.memory_space<vmem>>[vector<16xi32>, vector<16xi32>], vector<16xf32>,
        %parallel_loop3A_493 = arith.constant 4 : i32
        %parallel_loop3A_494 = arith.constant 0 : i32
        %parallel_loop3A_495 = arith.constant 0 : i32
        %parallel_loop3A_496 = tpu.memref_slice %arg6[%parallel_loop3A_493, %parallel_loop3A_494, %parallel_loop3A_495] : memref<5x128x32xf32, #tpu.memory_space<vmem>> -> memref<1x128x32xf32, #tpu.memory_space<vmem>>
        %parallel_loop3A_497 = tpu.memref_squeeze %parallel_loop3A_496 : memref<1x128x32xf32, #tpu.memory_space<vmem>> -> memref<128x32xf32, #tpu.memory_space<vmem>>
        %parallel_loop3A_498 = tpu.vector_load_idx %parallel_loop3A_497[%add3A_11, %parallel_loop3A_432] : memref<128x32xf32, #tpu.memory_space<vmem>>[vector<16xi32>, vector<16xi32>], vector<16xf32>,
        %parallel_loop3A_499 = arith.constant 4 : i32
        %parallel_loop3A_500 = arith.constant 0 : i32
        %parallel_loop3A_501 = arith.constant 0 : i32
        %parallel_loop3A_502 = tpu.memref_slice %arg6[%parallel_loop3A_499, %parallel_loop3A_500, %parallel_loop3A_501] : memref<5x128x32xf32, #tpu.memory_space<vmem>> -> memref<1x128x32xf32, #tpu.memory_space<vmem>>
        %parallel_loop3A_503 = tpu.memref_squeeze %parallel_loop3A_502 : memref<1x128x32xf32, #tpu.memory_space<vmem>> -> memref<128x32xf32, #tpu.memory_space<vmem>>
        %parallel_loop3A_504 = tpu.vector_load_idx %parallel_loop3A_503[%add3A_14, %parallel_loop3A_432] : memref<128x32xf32, #tpu.memory_space<vmem>>[vector<16xi32>, vector<16xi32>], vector<16xf32>,
        %parallel_loop3A_505 = arith.constant 4 : i32
        %parallel_loop3A_506 = arith.constant 0 : i32
        %parallel_loop3A_507 = arith.constant 0 : i32
        %parallel_loop3A_508 = tpu.memref_slice %arg6[%parallel_loop3A_505, %parallel_loop3A_506, %parallel_loop3A_507] : memref<5x128x32xf32, #tpu.memory_space<vmem>> -> memref<1x128x32xf32, #tpu.memory_space<vmem>>
        %parallel_loop3A_509 = tpu.memref_squeeze %parallel_loop3A_508 : memref<1x128x32xf32, #tpu.memory_space<vmem>> -> memref<128x32xf32, #tpu.memory_space<vmem>>
        %parallel_loop3A_510 = tpu.vector_load_idx %parallel_loop3A_509[%add3A_17, %parallel_loop3A_432] : memref<128x32xf32, #tpu.memory_space<vmem>>[vector<16xi32>, vector<16xi32>], vector<16xf32>,
        %parallel_loop3A_511 = arith.constant 4 : i32
        %parallel_loop3A_512 = arith.constant 0 : i32
        %parallel_loop3A_513 = arith.constant 0 : i32
        %parallel_loop3A_514 = tpu.memref_slice %arg6[%parallel_loop3A_511, %parallel_loop3A_512, %parallel_loop3A_513] : memref<5x128x32xf32, #tpu.memory_space<vmem>> -> memref<1x128x32xf32, #tpu.memory_space<vmem>>
        %parallel_loop3A_515 = tpu.memref_squeeze %parallel_loop3A_514 : memref<1x128x32xf32, #tpu.memory_space<vmem>> -> memref<128x32xf32, #tpu.memory_space<vmem>>
        %parallel_loop3A_516 = tpu.vector_load_idx %parallel_loop3A_515[%add3A_20, %parallel_loop3A_432] : memref<128x32xf32, #tpu.memory_space<vmem>>[vector<16xi32>, vector<16xi32>], vector<16xf32>,
        %parallel_loop3A_517 = arith.constant 4 : i32
        %parallel_loop3A_518 = arith.constant 0 : i32
        %parallel_loop3A_519 = arith.constant 0 : i32
        %parallel_loop3A_520 = tpu.memref_slice %arg6[%parallel_loop3A_517, %parallel_loop3A_518, %parallel_loop3A_519] : memref<5x128x32xf32, #tpu.memory_space<vmem>> -> memref<1x128x32xf32, #tpu.memory_space<vmem>>
        %parallel_loop3A_521 = tpu.memref_squeeze %parallel_loop3A_520 : memref<1x128x32xf32, #tpu.memory_space<vmem>> -> memref<128x32xf32, #tpu.memory_space<vmem>>
        %parallel_loop3A_522 = tpu.vector_load_idx %parallel_loop3A_521[%add3A_23, %parallel_loop3A_432] : memref<128x32xf32, #tpu.memory_space<vmem>>[vector<16xi32>, vector<16xi32>], vector<16xf32>,
        %parallel_loop3A_523 = arith.constant 4 : i32
        %parallel_loop3A_524 = arith.constant 0 : i32
        %parallel_loop3A_525 = arith.constant 0 : i32
        %parallel_loop3A_526 = tpu.memref_slice %arg6[%parallel_loop3A_523, %parallel_loop3A_524, %parallel_loop3A_525] : memref<5x128x32xf32, #tpu.memory_space<vmem>> -> memref<1x128x32xf32, #tpu.memory_space<vmem>>
        %parallel_loop3A_527 = tpu.memref_squeeze %parallel_loop3A_526 : memref<1x128x32xf32, #tpu.memory_space<vmem>> -> memref<128x32xf32, #tpu.memory_space<vmem>>
        %parallel_loop3A_528 = tpu.vector_load_idx %parallel_loop3A_527[%add3A_26, %parallel_loop3A_432] : memref<128x32xf32, #tpu.memory_space<vmem>>[vector<16xi32>, vector<16xi32>], vector<16xf32>,
        %parallel_loop3A_529 = arith.constant 3 : i32
        %parallel_loop3A_530 = arith.shrsi %parallel_loop3A_421, %parallel_loop3A_529 : i32
        %parallel_loop3A_531 = arith.constant 7 : i32
        %parallel_loop3A_532 = arith.andi %parallel_loop3A_421, %parallel_loop3A_531 : i32
        %parallel_loop3A_533 = arith.constant 4 : i32
        %parallel_loop3A_534 = arith.index_cast %parallel_loop3A_533 : i32 to index
        %parallel_loop3A_535 = arith.index_cast %parallel_loop3A_530 : i32 to index
        %parallel_loop3A_536 = arith.index_cast %parallel_loop3A_532 : i32 to index
        %parallel_loop3A_537 = arith.constant 0 : index
        %parallel_loop3A_538 = tpu.vector_load %arg7[%parallel_loop3A_534, %parallel_loop3A_535, %parallel_loop3A_536, %parallel_loop3A_537] {strides = array<i32>} : memref<5x4x8x128xf32, #tpu.memory_space<vmem>>, vector<16xf32>,
        tpu.vector_store %arg7[%parallel_loop3A_534, %parallel_loop3A_535, %parallel_loop3A_536, %parallel_loop3A_537], %parallel_loop3A_438 {strides = array<i32>} : memref<5x4x8x128xf32, #tpu.memory_space<vmem>>, vector<16xf32>,
        %parallel_loop3A_539 = arith.constant 3 : i32
        %parallel_loop3A_540 = arith.shrsi %parallel_loop3A_421, %parallel_loop3A_539 : i32
        %parallel_loop3A_541 = arith.constant 7 : i32
        %parallel_loop3A_542 = arith.andi %parallel_loop3A_421, %parallel_loop3A_541 : i32
        %parallel_loop3A_543 = arith.constant 4 : i32
        %parallel_loop3A_544 = arith.index_cast %parallel_loop3A_543 : i32 to index
        %parallel_loop3A_545 = arith.index_cast %parallel_loop3A_540 : i32 to index
        %parallel_loop3A_546 = arith.index_cast %parallel_loop3A_542 : i32 to index
        %parallel_loop3A_547 = arith.constant 16 : index
        %parallel_loop3A_548 = tpu.vector_load %arg7[%parallel_loop3A_544, %parallel_loop3A_545, %parallel_loop3A_546, %parallel_loop3A_547] {strides = array<i32>} : memref<5x4x8x128xf32, #tpu.memory_space<vmem>>, vector<16xf32>,
        tpu.vector_store %arg7[%parallel_loop3A_544, %parallel_loop3A_545, %parallel_loop3A_546, %parallel_loop3A_547], %parallel_loop3A_444 {strides = array<i32>} : memref<5x4x8x128xf32, #tpu.memory_space<vmem>>, vector<16xf32>,
        %parallel_loop3A_549 = arith.constant 3 : i32
        %parallel_loop3A_550 = arith.shrsi %parallel_loop3A_421, %parallel_loop3A_549 : i32
        %parallel_loop3A_551 = arith.constant 7 : i32
        %parallel_loop3A_552 = arith.andi %parallel_loop3A_421, %parallel_loop3A_551 : i32
        %parallel_loop3A_553 = arith.constant 4 : i32
        %parallel_loop3A_554 = arith.index_cast %parallel_loop3A_553 : i32 to index
        %parallel_loop3A_555 = arith.index_cast %parallel_loop3A_550 : i32 to index
        %parallel_loop3A_556 = arith.index_cast %parallel_loop3A_552 : i32 to index
        %parallel_loop3A_557 = arith.constant 32 : index
        %parallel_loop3A_558 = tpu.vector_load %arg7[%parallel_loop3A_554, %parallel_loop3A_555, %parallel_loop3A_556, %parallel_loop3A_557] {strides = array<i32>} : memref<5x4x8x128xf32, #tpu.memory_space<vmem>>, vector<16xf32>,
        tpu.vector_store %arg7[%parallel_loop3A_554, %parallel_loop3A_555, %parallel_loop3A_556, %parallel_loop3A_557], %parallel_loop3A_450 {strides = array<i32>} : memref<5x4x8x128xf32, #tpu.memory_space<vmem>>, vector<16xf32>,
        %parallel_loop3A_559 = arith.constant 3 : i32
        %parallel_loop3A_560 = arith.shrsi %parallel_loop3A_421, %parallel_loop3A_559 : i32
        %parallel_loop3A_561 = arith.constant 7 : i32
        %parallel_loop3A_562 = arith.andi %parallel_loop3A_421, %parallel_loop3A_561 : i32
        %parallel_loop3A_563 = arith.constant 4 : i32
        %parallel_loop3A_564 = arith.index_cast %parallel_loop3A_563 : i32 to index
        %parallel_loop3A_565 = arith.index_cast %parallel_loop3A_560 : i32 to index
        %parallel_loop3A_566 = arith.index_cast %parallel_loop3A_562 : i32 to index
        %parallel_loop3A_567 = arith.constant 48 : index
        %parallel_loop3A_568 = tpu.vector_load %arg7[%parallel_loop3A_564, %parallel_loop3A_565, %parallel_loop3A_566, %parallel_loop3A_567] {strides = array<i32>} : memref<5x4x8x128xf32, #tpu.memory_space<vmem>>, vector<16xf32>,
        tpu.vector_store %arg7[%parallel_loop3A_564, %parallel_loop3A_565, %parallel_loop3A_566, %parallel_loop3A_567], %parallel_loop3A_456 {strides = array<i32>} : memref<5x4x8x128xf32, #tpu.memory_space<vmem>>, vector<16xf32>,
        %parallel_loop3A_569 = arith.constant 3 : i32
        %parallel_loop3A_570 = arith.shrsi %parallel_loop3A_421, %parallel_loop3A_569 : i32
        %parallel_loop3A_571 = arith.constant 7 : i32
        %parallel_loop3A_572 = arith.andi %parallel_loop3A_421, %parallel_loop3A_571 : i32
        %parallel_loop3A_573 = arith.constant 4 : i32
        %parallel_loop3A_574 = arith.index_cast %parallel_loop3A_573 : i32 to index
        %parallel_loop3A_575 = arith.index_cast %parallel_loop3A_570 : i32 to index
        %parallel_loop3A_576 = arith.index_cast %parallel_loop3A_572 : i32 to index
        %parallel_loop3A_577 = arith.constant 64 : index
        %parallel_loop3A_578 = tpu.vector_load %arg7[%parallel_loop3A_574, %parallel_loop3A_575, %parallel_loop3A_576, %parallel_loop3A_577] {strides = array<i32>} : memref<5x4x8x128xf32, #tpu.memory_space<vmem>>, vector<16xf32>,
        tpu.vector_store %arg7[%parallel_loop3A_574, %parallel_loop3A_575, %parallel_loop3A_576, %parallel_loop3A_577], %parallel_loop3A_462 {strides = array<i32>} : memref<5x4x8x128xf32, #tpu.memory_space<vmem>>, vector<16xf32>,
        %parallel_loop3A_579 = arith.constant 3 : i32
        %parallel_loop3A_580 = arith.shrsi %parallel_loop3A_421, %parallel_loop3A_579 : i32
        %parallel_loop3A_581 = arith.constant 7 : i32
        %parallel_loop3A_582 = arith.andi %parallel_loop3A_421, %parallel_loop3A_581 : i32
        %parallel_loop3A_583 = arith.constant 4 : i32
        %parallel_loop3A_584 = arith.index_cast %parallel_loop3A_583 : i32 to index
        %parallel_loop3A_585 = arith.index_cast %parallel_loop3A_580 : i32 to index
        %parallel_loop3A_586 = arith.index_cast %parallel_loop3A_582 : i32 to index
        %parallel_loop3A_587 = arith.constant 80 : index
        %parallel_loop3A_588 = tpu.vector_load %arg7[%parallel_loop3A_584, %parallel_loop3A_585, %parallel_loop3A_586, %parallel_loop3A_587] {strides = array<i32>} : memref<5x4x8x128xf32, #tpu.memory_space<vmem>>, vector<16xf32>,
        tpu.vector_store %arg7[%parallel_loop3A_584, %parallel_loop3A_585, %parallel_loop3A_586, %parallel_loop3A_587], %parallel_loop3A_468 {strides = array<i32>} : memref<5x4x8x128xf32, #tpu.memory_space<vmem>>, vector<16xf32>,
        %parallel_loop3A_589 = arith.constant 3 : i32
        %parallel_loop3A_590 = arith.shrsi %parallel_loop3A_421, %parallel_loop3A_589 : i32
        %parallel_loop3A_591 = arith.constant 7 : i32
        %parallel_loop3A_592 = arith.andi %parallel_loop3A_421, %parallel_loop3A_591 : i32
        %parallel_loop3A_593 = arith.constant 4 : i32
        %parallel_loop3A_594 = arith.index_cast %parallel_loop3A_593 : i32 to index
        %parallel_loop3A_595 = arith.index_cast %parallel_loop3A_590 : i32 to index
        %parallel_loop3A_596 = arith.index_cast %parallel_loop3A_592 : i32 to index
        %parallel_loop3A_597 = arith.constant 96 : index
        %parallel_loop3A_598 = tpu.vector_load %arg7[%parallel_loop3A_594, %parallel_loop3A_595, %parallel_loop3A_596, %parallel_loop3A_597] {strides = array<i32>} : memref<5x4x8x128xf32, #tpu.memory_space<vmem>>, vector<16xf32>,
        tpu.vector_store %arg7[%parallel_loop3A_594, %parallel_loop3A_595, %parallel_loop3A_596, %parallel_loop3A_597], %parallel_loop3A_474 {strides = array<i32>} : memref<5x4x8x128xf32, #tpu.memory_space<vmem>>, vector<16xf32>,
        %parallel_loop3A_599 = arith.constant 3 : i32
        %parallel_loop3A_600 = arith.shrsi %parallel_loop3A_421, %parallel_loop3A_599 : i32
        %parallel_loop3A_601 = arith.constant 7 : i32
        %parallel_loop3A_602 = arith.andi %parallel_loop3A_421, %parallel_loop3A_601 : i32
        %parallel_loop3A_603 = arith.constant 4 : i32
        %parallel_loop3A_604 = arith.index_cast %parallel_loop3A_603 : i32 to index
        %parallel_loop3A_605 = arith.index_cast %parallel_loop3A_600 : i32 to index
        %parallel_loop3A_606 = arith.index_cast %parallel_loop3A_602 : i32 to index
        %parallel_loop3A_607 = arith.constant 112 : index
        %parallel_loop3A_608 = tpu.vector_load %arg7[%parallel_loop3A_604, %parallel_loop3A_605, %parallel_loop3A_606, %parallel_loop3A_607] {strides = array<i32>} : memref<5x4x8x128xf32, #tpu.memory_space<vmem>>, vector<16xf32>,
        tpu.vector_store %arg7[%parallel_loop3A_604, %parallel_loop3A_605, %parallel_loop3A_606, %parallel_loop3A_607], %parallel_loop3A_480 {strides = array<i32>} : memref<5x4x8x128xf32, #tpu.memory_space<vmem>>, vector<16xf32>,
        %parallel_loop3A_609 = arith.constant 3 : i32
        %parallel_loop3A_610 = arith.shrsi %parallel_loop3A_425, %parallel_loop3A_609 : i32
        %parallel_loop3A_611 = arith.constant 7 : i32
        %parallel_loop3A_612 = arith.andi %parallel_loop3A_425, %parallel_loop3A_611 : i32
        %parallel_loop3A_613 = arith.constant 4 : i32
        %parallel_loop3A_614 = arith.index_cast %parallel_loop3A_613 : i32 to index
        %parallel_loop3A_615 = arith.index_cast %parallel_loop3A_610 : i32 to index
        %parallel_loop3A_616 = arith.index_cast %parallel_loop3A_612 : i32 to index
        %parallel_loop3A_617 = arith.constant 0 : index
        %parallel_loop3A_618 = tpu.vector_load %arg7[%parallel_loop3A_614, %parallel_loop3A_615, %parallel_loop3A_616, %parallel_loop3A_617] {strides = array<i32>} : memref<5x4x8x128xf32, #tpu.memory_space<vmem>>, vector<16xf32>,
        tpu.vector_store %arg7[%parallel_loop3A_614, %parallel_loop3A_615, %parallel_loop3A_616, %parallel_loop3A_617], %parallel_loop3A_486 {strides = array<i32>} : memref<5x4x8x128xf32, #tpu.memory_space<vmem>>, vector<16xf32>,
        %parallel_loop3A_619 = arith.constant 3 : i32
        %parallel_loop3A_620 = arith.shrsi %parallel_loop3A_425, %parallel_loop3A_619 : i32
        %parallel_loop3A_621 = arith.constant 7 : i32
        %parallel_loop3A_622 = arith.andi %parallel_loop3A_425, %parallel_loop3A_621 : i32
        %parallel_loop3A_623 = arith.constant 4 : i32
        %parallel_loop3A_624 = arith.index_cast %parallel_loop3A_623 : i32 to index
        %parallel_loop3A_625 = arith.index_cast %parallel_loop3A_620 : i32 to index
        %parallel_loop3A_626 = arith.index_cast %parallel_loop3A_622 : i32 to index
        %parallel_loop3A_627 = arith.constant 16 : index
        %parallel_loop3A_628 = tpu.vector_load %arg7[%parallel_loop3A_624, %parallel_loop3A_625, %parallel_loop3A_626, %parallel_loop3A_627] {strides = array<i32>} : memref<5x4x8x128xf32, #tpu.memory_space<vmem>>, vector<16xf32>,
        tpu.vector_store %arg7[%parallel_loop3A_624, %parallel_loop3A_625, %parallel_loop3A_626, %parallel_loop3A_627], %parallel_loop3A_492 {strides = array<i32>} : memref<5x4x8x128xf32, #tpu.memory_space<vmem>>, vector<16xf32>,
        %parallel_loop3A_629 = arith.constant 3 : i32
        %parallel_loop3A_630 = arith.shrsi %parallel_loop3A_425, %parallel_loop3A_629 : i32
        %parallel_loop3A_631 = arith.constant 7 : i32
        %parallel_loop3A_632 = arith.andi %parallel_loop3A_425, %parallel_loop3A_631 : i32
        %parallel_loop3A_633 = arith.constant 4 : i32
        %parallel_loop3A_634 = arith.index_cast %parallel_loop3A_633 : i32 to index
        %parallel_loop3A_635 = arith.index_cast %parallel_loop3A_630 : i32 to index
        %parallel_loop3A_636 = arith.index_cast %parallel_loop3A_632 : i32 to index
        %parallel_loop3A_637 = arith.constant 32 : index
        %parallel_loop3A_638 = tpu.vector_load %arg7[%parallel_loop3A_634, %parallel_loop3A_635, %parallel_loop3A_636, %parallel_loop3A_637] {strides = array<i32>} : memref<5x4x8x128xf32, #tpu.memory_space<vmem>>, vector<16xf32>,
        tpu.vector_store %arg7[%parallel_loop3A_634, %parallel_loop3A_635, %parallel_loop3A_636, %parallel_loop3A_637], %parallel_loop3A_498 {strides = array<i32>} : memref<5x4x8x128xf32, #tpu.memory_space<vmem>>, vector<16xf32>,
        %parallel_loop3A_639 = arith.constant 3 : i32
        %parallel_loop3A_640 = arith.shrsi %parallel_loop3A_425, %parallel_loop3A_639 : i32
        %parallel_loop3A_641 = arith.constant 7 : i32
        %parallel_loop3A_642 = arith.andi %parallel_loop3A_425, %parallel_loop3A_641 : i32
        %parallel_loop3A_643 = arith.constant 4 : i32
        %parallel_loop3A_644 = arith.index_cast %parallel_loop3A_643 : i32 to index
        %parallel_loop3A_645 = arith.index_cast %parallel_loop3A_640 : i32 to index
        %parallel_loop3A_646 = arith.index_cast %parallel_loop3A_642 : i32 to index
        %parallel_loop3A_647 = arith.constant 48 : index
        %parallel_loop3A_648 = tpu.vector_load %arg7[%parallel_loop3A_644, %parallel_loop3A_645, %parallel_loop3A_646, %parallel_loop3A_647] {strides = array<i32>} : memref<5x4x8x128xf32, #tpu.memory_space<vmem>>, vector<16xf32>,
        tpu.vector_store %arg7[%parallel_loop3A_644, %parallel_loop3A_645, %parallel_loop3A_646, %parallel_loop3A_647], %parallel_loop3A_504 {strides = array<i32>} : memref<5x4x8x128xf32, #tpu.memory_space<vmem>>, vector<16xf32>,
        %parallel_loop3A_649 = arith.constant 3 : i32
        %parallel_loop3A_650 = arith.shrsi %parallel_loop3A_425, %parallel_loop3A_649 : i32
        %parallel_loop3A_651 = arith.constant 7 : i32
        %parallel_loop3A_652 = arith.andi %parallel_loop3A_425, %parallel_loop3A_651 : i32
        %parallel_loop3A_653 = arith.constant 4 : i32
        %parallel_loop3A_654 = arith.index_cast %parallel_loop3A_653 : i32 to index
        %parallel_loop3A_655 = arith.index_cast %parallel_loop3A_650 : i32 to index
        %parallel_loop3A_656 = arith.index_cast %parallel_loop3A_652 : i32 to index
        %parallel_loop3A_657 = arith.constant 64 : index
        %parallel_loop3A_658 = tpu.vector_load %arg7[%parallel_loop3A_654, %parallel_loop3A_655, %parallel_loop3A_656, %parallel_loop3A_657] {strides = array<i32>} : memref<5x4x8x128xf32, #tpu.memory_space<vmem>>, vector<16xf32>,
        tpu.vector_store %arg7[%parallel_loop3A_654, %parallel_loop3A_655, %parallel_loop3A_656, %parallel_loop3A_657], %parallel_loop3A_510 {strides = array<i32>} : memref<5x4x8x128xf32, #tpu.memory_space<vmem>>, vector<16xf32>,
        %parallel_loop3A_659 = arith.constant 3 : i32
        %parallel_loop3A_660 = arith.shrsi %parallel_loop3A_425, %parallel_loop3A_659 : i32
        %parallel_loop3A_661 = arith.constant 7 : i32
        %parallel_loop3A_662 = arith.andi %parallel_loop3A_425, %parallel_loop3A_661 : i32
        %parallel_loop3A_663 = arith.constant 4 : i32
        %parallel_loop3A_664 = arith.index_cast %parallel_loop3A_663 : i32 to index
        %parallel_loop3A_665 = arith.index_cast %parallel_loop3A_660 : i32 to index
        %parallel_loop3A_666 = arith.index_cast %parallel_loop3A_662 : i32 to index
        %parallel_loop3A_667 = arith.constant 80 : index
        %parallel_loop3A_668 = tpu.vector_load %arg7[%parallel_loop3A_664, %parallel_loop3A_665, %parallel_loop3A_666, %parallel_loop3A_667] {strides = array<i32>} : memref<5x4x8x128xf32, #tpu.memory_space<vmem>>, vector<16xf32>,
        tpu.vector_store %arg7[%parallel_loop3A_664, %parallel_loop3A_665, %parallel_loop3A_666, %parallel_loop3A_667], %parallel_loop3A_516 {strides = array<i32>} : memref<5x4x8x128xf32, #tpu.memory_space<vmem>>, vector<16xf32>,
        %parallel_loop3A_669 = arith.constant 3 : i32
        %parallel_loop3A_670 = arith.shrsi %parallel_loop3A_425, %parallel_loop3A_669 : i32
        %parallel_loop3A_671 = arith.constant 7 : i32
        %parallel_loop3A_672 = arith.andi %parallel_loop3A_425, %parallel_loop3A_671 : i32
        %parallel_loop3A_673 = arith.constant 4 : i32
        %parallel_loop3A_674 = arith.index_cast %parallel_loop3A_673 : i32 to index
        %parallel_loop3A_675 = arith.index_cast %parallel_loop3A_670 : i32 to index
        %parallel_loop3A_676 = arith.index_cast %parallel_loop3A_672 : i32 to index
        %parallel_loop3A_677 = arith.constant 96 : index
        %parallel_loop3A_678 = tpu.vector_load %arg7[%parallel_loop3A_674, %parallel_loop3A_675, %parallel_loop3A_676, %parallel_loop3A_677] {strides = array<i32>} : memref<5x4x8x128xf32, #tpu.memory_space<vmem>>, vector<16xf32>,
        tpu.vector_store %arg7[%parallel_loop3A_674, %parallel_loop3A_675, %parallel_loop3A_676, %parallel_loop3A_677], %parallel_loop3A_522 {strides = array<i32>} : memref<5x4x8x128xf32, #tpu.memory_space<vmem>>, vector<16xf32>,
        %parallel_loop3A_679 = arith.constant 3 : i32
        %parallel_loop3A_680 = arith.shrsi %parallel_loop3A_425, %parallel_loop3A_679 : i32
        %parallel_loop3A_681 = arith.constant 7 : i32
        %parallel_loop3A_682 = arith.andi %parallel_loop3A_425, %parallel_loop3A_681 : i32
        %parallel_loop3A_683 = arith.constant 4 : i32
        %parallel_loop3A_684 = arith.index_cast %parallel_loop3A_683 : i32 to index
        %parallel_loop3A_685 = arith.index_cast %parallel_loop3A_680 : i32 to index
        %parallel_loop3A_686 = arith.index_cast %parallel_loop3A_682 : i32 to index
        %parallel_loop3A_687 = arith.constant 112 : index
        %parallel_loop3A_688 = tpu.vector_load %arg7[%parallel_loop3A_684, %parallel_loop3A_685, %parallel_loop3A_686, %parallel_loop3A_687] {strides = array<i32>} : memref<5x4x8x128xf32, #tpu.memory_space<vmem>>, vector<16xf32>,
        tpu.vector_store %arg7[%parallel_loop3A_684, %parallel_loop3A_685, %parallel_loop3A_686, %parallel_loop3A_687], %parallel_loop3A_528 {strides = array<i32>} : memref<5x4x8x128xf32, #tpu.memory_space<vmem>>, vector<16xf32>,
      } {sc.loop_unroll_factor = 4 : i64, sc.parallel_access}
      %dma_start3A_398 = arith.constant 4 : i32
      %dma_start3A_399 = arith.constant 0 : i32
      %dma_start3A_400 = arith.constant 0 : i32
      %dma_start3A_401 = arith.constant 0 : i32
      %dma_start3A_402 = tpu.memref_slice %arg7[%dma_start3A_398, %dma_start3A_399, %dma_start3A_400, %dma_start3A_401] : memref<5x4x8x128xf32, #tpu.memory_space<vmem>> -> memref<1x4x8x128xf32, #tpu.memory_space<vmem>>
      %dma_start3A_403 = tpu.memref_squeeze %dma_start3A_402 : memref<1x4x8x128xf32, #tpu.memory_space<vmem>> -> memref<4x8x128xf32, #tpu.memory_space<vmem>>
      %dma_start3A_404 = arith.constant 0 : i32
      %dma_start3A_405 = arith.constant 0 : i32
      %dma_start3A_406 = arith.constant 0 : i32
      %dma_start3A_407 = tpu.memref_slice %arg4[%add3A_355, %dma_start3A_404, %add3A, %dma_start3A_405, %dma_start3A_406] : memref<200x4x32x8x128xf32, #tpu.memory_space<hbm>> -> memref<1x4x1x8x128xf32, #tpu.memory_space<hbm>>
      %dma_start3A_408 = tpu.memref_squeeze %dma_start3A_407 : memref<1x4x1x8x128xf32, #tpu.memory_space<hbm>> -> memref<4x8x128xf32, #tpu.memory_space<hbm>>
      %dma_start3A_409 = arith.constant 0 : i32
      %dma_start3A_410 = arith.constant 0 : i32
      %dma_start3A_411 = arith.constant 0 : i32
      %dma_start3A_412 = tpu.memref_slice %arg4[%add3A_355, %dma_start3A_409, %add3A, %dma_start3A_410, %dma_start3A_411] : memref<200x4x32x8x128xf32, #tpu.memory_space<hbm>> -> memref<1x4x1x8x128xf32, #tpu.memory_space<hbm>>
      %dma_start3A_413 = tpu.memref_squeeze %dma_start3A_412 : memref<1x4x1x8x128xf32, #tpu.memory_space<hbm>> -> memref<4x8x128xf32, #tpu.memory_space<hbm>>
      %dma_start3A_414 = arith.constant 0 : i32
      %dma_start3A_415 = arith.constant 0 : i32
      %dma_start3A_416 = arith.constant 0 : i32
      %dma_start3A_417 = tpu.memref_slice %arg7[%dma_start3A_398, %dma_start3A_414, %dma_start3A_415, %dma_start3A_416] : memref<5x4x8x128xf32, #tpu.memory_space<vmem>> -> memref<1x4x8x128xf32, #tpu.memory_space<vmem>>
      %dma_start3A_418 = tpu.memref_squeeze %dma_start3A_417 : memref<1x4x8x128xf32, #tpu.memory_space<vmem>> -> memref<4x8x128xf32, #tpu.memory_space<vmem>>
      tpu.enqueue_dma source(%dma_start3A_418 : memref<4x8x128xf32, #tpu.memory_space<vmem>>) target(%dma_start3A_413 : memref<4x8x128xf32, #tpu.memory_space<hbm>>) target_semaphore(%arg17 : memref<!tpu.dma_semaphore, #tpu.memory_space<semaphore_mem>>)
    }
    %scan3A_78 = arith.constant 40 : i32
    %dma_wait3A = arith.constant 4 : i32
    %dma_wait3A_79 = arith.constant 0 : i32
    %dma_wait3A_80 = arith.constant 0 : i32
    %dma_wait3A_81 = tpu.memref_slice %arg6[%dma_wait3A, %dma_wait3A_79, %dma_wait3A_80] : memref<5x128x32xf32, #tpu.memory_space<vmem>> -> memref<1x128x32xf32, #tpu.memory_space<vmem>>
    %dma_wait3A_82 = tpu.memref_squeeze %dma_wait3A_81 : memref<1x128x32xf32, #tpu.memory_space<vmem>> -> memref<128x32xf32, #tpu.memory_space<vmem>>
    %dma_wait3A_83 = arith.constant 0 : i32
    %dma_wait3A_84 = arith.constant 0 : i32
    %dma_wait3A_85 = tpu.memref_slice %arg3[%dma_wait3A_83, %dma_wait3A_84] : memref<1000000x32xf32, #tpu.memory_space<hbm>> -> memref<128x32xf32, #tpu.memory_space<hbm>>
    %dma_wait3A_86 = arith.constant 0 : i32
    %dma_wait3A_87 = arith.constant 0 : i32
    %dma_wait3A_88 = tpu.memref_slice %arg6[%dma_wait3A, %dma_wait3A_86, %dma_wait3A_87] : memref<5x128x32xf32, #tpu.memory_space<vmem>> -> memref<1x128x32xf32, #tpu.memory_space<vmem>>
    %dma_wait3A_89 = tpu.memref_squeeze %dma_wait3A_88 : memref<1x128x32xf32, #tpu.memory_space<vmem>> -> memref<128x32xf32, #tpu.memory_space<vmem>>
    %dma_wait3A_90 = arith.constant 0 : i32
    %dma_wait3A_91 = arith.constant 0 : i32
    %dma_wait3A_92 = tpu.memref_slice %arg3[%dma_wait3A_90, %dma_wait3A_91] : memref<1000000x32xf32, #tpu.memory_space<hbm>> -> memref<128x32xf32, #tpu.memory_space<hbm>>
    tpu.wait_dma2 semaphore(%arg17 : memref<!tpu.dma_semaphore, #tpu.memory_space<semaphore_mem>>) src(%dma_wait3A_92 : memref<128x32xf32, #tpu.memory_space<hbm>>) dst(%dma_wait3A_89 : memref<128x32xf32, #tpu.memory_space<vmem>>)
    return
  }
}

</mosaic_0001>

<sc_bundles>
// kernel: kernel.4.cloned.1.call-start
scs
__scs_entry_jumppad:
0x0: {  	(pc) =	sbr.rel $0x88, $3  }
0x1: {  	(tag) =	ssettag $0x0;
	lr =	simm.s32 $0x1  }
0x2: {  	[smem:$0x3F9F] =	sst lr;
	_ =	strace $0xD0000000  }
0x3: {  	_ = 	snop  }
0x4: {  	_ = 	snop  }
0x5: {  	_ = 	snop  }
0x6: {  	_ = 	snop  }
0x7: {  	_ = 	snop  }
__scs_overlays_trampoline_lowered:
0x8: {  	[smem:$0x3FAE] =	sst s0  }
0x9: {  	[smem:$0x3FAF] =	sst s1  }
0xa: {  	[smem:$0x3FB0] =	sst s2  }
0xb: {  	[smem:$0x3FB1] =	sst s3  }
0xc: {  	[smem:$0x3FB2] =	sst s4  }
0xd: {  	[smem:$0x3FB3] =	sst s5  }
0xe: {  	[smem:$0x3FB4] =	sst s6  }
0xf: {  	[smem:$0x3FB5] =	sst s7  }
0x10: {  	[smem:$0x3FB6] =	sst s8  }
0x11: {  	[smem:$0x3FB7] =	sst s9;
	s0 =	simm.s32 @!p0 $0x0  }
0x12: {  	s1 =	sld [smem:$0x3F9D];
	s0 =	simm.s32 @p0 $0x1  }
0x13: {  	[smem:$0x3FB8] =	sst s0;
	s0 =	simm.s32 @!p1 $0x0  }
0x14: {  	s2 =	sld [smem:$0x3F9C];
	s0 =	simm.s32 @p1 $0x1  }
0x15: {  	[smem:$0x3FB9] =	sst s0;
	s0 =	simm.s32 @!p2 $0x0  }
0x16: {  	s3 =	sld [smem:$0x3FDB];
	s0 =	simm.s32 @p2 $0x1  }
0x17: {  	s4 =	simm.s32 $0x1BF5;
	[smem:$0x3FBB] =	sst s0  }
0x18: {  	s0 =	sld [smem:$0x3F9E];
	_ =	swait.ge [sflag:s4], $0x0  }
0x19: {  	s7 =	sld [smem:$0x3F9F]  }
0x1a: {  	s8 =	sadd.s32 $0xFFFFE003, lr  }
0x1b: {  	s9 =	sadd.s32 $0xFFFFFEF7, lr;
	s5 =	simm.s32 $0xFFFFFFFF;
	p2 =	slt.u32 s8, $0xFFFFF086  }
0x1c: {  	p1 =	slt.u32 s9, $0xF7A;
	s5 =	simm.s32 @!p2 $0x0  }
0x1d: {  	s5 =	simm.s32 @p1 $0x1;
	p0 =	seq.s32 s7, s2  }
0x1e: {  	s7 =	smul.u32 @!p0 $0xF7A, s2;
	p2 =	seq.s32 @!p0 s5, $0x0  }
0x1f: {  	s9 =	smul.u32 $0xF7A, s1;
	s8 =	simm.s32 @!p0 $0x1BF5;
	p2 =	por !p2, p0  }
0x20: {  	[sflag:s8] =	ssyncset.s32 @!p0 $0xFFFFF086;
	s6 =	sadd.s32 @!p0 s3, s7;
	s7 =	simm.s32 @!p0 $0x108  }
0x21: {  	s3 =	sadd.s32 s3, s9;
	s6 =	sadd.s32 @!p0 $0x88, s6;
	s7 =	simm.s32 @p2 $0x1082  }
0x22: {  	[simem:s7], [sflag:s8] =	dma.local @!p0 [hbm:s6], $0xF7A  }
0x23: {  	s9 =	sor.u32 $0xD0000000, s2;
	s6 =	simm.s32 $0x108;
	_ =	swait.ge @!p0 [sflag:s8], $0x0  }
0x24: {  	s3 =	sadd.s32 $0x88, s3;
	s6 =	simm.s32 @!p1 $0x1082;
	[sflag:s4] =	ssyncset.s32 $0xFFFFF086  }
0x25: {  	[simem:s6], [sflag:s4] =	dma.local [hbm:s3], $0xF7A  }
0x26: {  	[smem:$0x3F9F] =	sst s1;
	(tag) =	ssettag s2;
	_ =	strace s9  }
0x27: {  	s1 =	sld [smem:$0x3FAF]  }
0x28: {  	s2 =	sld [smem:$0x3FB0]  }
0x29: {  	s4 =	sld [smem:$0x3FB2]  }
0x2a: {  	p0 =	seq.s32 s5, $0x0;
	s5 =	sld [smem:$0x3FB3]  }
0x2b: {  	s6 =	sld [smem:$0x3FB4]  }
0x2c: {  	s7 =	sld [smem:$0x3FB5]  }
0x2d: {  	s3 =	simm.s32 $0x108;
	s8 =	sld [smem:$0x3FB6]  }
0x2e: {  	s3 =	simm.s32 @!p0 $0x1082;
	s9 =	sld [smem:$0x3FB7]  }
0x2f: {  	lr =	sadd.s32 s0, s3;
	s0 =	sld [smem:$0x3FAE]  }
0x30: {  	s3 =	sld [smem:$0x3FB1]  }
0x31: {  	[smem:$0x3FBA] =	sst s10  }
0x32: {  	s10 =	sld [smem:$0x3FB8];
	_ =	sdelay $0x3  }
0x33: {  	p0 =	seq.s32 s10, $0x1;
	s10 =	sld [smem:$0x3FBA];
	_ =	sdelay $0x3  }
0x34: {  	[smem:$0x3FBA] =	sst s10  }
0x35: {  	s10 =	sld [smem:$0x3FB9];
	_ =	sdelay $0x3  }
0x36: {  	p1 =	seq.s32 s10, $0x1;
	s10 =	sld [smem:$0x3FBA];
	_ =	sdelay $0x3  }
0x37: {  	[smem:$0x3FBA] =	sst s10  }
0x38: {  	s10 =	sld [smem:$0x3FBB]  }
0x39: {  	_ = 	snop;
	(pc) =	sbr.ind lr, $3  }
0x3a: {  	_ = 	snop  }
0x3b: {  	_ = 	snop  }
0x3c: {  	p2 =	seq.s32 s10, $0x1;
	s10 =	sld [smem:$0x3FBA]  }
0x3d: {  	_ =	shalt  }
0x3e: {  	_ =	shalt  }
0x3f: {  	_ =	shalt  }
0x40: {  	_ =	shalt  }
0x41: {  	_ =	shalt  }
0x42: {  	_ =	shalt  }
0x43: {  	_ =	shalt  }
0x44: {  	_ =	shalt  }
0x45: {  	_ =	shalt  }
0x46: {  	_ =	shalt  }
0x47: {  	_ =	shalt  }
0x48: {  	_ =	shalt  }
0x49: {  	_ =	shalt  }
0x4a: {  	_ =	shalt  }
0x4b: {  	_ =	shalt  }
0x4c: {  	_ =	shalt  }
0x4d: {  	_ =	shalt  }
0x4e: {  	_ =	shalt  }
0x4f: {  	_ =	shalt  }
0x50: {  	_ =	shalt  }
0x51: {  	_ =	shalt  }
0x52: {  	_ =	shalt  }
0x53: {  	_ =	shalt  }
0x54: {  	_ =	shalt  }
0x55: {  	_ =	shalt  }
0x56: {  	_ =	shalt  }
0x57: {  	_ =	shalt  }
0x58: {  	_ =	shalt  }
0x59: {  	_ =	shalt  }
0x5a: {  	_ =	shalt  }
0x5b: {  	_ =	shalt  }
0x5c: {  	_ =	shalt  }
0x5d: {  	_ =	shalt  }
0x5e: {  	_ =	shalt  }
0x5f: {  	_ =	shalt  }
0x60: {  	_ =	shalt  }
0x61: {  	_ =	shalt  }
0x62: {  	_ =	shalt  }
0x63: {  	_ =	shalt  }
0x64: {  	_ =	shalt  }
0x65: {  	_ =	shalt  }
0x66: {  	_ =	shalt  }
0x67: {  	_ =	shalt  }
0x68: {  	_ =	shalt  }
0x69: {  	_ =	shalt  }
0x6a: {  	_ =	shalt  }
0x6b: {  	_ =	shalt  }
0x6c: {  	_ =	shalt  }
0x6d: {  	_ =	shalt  }
0x6e: {  	_ =	shalt  }
0x6f: {  	_ =	shalt  }
0x70: {  	_ =	shalt  }
0x71: {  	_ =	shalt  }
0x72: {  	_ =	shalt  }
0x73: {  	_ =	shalt  }
0x74: {  	_ =	shalt  }
0x75: {  	_ =	shalt  }
0x76: {  	_ =	shalt  }
0x77: {  	_ =	shalt  }
0x78: {  	_ =	shalt  }
0x79: {  	_ =	shalt  }
0x7a: {  	_ =	shalt  }
0x7b: {  	_ =	shalt  }
0x7c: {  	_ =	shalt  }
0x7d: {  	_ =	shalt  }
0x7e: {  	_ =	shalt  }
0x7f: {  	_ =	shalt  }
0x80: {  	_ =	shalt  }
0x81: {  	_ =	shalt  }
0x82: {  	_ =	shalt  }
0x83: {  	_ =	shalt  }
0x84: {  	_ =	shalt  }
0x85: {  	_ =	shalt  }
0x86: {  	_ =	shalt  }
0x87: {  	_ =	shalt  }
.Lfunc_end0:
.L_simem_size_0:
called_computation_lowered:
.L_overlay_start_0:
0x88: {  	s2 =	sld [smem:$0x3FD9]  }
0x89: {  	s3 =	sld [smem:$0x3FFE];
	_ =	sdelay $0x1  }
0x8a: {  	s1 =	srdreg.scid  }
0x8b: {  	s0 =	sand.u32 $0x1, s1  }
0x8c: {  	s17 =	sshll.u32 s0, $0xA;
	s2 =	sadd.s32 s3, s2  }
0x8d: {  	s2 =	sadd.s32 s2, s17  }
0x8e: {  	[smem:$0x3FC6] =	sst s2  }
0x8f: {  	_ = 	snop  }
0x90: {  	s2 =	sld [smem:$0x3FC8]  }
0x91: {  	s18 =	sld [smem:$0x3FD0];
	(tm) =	ssettm $0x1  }
0x92: {  	s4 =	sld [smem:$0x3FFB];
	_ =	sdelay $0x3  }
0x93: {  	_ =	strace s4  }
0x94: {  	s4 =	sld [smem:$0x3FFC];
	_ =	sdelay $0x3  }
0x95: {  	_ =	strace s4  }
0x96: {  	s4 =	sld [smem:$0x3FFD];
	_ =	sdelay $0x3  }
0x97: {  	_ =	strace s4  }
0x98: {  	_ =	strace $0x8FFFFFFF  }
0x99: {  	s19 =	sld [smem:$0x3FDB];
	_ =	sdelay $0x1  }
0x9a: {  	s5 =	simm.s32 $_scs_section_size  }
0x9b: {  	s6 =	simm.s32 $_size__tile_overlayer_lowered;
	s7 =	simm.s32 $_tile_overlayer_lowered  }
0x9c: {  	s22 =	simm.s32 $0x1BFF;
	s21 =	sshll.u32 s7, $0x1;
	s4 =	sadd.s32 s5, s19  }
0x9d: {  	s8 =	simm.s32 $0x0;
	s20 =	sshll.u32 s6, $0x1;
	s6 =	sadd.s32 s21, s4  }
0x9e: {  	[timem:s8], [sflag:s22] =	dma.local [hbm:s6], s20  }
0x9f: {  	_ =	swait.ge [sflag:s22], s20  }
0xa0: {  	s5 =	ssub.s32 $0x0, s20;
	[sflag:s22] =	ssyncset.done $0x0  }
0xa1: {  	[sflag:s22] =	ssyncadd.s32 s5;
	_ =	sdelay $0x1  }
0xa2: {  	s23 =	simm.s32 $0x1B8B  }
0xa3: {  	_ =	swait.ge [sflag:s23], $0x1  }
0xa4: {  	[sflag:s23] =	ssyncset.done $0x0  }
0xa5: {  	s25 =	simm.s32 $0x1B8E;
	s24 =	sld [smem:$0x3FFE];
	[sflag:s23] =	ssyncadd.s32 $0xFFFFFFFF  }
0xa6: {  	s26 =	simm.s32 $execute0_lowered;
	[smem:$0x3FD2] =	sst s25  }
0xa7: {  	s6 =	sshll.u32 s26, $0x1;
	_ =	strace $0x80000046;
	[dreg:$0x1] =	wrdreg $0xFFFFFFFF  }
0xa8: {  	s28 =	simm.s32 $_size_execute0_lowered;
	s4 =	sadd.s32 s4, s6;
	[dreg:$0x0] =	wrdreg $0x0  }
0xa9: {  	s6 =	sshll.u32 s28, $0x1;
	[dreg:$0x2] =	wrdreg s4  }
0xaa: {  	[dreg:$0x3] =	wrdreg s6  }
0xab: {  	[dreg:$0x4] =	wrdreg $0xC0  }
0xac: {  	_ =	task [dreg:s8], $0x5FFFF  }
0xad: {  	[dreg:$0x1] =	wrdreg $0xFFFFFFFF  }
0xae: {  	[dreg:$0x0] =	wrdreg $0x60  }
0xaf: {  	[dreg:$0x2] =	wrdreg s2  }
0xb0: {  	[dreg:$0x3] =	wrdreg s18  }
0xb1: {  	[dreg:$0x4] =	wrdreg s24  }
0xb2: {  	[dreg:$0x5] =	wrdreg $0x9  }
0xb3: {  	_ =	task.clear_ibuf [dreg:s8], $0x6FFFF;
	_ =	strace $0x90000046  }
0xb4: {  	s29 =	simm.s32 $0x9;
	_ =	strace $0x80000048  }
0xb5: {  	_ =	swait.ge [sflag:s29], $0x1  }
0xb6: {  	[sflag:s29] =	ssyncadd.s32 $0xFFFFFFFF  }
0xb7: {  	_ =	strace $0x90000048  }
0xb8: {  	_ =	sfence  }
0xb9: {  	s30 =	sld [smem:$0x0];
	_ =	sdelay $0x2  }
0xba: {  	s31 =	sshll.u32 s1, $0xD;
	s1 =	sshrl.u32 s1, $0x2  }
0xbb: {  	s3 =	sand.u32 $0x4000, s31;
	s1 =	sadd.s32 s1, s30  }
0xbc: {  	s0 =	sor.u32 s3, s0;
	s1 =	sshll.u32 s1, $0x11  }
0xbd: {  	s0 =	sor.u32 s1, s0  }
0xbe: {  	s0 =	sadd.s32 $0x8F2B, s0  }
0xbf: {  	[sflag:s0] =	ssyncadd.remote.s32 $0x1  }
0xc0: {  	_ =	sfence.sel $0xFFFF  }
0xc1: {  	[dreg:$0x0] =	wrdreg $0xFFFFFFFF;
	(pc) =	sbr.abs _section_cstart, $3  }
0xc2: {  	[dreg:$0x1] =	wrdreg $0xFFFFFFFF  }
0xc3: {  	_ =	task.clear_ibuf [dreg:s8], $0x2FFFF;
	_ =	strace $0x9FFFFFFF  }
0xc4: {  	(tm) =	ssettm $0x7FFFFFFF  }
0xc5: {  	_ =	shalt  }
tec
execute0_lowered:
.L_overlay_start_1:
0x0: {  	(tag) =	ssettag $0x1  }
0x1: {  	s0 =	rddreg [dreg:$0x0];
	s1 =	srdreg.scid  }
0x2: {  	s3 =	stileid.u32;
	s2 =	rddreg [dreg:$0x2]  }
0x3: {  	s16 =	simm.s32 $0x1000;
	s17 =	simm.s32 $0x2000;
	s18 =	simm.s32 $0x1  }
0x4: {  	s19 =	simm.s32 $0x3000;
	s20 =	simm.s32 $0x2;
	s21 =	simm.s32 $0x4000  }
0x5: {  	s22 =	simm.s32 $0x3;
	s23 =	simm.s32 $0x5000;
	s26 =	simm.s32 $0x6  }
0x6: {  	s28 =	simm.s32 $0x0;
	s1 =	sand.u32 $0x1, s1;
	s4 =	sshll.u32 s3, $0x1  }
0x7: {  	s3 =	simm.s32 $0x0;
	s6 =	sadd.s32 $0xA00, s2;
	s11 =	sadd.s32 $0x3000, s0  }
0x8: {  	s30 =	sadd.s32 $0x3D1200, s2;
	s4 =	sor.u32 s1, s4;
	[smem:$0x7FF] =	sst s3  }
0x9: {  	s1 =	ssub.s32 $0x2, s1;
	s5 =	sshll.u32 s4, $0x7;
	_ =	strace $0x80000047  }
.Ltmp0:
0xa: {  	[dreg:$0x7] =	wrdreg s30;
	s5 =	sadd.s32 s0, s5;
	(pc) =	sbr.rel .LBB2_1-.Ltmp0, $4  }
0xb: {  	v0 =	vlaneseq.u32;
	s7 =	sshrl.u32 s1, $0x1;
	s29 =	sadd.s32 $0x1000, s5;
	[dreg:$0x4] =	wrdreg s5  }
0xc: {  	v0 =	vmul.u32 $0x80, v0;
	s1 =	ssub.s32 s1, s7;
	s5 =	sadd.s32 $0x2000, s5;
	[dreg:$0x5] =	wrdreg s29  }
0xd: {  	s9 =	sor.u32 $0x20, s4;
	s31 =	smax.u32 s1, $0x1;
	[dreg:$0x6] =	wrdreg s5  }
0xe: {  	s10 =	sor.u32 $0x40, s4;
	p0 =	sne.s32 s4, $0x0;
	v1 =	vor.u32 $0x800, v0;
	[dreg:$0x8] =	wrdreg s31  }
.LBB2_13:
0xf: {  	s0 =	simm.s32 $0x4  }
0x10: {  	_ =	swait.ge [sflag:s0], $0x1000  }
0x11: {  	[sflag:s0] =	ssyncset.done $0x0  }
0x12: {  	s30 =	simm.s32 $0x5;
	[sflag:s0] =	ssyncadd.s32 $0xFFFFF000  }
0x13: {  	_ =	swait.ge [sflag:s30], $0x1000  }
0x14: {  	[sflag:s30] =	ssyncset.done $0x0  }
0x15: {  	[sflag:s30] =	ssyncadd.s32 $0xFFFFF000  }
0x16: {  	_ =	swait.ge [sflag:s26], $0x1000  }
0x17: {  	[sflag:s26] =	ssyncset.done $0x0  }
0x18: {  	[sflag:s26] =	ssyncadd.s32 $0xFFFFF000  }
0x19: {  	s1 =	simm.s32 @!p0 $0x3000;
	s0 =	simm.s32 @!p0 $0x0;
	s2 =	rddreg [dreg:$0x1]  }
0x1a: {  	[tilespmem:s1], [sflag:$0x7] =	stream.linear.gather @!p0 [hbm4b:s2+s0], $0x800, $0x38;
	[tilespmem:$0x6000] =	vst v63  }
0x1b: {  	s2 =	simm.s32 @!p0 $0x7  }
0x1c: {  	_ =	swait.ge @!p0 [sflag:s2], $0x800  }
0x1d: {  	[sflag:s2] =	ssyncset.done @!p0 $0x0  }
0x1e: {  	s5 =	rddreg [dreg:$0x7];
	[sflag:s2] =	ssyncadd.s32 @!p0 $0xFFFFF800  }
0x1f: {  	[hbm4b:s5+s0] =	stream.linear.scatter @!p0 [tilespmem:s1], [sflag:$0x7], $0x800, $0x38;
	[tilespmem:$0x6000] =	vst v63  }
0x20: {  	_ =	swait.ge @!p0 [sflag:s2], $0x800  }
0x21: {  	s28 =	sadd.s32 $0x1, s28;
	s31 =	rddreg [dreg:$0x8]  }
0x22: {  	p1 =	sne.s32 s28, s31  }
.Ltmp1:
0x23: {  	_ = 	snop;
	(pc) =	sbr.rel @!p1 .LBB2_14-.Ltmp1, $3  }
0x24: {  	_ =	sdelay $0x1  }
0x25: {  	[sflag:s2] =	ssyncset.done @!p0 $0x0  }
0x26: {  	[sflag:s2] =	ssyncadd.s32 @!p0 $0xFFFFF800  }
.LBB2_1:
0x27: {  	s0 =	rddreg [dreg:$0x4];
	s1 =	simm.s32 $0x400;
	s2 =	simm.s32 $0x7A1400  }
0x28: {  	[tilespmem:s3], [sflag:$0x1] =	stream.strided.gather [hbm4b:s0+s1], $0x1000, s2, s1, $0x38;
	[tilespmem:$0x6000] =	vst v63  }
.Ltmp2:
0x29: {  	_ = 	snop;
	(pc) =	sbr.rel .LBB2_2-.Ltmp2, $4  }
0x2a: {  	s30 =	rddreg [dreg:$0x5]  }
0x2b: {  	[tilespmem:s16], [sflag:$0x2] =	stream.strided.gather [hbm4b:s30+s1], $0x1000, s2, s1, $0x38;
	[tilespmem:$0x6000] =	vst v63  }
0x2c: {  	s31 =	rddreg [dreg:$0x6];
	s29 =	simm.s32 $0x0  }
0x2d: {  	[tilespmem:s17], [sflag:$0x3] =	stream.strided.gather [hbm4b:s31+s1], $0x1000, s2, s1, $0x38;
	[tilespmem:$0x6000] =	vst v63  }
.LBB2_12:
0x2e: {  	s29 =	sadd.s32 $0x1, s29  }
0x2f: {  	p1 =	sne.s32 s29, $0x52  }
.Ltmp3:
0x30: {  	_ = 	snop;
	(pc) =	sbr.rel @!p1 .LBB2_13-.Ltmp3, $1  }
0x31: {  	_ =	sdelay $0x3  }
.LBB2_2:
0x32: {  	s0 =	simm.s32 $0xF  }
0x33: {  	s14 =	simm.s32 $0xE;
	v2 =	vmov s0  }
0x34: {  	s1 =	simm.s32 $0x2;
	v3 =	vmov s14;
	v2 =	vand.u32 $0x7F, v2  }
0x35: {  	v4 =	vmov s1;
	v3 =	vand.u32 $0x7E, v3;
	v2 =	vbroadcast v2, $0x0  }
0x36: {  	_ =	swait.ge [sflag:s18], $0x1000;
	s15 =	simm.s32 $0x1;
	v4 =	vand.u32 $0x72, v4;
	v3 =	vbroadcast v3, $0x0  }
0x37: {  	p1 =	seq.s32 s29, $0x0;
	[sflag:s18] =	ssyncset.done $0x0;
	v5 =	vmov s15;
	v4 =	vbroadcast v4, $0x0;
	v6 =	vor.u32 v0, v2  }
0x38: {  	s0 =	simm.s32 @!p1 $0x4;
	[sflag:s18] =	ssyncadd.s32 $0xFFFFF000;
	v5 =	vand.u32 $0x71, v5;
	v7 =	vor.u32 v1, v3  }
0x39: {  	_ =	swait.ge @!p1 [sflag:s0], $0x1000;
	v8 =	vbroadcast v5, $0x0;
	v9 =	vor.u32 v1, v4  }
0x3a: {  	s24 =	simm.s32 $0x3;
	[sflag:s0] =	ssyncset.done @!p1 $0x0;
	v10 =	vor.u32 v1, v2  }
0x3b: {  	s25 =	simm.s32 $0xD;
	[sflag:s0] =	ssyncadd.s32 @!p1 $0xFFFFF000;
	v2 =	vmov s24;
	v11 =	vor.u32 v1, v8  }
0x3c: {  	v12 =	vmov s25;
	v13 =	vor.u32 v0, v3;
	v2 =	vand.u32 $0x73, v2;
	v5 =	vld.idx.msk [tilespmem:v6+s3+$0x0], $0xffff  }
0x3d: {  	s2 =	simm.s32 $0x6;
	v4 =	vor.u32 v0, v4;
	v15 =	vbroadcast v2, $0x0;
	v6 =	vand.u32 $0x7D, v12;
	v3 =	vld.idx.msk [tilespmem:v7+s3+$0x0], $0xffff  }
0x3e: {  	s5 =	simm.s32 $0x4;
	v7 =	vor.u32 v0, v8;
	v8 =	vmov s2;
	v2 =	vld.idx.msk [tilespmem:v9+s3+$0x0], $0xffff;
	v6 =	vbroadcast v6, $0x0  }
0x3f: {  	s7 =	simm.s32 $0x0;
	v9 =	vor.u32 v0, v15;
	v14 =	vld.idx.msk [tilespmem:v10+s3+$0x0], $0xffff;
	v10 =	vmov s5;
	v8 =	vand.u32 $0x76, v8  }
0x40: {  	v12 =	vmov s7;
	v18 =	vbroadcast v8, $0x0;
	v8 =	vld.idx.msk [tilespmem:v11+s3+$0x0], $0xffff;
	v11 =	vor.u32 v0, v6  }
0x41: {  	v10 =	vand.u32 $0x74, v10;
	v12 =	vand.u32 $0x70, v12;
	v16 =	vor.u32 v1, v6;
	v6 =	vld.idx.msk [tilespmem:v13+s3+$0x0], $0xffff  }
0x42: {  	v20 =	vbroadcast v12, $0x0;
	v13 =	vbroadcast v10, $0x0;
	v10 =	vld.idx.msk [tilespmem:v4+s3+$0x0], $0xffff;
	v17 =	vor.u32 v1, v18  }
0x43: {  	s8 =	simm.s32 $0x5;
	v19 =	vor.u32 v1, v15;
	v4 =	vld.idx.msk [tilespmem:v7+s3+$0x0], $0xffff  }
0x44: {  	s12 =	simm.s32 $0x7;
	v23 =	vor.u32 v0, v20;
	v7 =	vmov s8;
	v15 =	vld.idx.msk [tilespmem:v9+s3+$0x0], $0xffff  }
0x45: {  	v21 =	vor.u32 v0, v13;
	v9 =	vmov s12;
	v7 =	vand.u32 $0x75, v7;
	v12 =	vld.idx.msk [tilespmem:v11+s3+$0x0], $0xffff  }
0x46: {  	s13 =	simm.s32 $0xC;
	s14 =	simm.s32 $0x9;
	v9 =	vand.u32 $0x77, v9;
	v24 =	vbroadcast v7, $0x0;
	v11 =	vor.u32 v1, v13;
	v7 =	vld.idx.msk [tilespmem:v16+s3+$0x0], $0xffff  }
0x47: {  	v13 =	vmov s13;
	v16 =	vbroadcast v9, $0x0;
	v9 =	vld.idx.msk [tilespmem:v17+s3+$0x0], $0xffff;
	v17 =	vmov s14  }
0x48: {  	s15 =	simm.s32 $0xB;
	v22 =	vld.idx.msk [tilespmem:v19+s3+$0x0], $0xffff;
	v25 =	vor.u32 v1, v24;
	v19 =	vor.u32 v0, v24;
	v17 =	vand.u32 $0x79, v17  }
0x49: {  	v13 =	vand.u32 $0x7C, v13;
	v32 =	vbroadcast v17, $0x0;
	v17 =	vmov s15  }
0x4a: {  	s24 =	simm.s32 $0x8;
	v28 =	vbroadcast v13, $0x0;
	v30 =	vld.idx.msk [tilespmem:v21+s3+$0x0], $0xffff;
	v21 =	vor.u32 v1, v16;
	v17 =	vand.u32 $0x7B, v17  }
0x4b: {  	v13 =	vld.idx.msk [tilespmem:v23+s3+$0x0], $0xffff;
	v26 =	vor.u32 v0, v16;
	v16 =	vmov s24;
	v36 =	vbroadcast v17, $0x0  }
0x4c: {  	s25 =	simm.s32 $0xA;
	v16 =	vand.u32 $0x78, v16;
	v35 =	vor.u32 v0, v28;
	v31 =	vld.idx.msk [tilespmem:v11+s3+$0x0], $0xffff  }
0x4d: {  	v23 =	vmov s25;
	v29 =	vbroadcast v16, $0x0;
	v17 =	vld.idx.msk [tilespmem:v19+s3+$0x0], $0xffff;
	v19 =	vor.u32 v1, v36  }
0x4e: {  	s30 =	smul.u32 $0x60, s29;
	v34 =	vor.u32 v0, v18;
	v23 =	vand.u32 $0x7A, v23;
	v24 =	vld.idx.msk [tilespmem:v25+s3+$0x0], $0xffff  }
0x4f: {  	v23 =	vbroadcast v23, $0x0;
	v16 =	vld.idx.msk [tilespmem:v21+s3+$0x0], $0xffff;
	v21 =	vor.u32 v0, v29  }
0x50: {  	s1 =	simm.s32 $0x3100;
	s31 =	sor.u32 s4, s30;
	v27 =	vor.u32 v1, v20;
	v33 =	vor.u32 v1, v28;
	v11 =	vor.u32 v1, v32;
	v26 =	vld.idx.msk [tilespmem:v26+s3+$0x0], $0xffff  }
0x51: {  	s0 =	simm.s32 $0x0;
	s2 =	simm.s32 $0x1F;
	s7 =	simm.s32 $0x3300;
	v20 =	vor.u32 v0, v32;
	v25 =	vor.u32 v1, v23;
	v28 =	vor.u32 v0, v36;
	v32 =	vld.idx.msk [tilespmem:v35+s3+$0x0], $0xffff  }
.LBB2_3:
0x52: {  	s5 =	sadd.s32 $0xFFFFFFF2, s2;
	s8 =	sadd.s32 $0xFFFFFFF3, s2;
	s12 =	sadd.s32 $0xFFFFFFFA, s2;
	v35 =	vmov s2;
	v29 =	vor.u32 v1, v29;
	v23 =	vor.u32 v0, v23;
	v19 =	vld.idx.msk [tilespmem:v19+s3+$0x0], $0xffff  }
0x53: {  	s14 =	sadd.s32 $0xFFFFFFF1, s2;
	v18 =	vmov s5;
	v36 =	vmov s8;
	v37 =	vmov s12;
	s8 =	sadd.s32 $0xFFFFFFFC, s2;
	s12 =	sadd.s32 $0xFFFFFFFF, s2;
	v34 =	vld.idx.msk [tilespmem:v34+s3+$0x0], $0xffff  }
0x54: {  	s13 =	sadd.s32 $0xFFFFFFFD, s2;
	s15 =	sadd.s32 $0xFFFFFFFE, s2;
	s5 =	sadd.s32 $0xFFFFFFF8, s2;
	v38 =	vand.u32 $0x71, v18;
	v18 =	vand.u32 $0x79, v37;
	v37 =	vmov s12;
	[tilespmem:s1+$0xFFFFFF80] =	vst v30;
	v21 =	vld.idx.msk [tilespmem:v21+s3+$0x0], $0xffff  }
0x55: {  	s24 =	sadd.s32 $0xFFFFFFFB, s2;
	s0 =	sadd.s32 $0x4, s0;
	v35 =	vand.u32 $0x7F, v35;
	v30 =	vand.u32 $0x72, v36;
	v18 =	vbroadcast v18, $0x0;
	[tilespmem:s1+$0xFFFFFF90] =	vst v31;
	v31 =	vld.idx.msk [tilespmem:v33+s3+$0x0], $0xffff  }
0x56: {  	p2 =	slt.u32 s0, $0x1C;
	s12 =	sadd.s32 $0xFFFFFFF9, s2;
	v35 =	vbroadcast v35, $0x0;
	v33 =	vmov s14;
	v30 =	vbroadcast v30, $0x0;
	[tilespmem:s1+$0xFFFFFFE0] =	vst v26;
	v25 =	vld.idx.msk [tilespmem:v25+s3+$0x0], $0xffff  }
0x57: {  	v36 =	vbroadcast v38, $0x0;
	v37 =	vand.u32 $0x7E, v37;
	v38 =	vor.u32 v1, v18;
	v39 =	vld.idx.msk [tilespmem:v27+s3+$0x0], $0xffff;
	[tilespmem:s1+$0x80] =	vst v32  }
0x58: {  	s14 =	sadd.s32 $0xFFFFFFF4, s2;
	v27 =	vand.u32 $0x70, v33;
	v32 =	vor.u32 v1, v30;
	v33 =	vor.u32 v0, v35;
	[tilespmem:s1+$0xFFFFFF70] =	vst v22;
	v26 =	vld.idx.msk [tilespmem:v23+s3+$0x0], $0xffff  }
0x59: {  	v40 =	vor.u32 v0, v36;
	v22 =	vmov s14;
	s14 =	sadd.s32 $0xFFFFFFF7, s2;
	v23 =	vbroadcast v37, $0x0;
	v37 =	vld.idx.msk [tilespmem:v29+s3+$0x0], $0xffff;
	[tilespmem:s1+$0xF0] =	vst v14  }
0x5a: {  	s25 =	sadd.s32 $0xFFFFFFF5, s2;
	v29 =	vor.u32 v1, v36;
	v14 =	vand.u32 $0x73, v22;
	v22 =	vmov s15;
	[tilespmem:s1+$0xFFFFFF60] =	vst v15  }
0x5b: {  	v14 =	vbroadcast v14, $0x0;
	v15 =	vmov s25;
	v36 =	vor.u32 v1, v23;
	[tilespmem:s1+$0xE0] =	vst v5  }
0x5c: {  	v30 =	vor.u32 v0, v30;
	v5 =	vand.u32 $0x74, v15;
	v15 =	vor.u32 v1, v35;
	[tilespmem:s1+$0xFFFFFFB0] =	vst v24;
	v28 =	vld.idx.msk [tilespmem:v28+s3+$0x0], $0xffff  }
0x5d: {  	v41 =	vor.u32 v0, v23;
	v24 =	vor.u32 v0, v14;
	v35 =	vbroadcast v5, $0x0;
	[tilespmem:s1+$0xFFFFFFC0] =	vst v34;
	v42 =	vld.idx.msk [tilespmem:v11+s3+$0x0], $0xffff  }
0x5e: {  	v22 =	vand.u32 $0x7D, v22;
	v34 =	vor.u32 v1, v14;
	v14 =	vmov s24;
	v11 =	vmovc v38;
	v5 =	vld.idx.msk [tilespmem:v33+s3+$0x0], $0xffff;
	[tilespmem:s1+$0xD0] =	vst v3  }
0x5f: {  	v27 =	vbroadcast v27, $0x0;
	v3 =	vmov s14;
	v33 =	vor.u32 v0, v35;
	[tilespmem:s1+$0xFFFFFF50] =	vst v2;
	v38 =	vld.idx.msk [tilespmem:v20+s3+$0x0], $0xffff  }
0x60: {  	v14 =	vand.u32 $0x7A, v14;
	v20 =	vor.u32 v1, v35;
	v35 =	vand.u32 $0x76, v3;
	v3 =	vld.idx.msk [tilespmem:v36+s3+$0x0], $0xffff;
	[tilespmem:s1+$0xFFFFFF40] =	vst v10  }
0x61: {  	v22 =	vbroadcast v22, $0x0;
	v23 =	vbroadcast v14, $0x0;
	v10 =	vmov s5;
	v2 =	vld.idx.msk [tilespmem:v32+s3+$0x0], $0xffff;
	[tilespmem:s1+$0xFFFFFFA0] =	vst v17  }
0x62: {  	v32 =	vbroadcast v35, $0x0;
	v10 =	vand.u32 $0x77, v10;
	v17 =	vmov s13;
	v14 =	vld.idx.msk [tilespmem:v15+s3+$0x0], $0xffff;
	[tilespmem:s1+$0xA0] =	vst v12  }
0x63: {  	v35 =	vor.u32 v0, v27;
	v43 =	vbroadcast v10, $0x0;
	v12 =	vor.u32 v0, v22;
	v36 =	vld.idx.msk [tilespmem:v29+s3+$0x0], $0xffff;
	[tilespmem:s1+$0xC0] =	vst v6  }
0x64: {  	v15 =	vand.u32 $0x7C, v17;
	v17 =	vor.u32 v1, v22;
	v44 =	vor.u32 v1, v32;
	v6 =	vld.idx.msk [tilespmem:v41+s3+$0x0], $0xffff;
	[tilespmem:s1+$0xFFFFFFF0] =	vst v16  }
0x65: {  	s5 =	sadd.s32 $0xFFFFFFF6, s2;
	v22 =	vmov s8;
	v16 =	vmov s12;
	v41 =	vbroadcast v15, $0x0;
	v10 =	vld.idx.msk [tilespmem:v30+s3+$0x0], $0xffff;
	[tilespmem:s1+$0xFFFFFF30] =	vst v8  }
0x66: {  	v22 =	vand.u32 $0x7B, v22;
	v8 =	vmov s5;
	v16 =	vand.u32 $0x78, v16;
	[tilespmem:s1+$0xFFFFFF20] =	vst v4;
	v4 =	vld.idx.msk [tilespmem:v40+s3+$0x0], $0xffff  }
0x67: {  	v27 =	vor.u32 v1, v27;
	v29 =	vbroadcast v16, $0x0;
	v15 =	vld.idx.msk [tilespmem:v24+s3+$0x0], $0xffff;
	v24 =	vand.u32 $0x75, v8;
	[tilespmem:s1+$0xFFFFFF00] =	vst v13  }
0x68: {  	v40 =	vbroadcast v22, $0x0;
	v13 =	vbroadcast v24, $0x0;
	v12 =	vld.idx.msk [tilespmem:v12+s3+$0x0], $0xffff;
	[tilespmem:s1+$0x90] =	vst v31  }
0x69: {  	v8 =	vmov v36;
	[tilespmem:s1+$0xB0] =	vst v7;
	v7 =	vld.idx.msk [tilespmem:v17+s3+$0x0], $0xffff  }
0x6a: {  	v16 =	vor.u32 v1, v13;
	[tilespmem:s1+$0xFFFFFFD0] =	vst v9;
	v9 =	vld.idx.msk [tilespmem:v44+s3+$0x0], $0xffff  }
0x6b: {  	v17 =	vor.u32 v0, v13;
	v22 =	vld.idx.msk [tilespmem:v34+s3+$0x0], $0xffff;
	[tilespmem:s1+$0xFFFFFF10] =	vst v39  }
0x6c: {  	v30 =	vld.idx.msk [tilespmem:v33+s3+$0x0], $0xffff;
	v33 =	vor.u32 v1, v43;
	[tilespmem:s1+$0x70] =	vst v19  }
0x6d: {  	v13 =	vld.idx.msk [tilespmem:v35+s3+$0x0], $0xffff;
	v35 =	vor.u32 v0, v43;
	[tilespmem:s1+$0x0] =	vst v21  }
0x6e: {  	v36 =	vor.u32 v0, v41;
	v31 =	vld.idx.msk [tilespmem:v20+s3+$0x0], $0xffff;
	[tilespmem:s1+$0x50] =	vst v25  }
.Ltmp4:
0x6f: {  	v19 =	vor.u32 v1, v40;
	v24 =	vld.idx.msk [tilespmem:v16+s3+$0x0], $0xffff;
	[tilespmem:s1+$0x60] =	vst v28;
	(pc) =	sbr.rel @p2 .LBB2_3-.Ltmp4, $4  }
0x70: {  	v34 =	vor.u32 v0, v32;
	v17 =	vld.idx.msk [tilespmem:v17+s3+$0x0], $0xffff;
	[tilespmem:s1+$0x10] =	vst v37  }
0x71: {  	v21 =	vor.u32 v0, v29;
	v16 =	vld.idx.msk [tilespmem:v33+s3+$0x0], $0xffff;
	[tilespmem:s1+$0x40] =	vst v26  }
0x72: {  	v20 =	vor.u32 v0, v18;
	v33 =	vor.u32 v1, v41;
	v26 =	vld.idx.msk [tilespmem:v35+s3+$0x0], $0xffff;
	[tilespmem:s1+$0x30] =	vst v42  }
0x73: {  	s2 =	sadd.s32 $0x10, s2;
	v25 =	vor.u32 v1, v23;
	v28 =	vor.u32 v0, v40;
	v32 =	vld.idx.msk [tilespmem:v36+s3+$0x0], $0xffff;
	[tilespmem:s1+$0x20] =	vst v38;
	s1 =	smov.u32 s7;
	s7 =	sadd.s32 $0x200, s7  }
0x74: {  	_ =	sdelay $0x3  }
0x75: {  	v18 =	vld.idx.msk [tilespmem:v34+s3+$0x0], $0xffff;
	[tilespmem:s1+$0xFFFFFF80] =	vst v30  }
0x76: {  	[tilespmem:s1+$0xFFFFFF90] =	vst v31  }
0x77: {  	v57 =	vld.idx.msk [tilespmem:v27+s3+$0x0], $0xffff;
	[tilespmem:s1+$0xFFFFFF70] =	vst v22  }
0x78: {  	v56 =	vld.idx.msk [tilespmem:v33+s3+$0x0], $0xffff;
	[tilespmem:s1+$0xF0] =	vst v14  }
0x79: {  	[tilespmem:s1+$0xFFFFFF60] =	vst v15  }
0x7a: {  	[tilespmem:s1+$0xE0] =	vst v5  }
0x7b: {  	[tilespmem:s1+$0xFFFFFFB0] =	vst v24  }
0x7c: {  	[tilespmem:s1+$0xD0] =	vst v3  }
0x7d: {  	[tilespmem:s1+$0xFFFFFF50] =	vst v2  }
0x7e: {  	[tilespmem:s1+$0xFFFFFF40] =	vst v10  }
0x7f: {  	[tilespmem:s1+$0xA0] =	vst v12  }
0x80: {  	[tilespmem:s1+$0xC0] =	vst v6  }
0x81: {  	[tilespmem:s1+$0xFFFFFF30] =	vst v8  }
0x82: {  	[tilespmem:s1+$0xFFFFFF20] =	vst v4  }
0x83: {  	[tilespmem:s1+$0xFFFFFF00] =	vst v13  }
0x84: {  	[tilespmem:s1+$0xB0] =	vst v7  }
0x85: {  	[tilespmem:s1+$0xFFFFFFD0] =	vst v9  }
0x86: {  	v58 =	vld.idx.msk [tilespmem:v19+s3+$0x0], $0xffff;
	[tilespmem:s1+$0xFFFFFFA0] =	vst v17  }
0x87: {  	v2 =	vor.u32 v0, v23;
	v59 =	vld.idx.msk [tilespmem:v21+s3+$0x0], $0xffff;
	[tilespmem:s1+$0xFFFFFFF0] =	vst v16  }
0x88: {  	v3 =	vor.u32 v1, v29;
	v60 =	vld.idx.msk [tilespmem:v25+s3+$0x0], $0xffff;
	[tilespmem:s1+$0xFFFFFFE0] =	vst v26  }
0x89: {  	v61 =	vld.idx.msk [tilespmem:v28+s3+$0x0], $0xffff;
	[tilespmem:s1+$0x80] =	vst v32  }
0x8a: {  	v62 =	vld.idx.msk [tilespmem:v11+s3+$0x0], $0xffff;
	[tilespmem:s1+$0xFFFFFFC0] =	vst v18  }
0x8b: {  	v63 =	vld.idx.msk [tilespmem:v20+s3+$0x0], $0xffff;
	[tilespmem:s1+$0x90] =	vst v56  }
0x8c: {  	v2 =	vld.idx.msk [tilespmem:v2+s3+$0x0], $0xffff;
	[tilespmem:s1+$0xFFFFFF10] =	vst v57  }
0x8d: {  	v3 =	vld.idx.msk [tilespmem:v3+s3+$0x0], $0xffff;
	[tilespmem:s1+$0x70] =	vst v58  }
0x8e: {  	[tilespmem:s1+$0x0] =	vst v59  }
0x8f: {  	[tilespmem:s1+$0x50] =	vst v60  }
0x90: {  	[tilespmem:s1+$0x60] =	vst v61  }
0x91: {  	[tilespmem:s1+$0x30] =	vst v62  }
0x92: {  	[tilespmem:s1+$0x20] =	vst v63  }
0x93: {  	s0 =	sshll.u32 s31, $0x9;
	[tilespmem:s1+$0x10] =	vst v3  }
0x94: {  	p2 =	sgt.u32 s31, $0x1E23;
	s0 =	sadd.s32 s6, s0;
	[tilespmem:s1+$0x40] =	vst v2  }
0x95: {  	[hbm4b:s0+s3] =	stream.linear.scatter [tilespmem:s19], [sflag:$0x4], $0x1000, $0x38;
	[tilespmem:$0x6000] =	vst v63  }
0x96: {  	s2 =	simm.s32 @!p2 $0x7A1400;
	s5 =	simm.s32 @!p2 $0x0;
	s0 =	sshll.u32 @!p2 s31, $0x7  }
0x97: {  	s1 =	simm.s32 @!p2 $0x400;
	s31 =	sadd.s32 s9, s30;
	s0 =	sadd.s32 @!p2 s0, s11  }
0x98: {  	[tilespmem:s5], [sflag:$0x1] =	stream.strided.gather @!p2 [hbm4b:s0+s1], $0x1000, s2, s1, $0x38;
	[tilespmem:$0x6000] =	vst v63  }
0x99: {  	p2 =	sgt.u32 s31, $0x1E83  }
.Ltmp5:
0x9a: {  	_ = 	snop;
	(pc) =	sbr.rel @p2 .LBB2_8-.Ltmp5, $1  }
0x9b: {  	_ =	sdelay $0x3  }
0x9c: {  	s0 =	simm.s32 $0xF  }
0x9d: {  	s14 =	simm.s32 $0xE;
	v2 =	vmov s0  }
0x9e: {  	s1 =	simm.s32 $0x2;
	v3 =	vmov s14;
	v2 =	vand.u32 $0x7F, v2  }
0x9f: {  	v4 =	vmov s1;
	v3 =	vand.u32 $0x7E, v3;
	v2 =	vbroadcast v2, $0x0  }
0xa0: {  	_ =	swait.ge [sflag:s20], $0x1000;
	s15 =	simm.s32 $0x1;
	v4 =	vand.u32 $0x72, v4;
	v3 =	vbroadcast v3, $0x0  }
0xa1: {  	[sflag:s20] =	ssyncset.done $0x0;
	v5 =	vmov s15;
	v4 =	vbroadcast v4, $0x0;
	v6 =	vor.u32 v0, v2  }
0xa2: {  	s0 =	simm.s32 @!p1 $0x5;
	[sflag:s20] =	ssyncadd.s32 $0xFFFFF000;
	v5 =	vand.u32 $0x71, v5;
	v7 =	vor.u32 v1, v3  }
0xa3: {  	_ =	swait.ge @!p1 [sflag:s0], $0x1000;
	v8 =	vbroadcast v5, $0x0;
	v9 =	vor.u32 v1, v4  }
0xa4: {  	s24 =	simm.s32 $0x3;
	[sflag:s0] =	ssyncset.done @!p1 $0x0;
	v10 =	vor.u32 v1, v2  }
0xa5: {  	s25 =	simm.s32 $0xD;
	[sflag:s0] =	ssyncadd.s32 @!p1 $0xFFFFF000;
	v2 =	vmov s24;
	v11 =	vor.u32 v1, v8  }
0xa6: {  	v12 =	vmov s25;
	v13 =	vor.u32 v0, v3;
	v2 =	vand.u32 $0x73, v2;
	v5 =	vld.idx.msk [tilespmem:v6+s16+$0x0], $0xffff  }
0xa7: {  	s2 =	simm.s32 $0x6;
	v4 =	vor.u32 v0, v4;
	v15 =	vbroadcast v2, $0x0;
	v6 =	vand.u32 $0x7D, v12;
	v3 =	vld.idx.msk [tilespmem:v7+s16+$0x0], $0xffff  }
0xa8: {  	s5 =	simm.s32 $0x4;
	v7 =	vor.u32 v0, v8;
	v8 =	vmov s2;
	v2 =	vld.idx.msk [tilespmem:v9+s16+$0x0], $0xffff;
	v6 =	vbroadcast v6, $0x0  }
0xa9: {  	s7 =	simm.s32 $0x0;
	v9 =	vor.u32 v0, v15;
	v14 =	vld.idx.msk [tilespmem:v10+s16+$0x0], $0xffff;
	v10 =	vmov s5;
	v8 =	vand.u32 $0x76, v8  }
0xaa: {  	v12 =	vmov s7;
	v18 =	vbroadcast v8, $0x0;
	v8 =	vld.idx.msk [tilespmem:v11+s16+$0x0], $0xffff;
	v11 =	vor.u32 v0, v6  }
0xab: {  	v10 =	vand.u32 $0x74, v10;
	v12 =	vand.u32 $0x70, v12;
	v16 =	vor.u32 v1, v6;
	v6 =	vld.idx.msk [tilespmem:v13+s16+$0x0], $0xffff  }
0xac: {  	v20 =	vbroadcast v12, $0x0;
	v13 =	vbroadcast v10, $0x0;
	v10 =	vld.idx.msk [tilespmem:v4+s16+$0x0], $0xffff;
	v17 =	vor.u32 v1, v18  }
0xad: {  	s8 =	simm.s32 $0x5;
	v19 =	vor.u32 v1, v15;
	v4 =	vld.idx.msk [tilespmem:v7+s16+$0x0], $0xffff  }
0xae: {  	s12 =	simm.s32 $0x7;
	v23 =	vor.u32 v0, v20;
	v7 =	vmov s8;
	v15 =	vld.idx.msk [tilespmem:v9+s16+$0x0], $0xffff  }
0xaf: {  	v21 =	vor.u32 v0, v13;
	v9 =	vmov s12;
	v7 =	vand.u32 $0x75, v7;
	v12 =	vld.idx.msk [tilespmem:v11+s16+$0x0], $0xffff  }
0xb0: {  	s13 =	simm.s32 $0xC;
	s14 =	simm.s32 $0x9;
	v9 =	vand.u32 $0x77, v9;
	v24 =	vbroadcast v7, $0x0;
	v11 =	vor.u32 v1, v13;
	v7 =	vld.idx.msk [tilespmem:v16+s16+$0x0], $0xffff  }
0xb1: {  	v13 =	vmov s13;
	v16 =	vbroadcast v9, $0x0;
	v9 =	vld.idx.msk [tilespmem:v17+s16+$0x0], $0xffff;
	v17 =	vmov s14  }
0xb2: {  	s15 =	simm.s32 $0xB;
	v22 =	vld.idx.msk [tilespmem:v19+s16+$0x0], $0xffff;
	v25 =	vor.u32 v1, v24;
	v19 =	vor.u32 v0, v24;
	v17 =	vand.u32 $0x79, v17  }
0xb3: {  	v13 =	vand.u32 $0x7C, v13;
	v32 =	vbroadcast v17, $0x0;
	v17 =	vmov s15  }
0xb4: {  	s24 =	simm.s32 $0x8;
	v28 =	vbroadcast v13, $0x0;
	v30 =	vld.idx.msk [tilespmem:v21+s16+$0x0], $0xffff;
	v21 =	vor.u32 v1, v16;
	v17 =	vand.u32 $0x7B, v17  }
0xb5: {  	v13 =	vld.idx.msk [tilespmem:v23+s16+$0x0], $0xffff;
	v26 =	vor.u32 v0, v16;
	v16 =	vmov s24;
	v36 =	vbroadcast v17, $0x0  }
0xb6: {  	s25 =	simm.s32 $0xA;
	v16 =	vand.u32 $0x78, v16;
	v35 =	vor.u32 v0, v28;
	v31 =	vld.idx.msk [tilespmem:v11+s16+$0x0], $0xffff  }
0xb7: {  	v23 =	vmov s25;
	v29 =	vbroadcast v16, $0x0;
	v17 =	vld.idx.msk [tilespmem:v19+s16+$0x0], $0xffff;
	v19 =	vor.u32 v1, v36  }
0xb8: {  	v34 =	vor.u32 v0, v18;
	v23 =	vand.u32 $0x7A, v23;
	v24 =	vld.idx.msk [tilespmem:v25+s16+$0x0], $0xffff  }
0xb9: {  	v23 =	vbroadcast v23, $0x0;
	v16 =	vld.idx.msk [tilespmem:v21+s16+$0x0], $0xffff;
	v21 =	vor.u32 v0, v29  }
0xba: {  	s1 =	simm.s32 $0x41F0;
	v27 =	vor.u32 v1, v20;
	v33 =	vor.u32 v1, v28;
	v11 =	vor.u32 v1, v32;
	v26 =	vld.idx.msk [tilespmem:v26+s16+$0x0], $0xffff  }
0xbb: {  	s0 =	simm.s32 $0x0;
	s2 =	simm.s32 $0x1F;
	s7 =	simm.s32 $0x43F0;
	v20 =	vor.u32 v0, v32;
	v25 =	vor.u32 v1, v23;
	v28 =	vor.u32 v0, v36;
	v32 =	vld.idx.msk [tilespmem:v35+s16+$0x0], $0xffff  }
.LBB2_6:
0xbc: {  	s5 =	sadd.s32 $0xFFFFFFF2, s2;
	s8 =	sadd.s32 $0xFFFFFFF3, s2;
	s12 =	sadd.s32 $0xFFFFFFFA, s2;
	v35 =	vmov s2;
	v29 =	vor.u32 v1, v29;
	v23 =	vor.u32 v0, v23;
	v19 =	vld.idx.msk [tilespmem:v19+s16+$0x0], $0xffff  }
0xbd: {  	s14 =	sadd.s32 $0xFFFFFFF1, s2;
	v18 =	vmov s5;
	v36 =	vmov s8;
	v37 =	vmov s12;
	s8 =	sadd.s32 $0xFFFFFFFC, s2;
	s12 =	sadd.s32 $0xFFFFFFFF, s2;
	v34 =	vld.idx.msk [tilespmem:v34+s16+$0x0], $0xffff  }
0xbe: {  	s13 =	sadd.s32 $0xFFFFFFFD, s2;
	s15 =	sadd.s32 $0xFFFFFFFE, s2;
	s5 =	sadd.s32 $0xFFFFFFF8, s2;
	v38 =	vand.u32 $0x71, v18;
	v18 =	vand.u32 $0x79, v37;
	v37 =	vmov s12;
	[tilespmem:s1+$0xFFFFFE90] =	vst v30;
	v21 =	vld.idx.msk [tilespmem:v21+s16+$0x0], $0xffff  }
0xbf: {  	s24 =	sadd.s32 $0xFFFFFFFB, s2;
	s0 =	sadd.s32 $0x4, s0;
	v35 =	vand.u32 $0x7F, v35;
	v30 =	vand.u32 $0x72, v36;
	v18 =	vbroadcast v18, $0x0;
	[tilespmem:s1+$0xFFFFFEA0] =	vst v31;
	v31 =	vld.idx.msk [tilespmem:v33+s16+$0x0], $0xffff  }
0xc0: {  	p2 =	slt.u32 s0, $0x1C;
	s12 =	sadd.s32 $0xFFFFFFF9, s2;
	v35 =	vbroadcast v35, $0x0;
	v33 =	vmov s14;
	v30 =	vbroadcast v30, $0x0;
	[tilespmem:s1+$0xFFFFFEF0] =	vst v26;
	v25 =	vld.idx.msk [tilespmem:v25+s16+$0x0], $0xffff  }
0xc1: {  	v36 =	vbroadcast v38, $0x0;
	v37 =	vand.u32 $0x7E, v37;
	v38 =	vor.u32 v1, v18;
	v39 =	vld.idx.msk [tilespmem:v27+s16+$0x0], $0xffff;
	[tilespmem:s1+$0xFFFFFF90] =	vst v32  }
0xc2: {  	s14 =	sadd.s32 $0xFFFFFFF4, s2;
	v27 =	vand.u32 $0x70, v33;
	v32 =	vor.u32 v1, v30;
	v33 =	vor.u32 v0, v35;
	[tilespmem:s1+$0xFFFFFE80] =	vst v22;
	v26 =	vld.idx.msk [tilespmem:v23+s16+$0x0], $0xffff  }
0xc3: {  	v40 =	vor.u32 v0, v36;
	v22 =	vmov s14;
	s14 =	sadd.s32 $0xFFFFFFF7, s2;
	v23 =	vbroadcast v37, $0x0;
	v37 =	vld.idx.msk [tilespmem:v29+s16+$0x0], $0xffff;
	[tilespmem:s1+$0x0] =	vst v14  }
0xc4: {  	s25 =	sadd.s32 $0xFFFFFFF5, s2;
	v29 =	vor.u32 v1, v36;
	v14 =	vand.u32 $0x73, v22;
	v22 =	vmov s15;
	[tilespmem:s1+$0xFFFFFE70] =	vst v15  }
0xc5: {  	v14 =	vbroadcast v14, $0x0;
	v15 =	vmov s25;
	v36 =	vor.u32 v1, v23;
	[tilespmem:s1+$0xFFFFFFF0] =	vst v5  }
0xc6: {  	v30 =	vor.u32 v0, v30;
	v5 =	vand.u32 $0x74, v15;
	v15 =	vor.u32 v1, v35;
	[tilespmem:s1+$0xFFFFFEC0] =	vst v24;
	v28 =	vld.idx.msk [tilespmem:v28+s16+$0x0], $0xffff  }
0xc7: {  	v41 =	vor.u32 v0, v23;
	v24 =	vor.u32 v0, v14;
	v35 =	vbroadcast v5, $0x0;
	[tilespmem:s1+$0xFFFFFED0] =	vst v34;
	v42 =	vld.idx.msk [tilespmem:v11+s16+$0x0], $0xffff  }
0xc8: {  	v22 =	vand.u32 $0x7D, v22;
	v34 =	vor.u32 v1, v14;
	v14 =	vmov s24;
	v11 =	vmovc v38;
	v5 =	vld.idx.msk [tilespmem:v33+s16+$0x0], $0xffff;
	[tilespmem:s1+$0xFFFFFFE0] =	vst v3  }
0xc9: {  	v27 =	vbroadcast v27, $0x0;
	v3 =	vmov s14;
	v33 =	vor.u32 v0, v35;
	[tilespmem:s1+$0xFFFFFE60] =	vst v2;
	v38 =	vld.idx.msk [tilespmem:v20+s16+$0x0], $0xffff  }
0xca: {  	v14 =	vand.u32 $0x7A, v14;
	v20 =	vor.u32 v1, v35;
	v35 =	vand.u32 $0x76, v3;
	v3 =	vld.idx.msk [tilespmem:v36+s16+$0x0], $0xffff;
	[tilespmem:s1+$0xFFFFFE50] =	vst v10  }
0xcb: {  	v22 =	vbroadcast v22, $0x0;
	v23 =	vbroadcast v14, $0x0;
	v10 =	vmov s5;
	v2 =	vld.idx.msk [tilespmem:v32+s16+$0x0], $0xffff;
	[tilespmem:s1+$0xFFFFFEB0] =	vst v17  }
0xcc: {  	v32 =	vbroadcast v35, $0x0;
	v10 =	vand.u32 $0x77, v10;
	v17 =	vmov s13;
	v14 =	vld.idx.msk [tilespmem:v15+s16+$0x0], $0xffff;
	[tilespmem:s1+$0xFFFFFFB0] =	vst v12  }
0xcd: {  	v35 =	vor.u32 v0, v27;
	v43 =	vbroadcast v10, $0x0;
	v12 =	vor.u32 v0, v22;
	v36 =	vld.idx.msk [tilespmem:v29+s16+$0x0], $0xffff;
	[tilespmem:s1+$0xFFFFFFD0] =	vst v6  }
0xce: {  	v15 =	vand.u32 $0x7C, v17;
	v17 =	vor.u32 v1, v22;
	v44 =	vor.u32 v1, v32;
	v6 =	vld.idx.msk [tilespmem:v41+s16+$0x0], $0xffff;
	[tilespmem:s1+$0xFFFFFF00] =	vst v16  }
0xcf: {  	s5 =	sadd.s32 $0xFFFFFFF6, s2;
	v22 =	vmov s8;
	v16 =	vmov s12;
	v41 =	vbroadcast v15, $0x0;
	v10 =	vld.idx.msk [tilespmem:v30+s16+$0x0], $0xffff;
	[tilespmem:s1+$0xFFFFFE40] =	vst v8  }
0xd0: {  	v22 =	vand.u32 $0x7B, v22;
	v8 =	vmov s5;
	v16 =	vand.u32 $0x78, v16;
	[tilespmem:s1+$0xFFFFFE30] =	vst v4;
	v4 =	vld.idx.msk [tilespmem:v40+s16+$0x0], $0xffff  }
0xd1: {  	v27 =	vor.u32 v1, v27;
	v29 =	vbroadcast v16, $0x0;
	v15 =	vld.idx.msk [tilespmem:v24+s16+$0x0], $0xffff;
	v24 =	vand.u32 $0x75, v8;
	[tilespmem:s1+$0xFFFFFE10] =	vst v13  }
0xd2: {  	v40 =	vbroadcast v22, $0x0;
	v13 =	vbroadcast v24, $0x0;
	v12 =	vld.idx.msk [tilespmem:v12+s16+$0x0], $0xffff;
	[tilespmem:s1+$0xFFFFFFA0] =	vst v31  }
0xd3: {  	v8 =	vmov v36;
	[tilespmem:s1+$0xFFFFFFC0] =	vst v7;
	v7 =	vld.idx.msk [tilespmem:v17+s16+$0x0], $0xffff  }
0xd4: {  	v16 =	vor.u32 v1, v13;
	[tilespmem:s1+$0xFFFFFEE0] =	vst v9;
	v9 =	vld.idx.msk [tilespmem:v44+s16+$0x0], $0xffff  }
0xd5: {  	v17 =	vor.u32 v0, v13;
	v22 =	vld.idx.msk [tilespmem:v34+s16+$0x0], $0xffff;
	[tilespmem:s1+$0xFFFFFE20] =	vst v39  }
0xd6: {  	v30 =	vld.idx.msk [tilespmem:v33+s16+$0x0], $0xffff;
	v33 =	vor.u32 v1, v43;
	[tilespmem:s1+$0xFFFFFF80] =	vst v19  }
0xd7: {  	v13 =	vld.idx.msk [tilespmem:v35+s16+$0x0], $0xffff;
	v35 =	vor.u32 v0, v43;
	[tilespmem:s1+$0xFFFFFF10] =	vst v21  }
0xd8: {  	v36 =	vor.u32 v0, v41;
	v31 =	vld.idx.msk [tilespmem:v20+s16+$0x0], $0xffff;
	[tilespmem:s1+$0xFFFFFF60] =	vst v25  }
.Ltmp6:
0xd9: {  	v19 =	vor.u32 v1, v40;
	v24 =	vld.idx.msk [tilespmem:v16+s16+$0x0], $0xffff;
	[tilespmem:s1+$0xFFFFFF70] =	vst v28;
	(pc) =	sbr.rel @p2 .LBB2_6-.Ltmp6, $4  }
0xda: {  	v34 =	vor.u32 v0, v32;
	v17 =	vld.idx.msk [tilespmem:v17+s16+$0x0], $0xffff;
	[tilespmem:s1+$0xFFFFFF20] =	vst v37  }
0xdb: {  	v21 =	vor.u32 v0, v29;
	v16 =	vld.idx.msk [tilespmem:v33+s16+$0x0], $0xffff;
	[tilespmem:s1+$0xFFFFFF50] =	vst v26  }
0xdc: {  	v20 =	vor.u32 v0, v18;
	v33 =	vor.u32 v1, v41;
	v26 =	vld.idx.msk [tilespmem:v35+s16+$0x0], $0xffff;
	[tilespmem:s1+$0xFFFFFF40] =	vst v42  }
0xdd: {  	s2 =	sadd.s32 $0x10, s2;
	v25 =	vor.u32 v1, v23;
	v28 =	vor.u32 v0, v40;
	v32 =	vld.idx.msk [tilespmem:v36+s16+$0x0], $0xffff;
	[tilespmem:s1+$0xFFFFFF30] =	vst v38;
	s1 =	smov.u32 s7;
	s7 =	sadd.s32 $0x200, s7  }
0xde: {  	_ =	sdelay $0x3  }
0xdf: {  	v18 =	vld.idx.msk [tilespmem:v34+s16+$0x0], $0xffff;
	[tilespmem:s1+$0xFFFFFE90] =	vst v30  }
0xe0: {  	[tilespmem:s1+$0xFFFFFEA0] =	vst v31  }
0xe1: {  	v57 =	vld.idx.msk [tilespmem:v27+s16+$0x0], $0xffff;
	[tilespmem:s1+$0xFFFFFE80] =	vst v22  }
0xe2: {  	v56 =	vld.idx.msk [tilespmem:v33+s16+$0x0], $0xffff;
	[tilespmem:s1+$0x0] =	vst v14  }
0xe3: {  	[tilespmem:s1+$0xFFFFFE70] =	vst v15  }
0xe4: {  	[tilespmem:s1+$0xFFFFFFF0] =	vst v5  }
0xe5: {  	[tilespmem:s1+$0xFFFFFEC0] =	vst v24  }
0xe6: {  	[tilespmem:s1+$0xFFFFFFE0] =	vst v3  }
0xe7: {  	[tilespmem:s1+$0xFFFFFE60] =	vst v2  }
0xe8: {  	[tilespmem:s1+$0xFFFFFE50] =	vst v10  }
0xe9: {  	[tilespmem:s1+$0xFFFFFFB0] =	vst v12  }
0xea: {  	[tilespmem:s1+$0xFFFFFFD0] =	vst v6  }
0xeb: {  	[tilespmem:s1+$0xFFFFFE40] =	vst v8  }
0xec: {  	[tilespmem:s1+$0xFFFFFE30] =	vst v4  }
0xed: {  	[tilespmem:s1+$0xFFFFFE10] =	vst v13  }
0xee: {  	[tilespmem:s1+$0xFFFFFFC0] =	vst v7  }
0xef: {  	[tilespmem:s1+$0xFFFFFEE0] =	vst v9  }
0xf0: {  	v58 =	vld.idx.msk [tilespmem:v19+s16+$0x0], $0xffff;
	[tilespmem:s1+$0xFFFFFEB0] =	vst v17  }
0xf1: {  	v2 =	vor.u32 v0, v23;
	v59 =	vld.idx.msk [tilespmem:v21+s16+$0x0], $0xffff;
	[tilespmem:s1+$0xFFFFFF00] =	vst v16  }
0xf2: {  	v3 =	vor.u32 v1, v29;
	v60 =	vld.idx.msk [tilespmem:v25+s16+$0x0], $0xffff;
	[tilespmem:s1+$0xFFFFFEF0] =	vst v26  }
0xf3: {  	v61 =	vld.idx.msk [tilespmem:v28+s16+$0x0], $0xffff;
	[tilespmem:s1+$0xFFFFFF90] =	vst v32  }
0xf4: {  	v62 =	vld.idx.msk [tilespmem:v11+s16+$0x0], $0xffff;
	[tilespmem:s1+$0xFFFFFED0] =	vst v18  }
0xf5: {  	v63 =	vld.idx.msk [tilespmem:v20+s16+$0x0], $0xffff;
	[tilespmem:s1+$0xFFFFFFA0] =	vst v56  }
0xf6: {  	v2 =	vld.idx.msk [tilespmem:v2+s16+$0x0], $0xffff;
	[tilespmem:s1+$0xFFFFFE20] =	vst v57  }
0xf7: {  	v3 =	vld.idx.msk [tilespmem:v3+s16+$0x0], $0xffff;
	[tilespmem:s1+$0xFFFFFF80] =	vst v58  }
0xf8: {  	[tilespmem:s1+$0xFFFFFF10] =	vst v59  }
0xf9: {  	[tilespmem:s1+$0xFFFFFF60] =	vst v60  }
0xfa: {  	[tilespmem:s1+$0xFFFFFF70] =	vst v61  }
0xfb: {  	[tilespmem:s1+$0xFFFFFF40] =	vst v62  }
0xfc: {  	[tilespmem:s1+$0xFFFFFF30] =	vst v63  }
0xfd: {  	s0 =	sshll.u32 s31, $0x9;
	[tilespmem:s1+$0xFFFFFF20] =	vst v3  }
0xfe: {  	p2 =	sgt.u32 s31, $0x1E23;
	s0 =	sadd.s32 s6, s0;
	[tilespmem:s1+$0xFFFFFF50] =	vst v2  }
0xff: {  	[hbm4b:s0+s3] =	stream.linear.scatter [tilespmem:s21], [sflag:$0x5], $0x1000, $0x38;
	[tilespmem:$0x6000] =	vst v63  }
0x100: {  	s2 =	simm.s32 @!p2 $0x7A1400;
	s0 =	sshll.u32 @!p2 s31, $0x7  }
0x101: {  	s5 =	simm.s32 @!p2 $0x1000;
	s1 =	simm.s32 @!p2 $0x400;
	s0 =	sadd.s32 @!p2 s0, s11  }
0x102: {  	[tilespmem:s5], [sflag:$0x2] =	stream.strided.gather @!p2 [hbm4b:s0+s1], $0x1000, s2, s1, $0x38;
	[tilespmem:$0x6000] =	vst v63  }
.LBB2_8:
0x103: {  	s30 =	sadd.s32 s10, s30  }
0x104: {  	p2 =	sgt.u32 s30, $0x1E83  }
.Ltmp7:
0x105: {  	_ = 	snop;
	(pc) =	sbr.rel @p2 .LBB2_12-.Ltmp7, $1  }
0x106: {  	_ =	sdelay $0x3  }
0x107: {  	s0 =	simm.s32 $0xF  }
0x108: {  	s24 =	simm.s32 $0xE;
	v2 =	vmov s0  }
0x109: {  	s1 =	simm.s32 $0x2;
	v3 =	vmov s24;
	v2 =	vand.u32 $0x7F, v2  }
0x10a: {  	v4 =	vmov s1;
	v3 =	vand.u32 $0x7E, v3;
	v2 =	vbroadcast v2, $0x0  }
0x10b: {  	_ =	swait.ge [sflag:s22], $0x1000;
	s25 =	simm.s32 $0x1;
	v4 =	vand.u32 $0x72, v4;
	v3 =	vbroadcast v3, $0x0  }
0x10c: {  	[sflag:s22] =	ssyncset.done $0x0;
	v5 =	vmov s25;
	v4 =	vbroadcast v4, $0x0;
	v6 =	vor.u32 v0, v2  }
0x10d: {  	s0 =	simm.s32 @!p1 $0x6;
	[sflag:s22] =	ssyncadd.s32 $0xFFFFF000;
	v5 =	vand.u32 $0x71, v5;
	v7 =	vor.u32 v1, v3  }
0x10e: {  	_ =	swait.ge @!p1 [sflag:s0], $0x1000;
	v8 =	vbroadcast v5, $0x0;
	v9 =	vor.u32 v1, v4  }
0x10f: {  	s31 =	simm.s32 $0x3;
	[sflag:s0] =	ssyncset.done @!p1 $0x0;
	v10 =	vor.u32 v1, v2  }
0x110: {  	s2 =	simm.s32 $0xD;
	[sflag:s0] =	ssyncadd.s32 @!p1 $0xFFFFF000;
	v2 =	vmov s31;
	v11 =	vor.u32 v1, v8  }
0x111: {  	v12 =	vmov s2;
	v13 =	vor.u32 v0, v3;
	v2 =	vand.u32 $0x73, v2;
	v5 =	vld.idx.msk [tilespmem:v6+s17+$0x0], $0xffff  }
0x112: {  	s5 =	simm.s32 $0x6;
	v4 =	vor.u32 v0, v4;
	v15 =	vbroadcast v2, $0x0;
	v6 =	vand.u32 $0x7D, v12;
	v3 =	vld.idx.msk [tilespmem:v7+s17+$0x0], $0xffff  }
0x113: {  	s7 =	simm.s32 $0x4;
	v7 =	vor.u32 v0, v8;
	v8 =	vmov s5;
	v2 =	vld.idx.msk [tilespmem:v9+s17+$0x0], $0xffff;
	v6 =	vbroadcast v6, $0x0  }
0x114: {  	s8 =	simm.s32 $0x0;
	v9 =	vor.u32 v0, v15;
	v14 =	vld.idx.msk [tilespmem:v10+s17+$0x0], $0xffff;
	v10 =	vmov s7;
	v8 =	vand.u32 $0x76, v8  }
0x115: {  	v12 =	vmov s8;
	v18 =	vbroadcast v8, $0x0;
	v8 =	vld.idx.msk [tilespmem:v11+s17+$0x0], $0xffff;
	v11 =	vor.u32 v0, v6  }
0x116: {  	v10 =	vand.u32 $0x74, v10;
	v12 =	vand.u32 $0x70, v12;
	v16 =	vor.u32 v1, v6;
	v6 =	vld.idx.msk [tilespmem:v13+s17+$0x0], $0xffff  }
0x117: {  	v20 =	vbroadcast v12, $0x0;
	v13 =	vbroadcast v10, $0x0;
	v10 =	vld.idx.msk [tilespmem:v4+s17+$0x0], $0xffff;
	v17 =	vor.u32 v1, v18  }
0x118: {  	s12 =	simm.s32 $0x5;
	v19 =	vor.u32 v1, v15;
	v4 =	vld.idx.msk [tilespmem:v7+s17+$0x0], $0xffff  }
0x119: {  	s13 =	simm.s32 $0x7;
	v23 =	vor.u32 v0, v20;
	v7 =	vmov s12;
	v15 =	vld.idx.msk [tilespmem:v9+s17+$0x0], $0xffff  }
0x11a: {  	v21 =	vor.u32 v0, v13;
	v9 =	vmov s13;
	v7 =	vand.u32 $0x75, v7;
	v12 =	vld.idx.msk [tilespmem:v11+s17+$0x0], $0xffff  }
0x11b: {  	s14 =	simm.s32 $0xC;
	s15 =	simm.s32 $0x9;
	v9 =	vand.u32 $0x77, v9;
	v24 =	vbroadcast v7, $0x0;
	v11 =	vor.u32 v1, v13;
	v7 =	vld.idx.msk [tilespmem:v16+s17+$0x0], $0xffff  }
0x11c: {  	v13 =	vmov s14;
	v16 =	vbroadcast v9, $0x0;
	v9 =	vld.idx.msk [tilespmem:v17+s17+$0x0], $0xffff;
	v17 =	vmov s15  }
0x11d: {  	s24 =	simm.s32 $0xB;
	v22 =	vld.idx.msk [tilespmem:v19+s17+$0x0], $0xffff;
	v25 =	vor.u32 v1, v24;
	v19 =	vor.u32 v0, v24;
	v17 =	vand.u32 $0x79, v17  }
0x11e: {  	v13 =	vand.u32 $0x7C, v13;
	v32 =	vbroadcast v17, $0x0;
	v17 =	vmov s24  }
0x11f: {  	s25 =	simm.s32 $0x8;
	v28 =	vbroadcast v13, $0x0;
	v30 =	vld.idx.msk [tilespmem:v21+s17+$0x0], $0xffff;
	v21 =	vor.u32 v1, v16;
	v17 =	vand.u32 $0x7B, v17  }
0x120: {  	v13 =	vld.idx.msk [tilespmem:v23+s17+$0x0], $0xffff;
	v26 =	vor.u32 v0, v16;
	v16 =	vmov s25;
	v36 =	vbroadcast v17, $0x0  }
0x121: {  	s31 =	simm.s32 $0xA;
	v16 =	vand.u32 $0x78, v16;
	v35 =	vor.u32 v0, v28;
	v31 =	vld.idx.msk [tilespmem:v11+s17+$0x0], $0xffff  }
0x122: {  	v23 =	vmov s31;
	v29 =	vbroadcast v16, $0x0;
	v17 =	vld.idx.msk [tilespmem:v19+s17+$0x0], $0xffff;
	v19 =	vor.u32 v1, v36  }
0x123: {  	v34 =	vor.u32 v0, v18;
	v23 =	vand.u32 $0x7A, v23;
	v24 =	vld.idx.msk [tilespmem:v25+s17+$0x0], $0xffff  }
0x124: {  	v23 =	vbroadcast v23, $0x0;
	v16 =	vld.idx.msk [tilespmem:v21+s17+$0x0], $0xffff;
	v21 =	vor.u32 v0, v29  }
0x125: {  	s1 =	simm.s32 $0x51F0;
	v27 =	vor.u32 v1, v20;
	v33 =	vor.u32 v1, v28;
	v11 =	vor.u32 v1, v32;
	v26 =	vld.idx.msk [tilespmem:v26+s17+$0x0], $0xffff  }
0x126: {  	s2 =	simm.s32 $0x1F;
	s0 =	simm.s32 $0x0;
	s7 =	simm.s32 $0x53F0;
	v20 =	vor.u32 v0, v32;
	v25 =	vor.u32 v1, v23;
	v28 =	vor.u32 v0, v36;
	v32 =	vld.idx.msk [tilespmem:v35+s17+$0x0], $0xffff  }
.LBB2_10:
0x127: {  	s5 =	sadd.s32 $0xFFFFFFF2, s2;
	s8 =	sadd.s32 $0xFFFFFFF3, s2;
	s12 =	sadd.s32 $0xFFFFFFFA, s2;
	v35 =	vmov s2;
	v29 =	vor.u32 v1, v29;
	v23 =	vor.u32 v0, v23;
	v19 =	vld.idx.msk [tilespmem:v19+s17+$0x0], $0xffff  }
0x128: {  	s14 =	sadd.s32 $0xFFFFFFF1, s2;
	v18 =	vmov s5;
	v36 =	vmov s8;
	v37 =	vmov s12;
	s8 =	sadd.s32 $0xFFFFFFFC, s2;
	s12 =	sadd.s32 $0xFFFFFFFF, s2;
	v34 =	vld.idx.msk [tilespmem:v34+s17+$0x0], $0xffff  }
0x129: {  	s13 =	sadd.s32 $0xFFFFFFFD, s2;
	s15 =	sadd.s32 $0xFFFFFFFE, s2;
	s5 =	sadd.s32 $0xFFFFFFF8, s2;
	v38 =	vand.u32 $0x71, v18;
	v18 =	vand.u32 $0x79, v37;
	v37 =	vmov s12;
	[tilespmem:s1+$0xFFFFFE90] =	vst v30;
	v21 =	vld.idx.msk [tilespmem:v21+s17+$0x0], $0xffff  }
0x12a: {  	s24 =	sadd.s32 $0xFFFFFFFB, s2;
	s0 =	sadd.s32 $0x4, s0;
	v35 =	vand.u32 $0x7F, v35;
	v30 =	vand.u32 $0x72, v36;
	v18 =	vbroadcast v18, $0x0;
	[tilespmem:s1+$0xFFFFFEA0] =	vst v31;
	v31 =	vld.idx.msk [tilespmem:v33+s17+$0x0], $0xffff  }
0x12b: {  	p1 =	slt.u32 s0, $0x1C;
	s12 =	sadd.s32 $0xFFFFFFF9, s2;
	v35 =	vbroadcast v35, $0x0;
	v33 =	vmov s14;
	v30 =	vbroadcast v30, $0x0;
	[tilespmem:s1+$0xFFFFFEF0] =	vst v26;
	v25 =	vld.idx.msk [tilespmem:v25+s17+$0x0], $0xffff  }
0x12c: {  	v36 =	vbroadcast v38, $0x0;
	v37 =	vand.u32 $0x7E, v37;
	v38 =	vor.u32 v1, v18;
	v39 =	vld.idx.msk [tilespmem:v27+s17+$0x0], $0xffff;
	[tilespmem:s1+$0xFFFFFF90] =	vst v32  }
0x12d: {  	s14 =	sadd.s32 $0xFFFFFFF4, s2;
	v27 =	vand.u32 $0x70, v33;
	v32 =	vor.u32 v1, v30;
	v33 =	vor.u32 v0, v35;
	[tilespmem:s1+$0xFFFFFE80] =	vst v22;
	v26 =	vld.idx.msk [tilespmem:v23+s17+$0x0], $0xffff  }
0x12e: {  	v40 =	vor.u32 v0, v36;
	v22 =	vmov s14;
	s14 =	sadd.s32 $0xFFFFFFF7, s2;
	v23 =	vbroadcast v37, $0x0;
	v37 =	vld.idx.msk [tilespmem:v29+s17+$0x0], $0xffff;
	[tilespmem:s1+$0x0] =	vst v14  }
0x12f: {  	s25 =	sadd.s32 $0xFFFFFFF5, s2;
	v29 =	vor.u32 v1, v36;
	v14 =	vand.u32 $0x73, v22;
	v22 =	vmov s15;
	[tilespmem:s1+$0xFFFFFE70] =	vst v15  }
0x130: {  	v14 =	vbroadcast v14, $0x0;
	v15 =	vmov s25;
	v36 =	vor.u32 v1, v23;
	[tilespmem:s1+$0xFFFFFFF0] =	vst v5  }
0x131: {  	v30 =	vor.u32 v0, v30;
	v5 =	vand.u32 $0x74, v15;
	v15 =	vor.u32 v1, v35;
	[tilespmem:s1+$0xFFFFFEC0] =	vst v24;
	v28 =	vld.idx.msk [tilespmem:v28+s17+$0x0], $0xffff  }
0x132: {  	v41 =	vor.u32 v0, v23;
	v24 =	vor.u32 v0, v14;
	v35 =	vbroadcast v5, $0x0;
	[tilespmem:s1+$0xFFFFFED0] =	vst v34;
	v42 =	vld.idx.msk [tilespmem:v11+s17+$0x0], $0xffff  }
0x133: {  	v22 =	vand.u32 $0x7D, v22;
	v34 =	vor.u32 v1, v14;
	v14 =	vmov s24;
	v11 =	vmovc v38;
	v5 =	vld.idx.msk [tilespmem:v33+s17+$0x0], $0xffff;
	[tilespmem:s1+$0xFFFFFFE0] =	vst v3  }
0x134: {  	v27 =	vbroadcast v27, $0x0;
	v3 =	vmov s14;
	v33 =	vor.u32 v0, v35;
	[tilespmem:s1+$0xFFFFFE60] =	vst v2;
	v38 =	vld.idx.msk [tilespmem:v20+s17+$0x0], $0xffff  }
0x135: {  	v14 =	vand.u32 $0x7A, v14;
	v20 =	vor.u32 v1, v35;
	v35 =	vand.u32 $0x76, v3;
	v3 =	vld.idx.msk [tilespmem:v36+s17+$0x0], $0xffff;
	[tilespmem:s1+$0xFFFFFE50] =	vst v10  }
0x136: {  	v22 =	vbroadcast v22, $0x0;
	v23 =	vbroadcast v14, $0x0;
	v10 =	vmov s5;
	v2 =	vld.idx.msk [tilespmem:v32+s17+$0x0], $0xffff;
	[tilespmem:s1+$0xFFFFFEB0] =	vst v17  }
0x137: {  	v32 =	vbroadcast v35, $0x0;
	v10 =	vand.u32 $0x77, v10;
	v17 =	vmov s13;
	v14 =	vld.idx.msk [tilespmem:v15+s17+$0x0], $0xffff;
	[tilespmem:s1+$0xFFFFFFB0] =	vst v12  }
0x138: {  	v35 =	vor.u32 v0, v27;
	v43 =	vbroadcast v10, $0x0;
	v12 =	vor.u32 v0, v22;
	v36 =	vld.idx.msk [tilespmem:v29+s17+$0x0], $0xffff;
	[tilespmem:s1+$0xFFFFFFD0] =	vst v6  }
0x139: {  	v15 =	vand.u32 $0x7C, v17;
	v17 =	vor.u32 v1, v22;
	v44 =	vor.u32 v1, v32;
	v6 =	vld.idx.msk [tilespmem:v41+s17+$0x0], $0xffff;
	[tilespmem:s1+$0xFFFFFF00] =	vst v16  }
0x13a: {  	s5 =	sadd.s32 $0xFFFFFFF6, s2;
	v22 =	vmov s8;
	v16 =	vmov s12;
	v41 =	vbroadcast v15, $0x0;
	v10 =	vld.idx.msk [tilespmem:v30+s17+$0x0], $0xffff;
	[tilespmem:s1+$0xFFFFFE40] =	vst v8  }
0x13b: {  	v22 =	vand.u32 $0x7B, v22;
	v8 =	vmov s5;
	v16 =	vand.u32 $0x78, v16;
	[tilespmem:s1+$0xFFFFFE30] =	vst v4;
	v4 =	vld.idx.msk [tilespmem:v40+s17+$0x0], $0xffff  }
0x13c: {  	v27 =	vor.u32 v1, v27;
	v29 =	vbroadcast v16, $0x0;
	v15 =	vld.idx.msk [tilespmem:v24+s17+$0x0], $0xffff;
	v24 =	vand.u32 $0x75, v8;
	[tilespmem:s1+$0xFFFFFE10] =	vst v13  }
0x13d: {  	v40 =	vbroadcast v22, $0x0;
	v13 =	vbroadcast v24, $0x0;
	v12 =	vld.idx.msk [tilespmem:v12+s17+$0x0], $0xffff;
	[tilespmem:s1+$0xFFFFFFA0] =	vst v31  }
0x13e: {  	v8 =	vmov v36;
	[tilespmem:s1+$0xFFFFFFC0] =	vst v7;
	v7 =	vld.idx.msk [tilespmem:v17+s17+$0x0], $0xffff  }
0x13f: {  	v16 =	vor.u32 v1, v13;
	[tilespmem:s1+$0xFFFFFEE0] =	vst v9;
	v9 =	vld.idx.msk [tilespmem:v44+s17+$0x0], $0xffff  }
0x140: {  	v17 =	vor.u32 v0, v13;
	v22 =	vld.idx.msk [tilespmem:v34+s17+$0x0], $0xffff;
	[tilespmem:s1+$0xFFFFFE20] =	vst v39  }
0x141: {  	v30 =	vld.idx.msk [tilespmem:v33+s17+$0x0], $0xffff;
	v33 =	vor.u32 v1, v43;
	[tilespmem:s1+$0xFFFFFF80] =	vst v19  }
0x142: {  	v13 =	vld.idx.msk [tilespmem:v35+s17+$0x0], $0xffff;
	v35 =	vor.u32 v0, v43;
	[tilespmem:s1+$0xFFFFFF10] =	vst v21  }
0x143: {  	v36 =	vor.u32 v0, v41;
	v31 =	vld.idx.msk [tilespmem:v20+s17+$0x0], $0xffff;
	[tilespmem:s1+$0xFFFFFF60] =	vst v25  }
.Ltmp8:
0x144: {  	v19 =	vor.u32 v1, v40;
	v24 =	vld.idx.msk [tilespmem:v16+s17+$0x0], $0xffff;
	[tilespmem:s1+$0xFFFFFF70] =	vst v28;
	(pc) =	sbr.rel @p1 .LBB2_10-.Ltmp8, $4  }
0x145: {  	v34 =	vor.u32 v0, v32;
	v17 =	vld.idx.msk [tilespmem:v17+s17+$0x0], $0xffff;
	[tilespmem:s1+$0xFFFFFF20] =	vst v37  }
0x146: {  	v21 =	vor.u32 v0, v29;
	v16 =	vld.idx.msk [tilespmem:v33+s17+$0x0], $0xffff;
	[tilespmem:s1+$0xFFFFFF50] =	vst v26  }
0x147: {  	v20 =	vor.u32 v0, v18;
	v33 =	vor.u32 v1, v41;
	v26 =	vld.idx.msk [tilespmem:v35+s17+$0x0], $0xffff;
	[tilespmem:s1+$0xFFFFFF40] =	vst v42  }
0x148: {  	s2 =	sadd.s32 $0x10, s2;
	v25 =	vor.u32 v1, v23;
	v28 =	vor.u32 v0, v40;
	v32 =	vld.idx.msk [tilespmem:v36+s17+$0x0], $0xffff;
	[tilespmem:s1+$0xFFFFFF30] =	vst v38;
	s1 =	smov.u32 s7;
	s7 =	sadd.s32 $0x200, s7  }
0x149: {  	_ =	sdelay $0x3  }
0x14a: {  	v18 =	vld.idx.msk [tilespmem:v34+s17+$0x0], $0xffff;
	[tilespmem:s1+$0xFFFFFE90] =	vst v30  }
0x14b: {  	[tilespmem:s1+$0xFFFFFEA0] =	vst v31  }
0x14c: {  	v57 =	vld.idx.msk [tilespmem:v27+s17+$0x0], $0xffff;
	[tilespmem:s1+$0xFFFFFE80] =	vst v22  }
0x14d: {  	v56 =	vld.idx.msk [tilespmem:v33+s17+$0x0], $0xffff;
	[tilespmem:s1+$0x0] =	vst v14  }
0x14e: {  	[tilespmem:s1+$0xFFFFFE70] =	vst v15  }
0x14f: {  	[tilespmem:s1+$0xFFFFFFF0] =	vst v5  }
0x150: {  	[tilespmem:s1+$0xFFFFFEC0] =	vst v24  }
0x151: {  	[tilespmem:s1+$0xFFFFFFE0] =	vst v3  }
0x152: {  	[tilespmem:s1+$0xFFFFFE60] =	vst v2  }
0x153: {  	[tilespmem:s1+$0xFFFFFE50] =	vst v10  }
0x154: {  	[tilespmem:s1+$0xFFFFFFB0] =	vst v12  }
0x155: {  	[tilespmem:s1+$0xFFFFFFD0] =	vst v6  }
0x156: {  	[tilespmem:s1+$0xFFFFFE40] =	vst v8  }
0x157: {  	[tilespmem:s1+$0xFFFFFE30] =	vst v4  }
0x158: {  	[tilespmem:s1+$0xFFFFFE10] =	vst v13  }
0x159: {  	[tilespmem:s1+$0xFFFFFFC0] =	vst v7  }
0x15a: {  	[tilespmem:s1+$0xFFFFFEE0] =	vst v9  }
0x15b: {  	v58 =	vld.idx.msk [tilespmem:v19+s17+$0x0], $0xffff;
	[tilespmem:s1+$0xFFFFFEB0] =	vst v17  }
0x15c: {  	v2 =	vor.u32 v0, v23;
	v59 =	vld.idx.msk [tilespmem:v21+s17+$0x0], $0xffff;
	[tilespmem:s1+$0xFFFFFF00] =	vst v16  }
0x15d: {  	v3 =	vor.u32 v1, v29;
	v60 =	vld.idx.msk [tilespmem:v25+s17+$0x0], $0xffff;
	[tilespmem:s1+$0xFFFFFEF0] =	vst v26  }
0x15e: {  	v61 =	vld.idx.msk [tilespmem:v28+s17+$0x0], $0xffff;
	[tilespmem:s1+$0xFFFFFF90] =	vst v32  }
0x15f: {  	v62 =	vld.idx.msk [tilespmem:v11+s17+$0x0], $0xffff;
	[tilespmem:s1+$0xFFFFFED0] =	vst v18  }
0x160: {  	v63 =	vld.idx.msk [tilespmem:v20+s17+$0x0], $0xffff;
	[tilespmem:s1+$0xFFFFFFA0] =	vst v56  }
0x161: {  	v2 =	vld.idx.msk [tilespmem:v2+s17+$0x0], $0xffff;
	[tilespmem:s1+$0xFFFFFE20] =	vst v57  }
0x162: {  	v3 =	vld.idx.msk [tilespmem:v3+s17+$0x0], $0xffff;
	[tilespmem:s1+$0xFFFFFF80] =	vst v58  }
0x163: {  	[tilespmem:s1+$0xFFFFFF10] =	vst v59  }
0x164: {  	[tilespmem:s1+$0xFFFFFF60] =	vst v60  }
0x165: {  	[tilespmem:s1+$0xFFFFFF70] =	vst v61  }
0x166: {  	[tilespmem:s1+$0xFFFFFF40] =	vst v62  }
0x167: {  	[tilespmem:s1+$0xFFFFFF30] =	vst v63  }
0x168: {  	s0 =	sshll.u32 s30, $0x9;
	[tilespmem:s1+$0xFFFFFF20] =	vst v3  }
.Ltmp9:
0x169: {  	p1 =	sgt.u32 s30, $0x1E23;
	s0 =	sadd.s32 s6, s0;
	[tilespmem:s1+$0xFFFFFF50] =	vst v2;
	(pc) =	sbr.rel .LBB2_12-.Ltmp9, $4  }
0x16a: {  	[hbm4b:s0+s3] =	stream.linear.scatter [tilespmem:s23], [sflag:$0x6], $0x1000, $0x38;
	[tilespmem:$0x6000] =	vst v63  }
0x16b: {  	s2 =	simm.s32 @!p1 $0x7A1400;
	s0 =	sshll.u32 @!p1 s30, $0x7  }
0x16c: {  	s5 =	simm.s32 @!p1 $0x2000;
	s1 =	simm.s32 @!p1 $0x400;
	s0 =	sadd.s32 @!p1 s0, s11  }
0x16d: {  	[tilespmem:s5], [sflag:$0x3] =	stream.strided.gather @!p1 [hbm4b:s0+s1], $0x1000, s2, s1, $0x38;
	[tilespmem:$0x6000] =	vst v63  }
.LBB2_14:
0x16e: {  	_ =	sfence.sel $0x180000  }
0x16f: {  	[bflag:$0x0] =	sbarrier.arrive $0xFFFF  }
0x170: {  	_ =	strace $0x90000047  }
0x171: {  	s0 =	stileid.u32;
	[bflag:$0x2] =	sbarrier.arrive $0xFFFF  }
0x172: {  	p0 =	sne.s32 s0, $0x0;
	s0 =	rddreg [dreg:$0x3]  }
0x173: {  	s0 =	sadd.s32 @!p0 $0x100000, s0  }
0x174: {  	[sflag:s0] =	ssyncadd.tile.s32 @!p0 $0x1;
	_ =	shalt  }
.Lfunc_end2:
_tile_overlayer_lowered:
.L_overlay_start_2:
0x175: {  	(tag) =	ssettag $0x2  }
0x176: {  	s0 =	rddreg [dreg:$0x0];
	s2 =	stileid.u32  }
0x177: {  	s1 =	rddreg [dreg:$0x1];
	p0 =	sne.s32 s2, $0x0  }
0x178: {  	s3 =	rddreg [dreg:$0x2];
	[bflag:$0x3] =	sbarrier.arrive $0xFFFF;
	s2 =	simm.s32 @!p0 $0x1C07  }
0x179: {  	[timem:s3], [sflag:s2] =	dma.local @!p0 [hbm:s0], s1  }
0x17a: {  	s0 =	simm.s32 @!p0 $0x7  }
0x17b: {  	_ =	swait.ge @!p0 [sflag:s0], s1  }
0x17c: {  	s1 =	ssub.s32 @!p0 $0x0, s1;
	[sflag:s0] =	ssyncset.done @!p0 $0x0  }
0x17d: {  	[sflag:s0] =	ssyncadd.s32 @!p0 s1  }
0x17e: {  	[bflag:$0x3] =	sbarrier.arrive $0xFFFF  }
0x17f: {  	_ =	shalt  }

// kernel: kernel.7.cloned.1.call-start
scs
__scs_entry_jumppad:
0x0: {  	(pc) =	sbr.rel $0x88, $3  }
0x1: {  	(tag) =	ssettag $0x0;
	lr =	simm.s32 $0x1  }
0x2: {  	[smem:$0x3F9F] =	sst lr;
	_ =	strace $0xD0000000  }
0x3: {  	_ = 	snop  }
0x4: {  	_ = 	snop  }
0x5: {  	_ = 	snop  }
0x6: {  	_ = 	snop  }
0x7: {  	_ = 	snop  }
__scs_overlays_trampoline_lowered:
0x8: {  	[smem:$0x3FAE] =	sst s0  }
0x9: {  	[smem:$0x3FAF] =	sst s1  }
0xa: {  	[smem:$0x3FB0] =	sst s2  }
0xb: {  	[smem:$0x3FB1] =	sst s3  }
0xc: {  	[smem:$0x3FB2] =	sst s4  }
0xd: {  	[smem:$0x3FB3] =	sst s5  }
0xe: {  	[smem:$0x3FB4] =	sst s6  }
0xf: {  	[smem:$0x3FB5] =	sst s7  }
0x10: {  	[smem:$0x3FB6] =	sst s8  }
0x11: {  	[smem:$0x3FB7] =	sst s9;
	s0 =	simm.s32 @!p0 $0x0  }
0x12: {  	s1 =	sld [smem:$0x3F9D];
	s0 =	simm.s32 @p0 $0x1  }
0x13: {  	[smem:$0x3FB8] =	sst s0;
	s0 =	simm.s32 @!p1 $0x0  }
0x14: {  	s2 =	sld [smem:$0x3F9C];
	s0 =	simm.s32 @p1 $0x1  }
0x15: {  	[smem:$0x3FB9] =	sst s0;
	s0 =	simm.s32 @!p2 $0x0  }
0x16: {  	s3 =	sld [smem:$0x3FDB];
	s0 =	simm.s32 @p2 $0x1  }
0x17: {  	s4 =	simm.s32 $0x1BF5;
	[smem:$0x3FBB] =	sst s0  }
0x18: {  	s0 =	sld [smem:$0x3F9E];
	_ =	swait.ge [sflag:s4], $0x0  }
0x19: {  	s7 =	sld [smem:$0x3F9F]  }
0x1a: {  	s8 =	sadd.s32 $0xFFFFE003, lr  }
0x1b: {  	s9 =	sadd.s32 $0xFFFFFEF7, lr;
	s5 =	simm.s32 $0xFFFFFFFF;
	p2 =	slt.u32 s8, $0xFFFFF086  }
0x1c: {  	p1 =	slt.u32 s9, $0xF7A;
	s5 =	simm.s32 @!p2 $0x0  }
0x1d: {  	s5 =	simm.s32 @p1 $0x1;
	p0 =	seq.s32 s7, s2  }
0x1e: {  	s7 =	smul.u32 @!p0 $0xF7A, s2;
	p2 =	seq.s32 @!p0 s5, $0x0  }
0x1f: {  	s9 =	smul.u32 $0xF7A, s1;
	s8 =	simm.s32 @!p0 $0x1BF5;
	p2 =	por !p2, p0  }
0x20: {  	[sflag:s8] =	ssyncset.s32 @!p0 $0xFFFFF086;
	s6 =	sadd.s32 @!p0 s3, s7;
	s7 =	simm.s32 @!p0 $0x108  }
0x21: {  	s3 =	sadd.s32 s3, s9;
	s6 =	sadd.s32 @!p0 $0x88, s6;
	s7 =	simm.s32 @p2 $0x1082  }
0x22: {  	[simem:s7], [sflag:s8] =	dma.local @!p0 [hbm:s6], $0xF7A  }
0x23: {  	s9 =	sor.u32 $0xD0000000, s2;
	s6 =	simm.s32 $0x108;
	_ =	swait.ge @!p0 [sflag:s8], $0x0  }
0x24: {  	s3 =	sadd.s32 $0x88, s3;
	s6 =	simm.s32 @!p1 $0x1082;
	[sflag:s4] =	ssyncset.s32 $0xFFFFF086  }
0x25: {  	[simem:s6], [sflag:s4] =	dma.local [hbm:s3], $0xF7A  }
0x26: {  	[smem:$0x3F9F] =	sst s1;
	(tag) =	ssettag s2;
	_ =	strace s9  }
0x27: {  	s1 =	sld [smem:$0x3FAF]  }
0x28: {  	s2 =	sld [smem:$0x3FB0]  }
0x29: {  	s4 =	sld [smem:$0x3FB2]  }
0x2a: {  	p0 =	seq.s32 s5, $0x0;
	s5 =	sld [smem:$0x3FB3]  }
0x2b: {  	s6 =	sld [smem:$0x3FB4]  }
0x2c: {  	s7 =	sld [smem:$0x3FB5]  }
0x2d: {  	s3 =	simm.s32 $0x108;
	s8 =	sld [smem:$0x3FB6]  }
0x2e: {  	s3 =	simm.s32 @!p0 $0x1082;
	s9 =	sld [smem:$0x3FB7]  }
0x2f: {  	lr =	sadd.s32 s0, s3;
	s0 =	sld [smem:$0x3FAE]  }
0x30: {  	s3 =	sld [smem:$0x3FB1]  }
0x31: {  	[smem:$0x3FBA] =	sst s10  }
0x32: {  	s10 =	sld [smem:$0x3FB8];
	_ =	sdelay $0x3  }
0x33: {  	p0 =	seq.s32 s10, $0x1;
	s10 =	sld [smem:$0x3FBA];
	_ =	sdelay $0x3  }
0x34: {  	[smem:$0x3FBA] =	sst s10  }
0x35: {  	s10 =	sld [smem:$0x3FB9];
	_ =	sdelay $0x3  }
0x36: {  	p1 =	seq.s32 s10, $0x1;
	s10 =	sld [smem:$0x3FBA];
	_ =	sdelay $0x3  }
0x37: {  	[smem:$0x3FBA] =	sst s10  }
0x38: {  	s10 =	sld [smem:$0x3FBB]  }
0x39: {  	_ = 	snop;
	(pc) =	sbr.ind lr, $3  }
0x3a: {  	_ = 	snop  }
0x3b: {  	_ = 	snop  }
0x3c: {  	p2 =	seq.s32 s10, $0x1;
	s10 =	sld [smem:$0x3FBA]  }
0x3d: {  	_ =	shalt  }
0x3e: {  	_ =	shalt  }
0x3f: {  	_ =	shalt  }
0x40: {  	_ =	shalt  }
0x41: {  	_ =	shalt  }
0x42: {  	_ =	shalt  }
0x43: {  	_ =	shalt  }
0x44: {  	_ =	shalt  }
0x45: {  	_ =	shalt  }
0x46: {  	_ =	shalt  }
0x47: {  	_ =	shalt  }
0x48: {  	_ =	shalt  }
0x49: {  	_ =	shalt  }
0x4a: {  	_ =	shalt  }
0x4b: {  	_ =	shalt  }
0x4c: {  	_ =	shalt  }
0x4d: {  	_ =	shalt  }
0x4e: {  	_ =	shalt  }
0x4f: {  	_ =	shalt  }
0x50: {  	_ =	shalt  }
0x51: {  	_ =	shalt  }
0x52: {  	_ =	shalt  }
0x53: {  	_ =	shalt  }
0x54: {  	_ =	shalt  }
0x55: {  	_ =	shalt  }
0x56: {  	_ =	shalt  }
0x57: {  	_ =	shalt  }
0x58: {  	_ =	shalt  }
0x59: {  	_ =	shalt  }
0x5a: {  	_ =	shalt  }
0x5b: {  	_ =	shalt  }
0x5c: {  	_ =	shalt  }
0x5d: {  	_ =	shalt  }
0x5e: {  	_ =	shalt  }
0x5f: {  	_ =	shalt  }
0x60: {  	_ =	shalt  }
0x61: {  	_ =	shalt  }
0x62: {  	_ =	shalt  }
0x63: {  	_ =	shalt  }
0x64: {  	_ =	shalt  }
0x65: {  	_ =	shalt  }
0x66: {  	_ =	shalt  }
0x67: {  	_ =	shalt  }
0x68: {  	_ =	shalt  }
0x69: {  	_ =	shalt  }
0x6a: {  	_ =	shalt  }
0x6b: {  	_ =	shalt  }
0x6c: {  	_ =	shalt  }
0x6d: {  	_ =	shalt  }
0x6e: {  	_ =	shalt  }
0x6f: {  	_ =	shalt  }
0x70: {  	_ =	shalt  }
0x71: {  	_ =	shalt  }
0x72: {  	_ =	shalt  }
0x73: {  	_ =	shalt  }
0x74: {  	_ =	shalt  }
0x75: {  	_ =	shalt  }
0x76: {  	_ =	shalt  }
0x77: {  	_ =	shalt  }
0x78: {  	_ =	shalt  }
0x79: {  	_ =	shalt  }
0x7a: {  	_ =	shalt  }
0x7b: {  	_ =	shalt  }
0x7c: {  	_ =	shalt  }
0x7d: {  	_ =	shalt  }
0x7e: {  	_ =	shalt  }
0x7f: {  	_ =	shalt  }
0x80: {  	_ =	shalt  }
0x81: {  	_ =	shalt  }
0x82: {  	_ =	shalt  }
0x83: {  	_ =	shalt  }
0x84: {  	_ =	shalt  }
0x85: {  	_ =	shalt  }
0x86: {  	_ =	shalt  }
0x87: {  	_ =	shalt  }
.Lfunc_end0:
.L_simem_size_0:
called_computation.1_lowered:
.L_overlay_start_0:
0x88: {  	s2 =	sld [smem:$0x3FD9]  }
0x89: {  	s3 =	sld [smem:$0x3FFE];
	_ =	sdelay $0x1  }
0x8a: {  	s1 =	srdreg.scid  }
0x8b: {  	s0 =	sand.u32 $0x1, s1  }
0x8c: {  	s17 =	sshll.u32 s0, $0xA;
	s2 =	sadd.s32 s3, s2  }
0x8d: {  	s2 =	sadd.s32 s2, s17  }
0x8e: {  	[smem:$0x3FC6] =	sst s2  }
0x8f: {  	_ = 	snop  }
0x90: {  	s2 =	sld [smem:$0x3FD0];
	(tm) =	ssettm $0x1  }
0x91: {  	s18 =	sld [smem:$0x3FFB];
	_ =	sdelay $0x3  }
0x92: {  	_ =	strace s18  }
0x93: {  	s3 =	sld [smem:$0x3FFC];
	_ =	sdelay $0x3  }
0x94: {  	_ =	strace s3  }
0x95: {  	s3 =	sld [smem:$0x3FFD];
	_ =	sdelay $0x3  }
0x96: {  	_ =	strace s3  }
0x97: {  	_ =	strace $0x8FFFFFFF  }
0x98: {  	s19 =	sld [smem:$0x3FDB];
	_ =	sdelay $0x1  }
0x99: {  	s4 =	simm.s32 $_scs_section_size  }
0x9a: {  	s5 =	simm.s32 $_size__tile_overlayer_lowered;
	s6 =	simm.s32 $_tile_overlayer_lowered  }
0x9b: {  	s22 =	simm.s32 $0x1BFF;
	s21 =	sshll.u32 s6, $0x1;
	s3 =	sadd.s32 s4, s19  }
0x9c: {  	s7 =	simm.s32 $0x0;
	s20 =	sshll.u32 s5, $0x1;
	s5 =	sadd.s32 s21, s3  }
0x9d: {  	[timem:s7], [sflag:s22] =	dma.local [hbm:s5], s20  }
0x9e: {  	_ =	swait.ge [sflag:s22], s20  }
0x9f: {  	s4 =	ssub.s32 $0x0, s20;
	[sflag:s22] =	ssyncset.done $0x0  }
0xa0: {  	[sflag:s22] =	ssyncadd.s32 s4;
	_ =	sdelay $0x1  }
0xa1: {  	s23 =	simm.s32 $0x1B8B  }
0xa2: {  	_ =	swait.ge [sflag:s23], $0x1  }
0xa3: {  	[sflag:s23] =	ssyncset.done $0x0  }
0xa4: {  	s25 =	simm.s32 $0x1B8E;
	s24 =	sld [smem:$0x3FFE];
	[sflag:s23] =	ssyncadd.s32 $0xFFFFFFFF  }
0xa5: {  	s26 =	simm.s32 $execute0_lowered;
	[smem:$0x3FD2] =	sst s25  }
0xa6: {  	s5 =	sshll.u32 s26, $0x1;
	_ =	strace $0x80000049;
	[dreg:$0x1] =	wrdreg $0xFFFFFFFF  }
0xa7: {  	s28 =	simm.s32 $_size_execute0_lowered;
	s3 =	sadd.s32 s3, s5;
	[dreg:$0x0] =	wrdreg $0x0  }
0xa8: {  	s5 =	sshll.u32 s28, $0x1;
	[dreg:$0x2] =	wrdreg s3  }
0xa9: {  	[dreg:$0x3] =	wrdreg s5  }
0xaa: {  	[dreg:$0x4] =	wrdreg $0xC0  }
0xab: {  	_ =	task [dreg:s7], $0x5FFFF  }
0xac: {  	[dreg:$0x1] =	wrdreg $0xFFFFFFFF  }
0xad: {  	[dreg:$0x0] =	wrdreg $0x60  }
0xae: {  	[dreg:$0x2] =	wrdreg s24  }
0xaf: {  	[dreg:$0x3] =	wrdreg s2  }
0xb0: {  	[dreg:$0x4] =	wrdreg $0x9  }
0xb1: {  	_ =	task.clear_ibuf [dreg:s7], $0x5FFFF;
	_ =	strace $0x90000049  }
0xb2: {  	s29 =	simm.s32 $0x9;
	_ =	strace $0x8000004B  }
0xb3: {  	_ =	swait.ge [sflag:s29], $0x1  }
0xb4: {  	[sflag:s29] =	ssyncadd.s32 $0xFFFFFFFF  }
0xb5: {  	_ =	strace $0x9000004B  }
0xb6: {  	_ =	sfence  }
0xb7: {  	s30 =	sld [smem:$0x0];
	_ =	sdelay $0x2  }
0xb8: {  	s31 =	sshll.u32 s1, $0xD;
	s1 =	sshrl.u32 s1, $0x2  }
0xb9: {  	s3 =	sand.u32 $0x4000, s31;
	s1 =	sadd.s32 s1, s30  }
0xba: {  	s0 =	sor.u32 s3, s0;
	s1 =	sshll.u32 s1, $0x11  }
0xbb: {  	s0 =	sor.u32 s1, s0  }
0xbc: {  	s0 =	sadd.s32 $0x8F2B, s0  }
0xbd: {  	[sflag:s0] =	ssyncadd.remote.s32 $0x1  }
0xbe: {  	_ =	sfence.sel $0xFFFF  }
0xbf: {  	[dreg:$0x0] =	wrdreg $0xFFFFFFFF;
	(pc) =	sbr.abs _section_cstart, $3  }
0xc0: {  	[dreg:$0x1] =	wrdreg $0xFFFFFFFF  }
0xc1: {  	_ =	task.clear_ibuf [dreg:s7], $0x2FFFF;
	_ =	strace $0x9FFFFFFF  }
0xc2: {  	(tm) =	ssettm $0x7FFFFFFF  }
0xc3: {  	_ =	shalt  }
tec
execute0_lowered:
.L_overlay_start_1:
0x0: {  	(tag) =	ssettag $0x1  }
0x1: {  	v0 =	vlaneseq.u32  }
0x2: {  	s0 =	rddreg [dreg:$0x0];
	s4 =	simm.s32 $0x0;
	v21 =	vmul.u32 $0x20, v0  }
0x3: {  	[smem:$0x7FF] =	sst s4  }
0x4: {  	s2 =	rddreg [dreg:$0x1];
	_ =	strace $0x8000004A;
	v0 =	vor.u32 $0xE04, v21;
	[tilespmem:$0x1FF60] =	vst v21  }
0x5: {  	v18 =	vor.u32 $0x5, v21;
	[tilespmem:$0x1FC10] =	vst v0  }
0x6: {  	v19 =	vor.u32 $0x205, v21;
	[tilespmem:$0x1FC20] =	vst v18  }
0x7: {  	v63 =	vor.u32 $0x405, v21;
	[tilespmem:$0x1FC30] =	vst v19  }
0x8: {  	v27 =	vor.u32 $0x200, v21;
	[tilespmem:$0x1FC40] =	vst v63  }
0x9: {  	v28 =	vor.u32 $0x400, v21;
	[tilespmem:$0x1FCE0] =	vst v27  }
0xa: {  	v30 =	vor.u32 $0x800, v21;
	[tilespmem:$0x1FCF0] =	vst v28  }
0xb: {  	v31 =	vor.u32 $0xA00, v21;
	[tilespmem:$0x1FD00] =	vst v30  }
0xc: {  	v32 =	vor.u32 $0xC00, v21;
	[tilespmem:$0x1FD10] =	vst v31  }
0xd: {  	v33 =	vor.u32 $0xE00, v21;
	[tilespmem:$0x1FD20] =	vst v32  }
0xe: {  	v34 =	vor.u32 $0x1, v21;
	[tilespmem:$0x1FD30] =	vst v33  }
0xf: {  	v35 =	vor.u32 $0x201, v21;
	[tilespmem:$0x1FD40] =	vst v34  }
0x10: {  	v38 =	vor.u32 $0x401, v21;
	[tilespmem:$0x1FD50] =	vst v35  }
0x11: {  	v39 =	vor.u32 $0x601, v21;
	[tilespmem:$0x1FD60] =	vst v38  }
0x12: {  	v40 =	vor.u32 $0x801, v21;
	[tilespmem:$0x1FD70] =	vst v39  }
0x13: {  	v41 =	vor.u32 $0xA01, v21;
	[tilespmem:$0x1FD80] =	vst v40  }
0x14: {  	v42 =	vor.u32 $0xC01, v21;
	[tilespmem:$0x1FD90] =	vst v41  }
0x15: {  	v43 =	vor.u32 $0xE01, v21;
	[tilespmem:$0x1FDA0] =	vst v42  }
0x16: {  	v49 =	vor.u32 $0x2, v21;
	[tilespmem:$0x1FDB0] =	vst v43  }
0x17: {  	v50 =	vor.u32 $0x202, v21;
	[tilespmem:$0x1FDC0] =	vst v49  }
0x18: {  	v51 =	vor.u32 $0x402, v21;
	[tilespmem:$0x1FDD0] =	vst v50  }
0x19: {  	v52 =	vor.u32 $0x602, v21;
	[tilespmem:$0x1FDE0] =	vst v51  }
0x1a: {  	v53 =	vor.u32 $0x802, v21;
	[tilespmem:$0x1FDF0] =	vst v52  }
0x1b: {  	v54 =	vor.u32 $0xA02, v21;
	[tilespmem:$0x1FE00] =	vst v53  }
0x1c: {  	v55 =	vor.u32 $0xC02, v21;
	[tilespmem:$0x1FE10] =	vst v54  }
0x1d: {  	v56 =	vor.u32 $0xE02, v21;
	[tilespmem:$0x1FE20] =	vst v55  }
0x1e: {  	v57 =	vor.u32 $0x3, v21;
	[tilespmem:$0x1FE30] =	vst v56  }
0x1f: {  	v58 =	vor.u32 $0x203, v21;
	[tilespmem:$0x1FE40] =	vst v57  }
0x20: {  	v59 =	vor.u32 $0x403, v21;
	[tilespmem:$0x1FE50] =	vst v58  }
0x21: {  	v60 =	vor.u32 $0x603, v21;
	[tilespmem:$0x1FE60] =	vst v59  }
0x22: {  	v61 =	vor.u32 $0x803, v21;
	[tilespmem:$0x1FE70] =	vst v60  }
0x23: {  	v29 =	vor.u32 $0x600, v21;
	[tilespmem:$0x1FE80] =	vst v61  }
0x24: {  	v4 =	vor.u32 $0x806, v21;
	[tilespmem:$0x1FE90] =	vst v29  }
0x25: {  	v5 =	vor.u32 $0xA06, v21;
	[tilespmem:$0x1FEA0] =	vst v4  }
0x26: {  	v6 =	vor.u32 $0xC06, v21;
	[tilespmem:$0x1FEB0] =	vst v5  }
0x27: {  	v7 =	vor.u32 $0xE06, v21;
	[tilespmem:$0x1FEC0] =	vst v6  }
0x28: {  	v9 =	vor.u32 $0xE07, v21;
	[tilespmem:$0x1FED0] =	vst v7  }
0x29: {  	v8 =	vor.u32 $0x7, v21;
	[tilespmem:$0x1FEE0] =	vst v9  }
0x2a: {  	v10 =	vor.u32 $0x207, v21;
	[tilespmem:$0x1FEF0] =	vst v8  }
0x2b: {  	v11 =	vor.u32 $0x407, v21;
	[tilespmem:$0x1FF00] =	vst v10  }
0x2c: {  	v12 =	vor.u32 $0x607, v21;
	[tilespmem:$0x1FF10] =	vst v11  }
0x2d: {  	v13 =	vor.u32 $0x807, v21;
	[tilespmem:$0x1FF20] =	vst v12  }
0x2e: {  	v14 =	vor.u32 $0xA07, v21;
	[tilespmem:$0x1FF30] =	vst v13  }
0x2f: {  	v15 =	vor.u32 $0xC07, v21;
	[tilespmem:$0x1FF40] =	vst v14  }
0x30: {  	v25 =	vor.u32 $0xC03, v21;
	[tilespmem:$0x1FF50] =	vst v15  }
0x31: {  	v26 =	vor.u32 $0xE03, v21;
	[tilespmem:$0x1FF70] =	vst v25  }
0x32: {  	v37 =	vor.u32 $0x204, v21;
	[tilespmem:$0x1FF80] =	vst v26  }
0x33: {  	v45 =	vor.u32 $0x604, v21;
	[tilespmem:$0x1FF90] =	vst v37  }
0x34: {  	v47 =	vor.u32 $0xA04, v21;
	[tilespmem:$0x1FFA0] =	vst v45  }
0x35: {  	v36 =	vor.u32 $0x4, v21;
	[tilespmem:$0x1FFB0] =	vst v47  }
0x36: {  	s1 =	srdreg.scid;
	v44 =	vor.u32 $0x404, v21;
	[tilespmem:$0x1FFC0] =	vst v36  }
0x37: {  	s3 =	stileid.u32;
	s11 =	simm.s32 $0x80;
	s14 =	simm.s32 $0x6400;
	v46 =	vor.u32 $0x804, v21;
	[tilespmem:$0x1FFD0] =	vst v44  }
0x38: {  	s15 =	simm.s32 $0x7400;
	s17 =	simm.s32 $0x8400;
	s19 =	simm.s32 $0x9400;
	v48 =	vor.u32 $0xC04, v21;
	[tilespmem:$0x1FFE0] =	vst v46  }
0x39: {  	s20 =	simm.s32 $0xA400;
	s21 =	simm.s32 $0x1;
	s22 =	simm.s32 $0x400;
	v18 =	vor.u32 $0x605, v21;
	[tilespmem:$0x1FFF0] =	vst v48  }
0x3a: {  	s23 =	simm.s32 $0x8000;
	s25 =	simm.s32 $0x6;
	s29 =	simm.s32 $0x7;
	v19 =	vor.u32 $0x805, v21;
	[tilespmem:$0x1FC50] =	vst v18  }
0x3b: {  	s30 =	simm.s32 $0x3;
	s1 =	sand.u32 $0x1, s1;
	s3 =	sshll.u32 s3, $0x1;
	v63 =	vor.u32 $0xA05, v21;
	[tilespmem:$0x1FC60] =	vst v19  }
0x3c: {  	s16 =	simm.s32 $0x9;
	s18 =	simm.s32 $0x5;
	s3 =	sor.u32 s1, s3;
	[tilespmem:$0x1FC70] =	vst v63;
	v18 =	vor.u32 $0xC05, v21  }
0x3d: {  	s10 =	simm.s32 $0x0;
	s1 =	ssub.s32 $0x2, s1;
	s26 =	sshll.u32 s3, $0x4;
	v19 =	vor.u32 $0xE05, v21;
	[tilespmem:$0x1FC80] =	vst v18  }
0x3e: {  	s4 =	sadd.s32 $0xA00, s0;
	s5 =	sshrl.u32 s1, $0x1;
	s6 =	sadd.s32 s26, s0;
	v63 =	vor.u32 $0x6, v21;
	[tilespmem:$0x1FC90] =	vst v19  }
0x3f: {  	s28 =	ssub.s32 s1, s5;
	s5 =	sshll.u32 s3, $0xA;
	s26 =	simm.s32 $0x2;
	[tilespmem:$0x1FCA0] =	vst v63;
	v18 =	vor.u32 $0x206, v21  }
0x40: {  	s1 =	simm.s32 $0x8;
	s31 =	sadd.s32 $0x3D1400, s6;
	s7 =	sor.u32 $0x20000, s5;
	v19 =	vor.u32 $0x406, v21;
	[tilespmem:$0x1FCB0] =	vst v18  }
0x41: {  	s8 =	sor.u32 $0x40000, s5;
	s0 =	smax.u32 s28, $0x1;
	[dreg:$0x3] =	wrdreg s31;
	v63 =	vor.u32 $0x606, v21;
	[tilespmem:$0x1FCC0] =	vst v19  }
0x42: {  	v62 =	vor.u32 $0xA03, v21;
	s9 =	sor.u32 $0x60000, s5;
	[dreg:$0x4] =	wrdreg s0;
	s0 =	simm.s32 $0x4;
	[tilespmem:$0x1FCD0] =	vst v63  }
.LBB2_1:
0x43: {  	[dreg:$0x5] =	wrdreg s10;
	s3 =	simm.s32 $0x0  }
0x44: {  	s6 =	rddreg [dreg:$0x3];
	s13 =	simm.s32 $0x1000;
	s24 =	simm.s32 $0xB  }
0x45: {  	[tilespmem:s3], [sflag:$0xB] =	stream.strided.gather [hbm4b:s6+s11], $0x6400, s13, s11, $0x38;
	[tilespmem:$0x10400] =	vst v63  }
0x46: {  	_ =	swait.ge [sflag:s24], $0x6400  }
0x47: {  	[sflag:s24] =	ssyncset.done $0x0  }
0x48: {  	[sflag:s24] =	ssyncadd.s32 $0xFFFF9C00  }
0x49: {  	[tilespmem:s14], [sflag:$0x1] =	stream.indirect.gather [hbm4b:s4+s11], $0x20, s3, s11, $0xb8;
	[tilespmem:$0x10400] =	vst v63  }
0x4a: {  	_ = 	snop  }
0x4b: {  	[tilespmem:s15], [sflag:$0x2] =	stream.indirect.gather [hbm4b:s4+s11], $0x20, s11, s11, $0xb8;
	[tilespmem:$0x10400] =	vst v63  }
0x4c: {  	s28 =	simm.s32 $0x100  }
0x4d: {  	[tilespmem:s17], [sflag:$0x3] =	stream.indirect.gather [hbm4b:s4+s11], $0x20, s28, s11, $0xb8;
	[tilespmem:$0x10400] =	vst v63  }
0x4e: {  	s31 =	simm.s32 $0x180;
	s13 =	simm.s32 $0x0  }
0x4f: {  	[tilespmem:s19], [sflag:$0x4] =	stream.indirect.gather [hbm4b:s4+s11], $0x20, s31, s11, $0xb8;
	[tilespmem:$0x10400] =	vst v63  }
.LBB2_2:
0x50: {  	s6 =	smul.u32 $0x5, s13;
	p0 =	seq.s32 s13, $0x0  }
0x51: {  	s10 =	simm.s32 @!p0 $0xA  }
0x52: {  	s6 =	sadd.s32 $0x4, s6;
	_ =	swait.ge @!p0 [sflag:s10], $0x1000  }
0x53: {  	s12 =	simm.s32 $0x0;
	[sflag:s10] =	ssyncset.done @!p0 $0x0;
	s24 =	sshll.u32 s6, $0x7  }
0x54: {  	v4 =	vor.u32 s12, v4;
	[sflag:s10] =	ssyncadd.s32 @!p0 $0xFFFFF000;
	s31 =	sand.u32 $0x3FFFFF80, s24  }
0x55: {  	v5 =	vor.u32 s12, v5;
	v0 =	vld [tilespmem:$0x1FCA0];
	[tilespmem:s20], [sflag:$0x5] =	stream.indirect.gather [hbm4b:s4+s11], $0x20, s31, s11, $0xb8  }
0x56: {  	v6 =	vor.u32 s12, v6;
	v1 =	vld [tilespmem:$0x1FCB0];
	_ =	swait.ge [sflag:s21], $0x1000  }
0x57: {  	v7 =	vor.u32 s12, v7;
	v2 =	vld [tilespmem:$0x1FCC0];
	[sflag:s21] =	ssyncset.done $0x0  }
0x58: {  	v8 =	vor.u32 s12, v8;
	v3 =	vld [tilespmem:$0x1FCD0];
	[sflag:s21] =	ssyncadd.s32 $0xFFFFF000  }
0x59: {  	v9 =	vor.u32 s12, v9;
	v4 =	vld.idx.msk [tilespmem:v4+s14+$0x0], $0xffff  }
0x5a: {  	v10 =	vor.u32 s12, v10;
	v5 =	vld.idx.msk [tilespmem:v5+s14+$0x0], $0xffff  }
0x5b: {  	v11 =	vor.u32 s12, v11;
	v6 =	vld.idx.msk [tilespmem:v6+s14+$0x0], $0xffff  }
0x5c: {  	v12 =	vor.u32 s12, v12;
	v7 =	vld.idx.msk [tilespmem:v7+s14+$0x0], $0xffff  }
0x5d: {  	v13 =	vor.u32 s12, v13;
	v8 =	vld.idx.msk [tilespmem:v8+s14+$0x0], $0xffff  }
0x5e: {  	v14 =	vor.u32 s12, v14;
	v9 =	vld.idx.msk [tilespmem:v9+s14+$0x0], $0xffff  }
0x5f: {  	v15 =	vor.u32 s12, v15;
	v10 =	vld.idx.msk [tilespmem:v10+s14+$0x0], $0xffff  }
0x60: {  	v0 =	vor.u32 s12, v0;
	v11 =	vld.idx.msk [tilespmem:v11+s14+$0x0], $0xffff  }
0x61: {  	v1 =	vor.u32 s12, v1;
	v12 =	vld.idx.msk [tilespmem:v12+s14+$0x0], $0xffff  }
0x62: {  	v13 =	vld.idx.msk [tilespmem:v13+s14+$0x0], $0xffff;
	v2 =	vor.u32 s12, v2  }
0x63: {  	v14 =	vld.idx.msk [tilespmem:v14+s14+$0x0], $0xffff;
	v3 =	vor.u32 s12, v3  }
0x64: {  	v16 =	vor.u32 s12, v27;
	v15 =	vld.idx.msk [tilespmem:v15+s14+$0x0], $0xffff  }
0x65: {  	v17 =	vor.u32 s12, v28;
	v0 =	vld.idx.msk [tilespmem:v0+s14+$0x0], $0xffff  }
0x66: {  	v18 =	vor.u32 s12, v29;
	v1 =	vld.idx.msk [tilespmem:v1+s14+$0x0], $0xffff  }
0x67: {  	v19 =	vor.u32 s12, v30;
	s24 =	simm.s32 $0xB600;
	v2 =	vld.idx.msk [tilespmem:v2+s14+$0x0], $0xffff  }
0x68: {  	v20 =	vor.u32 s12, v31;
	v3 =	vld.idx.msk [tilespmem:v3+s14+$0x0], $0xffff;
	[tilespmem:s24+$0x1F0] =	vst v9  }
0x69: {  	v16 =	vld.idx.msk [tilespmem:v16+s14+$0x0], $0xffff;
	v9 =	vor.u32 s12, v21;
	[tilespmem:s24+$0x140] =	vst v4  }
0x6a: {  	v17 =	vld.idx.msk [tilespmem:v17+s14+$0x0], $0xffff;
	v4 =	vor.u32 s12, v38;
	[tilespmem:s24+$0x150] =	vst v5  }
0x6b: {  	v18 =	vld.idx.msk [tilespmem:v18+s14+$0x0], $0xffff;
	v5 =	vor.u32 s12, v39;
	[tilespmem:s24+$0x160] =	vst v6  }
0x6c: {  	v19 =	vld.idx.msk [tilespmem:v19+s14+$0x0], $0xffff;
	v6 =	vor.u32 s12, v40;
	[tilespmem:s24+$0x170] =	vst v7  }
0x6d: {  	v20 =	vld.idx.msk [tilespmem:v20+s14+$0x0], $0xffff;
	v7 =	vor.u32 s12, v41;
	[tilespmem:s24+$0x180] =	vst v8  }
0x6e: {  	v8 =	vor.u32 s12, v42;
	[tilespmem:s24+$0x190] =	vst v10;
	v9 =	vld.idx.msk [tilespmem:v9+s14+$0x0], $0xffff  }
0x6f: {  	v10 =	vor.u32 s12, v43;
	[tilespmem:s24+$0x1A0] =	vst v11;
	v4 =	vld.idx.msk [tilespmem:v4+s14+$0x0], $0xffff  }
0x70: {  	[tilespmem:s24+$0x100] =	vst v0;
	v0 =	vor.u32 s12, v32;
	v5 =	vld.idx.msk [tilespmem:v5+s14+$0x0], $0xffff  }
0x71: {  	[tilespmem:s24+$0x110] =	vst v1;
	v1 =	vor.u32 s12, v33;
	v6 =	vld.idx.msk [tilespmem:v6+s14+$0x0], $0xffff  }
0x72: {  	[tilespmem:s24+$0x120] =	vst v2;
	v2 =	vor.u32 s12, v34;
	v7 =	vld.idx.msk [tilespmem:v7+s14+$0x0], $0xffff  }
0x73: {  	[tilespmem:s24+$0x130] =	vst v3;
	v3 =	vor.u32 s12, v35;
	v8 =	vld.idx.msk [tilespmem:v8+s14+$0x0], $0xffff  }
0x74: {  	[tilespmem:s24+$0x1E0] =	vst v15;
	v15 =	vor.u32 s12, v53;
	v10 =	vld.idx.msk [tilespmem:v10+s14+$0x0], $0xffff  }
0x75: {  	v11 =	vor.u32 s12, v49;
	[tilespmem:s24+$0x1B0] =	vst v12;
	v0 =	vld.idx.msk [tilespmem:v0+s14+$0x0], $0xffff  }
0x76: {  	v12 =	vor.u32 s12, v50;
	[tilespmem:s24+$0x1C0] =	vst v13;
	v1 =	vld.idx.msk [tilespmem:v1+s14+$0x0], $0xffff  }
0x77: {  	v13 =	vor.u32 s12, v51;
	[tilespmem:s24+$0x1D0] =	vst v14;
	v2 =	vld.idx.msk [tilespmem:v2+s14+$0x0], $0xffff  }
0x78: {  	v14 =	vor.u32 s12, v52;
	v3 =	vld.idx.msk [tilespmem:v3+s14+$0x0], $0xffff;
	[tilespmem:s24+$0xFFFFFE00] =	vst v9  }
0x79: {  	v21 =	vld.idx.msk [tilespmem:v15+s14+$0x0], $0xffff;
	v15 =	vor.u32 s12, v59;
	[tilespmem:s24+$0xFFFFFE10] =	vst v16  }
0x7a: {  	v11 =	vld.idx.msk [tilespmem:v11+s14+$0x0], $0xffff;
	v9 =	vor.u32 s12, v54;
	[tilespmem:s24+$0xFFFFFE20] =	vst v17  }
0x7b: {  	v12 =	vld.idx.msk [tilespmem:v12+s14+$0x0], $0xffff;
	v16 =	vor.u32 s12, v55;
	[tilespmem:s24+$0xFFFFFE30] =	vst v18  }
0x7c: {  	v13 =	vld.idx.msk [tilespmem:v13+s14+$0x0], $0xffff;
	v17 =	vor.u32 s12, v56;
	[tilespmem:s24+$0xFFFFFE40] =	vst v19  }
0x7d: {  	v14 =	vld.idx.msk [tilespmem:v14+s14+$0x0], $0xffff;
	v18 =	vor.u32 s12, v57;
	[tilespmem:s24+$0xFFFFFE50] =	vst v20  }
0x7e: {  	v19 =	vor.u32 s12, v58;
	[tilespmem:s24+$0xFFFFFEA0] =	vst v4;
	v4 =	vor.u32 s12, v26;
	v26 =	vld.idx.msk [tilespmem:v15+s14+$0x0], $0xffff  }
0x7f: {  	[tilespmem:s24+$0xFFFFFEB0] =	vst v5;
	v9 =	vld.idx.msk [tilespmem:v9+s14+$0x0], $0xffff  }
0x80: {  	[tilespmem:s24+$0xFFFFFE60] =	vst v0;
	v0 =	vor.u32 s12, v60;
	v22 =	vld.idx.msk [tilespmem:v16+s14+$0x0], $0xffff  }
0x81: {  	[tilespmem:s24+$0xFFFFFE70] =	vst v1;
	v1 =	vor.u32 s12, v61;
	v23 =	vld.idx.msk [tilespmem:v17+s14+$0x0], $0xffff  }
0x82: {  	[tilespmem:s24+$0xFFFFFE80] =	vst v2;
	v2 =	vor.u32 s12, v62;
	v24 =	vld.idx.msk [tilespmem:v18+s14+$0x0], $0xffff  }
0x83: {  	[tilespmem:s24+$0xFFFFFE90] =	vst v3;
	v3 =	vor.u32 s12, v25;
	v25 =	vld.idx.msk [tilespmem:v19+s14+$0x0], $0xffff  }
0x84: {  	[tilespmem:s24+$0xFFFFFEC0] =	vst v6;
	v17 =	vld.idx.msk [tilespmem:v4+s14+$0x0], $0xffff  }
0x85: {  	[tilespmem:s24+$0xFFFFFED0] =	vst v7;
	v0 =	vld.idx.msk [tilespmem:v0+s14+$0x0], $0xffff  }
0x86: {  	[tilespmem:s24+$0xFFFFFEE0] =	vst v8;
	v20 =	vld.idx.msk [tilespmem:v1+s14+$0x0], $0xffff;
	v1 =	vor.u32 s12, v37  }
0x87: {  	[tilespmem:s24+$0xFFFFFEF0] =	vst v10;
	v15 =	vld.idx.msk [tilespmem:v2+s14+$0x0], $0xffff  }
0x88: {  	v16 =	vld.idx.msk [tilespmem:v3+s14+$0x0], $0xffff;
	[tilespmem:s24+$0xFFFFFF00] =	vst v11  }
0x89: {  	[tilespmem:s24+$0xFFFFFF10] =	vst v12  }
0x8a: {  	v4 =	vor.u32 s12, v46;
	[tilespmem:s24+$0xFFFFFF20] =	vst v13  }
0x8b: {  	v2 =	vor.u32 s12, v44;
	[tilespmem:s24+$0xFFFFFF30] =	vst v14;
	v19 =	vld.idx.msk [tilespmem:v1+s14+$0x0], $0xffff  }
0x8c: {  	v1 =	vld [tilespmem:$0x1FC10]  }
0x8d: {  	v3 =	vor.u32 s12, v45;
	_ =	sdelay $0x1  }
0x8e: {  	v13 =	vld.idx.msk [tilespmem:v4+s14+$0x0], $0xffff  }
0x8f: {  	[tilespmem:s24+$0xFFFFFF40] =	vst v21;
	v11 =	vld.idx.msk [tilespmem:v2+s14+$0x0], $0xffff  }
0x90: {  	v2 =	vld [tilespmem:$0x1FC20];
	v1 =	vor.u32 s12, v1  }
0x91: {  	v12 =	vld.idx.msk [tilespmem:v3+s14+$0x0], $0xffff;
	[tilespmem:s24+$0xFFFFFF50] =	vst v9  }
0x92: {  	v3 =	vld [tilespmem:$0x1FC30];
	[tilespmem:s24+$0xFFFFFF60] =	vst v22  }
0x93: {  	v4 =	vld [tilespmem:$0x1FC40];
	[tilespmem:s24+$0xFFFFFF70] =	vst v23  }
0x94: {  	[tilespmem:s24+$0xFFFFFF80] =	vst v24  }
0x95: {  	[tilespmem:s24+$0xFFFFFF90] =	vst v25;
	v8 =	vld.idx.msk [tilespmem:v1+s14+$0x0], $0xffff  }
0x96: {  	v1 =	vld [tilespmem:$0x1FC50];
	_ =	sdelay $0x2  }
0x97: {  	v5 =	vor.u32 s12, v36  }
0x98: {  	v2 =	vor.u32 s12, v2  }
0x99: {  	v9 =	vor.u32 s12, v4;
	v4 =	vor.u32 s12, v1;
	v1 =	vld [tilespmem:$0x1FC60];
	_ =	sdelay $0x2  }
0x9a: {  	v18 =	vld.idx.msk [tilespmem:v5+s14+$0x0], $0xffff;
	v5 =	vor.u32 s12, v48  }
0x9b: {  	v3 =	vor.u32 s12, v3;
	v7 =	vld.idx.msk [tilespmem:v2+s14+$0x0], $0xffff;
	[tilespmem:s24+$0xFFFFFFA0] =	vst v26  }
0x9c: {  	v2 =	vor.u32 s12, v1;
	v1 =	vld [tilespmem:$0x1FC70];
	_ =	sdelay $0x2  }
0x9d: {  	v10 =	vld.idx.msk [tilespmem:v5+s14+$0x0], $0xffff  }
0x9e: {  	v5 =	vld.idx.msk [tilespmem:v3+s14+$0x0], $0xffff  }
0x9f: {  	v6 =	vor.u32 s12, v47;
	v3 =	vor.u32 s12, v1;
	v1 =	vld [tilespmem:$0x1FC80];
	[tilespmem:s24+$0xFFFFFFB0] =	vst v0  }
0xa0: {  	v0 =	vld [tilespmem:$0x1FC90];
	_ =	sdelay $0x3  }
0xa1: {  	v14 =	vld.idx.msk [tilespmem:v6+s14+$0x0], $0xffff  }
0xa2: {  	s28 =	simm.s32 $0x8;
	s10 =	simm.s32 $0x0;
	v6 =	vld.idx.msk [tilespmem:v9+s14+$0x0], $0xffff;
	v1 =	vor.u32 s12, v1;
	v0 =	vor.u32 s12, v0  }
.LBB2_3:
0xa3: {  	v9 =	vld [tilespmem:$0x1FCA0]  }
0xa4: {  	v4 =	vld.idx.msk [tilespmem:v4+s14+$0x0], $0xffff  }
0xa5: {  	v2 =	vld.idx.msk [tilespmem:v2+s14+$0x0], $0xffff  }
0xa6: {  	v21 =	vld [tilespmem:$0x1FCC0]  }
0xa7: {  	v3 =	vld.idx.msk [tilespmem:v3+s14+$0x0], $0xffff  }
0xa8: {  	v22 =	vld [tilespmem:$0x1FCD0]  }
0xa9: {  	v1 =	vld.idx.msk [tilespmem:v1+s14+$0x0], $0xffff  }
0xaa: {  	v0 =	vld.idx.msk [tilespmem:v0+s14+$0x0], $0xffff  }
0xab: {  	[tilespmem:s24+$0xFFFFFFC0] =	vst v20;
	v20 =	vld [tilespmem:$0x1FCB0]  }
0xac: {  	[tilespmem:s24+$0x60] =	vst v10;
	v10 =	vld [tilespmem:$0x1FF10]  }
0xad: {  	[tilespmem:s24+$0x70] =	vst v8;
	v8 =	vld [tilespmem:$0x1FF20]  }
0xae: {  	[tilespmem:s24+$0x80] =	vst v7;
	v7 =	vld [tilespmem:$0x1FF30]  }
0xaf: {  	[tilespmem:s24+$0x90] =	vst v5;
	v5 =	vld [tilespmem:$0x1FF70]  }
0xb0: {  	v44 =	vor.u32 s28, v27;
	v23 =	vor.u32 s28, v22;
	v22 =	vld [tilespmem:$0x1FEA0]  }
0xb1: {  	v36 =	vor.u32 s28, v28;
	[tilespmem:s24+$0xB0] =	vst v4;
	v4 =	vld [tilespmem:$0x1FF90]  }
0xb2: {  	v45 =	vor.u32 s28, v29;
	[tilespmem:s24+$0xC0] =	vst v2;
	v2 =	vld [tilespmem:$0x1FFE0]  }
0xb3: {  	v37 =	vor.u32 s28, v30;
	[tilespmem:s24+$0xE0] =	vst v1;
	v1 =	vld [tilespmem:$0x1FC40]  }
0xb4: {  	v46 =	vor.u32 s28, v31;
	[tilespmem:s24+$0xF0] =	vst v0;
	v0 =	vld [tilespmem:$0x1FC70]  }
0xb5: {  	[tilespmem:s24+$0xFFFFFFD0] =	vst v15;
	v15 =	vor.u32 s28, v32;
	v44 =	vld.idx.msk [tilespmem:v44+s14+$0x0], $0xffff  }
0xb6: {  	v30 =	vor.u32 s28, v33;
	v36 =	vld.idx.msk [tilespmem:v36+s14+$0x0], $0xffff  }
0xb7: {  	[tilespmem:s24+$0xFFFFFFE0] =	vst v16;
	v16 =	vor.u32 s28, v34;
	v45 =	vld.idx.msk [tilespmem:v45+s14+$0x0], $0xffff  }
0xb8: {  	v31 =	vor.u32 s28, v35;
	v37 =	vld.idx.msk [tilespmem:v37+s14+$0x0], $0xffff  }
0xb9: {  	[tilespmem:s24+$0xFFFFFFF0] =	vst v17;
	v17 =	vor.u32 s28, v38;
	v46 =	vld.idx.msk [tilespmem:v46+s14+$0x0], $0xffff  }
0xba: {  	v32 =	vor.u32 s28, v39;
	v15 =	vld.idx.msk [tilespmem:v15+s14+$0x0], $0xffff  }
0xbb: {  	[tilespmem:s24+$0x0] =	vst v18;
	v18 =	vor.u32 s28, v40;
	v30 =	vld.idx.msk [tilespmem:v30+s14+$0x0], $0xffff  }
0xbc: {  	v33 =	vor.u32 s28, v41;
	v16 =	vld.idx.msk [tilespmem:v16+s14+$0x0], $0xffff  }
0xbd: {  	[tilespmem:s24+$0x10] =	vst v19;
	v19 =	vor.u32 s28, v42;
	v31 =	vld.idx.msk [tilespmem:v31+s14+$0x0], $0xffff  }
0xbe: {  	v20 =	vor.u32 s28, v20;
	v17 =	vld.idx.msk [tilespmem:v17+s14+$0x0], $0xffff  }
0xbf: {  	v32 =	vld.idx.msk [tilespmem:v32+s14+$0x0], $0xffff  }
0xc0: {  	v34 =	vor.u32 s28, v43;
	v18 =	vld.idx.msk [tilespmem:v18+s14+$0x0], $0xffff  }
0xc1: {  	[tilespmem:s24+$0x20] =	vst v11;
	v11 =	vor.u32 s28, v49;
	v33 =	vld.idx.msk [tilespmem:v33+s14+$0x0], $0xffff  }
0xc2: {  	[tilespmem:s24+$0x30] =	vst v12;
	v12 =	vor.u32 s28, v51;
	v19 =	vld.idx.msk [tilespmem:v19+s14+$0x0], $0xffff  }
0xc3: {  	[tilespmem:s24+$0x40] =	vst v13;
	v13 =	vor.u32 s28, v53;
	v48 =	vld.idx.msk [tilespmem:v20+s14+$0x0], $0xffff  }
0xc4: {  	v20 =	vld [tilespmem:$0x1FEC0]  }
0xc5: {  	v9 =	vor.u32 s28, v9;
	v34 =	vld.idx.msk [tilespmem:v34+s14+$0x0], $0xffff  }
0xc6: {  	v11 =	vld.idx.msk [tilespmem:v11+s14+$0x0], $0xffff  }
0xc7: {  	v35 =	vor.u32 s28, v54;
	v12 =	vld.idx.msk [tilespmem:v12+s14+$0x0], $0xffff  }
0xc8: {  	v21 =	vor.u32 s28, v21;
	v13 =	vld.idx.msk [tilespmem:v13+s14+$0x0], $0xffff  }
0xc9: {  	v25 =	vor.u32 s28, v20;
	v20 =	vld [tilespmem:$0x1FED0]  }
0xca: {  	v47 =	vld.idx.msk [tilespmem:v9+s14+$0x0], $0xffff  }
0xcb: {  	v9 =	vld [tilespmem:$0x1FEB0]  }
0xcc: {  	v35 =	vld.idx.msk [tilespmem:v35+s14+$0x0], $0xffff  }
0xcd: {  	v49 =	vld.idx.msk [tilespmem:v21+s14+$0x0], $0xffff  }
0xce: {  	v10 =	vor.u32 s28, v10;
	v21 =	vor.u32 s28, v20;
	v20 =	vld [tilespmem:$0x1FEF0]  }
0xcf: {  	v24 =	vor.u32 s28, v22;
	v22 =	vor.u32 s28, v50;
	v50 =	vld.idx.msk [tilespmem:v23+s14+$0x0], $0xffff  }
0xd0: {  	v42 =	vor.u32 s28, v4;
	v4 =	vld [tilespmem:$0x1FFD0];
	v9 =	vor.u32 s28, v9  }
0xd1: {  	[tilespmem:s24+$0xA0] =	vst v6;
	v6 =	vor.u32 s28, v1;
	v1 =	vld [tilespmem:$0x1FC50]  }
0xd2: {  	[tilespmem:s24+$0xD0] =	vst v3;
	v3 =	vor.u32 s28, v0;
	v0 =	vld [tilespmem:$0x1FC80]  }
0xd3: {  	v63 =	vmov v62;
	v41 =	vor.u32 s28, v62;
	v62 =	vld.idx.msk [tilespmem:v10+s14+$0x0], $0xffff;
	v27 =	vor.u32 s28, v20  }
0xd4: {  	v51 =	vld.idx.msk [tilespmem:v24+s14+$0x0], $0xffff  }
0xd5: {  	v23 =	vor.u32 s28, v52;
	v52 =	vld.idx.msk [tilespmem:v9+s14+$0x0], $0xffff  }
0xd6: {  	v54 =	vld.idx.msk [tilespmem:v21+s14+$0x0], $0xffff  }
0xd7: {  	v21 =	vor.u32 s28, v2;
	v2 =	vld [tilespmem:$0x1FFB0]  }
0xd8: {  	v38 =	vor.u32 s28, v56;
	v56 =	vld.idx.msk [tilespmem:v27+s14+$0x0], $0xffff  }
0xd9: {  	v27 =	vor.u32 s28, v5;
	v5 =	vld [tilespmem:$0x1FF40]  }
0xda: {  	v9 =	vld [tilespmem:$0x1FF00]  }
0xdb: {  	v20 =	vld [tilespmem:$0x1FEE0]  }
0xdc: {  	v10 =	vor.u32 s28, v2;
	v2 =	vld [tilespmem:$0x1FFF0]  }
0xdd: {  	v29 =	vor.u32 s28, v4;
	v4 =	vld [tilespmem:$0x1FFA0]  }
0xde: {  	v39 =	vor.u32 s28, v58;
	v58 =	vor.u32 s28, v5;
	v5 =	vld [tilespmem:$0x1FF80]  }
0xdf: {  	v22 =	vld.idx.msk [tilespmem:v22+s14+$0x0], $0xffff  }
0xe0: {  	v23 =	vld.idx.msk [tilespmem:v23+s14+$0x0], $0xffff;
	v9 =	vor.u32 s28, v9;
	v28 =	vor.u32 s28, v20  }
0xe1: {  	[tilespmem:s24+$0x50] =	vst v14;
	v20 =	vor.u32 s28, v55;
	v55 =	vor.u32 s28, v8;
	v8 =	vor.u32 s28, v2;
	v2 =	vld [tilespmem:$0x1FC10]  }
0xe2: {  	v6 =	vld.idx.msk [tilespmem:v6+s14+$0x0], $0xffff  }
0xe3: {  	v43 =	vor.u32 s28, v5;
	v5 =	vld [tilespmem:$0x1FFC0]  }
0xe4: {  	v24 =	vor.u32 s28, v57;
	v57 =	vor.u32 s28, v7;
	v53 =	vld.idx.msk [tilespmem:v25+s14+$0x0], $0xffff  }
0xe5: {  	v40 =	vor.u32 s28, v60;
	v60 =	vld.idx.msk [tilespmem:v9+s14+$0x0], $0xffff  }
0xe6: {  	v9 =	vor.u32 s28, v2;
	v2 =	vld [tilespmem:$0x1FC20]  }
0xe7: {  	v25 =	vor.u32 s28, v59;
	v59 =	vld.idx.msk [tilespmem:v28+s14+$0x0], $0xffff  }
0xe8: {  	v28 =	vor.u32 s28, v5;
	v5 =	vld [tilespmem:$0x1FF50]  }
0xe9: {  	v57 =	vld.idx.msk [tilespmem:v57+s14+$0x0], $0xffff  }
0xea: {  	v14 =	vor.u32 s28, v4;
	v4 =	vor.u32 s28, v1;
	v1 =	vld [tilespmem:$0x1FC60]  }
0xeb: {  	v7 =	vor.u32 s28, v2;
	v2 =	vld [tilespmem:$0x1FC30]  }
0xec: {  	v24 =	vld.idx.msk [tilespmem:v24+s14+$0x0], $0xffff  }
0xed: {  	v26 =	vor.u32 s28, v61;
	v25 =	vld.idx.msk [tilespmem:v25+s14+$0x0], $0xffff;
	v61 =	vor.u32 s28, v5  }
0xee: {  	v55 =	vld.idx.msk [tilespmem:v55+s14+$0x0], $0xffff  }
0xef: {  	v58 =	vld.idx.msk [tilespmem:v58+s14+$0x0], $0xffff  }
0xf0: {  	v5 =	vor.u32 s28, v2;
	v2 =	vor.u32 s28, v1;
	v1 =	vor.u32 s28, v0;
	v0 =	vld [tilespmem:$0x1FC90]  }
0xf1: {  	v7 =	vld.idx.msk [tilespmem:v7+s14+$0x0], $0xffff  }
0xf2: {  	s24 =	sadd.s32 $0x400, s24;
	v61 =	vld.idx.msk [tilespmem:v61+s14+$0x0], $0xffff  }
0xf3: {  	[tilespmem:s24+$0x1F0] =	vst v59;
	v59 =	vld [tilespmem:$0x1FF60]  }
0xf4: {  	[tilespmem:s24+$0x120] =	vst v49;
	v49 =	vld [tilespmem:$0x1FDC0]  }
0xf5: {  	[tilespmem:s24+$0x130] =	vst v50;
	v50 =	vld [tilespmem:$0x1FDD0]  }
0xf6: {  	[tilespmem:s24+$0x140] =	vst v51;
	v51 =	vld [tilespmem:$0x1FDE0]  }
0xf7: {  	[tilespmem:s24+$0x150] =	vst v52;
	v52 =	vld [tilespmem:$0x1FDF0]  }
0xf8: {  	[tilespmem:s24+$0x160] =	vst v53;
	v53 =	vld [tilespmem:$0x1FE00]  }
0xf9: {  	[tilespmem:s24+$0x170] =	vst v54;
	v54 =	vld [tilespmem:$0x1FE10]  }
0xfa: {  	[tilespmem:s24+$0x180] =	vst v56;
	v56 =	vld [tilespmem:$0x1FE30]  }
0xfb: {  	[tilespmem:s24+$0x190] =	vst v60;
	v60 =	vld [tilespmem:$0x1FE70]  }
0xfc: {  	[tilespmem:s24+$0x1B0] =	vst v55;
	v55 =	vld [tilespmem:$0x1FE20]  }
0xfd: {  	[tilespmem:s24+$0x1C0] =	vst v57;
	v57 =	vld [tilespmem:$0x1FE40]  }
0xfe: {  	[tilespmem:s24+$0x1D0] =	vst v58;
	v58 =	vld [tilespmem:$0x1FE50];
	v59 =	vor.u32 s28, v59  }
0xff: {  	[tilespmem:s24+$0x100] =	vst v47;
	v47 =	vld.idx.msk [tilespmem:v38+s14+$0x0], $0xffff  }
0x100: {  	v38 =	vld [tilespmem:$0x1FD60]  }
0x101: {  	v5 =	vld.idx.msk [tilespmem:v5+s14+$0x0], $0xffff  }
0x102: {  	[tilespmem:s24+$0x1E0] =	vst v61;
	v61 =	vld [tilespmem:$0x1FE80]  }
0x103: {  	[tilespmem:s24+$0x110] =	vst v48;
	v48 =	vld.idx.msk [tilespmem:v59+s14+$0x0], $0xffff  }
0x104: {  	v59 =	vld [tilespmem:$0x1FE60]  }
0x105: {  	[tilespmem:s24+$0xFFFFFE70] =	vst v30;
	v30 =	vld.idx.msk [tilespmem:v20+s14+$0x0], $0xffff  }
0x106: {  	[tilespmem:s24+$0xFFFFFE90] =	vst v31;
	v31 =	vld.idx.msk [tilespmem:v39+s14+$0x0], $0xffff  }
0x107: {  	[tilespmem:s24+$0x1A0] =	vst v62;
	v39 =	vld [tilespmem:$0x1FD70]  }
0x108: {  	[tilespmem:s24+$0xFFFFFED0] =	vst v33;
	v33 =	vld [tilespmem:$0x1FD30]  }
0x109: {  	[tilespmem:s24+$0xFFFFFE10] =	vst v44;
	v20 =	vld.idx.msk [tilespmem:v26+s14+$0x0], $0xffff  }
0x10a: {  	[tilespmem:s24+$0xFFFFFE60] =	vst v15;
	v15 =	vld.idx.msk [tilespmem:v41+s14+$0x0], $0xffff  }
0x10b: {  	[tilespmem:s24+$0xFFFFFE20] =	vst v36;
	v41 =	vld [tilespmem:$0x1FD90]  }
0x10c: {  	[tilespmem:s24+$0xFFFFFEF0] =	vst v34;
	v34 =	vld [tilespmem:$0x1FD40]  }
0x10d: {  	[tilespmem:s24+$0xFFFFFE80] =	vst v16;
	v16 =	vld.idx.msk [tilespmem:v27+s14+$0x0], $0xffff  }
0x10e: {  	[tilespmem:s24+$0xFFFFFE30] =	vst v45;
	v27 =	vld [tilespmem:$0x1FCE0]  }
0x10f: {  	[tilespmem:s24+$0xFFFFFEA0] =	vst v17;
	v17 =	vld.idx.msk [tilespmem:v43+s14+$0x0], $0xffff  }
0x110: {  	[tilespmem:s24+$0xFFFFFE40] =	vst v37;
	v43 =	vld [tilespmem:$0x1FDB0]  }
0x111: {  	[tilespmem:s24+$0xFFFFFEC0] =	vst v18;
	v18 =	vld.idx.msk [tilespmem:v28+s14+$0x0], $0xffff  }
0x112: {  	[tilespmem:s24+$0xFFFFFE50] =	vst v46;
	v28 =	vld [tilespmem:$0x1FCF0]  }
0x113: {  	[tilespmem:s24+$0xFFFFFEE0] =	vst v19;
	v19 =	vld.idx.msk [tilespmem:v42+s14+$0x0], $0xffff  }
0x114: {  	[tilespmem:s24+$0xFFFFFEB0] =	vst v32;
	v42 =	vld [tilespmem:$0x1FDA0]  }
0x115: {  	v32 =	vld [tilespmem:$0x1FD20];
	[tilespmem:s24+$0xFFFFFE00] =	vst v48  }
0x116: {  	v48 =	vld.idx.msk [tilespmem:v40+s14+$0x0], $0xffff;
	[tilespmem:s24+$0xFFFFFF00] =	vst v11  }
0x117: {  	v40 =	vld [tilespmem:$0x1FD80];
	[tilespmem:s24+$0xFFFFFF10] =	vst v22  }
0x118: {  	[tilespmem:s24+$0xFFFFFF20] =	vst v12;
	v11 =	vld.idx.msk [tilespmem:v29+s14+$0x0], $0xffff  }
0x119: {  	[tilespmem:s24+$0xFFFFFF30] =	vst v23;
	v29 =	vld [tilespmem:$0x1FE90]  }
0x11a: {  	[tilespmem:s24+$0xFFFFFF40] =	vst v13;
	v12 =	vld.idx.msk [tilespmem:v14+s14+$0x0], $0xffff  }
0x11b: {  	s10 =	sadd.s32 $0x4, s10;
	[tilespmem:s24+$0xFFFFFF50] =	vst v35;
	v35 =	vld [tilespmem:$0x1FD50]  }
0x11c: {  	p0 =	slt.u32 s10, $0xC;
	v13 =	vld.idx.msk [tilespmem:v21+s14+$0x0], $0xffff;
	[tilespmem:s24+$0xFFFFFF60] =	vst v30  }
.Ltmp0:
0x11d: {  	v30 =	vld [tilespmem:$0x1FD00];
	[tilespmem:s24+$0xFFFFFF70] =	vst v47;
	(pc) =	sbr.rel @p0 .LBB2_3-.Ltmp0, $4  }
0x11e: {  	v14 =	vld.idx.msk [tilespmem:v10+s14+$0x0], $0xffff;
	[tilespmem:s24+$0xFFFFFF80] =	vst v24  }
0x11f: {  	v10 =	vld.idx.msk [tilespmem:v8+s14+$0x0], $0xffff;
	[tilespmem:s24+$0xFFFFFF90] =	vst v31  }
0x120: {  	v8 =	vld.idx.msk [tilespmem:v9+s14+$0x0], $0xffff;
	[tilespmem:s24+$0xFFFFFFA0] =	vst v25  }
0x121: {  	v0 =	vor.u32 s28, v0;
	v62 =	vmov v63;
	s28 =	sadd.s32 $0x8, s28;
	v31 =	vld [tilespmem:$0x1FD10];
	[tilespmem:s24+$0xFFFFFFB0] =	vst v48  }
0x122: {  	_ =	sdelay $0x3  }
0x123: {  	v4 =	vld.idx.msk [tilespmem:v4+s14+$0x0], $0xffff;
	[tilespmem:s24+$0xFFFFFFC0] =	vst v20  }
0x124: {  	v2 =	vld.idx.msk [tilespmem:v2+s14+$0x0], $0xffff;
	[tilespmem:s24+$0xFFFFFFD0] =	vst v15  }
0x125: {  	v3 =	vld.idx.msk [tilespmem:v3+s14+$0x0], $0xffff;
	[tilespmem:s24+$0xFFFFFFE0] =	vst v16  }
0x126: {  	v1 =	vld.idx.msk [tilespmem:v1+s14+$0x0], $0xffff;
	[tilespmem:s24+$0xFFFFFFF0] =	vst v17  }
0x127: {  	v0 =	vld.idx.msk [tilespmem:v0+s14+$0x0], $0xffff;
	[tilespmem:s24+$0x0] =	vst v18  }
0x128: {  	[tilespmem:s24+$0x10] =	vst v19  }
0x129: {  	[tilespmem:s24+$0x20] =	vst v11  }
0x12a: {  	[tilespmem:s24+$0x30] =	vst v12  }
0x12b: {  	[tilespmem:s24+$0x40] =	vst v13  }
0x12c: {  	[tilespmem:s24+$0x80] =	vst v7  }
0x12d: {  	[tilespmem:s24+$0x90] =	vst v5  }
0x12e: {  	[tilespmem:s24+$0xA0] =	vst v6  }
0x12f: {  	[tilespmem:s24+$0x50] =	vst v14  }
0x130: {  	[tilespmem:s24+$0x60] =	vst v10  }
0x131: {  	[tilespmem:s24+$0x70] =	vst v8  }
0x132: {  	s10 =	smul.u32 $0xA0000, s13;
	[tilespmem:s24+$0xB0] =	vst v4  }
0x133: {  	[tilespmem:s24+$0xC0] =	vst v2  }
0x134: {  	s12 =	sor.u32 s5, s10;
	[tilespmem:s24+$0xD0] =	vst v3  }
0x135: {  	s12 =	sshrl.u32 s12, $0x3;
	[tilespmem:s24+$0xE0] =	vst v1  }
0x136: {  	s3 =	simm.s32 $0xB400;
	p0 =	seq.s32 s13, $0x27;
	s12 =	sadd.s32 s2, s12;
	[tilespmem:s24+$0xF0] =	vst v0  }
0x137: {  	[hbm4b:s12+s22] =	stream.strided.scatter [tilespmem:s3], [sflag:$0x6], $0x1000, s23, s22, $0x38;
	[tilespmem:$0x10400] =	vst v63  }
0x138: {  	s12 =	smul.u32 @!p0 $0xA00, s13  }
0x139: {  	_ =	swait.ge [sflag:s25], $0x1000  }
0x13a: {  	s31 =	simm.s32 @!p0 $0x80;
	[sflag:s25] =	ssyncset.done $0x0;
	s24 =	sshra.s32 @!p0 s12, $0x2  }
0x13b: {  	s3 =	simm.s32 @!p0 $0x6400;
	[sflag:s25] =	ssyncadd.s32 $0xFFFFF000;
	s28 =	sadd.s32 @!p0 $0x280, s24  }
0x13c: {  	v37 =	vld [tilespmem:$0x1FCA0];
	[tilespmem:s3], [sflag:$0x1] =	stream.indirect.gather @!p0 [hbm4b:s4+s31], $0x20, s28, s31, $0xb8  }
0x13d: {  	v46 =	vld [tilespmem:$0x1FCB0];
	_ =	swait.ge [sflag:s26], $0x1000  }
0x13e: {  	v47 =	vld [tilespmem:$0x1FCC0]  }
0x13f: {  	v48 =	vld [tilespmem:$0x1FCD0]  }
0x140: {  	v4 =	vld [tilespmem:$0x1FEA0]  }
0x141: {  	v5 =	vld [tilespmem:$0x1FEB0]  }
0x142: {  	v6 =	vld [tilespmem:$0x1FEC0]  }
0x143: {  	v7 =	vld [tilespmem:$0x1FED0]  }
0x144: {  	v8 =	vld [tilespmem:$0x1FEF0]  }
0x145: {  	v9 =	vld [tilespmem:$0x1FEE0]  }
0x146: {  	s12 =	simm.s32 $0x0;
	v10 =	vld [tilespmem:$0x1FF00]  }
0x147: {  	v16 =	vor.u32 s12, v27;
	v11 =	vld [tilespmem:$0x1FF10]  }
0x148: {  	v12 =	vld [tilespmem:$0x1FF20];
	v0 =	vor.u32 s12, v37  }
0x149: {  	v13 =	vld [tilespmem:$0x1FF30];
	v1 =	vor.u32 s12, v46  }
0x14a: {  	[sflag:s26] =	ssyncset.done $0x0;
	v14 =	vld [tilespmem:$0x1FF40];
	v2 =	vor.u32 s12, v47  }
0x14b: {  	v15 =	vld [tilespmem:$0x1FF50];
	[sflag:s26] =	ssyncadd.s32 $0xFFFFF000;
	v3 =	vor.u32 s12, v48  }
0x14c: {  	v16 =	vld.idx.msk [tilespmem:v16+s15+$0x0], $0xffff;
	v4 =	vor.u32 s12, v4  }
0x14d: {  	v5 =	vor.u32 s12, v5;
	v0 =	vld.idx.msk [tilespmem:v0+s15+$0x0], $0xffff  }
0x14e: {  	v6 =	vor.u32 s12, v6;
	v1 =	vld.idx.msk [tilespmem:v1+s15+$0x0], $0xffff  }
0x14f: {  	v7 =	vor.u32 s12, v7;
	v2 =	vld.idx.msk [tilespmem:v2+s15+$0x0], $0xffff  }
0x150: {  	v8 =	vor.u32 s12, v8;
	v3 =	vld.idx.msk [tilespmem:v3+s15+$0x0], $0xffff  }
0x151: {  	v9 =	vor.u32 s12, v9;
	v4 =	vld.idx.msk [tilespmem:v4+s15+$0x0], $0xffff  }
0x152: {  	v10 =	vor.u32 s12, v10;
	v5 =	vld.idx.msk [tilespmem:v5+s15+$0x0], $0xffff  }
0x153: {  	v11 =	vor.u32 s12, v11;
	v6 =	vld.idx.msk [tilespmem:v6+s15+$0x0], $0xffff  }
0x154: {  	v12 =	vor.u32 s12, v12;
	v7 =	vld.idx.msk [tilespmem:v7+s15+$0x0], $0xffff  }
0x155: {  	v13 =	vor.u32 s12, v13;
	v8 =	vld.idx.msk [tilespmem:v8+s15+$0x0], $0xffff  }
0x156: {  	v14 =	vor.u32 s12, v14;
	v9 =	vld.idx.msk [tilespmem:v9+s15+$0x0], $0xffff  }
0x157: {  	v15 =	vor.u32 s12, v15;
	v10 =	vld.idx.msk [tilespmem:v10+s15+$0x0], $0xffff  }
0x158: {  	v11 =	vld.idx.msk [tilespmem:v11+s15+$0x0], $0xffff  }
0x159: {  	v17 =	vor.u32 s12, v28;
	v12 =	vld.idx.msk [tilespmem:v12+s15+$0x0], $0xffff  }
0x15a: {  	v18 =	vor.u32 s12, v29;
	v13 =	vld.idx.msk [tilespmem:v13+s15+$0x0], $0xffff  }
0x15b: {  	v19 =	vor.u32 s12, v30;
	s28 =	simm.s32 $0xC7F0;
	v14 =	vld.idx.msk [tilespmem:v14+s15+$0x0], $0xffff  }
0x15c: {  	v20 =	vor.u32 s12, v31;
	v15 =	vld.idx.msk [tilespmem:v15+s15+$0x0], $0xffff;
	[tilespmem:s28+$0x0] =	vst v9  }
0x15d: {  	v9 =	vld [tilespmem:$0x1FF60];
	[tilespmem:s28+$0xFFFFFF10] =	vst v0;
	v0 =	vor.u32 s12, v32  }
0x15e: {  	v17 =	vld.idx.msk [tilespmem:v17+s15+$0x0], $0xffff;
	[tilespmem:s28+$0xFFFFFF20] =	vst v1;
	v1 =	vor.u32 s12, v33  }
0x15f: {  	v18 =	vld.idx.msk [tilespmem:v18+s15+$0x0], $0xffff;
	[tilespmem:s28+$0xFFFFFF30] =	vst v2;
	v2 =	vor.u32 s12, v34  }
0x160: {  	v19 =	vld.idx.msk [tilespmem:v19+s15+$0x0], $0xffff;
	[tilespmem:s28+$0xFFFFFF40] =	vst v3;
	v3 =	vor.u32 s12, v35  }
0x161: {  	v20 =	vld.idx.msk [tilespmem:v20+s15+$0x0], $0xffff;
	[tilespmem:s28+$0xFFFFFF50] =	vst v4;
	v4 =	vor.u32 s12, v38  }
0x162: {  	[tilespmem:s28+$0xFFFFFF60] =	vst v5;
	v5 =	vor.u32 s12, v39;
	v0 =	vld.idx.msk [tilespmem:v0+s15+$0x0], $0xffff  }
0x163: {  	[tilespmem:s28+$0xFFFFFF70] =	vst v6;
	v6 =	vor.u32 s12, v40;
	v1 =	vld.idx.msk [tilespmem:v1+s15+$0x0], $0xffff  }
0x164: {  	[tilespmem:s28+$0xFFFFFF80] =	vst v7;
	v7 =	vor.u32 s12, v41;
	v2 =	vld.idx.msk [tilespmem:v2+s15+$0x0], $0xffff  }
0x165: {  	[tilespmem:s28+$0xFFFFFF90] =	vst v8;
	v8 =	vor.u32 s12, v42;
	v3 =	vld.idx.msk [tilespmem:v3+s15+$0x0], $0xffff  }
0x166: {  	[tilespmem:s28+$0xFFFFFFA0] =	vst v10;
	v10 =	vor.u32 s12, v43;
	v4 =	vld.idx.msk [tilespmem:v4+s15+$0x0], $0xffff  }
0x167: {  	[tilespmem:s28+$0xFFFFFFB0] =	vst v11;
	v9 =	vor.u32 s12, v9;
	v5 =	vld.idx.msk [tilespmem:v5+s15+$0x0], $0xffff  }
0x168: {  	[tilespmem:s28+$0xFFFFFFF0] =	vst v15;
	v15 =	vor.u32 s12, v53;
	v6 =	vld.idx.msk [tilespmem:v6+s15+$0x0], $0xffff  }
0x169: {  	v11 =	vor.u32 s12, v49;
	[tilespmem:s28+$0xFFFFFFC0] =	vst v12;
	v7 =	vld.idx.msk [tilespmem:v7+s15+$0x0], $0xffff  }
0x16a: {  	v12 =	vor.u32 s12, v50;
	[tilespmem:s28+$0xFFFFFFD0] =	vst v13;
	v8 =	vld.idx.msk [tilespmem:v8+s15+$0x0], $0xffff  }
0x16b: {  	v13 =	vor.u32 s12, v51;
	[tilespmem:s28+$0xFFFFFFE0] =	vst v14;
	v10 =	vld.idx.msk [tilespmem:v10+s15+$0x0], $0xffff  }
0x16c: {  	v14 =	vor.u32 s12, v52;
	v9 =	vld.idx.msk [tilespmem:v9+s15+$0x0], $0xffff;
	[tilespmem:s28+$0xFFFFFC20] =	vst v16  }
0x16d: {  	v21 =	vld.idx.msk [tilespmem:v15+s15+$0x0], $0xffff;
	v15 =	vor.u32 s12, v59;
	[tilespmem:s28+$0xFFFFFC30] =	vst v17  }
0x16e: {  	v11 =	vld.idx.msk [tilespmem:v11+s15+$0x0], $0xffff;
	v16 =	vor.u32 s12, v55;
	[tilespmem:s28+$0xFFFFFC40] =	vst v18  }
0x16f: {  	v12 =	vld.idx.msk [tilespmem:v12+s15+$0x0], $0xffff;
	v17 =	vor.u32 s12, v56;
	[tilespmem:s28+$0xFFFFFC50] =	vst v19  }
0x170: {  	v13 =	vld.idx.msk [tilespmem:v13+s15+$0x0], $0xffff;
	v18 =	vor.u32 s12, v57;
	[tilespmem:s28+$0xFFFFFC60] =	vst v20  }
0x171: {  	v14 =	vld.idx.msk [tilespmem:v14+s15+$0x0], $0xffff;
	[tilespmem:s28+$0xFFFFFC70] =	vst v0  }
0x172: {  	v19 =	vor.u32 s12, v58;
	[tilespmem:s28+$0xFFFFFC80] =	vst v1;
	v26 =	vld.idx.msk [tilespmem:v15+s15+$0x0], $0xffff  }
0x173: {  	[tilespmem:s28+$0xFFFFFC90] =	vst v2;
	v22 =	vld.idx.msk [tilespmem:v16+s15+$0x0], $0xffff  }
0x174: {  	v0 =	vor.u32 s12, v60;
	[tilespmem:s28+$0xFFFFFCA0] =	vst v3;
	v23 =	vld.idx.msk [tilespmem:v17+s15+$0x0], $0xffff  }
0x175: {  	[tilespmem:s28+$0xFFFFFC10] =	vst v9;
	v24 =	vld.idx.msk [tilespmem:v18+s15+$0x0], $0xffff  }
0x176: {  	v1 =	vor.u32 s12, v61;
	v3 =	vld [tilespmem:$0x1FF70]  }
0x177: {  	v25 =	vld.idx.msk [tilespmem:v19+s15+$0x0], $0xffff;
	[tilespmem:s28+$0xFFFFFCB0] =	vst v4  }
0x178: {  	v2 =	vor.u32 s12, v62;
	v4 =	vld [tilespmem:$0x1FF80];
	[tilespmem:s28+$0xFFFFFCC0] =	vst v5  }
0x179: {  	v9 =	vor.u32 s12, v54;
	v0 =	vld.idx.msk [tilespmem:v0+s15+$0x0], $0xffff;
	[tilespmem:s28+$0xFFFFFCD0] =	vst v6  }
0x17a: {  	v5 =	vld [tilespmem:$0x1FFC0]  }
0x17b: {  	v20 =	vld.idx.msk [tilespmem:v1+s15+$0x0], $0xffff;
	[tilespmem:s28+$0xFFFFFCE0] =	vst v7;
	v3 =	vor.u32 s12, v3  }
0x17c: {  	v1 =	vld [tilespmem:$0x1FF90]  }
0x17d: {  	v15 =	vld.idx.msk [tilespmem:v2+s15+$0x0], $0xffff;
	v4 =	vor.u32 s12, v4  }
0x17e: {  	[tilespmem:s28+$0xFFFFFCF0] =	vst v8;
	v9 =	vld.idx.msk [tilespmem:v9+s15+$0x0], $0xffff  }
0x17f: {  	v2 =	vld [tilespmem:$0x1FFD0];
	v5 =	vor.u32 s12, v5  }
0x180: {  	[tilespmem:s28+$0xFFFFFD00] =	vst v10;
	v16 =	vld.idx.msk [tilespmem:v3+s15+$0x0], $0xffff  }
0x181: {  	v1 =	vor.u32 s12, v1;
	v3 =	vld [tilespmem:$0x1FFA0]  }
0x182: {  	v17 =	vld.idx.msk [tilespmem:v4+s15+$0x0], $0xffff;
	[tilespmem:s28+$0xFFFFFD10] =	vst v11  }
0x183: {  	v4 =	vld [tilespmem:$0x1FFE0]  }
0x184: {  	[tilespmem:s28+$0xFFFFFD20] =	vst v12;
	v18 =	vld.idx.msk [tilespmem:v5+s15+$0x0], $0xffff  }
0x185: {  	v6 =	vld [tilespmem:$0x1FFB0]  }
0x186: {  	v2 =	vor.u32 s12, v2;
	[tilespmem:s28+$0xFFFFFD30] =	vst v13;
	v19 =	vld.idx.msk [tilespmem:v1+s15+$0x0], $0xffff  }
0x187: {  	v5 =	vld [tilespmem:$0x1FFF0];
	[tilespmem:s28+$0xFFFFFD40] =	vst v14  }
0x188: {  	v3 =	vor.u32 s12, v3;
	v1 =	vld [tilespmem:$0x1FC10];
	_ =	sdelay $0x1  }
0x189: {  	v4 =	vor.u32 s12, v4  }
0x18a: {  	v11 =	vld.idx.msk [tilespmem:v2+s15+$0x0], $0xffff;
	[tilespmem:s28+$0xFFFFFD50] =	vst v21  }
0x18b: {  	v2 =	vld [tilespmem:$0x1FC20]  }
0x18c: {  	[tilespmem:s28+$0xFFFFFD60] =	vst v9;
	v1 =	vor.u32 s12, v1;
	v12 =	vld.idx.msk [tilespmem:v3+s15+$0x0], $0xffff  }
0x18d: {  	v3 =	vld [tilespmem:$0x1FC30]  }
0x18e: {  	[tilespmem:s28+$0xFFFFFD70] =	vst v22;
	v13 =	vld.idx.msk [tilespmem:v4+s15+$0x0], $0xffff  }
0x18f: {  	v4 =	vld [tilespmem:$0x1FC40];
	[tilespmem:s28+$0xFFFFFD80] =	vst v23  }
0x190: {  	[tilespmem:s28+$0xFFFFFD90] =	vst v24  }
0x191: {  	[tilespmem:s28+$0xFFFFFDA0] =	vst v25;
	v8 =	vld.idx.msk [tilespmem:v1+s15+$0x0], $0xffff  }
0x192: {  	v1 =	vld [tilespmem:$0x1FC50];
	_ =	sdelay $0x3  }
0x193: {  	v2 =	vor.u32 s12, v2  }
0x194: {  	v9 =	vor.u32 s12, v4;
	v4 =	vor.u32 s12, v1;
	v1 =	vld [tilespmem:$0x1FC60];
	_ =	sdelay $0x2  }
0x195: {  	v5 =	vor.u32 s12, v5  }
0x196: {  	v3 =	vor.u32 s12, v3;
	v7 =	vld.idx.msk [tilespmem:v2+s15+$0x0], $0xffff;
	[tilespmem:s28+$0xFFFFFDB0] =	vst v26  }
0x197: {  	v2 =	vor.u32 s12, v1;
	v1 =	vld [tilespmem:$0x1FC70];
	_ =	sdelay $0x2  }
0x198: {  	v10 =	vld.idx.msk [tilespmem:v5+s15+$0x0], $0xffff  }
0x199: {  	v5 =	vld.idx.msk [tilespmem:v3+s15+$0x0], $0xffff  }
0x19a: {  	v6 =	vor.u32 s12, v6;
	v3 =	vor.u32 s12, v1;
	v1 =	vld [tilespmem:$0x1FC80];
	[tilespmem:s28+$0xFFFFFDC0] =	vst v0  }
0x19b: {  	v0 =	vld [tilespmem:$0x1FC90];
	_ =	sdelay $0x3  }
0x19c: {  	v14 =	vld.idx.msk [tilespmem:v6+s15+$0x0], $0xffff;
	v1 =	vor.u32 s12, v1  }
0x19d: {  	s31 =	simm.s32 $0x0;
	v6 =	vld.idx.msk [tilespmem:v9+s15+$0x0], $0xffff;
	v0 =	vor.u32 s12, v0;
	s12 =	simm.s32 $0x8  }
.LBB2_5:
0x19e: {  	v4 =	vld.idx.msk [tilespmem:v4+s15+$0x0], $0xffff  }
0x19f: {  	v2 =	vld.idx.msk [tilespmem:v2+s15+$0x0], $0xffff  }
0x1a0: {  	v3 =	vld.idx.msk [tilespmem:v3+s15+$0x0], $0xffff  }
0x1a1: {  	v1 =	vld.idx.msk [tilespmem:v1+s15+$0x0], $0xffff  }
0x1a2: {  	v22 =	vld [tilespmem:$0x1FEA0]  }
0x1a3: {  	v0 =	vld.idx.msk [tilespmem:v0+s15+$0x0], $0xffff;
	[tilespmem:s28+$0xFFFFFDD0] =	vst v20  }
0x1a4: {  	[tilespmem:s28+$0xFFFFFE70] =	vst v10;
	v10 =	vld [tilespmem:$0x1FF10]  }
0x1a5: {  	[tilespmem:s28+$0xFFFFFE80] =	vst v8;
	v8 =	vld [tilespmem:$0x1FF20]  }
0x1a6: {  	[tilespmem:s28+$0xFFFFFE90] =	vst v7;
	v7 =	vld [tilespmem:$0x1FF30]  }
0x1a7: {  	v9 =	vor.u32 s12, v37;
	[tilespmem:s28+$0xFFFFFEA0] =	vst v5;
	v5 =	vld [tilespmem:$0x1FF70]  }
0x1a8: {  	[tilespmem:s28+$0xFFFFFEC0] =	vst v4;
	v4 =	vld [tilespmem:$0x1FF90]  }
0x1a9: {  	v20 =	vor.u32 s12, v46;
	[tilespmem:s28+$0xFFFFFED0] =	vst v2;
	v2 =	vld [tilespmem:$0x1FFE0]  }
0x1aa: {  	[tilespmem:s28+$0xFFFFFEF0] =	vst v1;
	v1 =	vld [tilespmem:$0x1FC40]  }
0x1ab: {  	v21 =	vor.u32 s12, v47;
	[tilespmem:s28+$0xFFFFFF00] =	vst v0;
	v0 =	vld [tilespmem:$0x1FC70]  }
0x1ac: {  	v23 =	vor.u32 s12, v48;
	v47 =	vld.idx.msk [tilespmem:v9+s15+$0x0], $0xffff  }
0x1ad: {  	v44 =	vor.u32 s12, v27;
	v9 =	vld [tilespmem:$0x1FEB0]  }
0x1ae: {  	v36 =	vor.u32 s12, v28;
	v48 =	vld.idx.msk [tilespmem:v20+s15+$0x0], $0xffff  }
0x1af: {  	v45 =	vor.u32 s12, v29;
	v20 =	vld [tilespmem:$0x1FEC0]  }
0x1b0: {  	v37 =	vor.u32 s12, v30;
	[tilespmem:s28+$0xFFFFFE30] =	vst v11;
	v11 =	vor.u32 s12, v49;
	v49 =	vld.idx.msk [tilespmem:v21+s15+$0x0], $0xffff  }
0x1b1: {  	v46 =	vor.u32 s12, v31;
	v24 =	vor.u32 s12, v22;
	v22 =	vor.u32 s12, v50;
	v50 =	vld.idx.msk [tilespmem:v23+s15+$0x0], $0xffff  }
0x1b2: {  	[tilespmem:s28+$0xFFFFFDE0] =	vst v15;
	v15 =	vor.u32 s12, v32;
	v44 =	vld.idx.msk [tilespmem:v44+s15+$0x0], $0xffff  }
0x1b3: {  	v30 =	vor.u32 s12, v33;
	v36 =	vld.idx.msk [tilespmem:v36+s15+$0x0], $0xffff  }
0x1b4: {  	[tilespmem:s28+$0xFFFFFDF0] =	vst v16;
	v16 =	vor.u32 s12, v34;
	v45 =	vld.idx.msk [tilespmem:v45+s15+$0x0], $0xffff  }
0x1b5: {  	v31 =	vor.u32 s12, v35;
	v37 =	vld.idx.msk [tilespmem:v37+s15+$0x0], $0xffff  }
0x1b6: {  	[tilespmem:s28+$0xFFFFFE00] =	vst v17;
	v17 =	vor.u32 s12, v38;
	v46 =	vld.idx.msk [tilespmem:v46+s15+$0x0], $0xffff  }
0x1b7: {  	v32 =	vor.u32 s12, v39;
	v15 =	vld.idx.msk [tilespmem:v15+s15+$0x0], $0xffff  }
0x1b8: {  	[tilespmem:s28+$0xFFFFFE10] =	vst v18;
	v18 =	vor.u32 s12, v40;
	v30 =	vld.idx.msk [tilespmem:v30+s15+$0x0], $0xffff  }
0x1b9: {  	v33 =	vor.u32 s12, v41;
	v16 =	vld.idx.msk [tilespmem:v16+s15+$0x0], $0xffff  }
0x1ba: {  	[tilespmem:s28+$0xFFFFFE20] =	vst v19;
	v19 =	vor.u32 s12, v42;
	v31 =	vld.idx.msk [tilespmem:v31+s15+$0x0], $0xffff  }
0x1bb: {  	v17 =	vld.idx.msk [tilespmem:v17+s15+$0x0], $0xffff  }
0x1bc: {  	v34 =	vor.u32 s12, v43;
	v32 =	vld.idx.msk [tilespmem:v32+s15+$0x0], $0xffff  }
0x1bd: {  	v18 =	vld.idx.msk [tilespmem:v18+s15+$0x0], $0xffff  }
0x1be: {  	[tilespmem:s28+$0xFFFFFE40] =	vst v12;
	v12 =	vor.u32 s12, v51;
	v33 =	vld.idx.msk [tilespmem:v33+s15+$0x0], $0xffff  }
0x1bf: {  	[tilespmem:s28+$0xFFFFFE50] =	vst v13;
	v13 =	vor.u32 s12, v53;
	v19 =	vld.idx.msk [tilespmem:v19+s15+$0x0], $0xffff  }
0x1c0: {  	v25 =	vor.u32 s12, v20;
	v20 =	vld [tilespmem:$0x1FED0]  }
0x1c1: {  	v35 =	vor.u32 s12, v54;
	v34 =	vld.idx.msk [tilespmem:v34+s15+$0x0], $0xffff  }
0x1c2: {  	v11 =	vld.idx.msk [tilespmem:v11+s15+$0x0], $0xffff  }
0x1c3: {  	v12 =	vld.idx.msk [tilespmem:v12+s15+$0x0], $0xffff  }
0x1c4: {  	v13 =	vld.idx.msk [tilespmem:v13+s15+$0x0], $0xffff  }
0x1c5: {  	v21 =	vor.u32 s12, v20;
	v20 =	vld [tilespmem:$0x1FEF0]  }
0x1c6: {  	v10 =	vor.u32 s12, v10;
	v35 =	vld.idx.msk [tilespmem:v35+s15+$0x0], $0xffff  }
0x1c7: {  	v51 =	vld.idx.msk [tilespmem:v24+s15+$0x0], $0xffff;
	v9 =	vor.u32 s12, v9  }
0x1c8: {  	v42 =	vor.u32 s12, v4;
	v4 =	vld [tilespmem:$0x1FFD0]  }
0x1c9: {  	[tilespmem:s28+$0xFFFFFEB0] =	vst v6;
	v6 =	vor.u32 s12, v1;
	v1 =	vld [tilespmem:$0x1FC50]  }
0x1ca: {  	[tilespmem:s28+$0xFFFFFEE0] =	vst v3;
	v3 =	vor.u32 s12, v0;
	v0 =	vld [tilespmem:$0x1FC80];
	v27 =	vor.u32 s12, v20  }
0x1cb: {  	v41 =	vor.u32 s12, v62;
	v62 =	vld.idx.msk [tilespmem:v10+s15+$0x0], $0xffff  }
0x1cc: {  	v23 =	vor.u32 s12, v52;
	v52 =	vld.idx.msk [tilespmem:v9+s15+$0x0], $0xffff  }
0x1cd: {  	v54 =	vld.idx.msk [tilespmem:v21+s15+$0x0], $0xffff  }
0x1ce: {  	v21 =	vor.u32 s12, v2;
	v2 =	vld [tilespmem:$0x1FFB0]  }
0x1cf: {  	v38 =	vor.u32 s12, v56;
	v56 =	vld.idx.msk [tilespmem:v27+s15+$0x0], $0xffff  }
0x1d0: {  	v27 =	vor.u32 s12, v5;
	v5 =	vld [tilespmem:$0x1FF40]  }
0x1d1: {  	v9 =	vld [tilespmem:$0x1FF00]  }
0x1d2: {  	v20 =	vld [tilespmem:$0x1FEE0]  }
0x1d3: {  	v10 =	vor.u32 s12, v2;
	v2 =	vld [tilespmem:$0x1FFF0]  }
0x1d4: {  	v24 =	vor.u32 s12, v57;
	v57 =	vor.u32 s12, v7;
	v22 =	vld.idx.msk [tilespmem:v22+s15+$0x0], $0xffff  }
0x1d5: {  	v39 =	vor.u32 s12, v58;
	v58 =	vor.u32 s12, v5;
	v5 =	vld [tilespmem:$0x1FF80]  }
0x1d6: {  	v23 =	vld.idx.msk [tilespmem:v23+s15+$0x0], $0xffff  }
0x1d7: {  	v29 =	vor.u32 s12, v4;
	v4 =	vld [tilespmem:$0x1FFA0];
	v9 =	vor.u32 s12, v9;
	v28 =	vor.u32 s12, v20  }
0x1d8: {  	v20 =	vor.u32 s12, v55;
	v55 =	vor.u32 s12, v8;
	v8 =	vor.u32 s12, v2;
	v2 =	vld [tilespmem:$0x1FC10]  }
0x1d9: {  	v57 =	vld.idx.msk [tilespmem:v57+s15+$0x0], $0xffff  }
0x1da: {  	v43 =	vor.u32 s12, v5;
	v5 =	vld [tilespmem:$0x1FFC0]  }
0x1db: {  	v53 =	vld.idx.msk [tilespmem:v25+s15+$0x0], $0xffff  }
0x1dc: {  	v40 =	vor.u32 s12, v60;
	v60 =	vld.idx.msk [tilespmem:v9+s15+$0x0], $0xffff  }
0x1dd: {  	v9 =	vor.u32 s12, v2;
	v2 =	vld [tilespmem:$0x1FC20]  }
0x1de: {  	v25 =	vor.u32 s12, v59;
	v59 =	vld.idx.msk [tilespmem:v28+s15+$0x0], $0xffff  }
0x1df: {  	v28 =	vor.u32 s12, v5;
	v5 =	vld [tilespmem:$0x1FF50]  }
0x1e0: {  	v24 =	vld.idx.msk [tilespmem:v24+s15+$0x0], $0xffff  }
0x1e1: {  	[tilespmem:s28+$0xFFFFFE60] =	vst v14;
	v14 =	vor.u32 s12, v4;
	v4 =	vor.u32 s12, v1;
	v1 =	vld [tilespmem:$0x1FC60]  }
0x1e2: {  	v7 =	vor.u32 s12, v2;
	v2 =	vld [tilespmem:$0x1FC30]  }
0x1e3: {  	v6 =	vld.idx.msk [tilespmem:v6+s15+$0x0], $0xffff  }
0x1e4: {  	v26 =	vor.u32 s12, v61;
	v25 =	vld.idx.msk [tilespmem:v25+s15+$0x0], $0xffff;
	v61 =	vor.u32 s12, v5  }
0x1e5: {  	v55 =	vld.idx.msk [tilespmem:v55+s15+$0x0], $0xffff  }
0x1e6: {  	v58 =	vld.idx.msk [tilespmem:v58+s15+$0x0], $0xffff  }
0x1e7: {  	v5 =	vor.u32 s12, v2;
	v2 =	vor.u32 s12, v1;
	v1 =	vor.u32 s12, v0;
	v0 =	vld [tilespmem:$0x1FC90]  }
0x1e8: {  	v7 =	vld.idx.msk [tilespmem:v7+s15+$0x0], $0xffff  }
0x1e9: {  	s28 =	sadd.s32 $0x400, s28;
	v61 =	vld.idx.msk [tilespmem:v61+s15+$0x0], $0xffff  }
0x1ea: {  	[tilespmem:s28+$0x0] =	vst v59;
	v59 =	vld [tilespmem:$0x1FF60]  }
0x1eb: {  	[tilespmem:s28+$0xFFFFFF20] =	vst v48;
	v48 =	vld [tilespmem:$0x1FCD0]  }
0x1ec: {  	[tilespmem:s28+$0xFFFFFF30] =	vst v49;
	v49 =	vld [tilespmem:$0x1FDC0]  }
0x1ed: {  	[tilespmem:s28+$0xFFFFFF40] =	vst v50;
	v50 =	vld [tilespmem:$0x1FDD0]  }
0x1ee: {  	[tilespmem:s28+$0xFFFFFF50] =	vst v51;
	v51 =	vld [tilespmem:$0x1FDE0]  }
0x1ef: {  	[tilespmem:s28+$0xFFFFFF60] =	vst v52;
	v52 =	vld [tilespmem:$0x1FDF0]  }
0x1f0: {  	[tilespmem:s28+$0xFFFFFF70] =	vst v53;
	v53 =	vld [tilespmem:$0x1FE00]  }
0x1f1: {  	[tilespmem:s28+$0xFFFFFF80] =	vst v54;
	v54 =	vld [tilespmem:$0x1FE10]  }
0x1f2: {  	[tilespmem:s28+$0xFFFFFF90] =	vst v56;
	v56 =	vld [tilespmem:$0x1FE30]  }
0x1f3: {  	[tilespmem:s28+$0xFFFFFFA0] =	vst v60;
	v60 =	vld [tilespmem:$0x1FE70]  }
0x1f4: {  	[tilespmem:s28+$0xFFFFFFC0] =	vst v55;
	v55 =	vld [tilespmem:$0x1FE20];
	v59 =	vor.u32 s12, v59  }
0x1f5: {  	[tilespmem:s28+$0xFFFFFFD0] =	vst v57;
	v57 =	vld [tilespmem:$0x1FE40]  }
0x1f6: {  	[tilespmem:s28+$0xFFFFFFE0] =	vst v58;
	v58 =	vld [tilespmem:$0x1FE50]  }
0x1f7: {  	v5 =	vld.idx.msk [tilespmem:v5+s15+$0x0], $0xffff  }
0x1f8: {  	[tilespmem:s28+$0xFFFFFFF0] =	vst v61;
	v61 =	vld [tilespmem:$0x1FE80]  }
0x1f9: {  	[tilespmem:s28+$0xFFFFFF10] =	vst v47;
	v47 =	vld.idx.msk [tilespmem:v59+s15+$0x0], $0xffff  }
0x1fa: {  	v59 =	vld [tilespmem:$0x1FE60]  }
0x1fb: {  	[tilespmem:s28+$0xFFFFFC50] =	vst v37;
	v37 =	vld [tilespmem:$0x1FCA0]  }
0x1fc: {  	[tilespmem:s28+$0xFFFFFC60] =	vst v46;
	v46 =	vld [tilespmem:$0x1FCB0]  }
0x1fd: {  	[tilespmem:s28+$0xFFFFFC80] =	vst v30;
	v30 =	vld.idx.msk [tilespmem:v20+s15+$0x0], $0xffff  }
0x1fe: {  	[tilespmem:s28+$0xFFFFFC30] =	vst v36;
	v36 =	vld.idx.msk [tilespmem:v38+s15+$0x0], $0xffff  }
0x1ff: {  	v38 =	vld [tilespmem:$0x1FD60]  }
0x200: {  	[tilespmem:s28+$0xFFFFFCA0] =	vst v31;
	v31 =	vld.idx.msk [tilespmem:v39+s15+$0x0], $0xffff  }
0x201: {  	v39 =	vld [tilespmem:$0x1FD70]  }
0x202: {  	[tilespmem:s28+$0xFFFFFC40] =	vst v45;
	v45 =	vld.idx.msk [tilespmem:v40+s15+$0x0], $0xffff  }
0x203: {  	v40 =	vld [tilespmem:$0x1FD80]  }
0x204: {  	[tilespmem:s28+$0xFFFFFCE0] =	vst v33;
	v33 =	vld [tilespmem:$0x1FD30]  }
0x205: {  	v20 =	vld.idx.msk [tilespmem:v26+s15+$0x0], $0xffff  }
0x206: {  	[tilespmem:s28+$0xFFFFFC70] =	vst v15;
	v15 =	vld.idx.msk [tilespmem:v41+s15+$0x0], $0xffff  }
0x207: {  	v41 =	vld [tilespmem:$0x1FD90]  }
0x208: {  	[tilespmem:s28+$0xFFFFFD00] =	vst v34;
	v34 =	vld [tilespmem:$0x1FD40]  }
0x209: {  	[tilespmem:s28+$0xFFFFFC90] =	vst v16;
	v16 =	vld.idx.msk [tilespmem:v27+s15+$0x0], $0xffff  }
0x20a: {  	[tilespmem:s28+$0xFFFFFFB0] =	vst v62;
	v27 =	vld [tilespmem:$0x1FCE0]  }
0x20b: {  	[tilespmem:s28+$0xFFFFFCB0] =	vst v17;
	v17 =	vld.idx.msk [tilespmem:v43+s15+$0x0], $0xffff  }
0x20c: {  	[tilespmem:s28+$0xFFFFFC20] =	vst v44;
	v43 =	vld [tilespmem:$0x1FDB0]  }
0x20d: {  	[tilespmem:s28+$0xFFFFFCD0] =	vst v18;
	v18 =	vld.idx.msk [tilespmem:v28+s15+$0x0], $0xffff  }
0x20e: {  	[tilespmem:s28+$0xFFFFFCC0] =	vst v32;
	v28 =	vld [tilespmem:$0x1FCF0]  }
0x20f: {  	[tilespmem:s28+$0xFFFFFCF0] =	vst v19;
	v19 =	vld.idx.msk [tilespmem:v42+s15+$0x0], $0xffff  }
0x210: {  	[tilespmem:s28+$0xFFFFFD10] =	vst v11;
	v42 =	vld [tilespmem:$0x1FDA0]  }
0x211: {  	[tilespmem:s28+$0xFFFFFD20] =	vst v22;
	v11 =	vld.idx.msk [tilespmem:v29+s15+$0x0], $0xffff  }
0x212: {  	[tilespmem:s28+$0xFFFFFD30] =	vst v12;
	v29 =	vld [tilespmem:$0x1FE90]  }
0x213: {  	[tilespmem:s28+$0xFFFFFD40] =	vst v23;
	v12 =	vld.idx.msk [tilespmem:v14+s15+$0x0], $0xffff  }
0x214: {  	[tilespmem:s28+$0xFFFFFD60] =	vst v35;
	v35 =	vld [tilespmem:$0x1FD50]  }
0x215: {  	[tilespmem:s28+$0xFFFFFD50] =	vst v13;
	v13 =	vld.idx.msk [tilespmem:v21+s15+$0x0], $0xffff  }
0x216: {  	s31 =	sadd.s32 $0x4, s31;
	v14 =	vld.idx.msk [tilespmem:v10+s15+$0x0], $0xffff;
	[tilespmem:s28+$0xFFFFFD90] =	vst v24  }
0x217: {  	p1 =	slt.u32 s31, $0xC;
	v10 =	vld.idx.msk [tilespmem:v8+s15+$0x0], $0xffff;
	[tilespmem:s28+$0xFFFFFDB0] =	vst v25  }
.Ltmp1:
0x218: {  	v8 =	vld.idx.msk [tilespmem:v9+s15+$0x0], $0xffff;
	[tilespmem:s28+$0xFFFFFC10] =	vst v47;
	(pc) =	sbr.rel @p1 .LBB2_5-.Ltmp1, $4  }
0x219: {  	v32 =	vld [tilespmem:$0x1FD20];
	[tilespmem:s28+$0xFFFFFD70] =	vst v30  }
0x21a: {  	v47 =	vld [tilespmem:$0x1FCC0];
	[tilespmem:s28+$0xFFFFFD80] =	vst v36  }
0x21b: {  	v30 =	vld [tilespmem:$0x1FD00];
	[tilespmem:s28+$0xFFFFFDA0] =	vst v31  }
0x21c: {  	v0 =	vor.u32 s12, v0;
	v62 =	vmov v63;
	s12 =	sadd.s32 $0x8, s12;
	v31 =	vld [tilespmem:$0x1FD10];
	[tilespmem:s28+$0xFFFFFDC0] =	vst v45  }
0x21d: {  	_ =	sdelay $0x3  }
0x21e: {  	v4 =	vld.idx.msk [tilespmem:v4+s15+$0x0], $0xffff;
	[tilespmem:s28+$0xFFFFFDD0] =	vst v20  }
0x21f: {  	v2 =	vld.idx.msk [tilespmem:v2+s15+$0x0], $0xffff;
	[tilespmem:s28+$0xFFFFFDE0] =	vst v15  }
0x220: {  	v3 =	vld.idx.msk [tilespmem:v3+s15+$0x0], $0xffff;
	[tilespmem:s28+$0xFFFFFDF0] =	vst v16  }
0x221: {  	v1 =	vld.idx.msk [tilespmem:v1+s15+$0x0], $0xffff;
	[tilespmem:s28+$0xFFFFFE00] =	vst v17  }
0x222: {  	v0 =	vld.idx.msk [tilespmem:v0+s15+$0x0], $0xffff;
	[tilespmem:s28+$0xFFFFFE10] =	vst v18  }
0x223: {  	[tilespmem:s28+$0xFFFFFE20] =	vst v19  }
0x224: {  	[tilespmem:s28+$0xFFFFFE30] =	vst v11  }
0x225: {  	[tilespmem:s28+$0xFFFFFE40] =	vst v12  }
0x226: {  	[tilespmem:s28+$0xFFFFFE50] =	vst v13  }
0x227: {  	[tilespmem:s28+$0xFFFFFE60] =	vst v14  }
0x228: {  	[tilespmem:s28+$0xFFFFFE70] =	vst v10  }
0x229: {  	[tilespmem:s28+$0xFFFFFE80] =	vst v8  }
0x22a: {  	[tilespmem:s28+$0xFFFFFE90] =	vst v7  }
0x22b: {  	[tilespmem:s28+$0xFFFFFEA0] =	vst v5  }
0x22c: {  	[tilespmem:s28+$0xFFFFFEB0] =	vst v6  }
0x22d: {  	[tilespmem:s28+$0xFFFFFEC0] =	vst v4  }
0x22e: {  	[tilespmem:s28+$0xFFFFFED0] =	vst v2  }
0x22f: {  	s3 =	sadd.s32 s7, s10;
	[tilespmem:s28+$0xFFFFFEE0] =	vst v3  }
0x230: {  	s3 =	sshrl.u32 s3, $0x3;
	[tilespmem:s28+$0xFFFFFEF0] =	vst v1  }
0x231: {  	s12 =	simm.s32 $0xC400;
	s3 =	sadd.s32 s2, s3;
	[tilespmem:s28+$0xFFFFFF00] =	vst v0  }
0x232: {  	[hbm4b:s3+s22] =	stream.strided.scatter [tilespmem:s12], [sflag:$0x7], $0x1000, s23, s22, $0x38;
	[tilespmem:$0x10400] =	vst v63  }
0x233: {  	_ =	swait.ge [sflag:s29], $0x1000  }
0x234: {  	s31 =	simm.s32 @!p0 $0x7400;
	[sflag:s29] =	ssyncset.done $0x0  }
0x235: {  	s28 =	simm.s32 @!p0 $0x80;
	s3 =	sadd.s32 @!p0 $0x300, s24;
	[sflag:s29] =	ssyncadd.s32 $0xFFFFF000  }
0x236: {  	[tilespmem:s31], [sflag:$0x2] =	stream.indirect.gather @!p0 [hbm4b:s4+s28], $0x20, s3, s28, $0xb8;
	[tilespmem:$0x10400] =	vst v63  }
0x237: {  	_ =	swait.ge [sflag:s30], $0x1000  }
0x238: {  	v4 =	vld [tilespmem:$0x1FEA0]  }
0x239: {  	v5 =	vld [tilespmem:$0x1FEB0]  }
0x23a: {  	v6 =	vld [tilespmem:$0x1FEC0]  }
0x23b: {  	v7 =	vld [tilespmem:$0x1FED0]  }
0x23c: {  	v8 =	vld [tilespmem:$0x1FEF0]  }
0x23d: {  	v9 =	vld [tilespmem:$0x1FEE0]  }
0x23e: {  	s12 =	simm.s32 $0x0;
	v10 =	vld [tilespmem:$0x1FF00]  }
0x23f: {  	v0 =	vor.u32 s12, v37;
	v11 =	vld [tilespmem:$0x1FF10]  }
0x240: {  	v1 =	vor.u32 s12, v46;
	v12 =	vld [tilespmem:$0x1FF20]  }
0x241: {  	v2 =	vor.u32 s12, v47;
	v13 =	vld [tilespmem:$0x1FF30]  }
0x242: {  	v3 =	vor.u32 s12, v48;
	[sflag:s30] =	ssyncset.done $0x0;
	v14 =	vld [tilespmem:$0x1FF40]  }
0x243: {  	v16 =	vor.u32 s12, v27;
	v15 =	vld [tilespmem:$0x1FF50];
	[sflag:s30] =	ssyncadd.s32 $0xFFFFF000  }
0x244: {  	v0 =	vld.idx.msk [tilespmem:v0+s17+$0x0], $0xffff;
	v4 =	vor.u32 s12, v4  }
0x245: {  	v1 =	vld.idx.msk [tilespmem:v1+s17+$0x0], $0xffff;
	v5 =	vor.u32 s12, v5  }
0x246: {  	v2 =	vld.idx.msk [tilespmem:v2+s17+$0x0], $0xffff;
	v6 =	vor.u32 s12, v6  }
0x247: {  	v3 =	vld.idx.msk [tilespmem:v3+s17+$0x0], $0xffff;
	v7 =	vor.u32 s12, v7  }
0x248: {  	v16 =	vld.idx.msk [tilespmem:v16+s17+$0x0], $0xffff;
	v8 =	vor.u32 s12, v8  }
0x249: {  	v9 =	vor.u32 s12, v9;
	v4 =	vld.idx.msk [tilespmem:v4+s17+$0x0], $0xffff  }
0x24a: {  	v10 =	vor.u32 s12, v10;
	v5 =	vld.idx.msk [tilespmem:v5+s17+$0x0], $0xffff  }
0x24b: {  	v11 =	vor.u32 s12, v11;
	v6 =	vld.idx.msk [tilespmem:v6+s17+$0x0], $0xffff  }
0x24c: {  	v12 =	vor.u32 s12, v12;
	v7 =	vld.idx.msk [tilespmem:v7+s17+$0x0], $0xffff  }
0x24d: {  	v13 =	vor.u32 s12, v13;
	v8 =	vld.idx.msk [tilespmem:v8+s17+$0x0], $0xffff  }
0x24e: {  	v14 =	vor.u32 s12, v14;
	v9 =	vld.idx.msk [tilespmem:v9+s17+$0x0], $0xffff  }
0x24f: {  	v15 =	vor.u32 s12, v15;
	v10 =	vld.idx.msk [tilespmem:v10+s17+$0x0], $0xffff  }
0x250: {  	v11 =	vld.idx.msk [tilespmem:v11+s17+$0x0], $0xffff  }
0x251: {  	v17 =	vor.u32 s12, v28;
	v12 =	vld.idx.msk [tilespmem:v12+s17+$0x0], $0xffff  }
0x252: {  	v18 =	vor.u32 s12, v29;
	v13 =	vld.idx.msk [tilespmem:v13+s17+$0x0], $0xffff  }
0x253: {  	v19 =	vor.u32 s12, v30;
	s28 =	simm.s32 $0xD7F0;
	v14 =	vld.idx.msk [tilespmem:v14+s17+$0x0], $0xffff  }
0x254: {  	v20 =	vor.u32 s12, v31;
	v15 =	vld.idx.msk [tilespmem:v15+s17+$0x0], $0xffff;
	[tilespmem:s28+$0x0] =	vst v9  }
0x255: {  	v9 =	vld [tilespmem:$0x1FF60];
	[tilespmem:s28+$0xFFFFFF10] =	vst v0;
	v0 =	vor.u32 s12, v32  }
0x256: {  	v17 =	vld.idx.msk [tilespmem:v17+s17+$0x0], $0xffff;
	[tilespmem:s28+$0xFFFFFF20] =	vst v1;
	v1 =	vor.u32 s12, v33  }
0x257: {  	v18 =	vld.idx.msk [tilespmem:v18+s17+$0x0], $0xffff;
	[tilespmem:s28+$0xFFFFFF30] =	vst v2;
	v2 =	vor.u32 s12, v34  }
0x258: {  	v19 =	vld.idx.msk [tilespmem:v19+s17+$0x0], $0xffff;
	[tilespmem:s28+$0xFFFFFF40] =	vst v3;
	v3 =	vor.u32 s12, v35  }
0x259: {  	v20 =	vld.idx.msk [tilespmem:v20+s17+$0x0], $0xffff;
	[tilespmem:s28+$0xFFFFFF50] =	vst v4;
	v4 =	vor.u32 s12, v38  }
0x25a: {  	[tilespmem:s28+$0xFFFFFF60] =	vst v5;
	v5 =	vor.u32 s12, v39;
	v0 =	vld.idx.msk [tilespmem:v0+s17+$0x0], $0xffff  }
0x25b: {  	[tilespmem:s28+$0xFFFFFF70] =	vst v6;
	v6 =	vor.u32 s12, v40;
	v1 =	vld.idx.msk [tilespmem:v1+s17+$0x0], $0xffff  }
0x25c: {  	[tilespmem:s28+$0xFFFFFF80] =	vst v7;
	v7 =	vor.u32 s12, v41;
	v2 =	vld.idx.msk [tilespmem:v2+s17+$0x0], $0xffff  }
0x25d: {  	[tilespmem:s28+$0xFFFFFF90] =	vst v8;
	v8 =	vor.u32 s12, v42;
	v3 =	vld.idx.msk [tilespmem:v3+s17+$0x0], $0xffff  }
0x25e: {  	[tilespmem:s28+$0xFFFFFFA0] =	vst v10;
	v10 =	vor.u32 s12, v43;
	v4 =	vld.idx.msk [tilespmem:v4+s17+$0x0], $0xffff  }
0x25f: {  	[tilespmem:s28+$0xFFFFFFB0] =	vst v11;
	v9 =	vor.u32 s12, v9;
	v5 =	vld.idx.msk [tilespmem:v5+s17+$0x0], $0xffff  }
0x260: {  	[tilespmem:s28+$0xFFFFFFF0] =	vst v15;
	v15 =	vor.u32 s12, v53;
	v6 =	vld.idx.msk [tilespmem:v6+s17+$0x0], $0xffff  }
0x261: {  	v11 =	vor.u32 s12, v49;
	[tilespmem:s28+$0xFFFFFFC0] =	vst v12;
	v7 =	vld.idx.msk [tilespmem:v7+s17+$0x0], $0xffff  }
0x262: {  	v12 =	vor.u32 s12, v50;
	[tilespmem:s28+$0xFFFFFFD0] =	vst v13;
	v8 =	vld.idx.msk [tilespmem:v8+s17+$0x0], $0xffff  }
0x263: {  	v13 =	vor.u32 s12, v51;
	[tilespmem:s28+$0xFFFFFFE0] =	vst v14;
	v10 =	vld.idx.msk [tilespmem:v10+s17+$0x0], $0xffff  }
0x264: {  	v14 =	vor.u32 s12, v52;
	v9 =	vld.idx.msk [tilespmem:v9+s17+$0x0], $0xffff;
	[tilespmem:s28+$0xFFFFFC20] =	vst v16  }
0x265: {  	v21 =	vld.idx.msk [tilespmem:v15+s17+$0x0], $0xffff;
	v15 =	vor.u32 s12, v59;
	[tilespmem:s28+$0xFFFFFC30] =	vst v17  }
0x266: {  	v11 =	vld.idx.msk [tilespmem:v11+s17+$0x0], $0xffff;
	v16 =	vor.u32 s12, v55;
	[tilespmem:s28+$0xFFFFFC40] =	vst v18  }
0x267: {  	v12 =	vld.idx.msk [tilespmem:v12+s17+$0x0], $0xffff;
	v17 =	vor.u32 s12, v56;
	[tilespmem:s28+$0xFFFFFC50] =	vst v19  }
0x268: {  	v13 =	vld.idx.msk [tilespmem:v13+s17+$0x0], $0xffff;
	v18 =	vor.u32 s12, v57;
	[tilespmem:s28+$0xFFFFFC60] =	vst v20  }
0x269: {  	v14 =	vld.idx.msk [tilespmem:v14+s17+$0x0], $0xffff;
	[tilespmem:s28+$0xFFFFFC70] =	vst v0  }
0x26a: {  	v19 =	vor.u32 s12, v58;
	[tilespmem:s28+$0xFFFFFC80] =	vst v1;
	v26 =	vld.idx.msk [tilespmem:v15+s17+$0x0], $0xffff  }
0x26b: {  	[tilespmem:s28+$0xFFFFFC90] =	vst v2;
	v22 =	vld.idx.msk [tilespmem:v16+s17+$0x0], $0xffff  }
0x26c: {  	v0 =	vor.u32 s12, v60;
	[tilespmem:s28+$0xFFFFFCA0] =	vst v3;
	v23 =	vld.idx.msk [tilespmem:v17+s17+$0x0], $0xffff  }
0x26d: {  	[tilespmem:s28+$0xFFFFFC10] =	vst v9;
	v24 =	vld.idx.msk [tilespmem:v18+s17+$0x0], $0xffff  }
0x26e: {  	v1 =	vor.u32 s12, v61;
	v3 =	vld [tilespmem:$0x1FF70]  }
0x26f: {  	v25 =	vld.idx.msk [tilespmem:v19+s17+$0x0], $0xffff;
	[tilespmem:s28+$0xFFFFFCB0] =	vst v4  }
0x270: {  	v2 =	vor.u32 s12, v62;
	v4 =	vld [tilespmem:$0x1FF80];
	[tilespmem:s28+$0xFFFFFCC0] =	vst v5  }
0x271: {  	v9 =	vor.u32 s12, v54;
	v0 =	vld.idx.msk [tilespmem:v0+s17+$0x0], $0xffff;
	[tilespmem:s28+$0xFFFFFCD0] =	vst v6  }
0x272: {  	v5 =	vld [tilespmem:$0x1FFC0]  }
0x273: {  	v20 =	vld.idx.msk [tilespmem:v1+s17+$0x0], $0xffff;
	[tilespmem:s28+$0xFFFFFCE0] =	vst v7;
	v3 =	vor.u32 s12, v3  }
0x274: {  	v1 =	vld [tilespmem:$0x1FF90]  }
0x275: {  	v15 =	vld.idx.msk [tilespmem:v2+s17+$0x0], $0xffff;
	v4 =	vor.u32 s12, v4  }
0x276: {  	[tilespmem:s28+$0xFFFFFCF0] =	vst v8;
	v9 =	vld.idx.msk [tilespmem:v9+s17+$0x0], $0xffff  }
0x277: {  	v2 =	vld [tilespmem:$0x1FFD0];
	v5 =	vor.u32 s12, v5  }
0x278: {  	[tilespmem:s28+$0xFFFFFD00] =	vst v10;
	v16 =	vld.idx.msk [tilespmem:v3+s17+$0x0], $0xffff  }
0x279: {  	v1 =	vor.u32 s12, v1;
	v3 =	vld [tilespmem:$0x1FFA0]  }
0x27a: {  	v17 =	vld.idx.msk [tilespmem:v4+s17+$0x0], $0xffff;
	[tilespmem:s28+$0xFFFFFD10] =	vst v11  }
0x27b: {  	v4 =	vld [tilespmem:$0x1FFE0]  }
0x27c: {  	[tilespmem:s28+$0xFFFFFD20] =	vst v12;
	v18 =	vld.idx.msk [tilespmem:v5+s17+$0x0], $0xffff  }
0x27d: {  	v6 =	vld [tilespmem:$0x1FFB0]  }
0x27e: {  	v2 =	vor.u32 s12, v2;
	[tilespmem:s28+$0xFFFFFD30] =	vst v13;
	v19 =	vld.idx.msk [tilespmem:v1+s17+$0x0], $0xffff  }
0x27f: {  	v5 =	vld [tilespmem:$0x1FFF0];
	[tilespmem:s28+$0xFFFFFD40] =	vst v14  }
0x280: {  	v3 =	vor.u32 s12, v3;
	v1 =	vld [tilespmem:$0x1FC10];
	_ =	sdelay $0x1  }
0x281: {  	v4 =	vor.u32 s12, v4  }
0x282: {  	v11 =	vld.idx.msk [tilespmem:v2+s17+$0x0], $0xffff;
	[tilespmem:s28+$0xFFFFFD50] =	vst v21  }
0x283: {  	v2 =	vld [tilespmem:$0x1FC20]  }
0x284: {  	[tilespmem:s28+$0xFFFFFD60] =	vst v9;
	v1 =	vor.u32 s12, v1;
	v12 =	vld.idx.msk [tilespmem:v3+s17+$0x0], $0xffff  }
0x285: {  	v3 =	vld [tilespmem:$0x1FC30]  }
0x286: {  	[tilespmem:s28+$0xFFFFFD70] =	vst v22;
	v13 =	vld.idx.msk [tilespmem:v4+s17+$0x0], $0xffff  }
0x287: {  	v4 =	vld [tilespmem:$0x1FC40];
	[tilespmem:s28+$0xFFFFFD80] =	vst v23  }
0x288: {  	[tilespmem:s28+$0xFFFFFD90] =	vst v24  }
0x289: {  	[tilespmem:s28+$0xFFFFFDA0] =	vst v25;
	v8 =	vld.idx.msk [tilespmem:v1+s17+$0x0], $0xffff  }
0x28a: {  	v1 =	vld [tilespmem:$0x1FC50];
	_ =	sdelay $0x3  }
0x28b: {  	v2 =	vor.u32 s12, v2  }
0x28c: {  	v9 =	vor.u32 s12, v4;
	v4 =	vor.u32 s12, v1;
	v1 =	vld [tilespmem:$0x1FC60];
	_ =	sdelay $0x2  }
0x28d: {  	v5 =	vor.u32 s12, v5  }
0x28e: {  	v3 =	vor.u32 s12, v3;
	v7 =	vld.idx.msk [tilespmem:v2+s17+$0x0], $0xffff;
	[tilespmem:s28+$0xFFFFFDB0] =	vst v26  }
0x28f: {  	v2 =	vor.u32 s12, v1;
	v1 =	vld [tilespmem:$0x1FC70];
	_ =	sdelay $0x2  }
0x290: {  	v10 =	vld.idx.msk [tilespmem:v5+s17+$0x0], $0xffff  }
0x291: {  	v5 =	vld.idx.msk [tilespmem:v3+s17+$0x0], $0xffff  }
0x292: {  	v6 =	vor.u32 s12, v6;
	v3 =	vor.u32 s12, v1;
	v1 =	vld [tilespmem:$0x1FC80];
	[tilespmem:s28+$0xFFFFFDC0] =	vst v0  }
0x293: {  	v0 =	vld [tilespmem:$0x1FC90];
	_ =	sdelay $0x3  }
0x294: {  	v14 =	vld.idx.msk [tilespmem:v6+s17+$0x0], $0xffff;
	v1 =	vor.u32 s12, v1  }
0x295: {  	s31 =	simm.s32 $0x0;
	v6 =	vld.idx.msk [tilespmem:v9+s17+$0x0], $0xffff;
	v0 =	vor.u32 s12, v0;
	s12 =	simm.s32 $0x8  }
.LBB2_7:
0x296: {  	v4 =	vld.idx.msk [tilespmem:v4+s17+$0x0], $0xffff  }
0x297: {  	v2 =	vld.idx.msk [tilespmem:v2+s17+$0x0], $0xffff  }
0x298: {  	v3 =	vld.idx.msk [tilespmem:v3+s17+$0x0], $0xffff  }
0x299: {  	v1 =	vld.idx.msk [tilespmem:v1+s17+$0x0], $0xffff  }
0x29a: {  	v22 =	vld [tilespmem:$0x1FEA0]  }
0x29b: {  	v0 =	vld.idx.msk [tilespmem:v0+s17+$0x0], $0xffff;
	[tilespmem:s28+$0xFFFFFDD0] =	vst v20  }
0x29c: {  	[tilespmem:s28+$0xFFFFFE70] =	vst v10;
	v10 =	vld [tilespmem:$0x1FF10]  }
0x29d: {  	[tilespmem:s28+$0xFFFFFE80] =	vst v8;
	v8 =	vld [tilespmem:$0x1FF20]  }
0x29e: {  	[tilespmem:s28+$0xFFFFFE90] =	vst v7;
	v7 =	vld [tilespmem:$0x1FF30]  }
0x29f: {  	v9 =	vor.u32 s12, v37;
	[tilespmem:s28+$0xFFFFFEA0] =	vst v5;
	v5 =	vld [tilespmem:$0x1FF70]  }
0x2a0: {  	[tilespmem:s28+$0xFFFFFEC0] =	vst v4;
	v4 =	vld [tilespmem:$0x1FF90]  }
0x2a1: {  	v20 =	vor.u32 s12, v46;
	[tilespmem:s28+$0xFFFFFED0] =	vst v2;
	v2 =	vld [tilespmem:$0x1FFE0]  }
0x2a2: {  	[tilespmem:s28+$0xFFFFFEF0] =	vst v1;
	v1 =	vld [tilespmem:$0x1FC40]  }
0x2a3: {  	v21 =	vor.u32 s12, v47;
	[tilespmem:s28+$0xFFFFFF00] =	vst v0;
	v0 =	vld [tilespmem:$0x1FC70]  }
0x2a4: {  	v23 =	vor.u32 s12, v48;
	v47 =	vld.idx.msk [tilespmem:v9+s17+$0x0], $0xffff  }
0x2a5: {  	v44 =	vor.u32 s12, v27;
	v9 =	vld [tilespmem:$0x1FEB0]  }
0x2a6: {  	v36 =	vor.u32 s12, v28;
	v48 =	vld.idx.msk [tilespmem:v20+s17+$0x0], $0xffff  }
0x2a7: {  	v45 =	vor.u32 s12, v29;
	v20 =	vld [tilespmem:$0x1FEC0]  }
0x2a8: {  	v37 =	vor.u32 s12, v30;
	[tilespmem:s28+$0xFFFFFE30] =	vst v11;
	v11 =	vor.u32 s12, v49;
	v49 =	vld.idx.msk [tilespmem:v21+s17+$0x0], $0xffff  }
0x2a9: {  	v46 =	vor.u32 s12, v31;
	v24 =	vor.u32 s12, v22;
	v22 =	vor.u32 s12, v50;
	v50 =	vld.idx.msk [tilespmem:v23+s17+$0x0], $0xffff  }
0x2aa: {  	[tilespmem:s28+$0xFFFFFDE0] =	vst v15;
	v15 =	vor.u32 s12, v32;
	v44 =	vld.idx.msk [tilespmem:v44+s17+$0x0], $0xffff  }
0x2ab: {  	v30 =	vor.u32 s12, v33;
	v36 =	vld.idx.msk [tilespmem:v36+s17+$0x0], $0xffff  }
0x2ac: {  	[tilespmem:s28+$0xFFFFFDF0] =	vst v16;
	v16 =	vor.u32 s12, v34;
	v45 =	vld.idx.msk [tilespmem:v45+s17+$0x0], $0xffff  }
0x2ad: {  	v31 =	vor.u32 s12, v35;
	v37 =	vld.idx.msk [tilespmem:v37+s17+$0x0], $0xffff  }
0x2ae: {  	[tilespmem:s28+$0xFFFFFE00] =	vst v17;
	v17 =	vor.u32 s12, v38;
	v46 =	vld.idx.msk [tilespmem:v46+s17+$0x0], $0xffff  }
0x2af: {  	v32 =	vor.u32 s12, v39;
	v15 =	vld.idx.msk [tilespmem:v15+s17+$0x0], $0xffff  }
0x2b0: {  	[tilespmem:s28+$0xFFFFFE10] =	vst v18;
	v18 =	vor.u32 s12, v40;
	v30 =	vld.idx.msk [tilespmem:v30+s17+$0x0], $0xffff  }
0x2b1: {  	v33 =	vor.u32 s12, v41;
	v16 =	vld.idx.msk [tilespmem:v16+s17+$0x0], $0xffff  }
0x2b2: {  	[tilespmem:s28+$0xFFFFFE20] =	vst v19;
	v19 =	vor.u32 s12, v42;
	v31 =	vld.idx.msk [tilespmem:v31+s17+$0x0], $0xffff  }
0x2b3: {  	v17 =	vld.idx.msk [tilespmem:v17+s17+$0x0], $0xffff  }
0x2b4: {  	v34 =	vor.u32 s12, v43;
	v32 =	vld.idx.msk [tilespmem:v32+s17+$0x0], $0xffff  }
0x2b5: {  	v18 =	vld.idx.msk [tilespmem:v18+s17+$0x0], $0xffff  }
0x2b6: {  	[tilespmem:s28+$0xFFFFFE40] =	vst v12;
	v12 =	vor.u32 s12, v51;
	v33 =	vld.idx.msk [tilespmem:v33+s17+$0x0], $0xffff  }
0x2b7: {  	[tilespmem:s28+$0xFFFFFE50] =	vst v13;
	v13 =	vor.u32 s12, v53;
	v19 =	vld.idx.msk [tilespmem:v19+s17+$0x0], $0xffff  }
0x2b8: {  	v25 =	vor.u32 s12, v20;
	v20 =	vld [tilespmem:$0x1FED0]  }
0x2b9: {  	v35 =	vor.u32 s12, v54;
	v34 =	vld.idx.msk [tilespmem:v34+s17+$0x0], $0xffff  }
0x2ba: {  	v11 =	vld.idx.msk [tilespmem:v11+s17+$0x0], $0xffff  }
0x2bb: {  	v12 =	vld.idx.msk [tilespmem:v12+s17+$0x0], $0xffff  }
0x2bc: {  	v13 =	vld.idx.msk [tilespmem:v13+s17+$0x0], $0xffff  }
0x2bd: {  	v21 =	vor.u32 s12, v20;
	v20 =	vld [tilespmem:$0x1FEF0]  }
0x2be: {  	v10 =	vor.u32 s12, v10;
	v35 =	vld.idx.msk [tilespmem:v35+s17+$0x0], $0xffff  }
0x2bf: {  	v51 =	vld.idx.msk [tilespmem:v24+s17+$0x0], $0xffff;
	v9 =	vor.u32 s12, v9  }
0x2c0: {  	v42 =	vor.u32 s12, v4;
	v4 =	vld [tilespmem:$0x1FFD0]  }
0x2c1: {  	[tilespmem:s28+$0xFFFFFEB0] =	vst v6;
	v6 =	vor.u32 s12, v1;
	v1 =	vld [tilespmem:$0x1FC50]  }
0x2c2: {  	[tilespmem:s28+$0xFFFFFEE0] =	vst v3;
	v3 =	vor.u32 s12, v0;
	v0 =	vld [tilespmem:$0x1FC80];
	v27 =	vor.u32 s12, v20  }
0x2c3: {  	v41 =	vor.u32 s12, v62;
	v62 =	vld.idx.msk [tilespmem:v10+s17+$0x0], $0xffff  }
0x2c4: {  	v23 =	vor.u32 s12, v52;
	v52 =	vld.idx.msk [tilespmem:v9+s17+$0x0], $0xffff  }
0x2c5: {  	v54 =	vld.idx.msk [tilespmem:v21+s17+$0x0], $0xffff  }
0x2c6: {  	v21 =	vor.u32 s12, v2;
	v2 =	vld [tilespmem:$0x1FFB0]  }
0x2c7: {  	v38 =	vor.u32 s12, v56;
	v56 =	vld.idx.msk [tilespmem:v27+s17+$0x0], $0xffff  }
0x2c8: {  	v27 =	vor.u32 s12, v5;
	v5 =	vld [tilespmem:$0x1FF40]  }
0x2c9: {  	v9 =	vld [tilespmem:$0x1FF00]  }
0x2ca: {  	v20 =	vld [tilespmem:$0x1FEE0]  }
0x2cb: {  	v10 =	vor.u32 s12, v2;
	v2 =	vld [tilespmem:$0x1FFF0]  }
0x2cc: {  	v24 =	vor.u32 s12, v57;
	v57 =	vor.u32 s12, v7;
	v22 =	vld.idx.msk [tilespmem:v22+s17+$0x0], $0xffff  }
0x2cd: {  	v39 =	vor.u32 s12, v58;
	v58 =	vor.u32 s12, v5;
	v5 =	vld [tilespmem:$0x1FF80]  }
0x2ce: {  	v23 =	vld.idx.msk [tilespmem:v23+s17+$0x0], $0xffff  }
0x2cf: {  	v29 =	vor.u32 s12, v4;
	v4 =	vld [tilespmem:$0x1FFA0];
	v9 =	vor.u32 s12, v9;
	v28 =	vor.u32 s12, v20  }
0x2d0: {  	v20 =	vor.u32 s12, v55;
	v55 =	vor.u32 s12, v8;
	v8 =	vor.u32 s12, v2;
	v2 =	vld [tilespmem:$0x1FC10]  }
0x2d1: {  	v57 =	vld.idx.msk [tilespmem:v57+s17+$0x0], $0xffff  }
0x2d2: {  	v43 =	vor.u32 s12, v5;
	v5 =	vld [tilespmem:$0x1FFC0]  }
0x2d3: {  	v53 =	vld.idx.msk [tilespmem:v25+s17+$0x0], $0xffff  }
0x2d4: {  	v40 =	vor.u32 s12, v60;
	v60 =	vld.idx.msk [tilespmem:v9+s17+$0x0], $0xffff  }
0x2d5: {  	v9 =	vor.u32 s12, v2;
	v2 =	vld [tilespmem:$0x1FC20]  }
0x2d6: {  	v25 =	vor.u32 s12, v59;
	v59 =	vld.idx.msk [tilespmem:v28+s17+$0x0], $0xffff  }
0x2d7: {  	v28 =	vor.u32 s12, v5;
	v5 =	vld [tilespmem:$0x1FF50]  }
0x2d8: {  	v24 =	vld.idx.msk [tilespmem:v24+s17+$0x0], $0xffff  }
0x2d9: {  	[tilespmem:s28+$0xFFFFFE60] =	vst v14;
	v14 =	vor.u32 s12, v4;
	v4 =	vor.u32 s12, v1;
	v1 =	vld [tilespmem:$0x1FC60]  }
0x2da: {  	v7 =	vor.u32 s12, v2;
	v2 =	vld [tilespmem:$0x1FC30]  }
0x2db: {  	v6 =	vld.idx.msk [tilespmem:v6+s17+$0x0], $0xffff  }
0x2dc: {  	v26 =	vor.u32 s12, v61;
	v25 =	vld.idx.msk [tilespmem:v25+s17+$0x0], $0xffff;
	v61 =	vor.u32 s12, v5  }
0x2dd: {  	v55 =	vld.idx.msk [tilespmem:v55+s17+$0x0], $0xffff  }
0x2de: {  	v58 =	vld.idx.msk [tilespmem:v58+s17+$0x0], $0xffff  }
0x2df: {  	v5 =	vor.u32 s12, v2;
	v2 =	vor.u32 s12, v1;
	v1 =	vor.u32 s12, v0;
	v0 =	vld [tilespmem:$0x1FC90]  }
0x2e0: {  	v7 =	vld.idx.msk [tilespmem:v7+s17+$0x0], $0xffff  }
0x2e1: {  	s28 =	sadd.s32 $0x400, s28;
	v61 =	vld.idx.msk [tilespmem:v61+s17+$0x0], $0xffff  }
0x2e2: {  	[tilespmem:s28+$0x0] =	vst v59;
	v59 =	vld [tilespmem:$0x1FF60]  }
0x2e3: {  	[tilespmem:s28+$0xFFFFFF20] =	vst v48;
	v48 =	vld [tilespmem:$0x1FCD0]  }
0x2e4: {  	[tilespmem:s28+$0xFFFFFF30] =	vst v49;
	v49 =	vld [tilespmem:$0x1FDC0]  }
0x2e5: {  	[tilespmem:s28+$0xFFFFFF40] =	vst v50;
	v50 =	vld [tilespmem:$0x1FDD0]  }
0x2e6: {  	[tilespmem:s28+$0xFFFFFF50] =	vst v51;
	v51 =	vld [tilespmem:$0x1FDE0]  }
0x2e7: {  	[tilespmem:s28+$0xFFFFFF60] =	vst v52;
	v52 =	vld [tilespmem:$0x1FDF0]  }
0x2e8: {  	[tilespmem:s28+$0xFFFFFF70] =	vst v53;
	v53 =	vld [tilespmem:$0x1FE00]  }
0x2e9: {  	[tilespmem:s28+$0xFFFFFF80] =	vst v54;
	v54 =	vld [tilespmem:$0x1FE10]  }
0x2ea: {  	[tilespmem:s28+$0xFFFFFF90] =	vst v56;
	v56 =	vld [tilespmem:$0x1FE30]  }
0x2eb: {  	[tilespmem:s28+$0xFFFFFFA0] =	vst v60;
	v60 =	vld [tilespmem:$0x1FE70]  }
0x2ec: {  	[tilespmem:s28+$0xFFFFFFC0] =	vst v55;
	v55 =	vld [tilespmem:$0x1FE20];
	v59 =	vor.u32 s12, v59  }
0x2ed: {  	[tilespmem:s28+$0xFFFFFFD0] =	vst v57;
	v57 =	vld [tilespmem:$0x1FE40]  }
0x2ee: {  	[tilespmem:s28+$0xFFFFFFE0] =	vst v58;
	v58 =	vld [tilespmem:$0x1FE50]  }
0x2ef: {  	v5 =	vld.idx.msk [tilespmem:v5+s17+$0x0], $0xffff  }
0x2f0: {  	[tilespmem:s28+$0xFFFFFFF0] =	vst v61;
	v61 =	vld [tilespmem:$0x1FE80]  }
0x2f1: {  	[tilespmem:s28+$0xFFFFFF10] =	vst v47;
	v47 =	vld.idx.msk [tilespmem:v59+s17+$0x0], $0xffff  }
0x2f2: {  	v59 =	vld [tilespmem:$0x1FE60]  }
0x2f3: {  	[tilespmem:s28+$0xFFFFFC50] =	vst v37;
	v37 =	vld [tilespmem:$0x1FCA0]  }
0x2f4: {  	[tilespmem:s28+$0xFFFFFC60] =	vst v46;
	v46 =	vld [tilespmem:$0x1FCB0]  }
0x2f5: {  	[tilespmem:s28+$0xFFFFFC80] =	vst v30;
	v30 =	vld.idx.msk [tilespmem:v20+s17+$0x0], $0xffff  }
0x2f6: {  	[tilespmem:s28+$0xFFFFFC30] =	vst v36;
	v36 =	vld.idx.msk [tilespmem:v38+s17+$0x0], $0xffff  }
0x2f7: {  	v38 =	vld [tilespmem:$0x1FD60]  }
0x2f8: {  	[tilespmem:s28+$0xFFFFFCA0] =	vst v31;
	v31 =	vld.idx.msk [tilespmem:v39+s17+$0x0], $0xffff  }
0x2f9: {  	v39 =	vld [tilespmem:$0x1FD70]  }
0x2fa: {  	[tilespmem:s28+$0xFFFFFC40] =	vst v45;
	v45 =	vld.idx.msk [tilespmem:v40+s17+$0x0], $0xffff  }
0x2fb: {  	v40 =	vld [tilespmem:$0x1FD80]  }
0x2fc: {  	[tilespmem:s28+$0xFFFFFCE0] =	vst v33;
	v33 =	vld [tilespmem:$0x1FD30]  }
0x2fd: {  	v20 =	vld.idx.msk [tilespmem:v26+s17+$0x0], $0xffff  }
0x2fe: {  	[tilespmem:s28+$0xFFFFFC70] =	vst v15;
	v15 =	vld.idx.msk [tilespmem:v41+s17+$0x0], $0xffff  }
0x2ff: {  	v41 =	vld [tilespmem:$0x1FD90]  }
0x300: {  	[tilespmem:s28+$0xFFFFFD00] =	vst v34;
	v34 =	vld [tilespmem:$0x1FD40]  }
0x301: {  	[tilespmem:s28+$0xFFFFFC90] =	vst v16;
	v16 =	vld.idx.msk [tilespmem:v27+s17+$0x0], $0xffff  }
0x302: {  	[tilespmem:s28+$0xFFFFFFB0] =	vst v62;
	v27 =	vld [tilespmem:$0x1FCE0]  }
0x303: {  	[tilespmem:s28+$0xFFFFFCB0] =	vst v17;
	v17 =	vld.idx.msk [tilespmem:v43+s17+$0x0], $0xffff  }
0x304: {  	[tilespmem:s28+$0xFFFFFC20] =	vst v44;
	v43 =	vld [tilespmem:$0x1FDB0]  }
0x305: {  	[tilespmem:s28+$0xFFFFFCD0] =	vst v18;
	v18 =	vld.idx.msk [tilespmem:v28+s17+$0x0], $0xffff  }
0x306: {  	[tilespmem:s28+$0xFFFFFCC0] =	vst v32;
	v28 =	vld [tilespmem:$0x1FCF0]  }
0x307: {  	[tilespmem:s28+$0xFFFFFCF0] =	vst v19;
	v19 =	vld.idx.msk [tilespmem:v42+s17+$0x0], $0xffff  }
0x308: {  	[tilespmem:s28+$0xFFFFFD10] =	vst v11;
	v42 =	vld [tilespmem:$0x1FDA0]  }
0x309: {  	[tilespmem:s28+$0xFFFFFD20] =	vst v22;
	v11 =	vld.idx.msk [tilespmem:v29+s17+$0x0], $0xffff  }
0x30a: {  	[tilespmem:s28+$0xFFFFFD30] =	vst v12;
	v29 =	vld [tilespmem:$0x1FE90]  }
0x30b: {  	[tilespmem:s28+$0xFFFFFD40] =	vst v23;
	v12 =	vld.idx.msk [tilespmem:v14+s17+$0x0], $0xffff  }
0x30c: {  	[tilespmem:s28+$0xFFFFFD60] =	vst v35;
	v35 =	vld [tilespmem:$0x1FD50]  }
0x30d: {  	[tilespmem:s28+$0xFFFFFD50] =	vst v13;
	v13 =	vld.idx.msk [tilespmem:v21+s17+$0x0], $0xffff  }
0x30e: {  	s31 =	sadd.s32 $0x4, s31;
	v14 =	vld.idx.msk [tilespmem:v10+s17+$0x0], $0xffff;
	[tilespmem:s28+$0xFFFFFD90] =	vst v24  }
0x30f: {  	p1 =	slt.u32 s31, $0xC;
	v10 =	vld.idx.msk [tilespmem:v8+s17+$0x0], $0xffff;
	[tilespmem:s28+$0xFFFFFDB0] =	vst v25  }
.Ltmp2:
0x310: {  	v8 =	vld.idx.msk [tilespmem:v9+s17+$0x0], $0xffff;
	[tilespmem:s28+$0xFFFFFC10] =	vst v47;
	(pc) =	sbr.rel @p1 .LBB2_7-.Ltmp2, $4  }
0x311: {  	v32 =	vld [tilespmem:$0x1FD20];
	[tilespmem:s28+$0xFFFFFD70] =	vst v30  }
0x312: {  	v47 =	vld [tilespmem:$0x1FCC0];
	[tilespmem:s28+$0xFFFFFD80] =	vst v36  }
0x313: {  	v30 =	vld [tilespmem:$0x1FD00];
	[tilespmem:s28+$0xFFFFFDA0] =	vst v31  }
0x314: {  	v0 =	vor.u32 s12, v0;
	v62 =	vmov v63;
	s12 =	sadd.s32 $0x8, s12;
	v31 =	vld [tilespmem:$0x1FD10];
	[tilespmem:s28+$0xFFFFFDC0] =	vst v45  }
0x315: {  	_ =	sdelay $0x3  }
0x316: {  	v4 =	vld.idx.msk [tilespmem:v4+s17+$0x0], $0xffff;
	[tilespmem:s28+$0xFFFFFDD0] =	vst v20  }
0x317: {  	v2 =	vld.idx.msk [tilespmem:v2+s17+$0x0], $0xffff;
	[tilespmem:s28+$0xFFFFFDE0] =	vst v15  }
0x318: {  	v3 =	vld.idx.msk [tilespmem:v3+s17+$0x0], $0xffff;
	[tilespmem:s28+$0xFFFFFDF0] =	vst v16  }
0x319: {  	v1 =	vld.idx.msk [tilespmem:v1+s17+$0x0], $0xffff;
	[tilespmem:s28+$0xFFFFFE00] =	vst v17  }
0x31a: {  	v0 =	vld.idx.msk [tilespmem:v0+s17+$0x0], $0xffff;
	[tilespmem:s28+$0xFFFFFE10] =	vst v18  }
0x31b: {  	[tilespmem:s28+$0xFFFFFE20] =	vst v19  }
0x31c: {  	[tilespmem:s28+$0xFFFFFE30] =	vst v11  }
0x31d: {  	[tilespmem:s28+$0xFFFFFE40] =	vst v12  }
0x31e: {  	[tilespmem:s28+$0xFFFFFE50] =	vst v13  }
0x31f: {  	[tilespmem:s28+$0xFFFFFE60] =	vst v14  }
0x320: {  	[tilespmem:s28+$0xFFFFFE70] =	vst v10  }
0x321: {  	[tilespmem:s28+$0xFFFFFE80] =	vst v8  }
0x322: {  	[tilespmem:s28+$0xFFFFFE90] =	vst v7  }
0x323: {  	[tilespmem:s28+$0xFFFFFEA0] =	vst v5  }
0x324: {  	[tilespmem:s28+$0xFFFFFEB0] =	vst v6  }
0x325: {  	[tilespmem:s28+$0xFFFFFEC0] =	vst v4  }
0x326: {  	[tilespmem:s28+$0xFFFFFED0] =	vst v2  }
0x327: {  	s3 =	sadd.s32 s8, s10;
	[tilespmem:s28+$0xFFFFFEE0] =	vst v3  }
0x328: {  	s3 =	sshrl.u32 s3, $0x3;
	[tilespmem:s28+$0xFFFFFEF0] =	vst v1  }
0x329: {  	s12 =	simm.s32 $0xD400;
	s3 =	sadd.s32 s2, s3;
	[tilespmem:s28+$0xFFFFFF00] =	vst v0  }
0x32a: {  	[hbm4b:s3+s22] =	stream.strided.scatter [tilespmem:s12], [sflag:$0x8], $0x1000, s23, s22, $0x38;
	[tilespmem:$0x10400] =	vst v63  }
0x32b: {  	_ =	swait.ge [sflag:s1], $0x1000  }
0x32c: {  	s31 =	simm.s32 @!p0 $0x8400;
	[sflag:s1] =	ssyncset.done $0x0  }
0x32d: {  	s28 =	simm.s32 @!p0 $0x80;
	s3 =	sadd.s32 @!p0 $0x380, s24;
	[sflag:s1] =	ssyncadd.s32 $0xFFFFF000  }
0x32e: {  	[tilespmem:s31], [sflag:$0x3] =	stream.indirect.gather @!p0 [hbm4b:s4+s28], $0x20, s3, s28, $0xb8;
	[tilespmem:$0x10400] =	vst v63  }
0x32f: {  	_ =	swait.ge [sflag:s0], $0x1000  }
0x330: {  	v4 =	vld [tilespmem:$0x1FEA0]  }
0x331: {  	v5 =	vld [tilespmem:$0x1FEB0]  }
0x332: {  	v6 =	vld [tilespmem:$0x1FEC0]  }
0x333: {  	v7 =	vld [tilespmem:$0x1FED0]  }
0x334: {  	v8 =	vld [tilespmem:$0x1FEF0]  }
0x335: {  	v9 =	vld [tilespmem:$0x1FEE0]  }
0x336: {  	s12 =	simm.s32 $0x0;
	v10 =	vld [tilespmem:$0x1FF00]  }
0x337: {  	v0 =	vor.u32 s12, v37;
	v11 =	vld [tilespmem:$0x1FF10]  }
0x338: {  	v1 =	vor.u32 s12, v46;
	v12 =	vld [tilespmem:$0x1FF20]  }
0x339: {  	v2 =	vor.u32 s12, v47;
	v13 =	vld [tilespmem:$0x1FF30]  }
0x33a: {  	v3 =	vor.u32 s12, v48;
	[sflag:s0] =	ssyncset.done $0x0;
	v14 =	vld [tilespmem:$0x1FF40]  }
0x33b: {  	v16 =	vor.u32 s12, v27;
	v15 =	vld [tilespmem:$0x1FF50];
	[sflag:s0] =	ssyncadd.s32 $0xFFFFF000  }
0x33c: {  	v0 =	vld.idx.msk [tilespmem:v0+s19+$0x0], $0xffff;
	v4 =	vor.u32 s12, v4  }
0x33d: {  	v1 =	vld.idx.msk [tilespmem:v1+s19+$0x0], $0xffff;
	v5 =	vor.u32 s12, v5  }
0x33e: {  	v2 =	vld.idx.msk [tilespmem:v2+s19+$0x0], $0xffff;
	v6 =	vor.u32 s12, v6  }
0x33f: {  	v3 =	vld.idx.msk [tilespmem:v3+s19+$0x0], $0xffff;
	v7 =	vor.u32 s12, v7  }
0x340: {  	v16 =	vld.idx.msk [tilespmem:v16+s19+$0x0], $0xffff;
	v8 =	vor.u32 s12, v8  }
0x341: {  	v9 =	vor.u32 s12, v9;
	v4 =	vld.idx.msk [tilespmem:v4+s19+$0x0], $0xffff  }
0x342: {  	v10 =	vor.u32 s12, v10;
	v5 =	vld.idx.msk [tilespmem:v5+s19+$0x0], $0xffff  }
0x343: {  	v11 =	vor.u32 s12, v11;
	v6 =	vld.idx.msk [tilespmem:v6+s19+$0x0], $0xffff  }
0x344: {  	v12 =	vor.u32 s12, v12;
	v7 =	vld.idx.msk [tilespmem:v7+s19+$0x0], $0xffff  }
0x345: {  	v13 =	vor.u32 s12, v13;
	v8 =	vld.idx.msk [tilespmem:v8+s19+$0x0], $0xffff  }
0x346: {  	v14 =	vor.u32 s12, v14;
	v9 =	vld.idx.msk [tilespmem:v9+s19+$0x0], $0xffff  }
0x347: {  	v15 =	vor.u32 s12, v15;
	v10 =	vld.idx.msk [tilespmem:v10+s19+$0x0], $0xffff  }
0x348: {  	v11 =	vld.idx.msk [tilespmem:v11+s19+$0x0], $0xffff  }
0x349: {  	v17 =	vor.u32 s12, v28;
	v12 =	vld.idx.msk [tilespmem:v12+s19+$0x0], $0xffff  }
0x34a: {  	v18 =	vor.u32 s12, v29;
	v13 =	vld.idx.msk [tilespmem:v13+s19+$0x0], $0xffff  }
0x34b: {  	v19 =	vor.u32 s12, v30;
	s28 =	simm.s32 $0xE7F0;
	v14 =	vld.idx.msk [tilespmem:v14+s19+$0x0], $0xffff  }
0x34c: {  	v20 =	vor.u32 s12, v31;
	v15 =	vld.idx.msk [tilespmem:v15+s19+$0x0], $0xffff;
	[tilespmem:s28+$0x0] =	vst v9  }
0x34d: {  	v9 =	vld [tilespmem:$0x1FF60];
	[tilespmem:s28+$0xFFFFFF10] =	vst v0;
	v0 =	vor.u32 s12, v32  }
0x34e: {  	v17 =	vld.idx.msk [tilespmem:v17+s19+$0x0], $0xffff;
	[tilespmem:s28+$0xFFFFFF20] =	vst v1;
	v1 =	vor.u32 s12, v33  }
0x34f: {  	v18 =	vld.idx.msk [tilespmem:v18+s19+$0x0], $0xffff;
	[tilespmem:s28+$0xFFFFFF30] =	vst v2;
	v2 =	vor.u32 s12, v34  }
0x350: {  	v19 =	vld.idx.msk [tilespmem:v19+s19+$0x0], $0xffff;
	[tilespmem:s28+$0xFFFFFF40] =	vst v3;
	v3 =	vor.u32 s12, v35  }
0x351: {  	v20 =	vld.idx.msk [tilespmem:v20+s19+$0x0], $0xffff;
	[tilespmem:s28+$0xFFFFFF50] =	vst v4;
	v4 =	vor.u32 s12, v38  }
0x352: {  	[tilespmem:s28+$0xFFFFFF60] =	vst v5;
	v5 =	vor.u32 s12, v39;
	v0 =	vld.idx.msk [tilespmem:v0+s19+$0x0], $0xffff  }
0x353: {  	[tilespmem:s28+$0xFFFFFF70] =	vst v6;
	v6 =	vor.u32 s12, v40;
	v1 =	vld.idx.msk [tilespmem:v1+s19+$0x0], $0xffff  }
0x354: {  	[tilespmem:s28+$0xFFFFFF80] =	vst v7;
	v7 =	vor.u32 s12, v41;
	v2 =	vld.idx.msk [tilespmem:v2+s19+$0x0], $0xffff  }
0x355: {  	[tilespmem:s28+$0xFFFFFF90] =	vst v8;
	v8 =	vor.u32 s12, v42;
	v3 =	vld.idx.msk [tilespmem:v3+s19+$0x0], $0xffff  }
0x356: {  	[tilespmem:s28+$0xFFFFFFA0] =	vst v10;
	v10 =	vor.u32 s12, v43;
	v4 =	vld.idx.msk [tilespmem:v4+s19+$0x0], $0xffff  }
0x357: {  	[tilespmem:s28+$0xFFFFFFB0] =	vst v11;
	v9 =	vor.u32 s12, v9;
	v5 =	vld.idx.msk [tilespmem:v5+s19+$0x0], $0xffff  }
0x358: {  	[tilespmem:s28+$0xFFFFFFF0] =	vst v15;
	v15 =	vor.u32 s12, v53;
	v6 =	vld.idx.msk [tilespmem:v6+s19+$0x0], $0xffff  }
0x359: {  	v11 =	vor.u32 s12, v49;
	[tilespmem:s28+$0xFFFFFFC0] =	vst v12;
	v7 =	vld.idx.msk [tilespmem:v7+s19+$0x0], $0xffff  }
0x35a: {  	v12 =	vor.u32 s12, v50;
	[tilespmem:s28+$0xFFFFFFD0] =	vst v13;
	v8 =	vld.idx.msk [tilespmem:v8+s19+$0x0], $0xffff  }
0x35b: {  	v13 =	vor.u32 s12, v51;
	[tilespmem:s28+$0xFFFFFFE0] =	vst v14;
	v10 =	vld.idx.msk [tilespmem:v10+s19+$0x0], $0xffff  }
0x35c: {  	v14 =	vor.u32 s12, v52;
	v9 =	vld.idx.msk [tilespmem:v9+s19+$0x0], $0xffff;
	[tilespmem:s28+$0xFFFFFC20] =	vst v16  }
0x35d: {  	v21 =	vld.idx.msk [tilespmem:v15+s19+$0x0], $0xffff;
	v15 =	vor.u32 s12, v59;
	[tilespmem:s28+$0xFFFFFC30] =	vst v17  }
0x35e: {  	v11 =	vld.idx.msk [tilespmem:v11+s19+$0x0], $0xffff;
	v16 =	vor.u32 s12, v55;
	[tilespmem:s28+$0xFFFFFC40] =	vst v18  }
0x35f: {  	v12 =	vld.idx.msk [tilespmem:v12+s19+$0x0], $0xffff;
	v17 =	vor.u32 s12, v56;
	[tilespmem:s28+$0xFFFFFC50] =	vst v19  }
0x360: {  	v13 =	vld.idx.msk [tilespmem:v13+s19+$0x0], $0xffff;
	v18 =	vor.u32 s12, v57;
	[tilespmem:s28+$0xFFFFFC60] =	vst v20  }
0x361: {  	v14 =	vld.idx.msk [tilespmem:v14+s19+$0x0], $0xffff;
	[tilespmem:s28+$0xFFFFFC70] =	vst v0  }
0x362: {  	v19 =	vor.u32 s12, v58;
	[tilespmem:s28+$0xFFFFFC80] =	vst v1;
	v26 =	vld.idx.msk [tilespmem:v15+s19+$0x0], $0xffff  }
0x363: {  	[tilespmem:s28+$0xFFFFFC90] =	vst v2;
	v22 =	vld.idx.msk [tilespmem:v16+s19+$0x0], $0xffff  }
0x364: {  	v0 =	vor.u32 s12, v60;
	[tilespmem:s28+$0xFFFFFCA0] =	vst v3;
	v23 =	vld.idx.msk [tilespmem:v17+s19+$0x0], $0xffff  }
0x365: {  	[tilespmem:s28+$0xFFFFFC10] =	vst v9;
	v24 =	vld.idx.msk [tilespmem:v18+s19+$0x0], $0xffff  }
0x366: {  	v1 =	vor.u32 s12, v61;
	v3 =	vld [tilespmem:$0x1FF70]  }
0x367: {  	v25 =	vld.idx.msk [tilespmem:v19+s19+$0x0], $0xffff;
	[tilespmem:s28+$0xFFFFFCB0] =	vst v4  }
0x368: {  	v2 =	vor.u32 s12, v62;
	v4 =	vld [tilespmem:$0x1FF80];
	[tilespmem:s28+$0xFFFFFCC0] =	vst v5  }
0x369: {  	v9 =	vor.u32 s12, v54;
	v0 =	vld.idx.msk [tilespmem:v0+s19+$0x0], $0xffff;
	[tilespmem:s28+$0xFFFFFCD0] =	vst v6  }
0x36a: {  	v5 =	vld [tilespmem:$0x1FFC0]  }
0x36b: {  	v20 =	vld.idx.msk [tilespmem:v1+s19+$0x0], $0xffff;
	[tilespmem:s28+$0xFFFFFCE0] =	vst v7;
	v3 =	vor.u32 s12, v3  }
0x36c: {  	v1 =	vld [tilespmem:$0x1FF90]  }
0x36d: {  	v15 =	vld.idx.msk [tilespmem:v2+s19+$0x0], $0xffff;
	v4 =	vor.u32 s12, v4  }
0x36e: {  	[tilespmem:s28+$0xFFFFFCF0] =	vst v8;
	v9 =	vld.idx.msk [tilespmem:v9+s19+$0x0], $0xffff  }
0x36f: {  	v2 =	vld [tilespmem:$0x1FFD0];
	v5 =	vor.u32 s12, v5  }
0x370: {  	[tilespmem:s28+$0xFFFFFD00] =	vst v10;
	v16 =	vld.idx.msk [tilespmem:v3+s19+$0x0], $0xffff  }
0x371: {  	v1 =	vor.u32 s12, v1;
	v3 =	vld [tilespmem:$0x1FFA0]  }
0x372: {  	v17 =	vld.idx.msk [tilespmem:v4+s19+$0x0], $0xffff;
	[tilespmem:s28+$0xFFFFFD10] =	vst v11  }
0x373: {  	v4 =	vld [tilespmem:$0x1FFE0]  }
0x374: {  	[tilespmem:s28+$0xFFFFFD20] =	vst v12;
	v18 =	vld.idx.msk [tilespmem:v5+s19+$0x0], $0xffff  }
0x375: {  	v6 =	vld [tilespmem:$0x1FFB0]  }
0x376: {  	v2 =	vor.u32 s12, v2;
	[tilespmem:s28+$0xFFFFFD30] =	vst v13;
	v19 =	vld.idx.msk [tilespmem:v1+s19+$0x0], $0xffff  }
0x377: {  	v5 =	vld [tilespmem:$0x1FFF0];
	[tilespmem:s28+$0xFFFFFD40] =	vst v14  }
0x378: {  	v3 =	vor.u32 s12, v3;
	v1 =	vld [tilespmem:$0x1FC10];
	_ =	sdelay $0x1  }
0x379: {  	v4 =	vor.u32 s12, v4  }
0x37a: {  	v11 =	vld.idx.msk [tilespmem:v2+s19+$0x0], $0xffff;
	[tilespmem:s28+$0xFFFFFD50] =	vst v21  }
0x37b: {  	v2 =	vld [tilespmem:$0x1FC20]  }
0x37c: {  	[tilespmem:s28+$0xFFFFFD60] =	vst v9;
	v1 =	vor.u32 s12, v1;
	v12 =	vld.idx.msk [tilespmem:v3+s19+$0x0], $0xffff  }
0x37d: {  	v3 =	vld [tilespmem:$0x1FC30]  }
0x37e: {  	[tilespmem:s28+$0xFFFFFD70] =	vst v22;
	v13 =	vld.idx.msk [tilespmem:v4+s19+$0x0], $0xffff  }
0x37f: {  	v4 =	vld [tilespmem:$0x1FC40];
	[tilespmem:s28+$0xFFFFFD80] =	vst v23  }
0x380: {  	[tilespmem:s28+$0xFFFFFD90] =	vst v24  }
0x381: {  	[tilespmem:s28+$0xFFFFFDA0] =	vst v25;
	v8 =	vld.idx.msk [tilespmem:v1+s19+$0x0], $0xffff  }
0x382: {  	v1 =	vld [tilespmem:$0x1FC50];
	_ =	sdelay $0x3  }
0x383: {  	v2 =	vor.u32 s12, v2  }
0x384: {  	v9 =	vor.u32 s12, v4;
	v4 =	vor.u32 s12, v1;
	v1 =	vld [tilespmem:$0x1FC60];
	_ =	sdelay $0x2  }
0x385: {  	v5 =	vor.u32 s12, v5  }
0x386: {  	v3 =	vor.u32 s12, v3;
	v7 =	vld.idx.msk [tilespmem:v2+s19+$0x0], $0xffff;
	[tilespmem:s28+$0xFFFFFDB0] =	vst v26  }
0x387: {  	v2 =	vor.u32 s12, v1;
	v1 =	vld [tilespmem:$0x1FC70];
	_ =	sdelay $0x2  }
0x388: {  	v10 =	vld.idx.msk [tilespmem:v5+s19+$0x0], $0xffff  }
0x389: {  	v5 =	vld.idx.msk [tilespmem:v3+s19+$0x0], $0xffff  }
0x38a: {  	v6 =	vor.u32 s12, v6;
	v3 =	vor.u32 s12, v1;
	v1 =	vld [tilespmem:$0x1FC80];
	[tilespmem:s28+$0xFFFFFDC0] =	vst v0  }
0x38b: {  	v0 =	vld [tilespmem:$0x1FC90];
	_ =	sdelay $0x3  }
0x38c: {  	v14 =	vld.idx.msk [tilespmem:v6+s19+$0x0], $0xffff;
	v1 =	vor.u32 s12, v1  }
0x38d: {  	s31 =	simm.s32 $0x0;
	v6 =	vld.idx.msk [tilespmem:v9+s19+$0x0], $0xffff;
	v0 =	vor.u32 s12, v0;
	s12 =	simm.s32 $0x8  }
.LBB2_9:
0x38e: {  	v4 =	vld.idx.msk [tilespmem:v4+s19+$0x0], $0xffff  }
0x38f: {  	v2 =	vld.idx.msk [tilespmem:v2+s19+$0x0], $0xffff  }
0x390: {  	v3 =	vld.idx.msk [tilespmem:v3+s19+$0x0], $0xffff  }
0x391: {  	v1 =	vld.idx.msk [tilespmem:v1+s19+$0x0], $0xffff  }
0x392: {  	v22 =	vld [tilespmem:$0x1FEA0]  }
0x393: {  	v0 =	vld.idx.msk [tilespmem:v0+s19+$0x0], $0xffff;
	[tilespmem:s28+$0xFFFFFDD0] =	vst v20  }
0x394: {  	[tilespmem:s28+$0xFFFFFE70] =	vst v10;
	v10 =	vld [tilespmem:$0x1FF10]  }
0x395: {  	[tilespmem:s28+$0xFFFFFE80] =	vst v8;
	v8 =	vld [tilespmem:$0x1FF20]  }
0x396: {  	[tilespmem:s28+$0xFFFFFE90] =	vst v7;
	v7 =	vld [tilespmem:$0x1FF30]  }
0x397: {  	v9 =	vor.u32 s12, v37;
	[tilespmem:s28+$0xFFFFFEA0] =	vst v5;
	v5 =	vld [tilespmem:$0x1FF70]  }
0x398: {  	[tilespmem:s28+$0xFFFFFEC0] =	vst v4;
	v4 =	vld [tilespmem:$0x1FF90]  }
0x399: {  	v20 =	vor.u32 s12, v46;
	[tilespmem:s28+$0xFFFFFED0] =	vst v2;
	v2 =	vld [tilespmem:$0x1FFE0]  }
0x39a: {  	[tilespmem:s28+$0xFFFFFEF0] =	vst v1;
	v1 =	vld [tilespmem:$0x1FC40]  }
0x39b: {  	v21 =	vor.u32 s12, v47;
	[tilespmem:s28+$0xFFFFFF00] =	vst v0;
	v0 =	vld [tilespmem:$0x1FC70]  }
0x39c: {  	v23 =	vor.u32 s12, v48;
	v47 =	vld.idx.msk [tilespmem:v9+s19+$0x0], $0xffff  }
0x39d: {  	v44 =	vor.u32 s12, v27;
	v9 =	vld [tilespmem:$0x1FEB0]  }
0x39e: {  	v36 =	vor.u32 s12, v28;
	v48 =	vld.idx.msk [tilespmem:v20+s19+$0x0], $0xffff  }
0x39f: {  	v45 =	vor.u32 s12, v29;
	v20 =	vld [tilespmem:$0x1FEC0]  }
0x3a0: {  	v37 =	vor.u32 s12, v30;
	[tilespmem:s28+$0xFFFFFE30] =	vst v11;
	v11 =	vor.u32 s12, v49;
	v49 =	vld.idx.msk [tilespmem:v21+s19+$0x0], $0xffff  }
0x3a1: {  	v46 =	vor.u32 s12, v31;
	v24 =	vor.u32 s12, v22;
	v22 =	vor.u32 s12, v50;
	v50 =	vld.idx.msk [tilespmem:v23+s19+$0x0], $0xffff  }
0x3a2: {  	[tilespmem:s28+$0xFFFFFDE0] =	vst v15;
	v15 =	vor.u32 s12, v32;
	v44 =	vld.idx.msk [tilespmem:v44+s19+$0x0], $0xffff  }
0x3a3: {  	v30 =	vor.u32 s12, v33;
	v36 =	vld.idx.msk [tilespmem:v36+s19+$0x0], $0xffff  }
0x3a4: {  	[tilespmem:s28+$0xFFFFFDF0] =	vst v16;
	v16 =	vor.u32 s12, v34;
	v45 =	vld.idx.msk [tilespmem:v45+s19+$0x0], $0xffff  }
0x3a5: {  	v31 =	vor.u32 s12, v35;
	v37 =	vld.idx.msk [tilespmem:v37+s19+$0x0], $0xffff  }
0x3a6: {  	[tilespmem:s28+$0xFFFFFE00] =	vst v17;
	v17 =	vor.u32 s12, v38;
	v46 =	vld.idx.msk [tilespmem:v46+s19+$0x0], $0xffff  }
0x3a7: {  	v32 =	vor.u32 s12, v39;
	v15 =	vld.idx.msk [tilespmem:v15+s19+$0x0], $0xffff  }
0x3a8: {  	[tilespmem:s28+$0xFFFFFE10] =	vst v18;
	v18 =	vor.u32 s12, v40;
	v30 =	vld.idx.msk [tilespmem:v30+s19+$0x0], $0xffff  }
0x3a9: {  	v33 =	vor.u32 s12, v41;
	v16 =	vld.idx.msk [tilespmem:v16+s19+$0x0], $0xffff  }
0x3aa: {  	[tilespmem:s28+$0xFFFFFE20] =	vst v19;
	v19 =	vor.u32 s12, v42;
	v31 =	vld.idx.msk [tilespmem:v31+s19+$0x0], $0xffff  }
0x3ab: {  	v17 =	vld.idx.msk [tilespmem:v17+s19+$0x0], $0xffff  }
0x3ac: {  	v34 =	vor.u32 s12, v43;
	v32 =	vld.idx.msk [tilespmem:v32+s19+$0x0], $0xffff  }
0x3ad: {  	v18 =	vld.idx.msk [tilespmem:v18+s19+$0x0], $0xffff  }
0x3ae: {  	[tilespmem:s28+$0xFFFFFE40] =	vst v12;
	v12 =	vor.u32 s12, v51;
	v33 =	vld.idx.msk [tilespmem:v33+s19+$0x0], $0xffff  }
0x3af: {  	[tilespmem:s28+$0xFFFFFE50] =	vst v13;
	v13 =	vor.u32 s12, v53;
	v19 =	vld.idx.msk [tilespmem:v19+s19+$0x0], $0xffff  }
0x3b0: {  	v25 =	vor.u32 s12, v20;
	v20 =	vld [tilespmem:$0x1FED0]  }
0x3b1: {  	v35 =	vor.u32 s12, v54;
	v34 =	vld.idx.msk [tilespmem:v34+s19+$0x0], $0xffff  }
0x3b2: {  	v11 =	vld.idx.msk [tilespmem:v11+s19+$0x0], $0xffff  }
0x3b3: {  	v12 =	vld.idx.msk [tilespmem:v12+s19+$0x0], $0xffff  }
0x3b4: {  	v13 =	vld.idx.msk [tilespmem:v13+s19+$0x0], $0xffff  }
0x3b5: {  	v21 =	vor.u32 s12, v20;
	v20 =	vld [tilespmem:$0x1FEF0]  }
0x3b6: {  	v10 =	vor.u32 s12, v10;
	v35 =	vld.idx.msk [tilespmem:v35+s19+$0x0], $0xffff  }
0x3b7: {  	v51 =	vld.idx.msk [tilespmem:v24+s19+$0x0], $0xffff;
	v9 =	vor.u32 s12, v9  }
0x3b8: {  	v42 =	vor.u32 s12, v4;
	v4 =	vld [tilespmem:$0x1FFD0]  }
0x3b9: {  	[tilespmem:s28+$0xFFFFFEB0] =	vst v6;
	v6 =	vor.u32 s12, v1;
	v1 =	vld [tilespmem:$0x1FC50]  }
0x3ba: {  	[tilespmem:s28+$0xFFFFFEE0] =	vst v3;
	v3 =	vor.u32 s12, v0;
	v0 =	vld [tilespmem:$0x1FC80];
	v27 =	vor.u32 s12, v20  }
0x3bb: {  	v41 =	vor.u32 s12, v62;
	v62 =	vld.idx.msk [tilespmem:v10+s19+$0x0], $0xffff  }
0x3bc: {  	v23 =	vor.u32 s12, v52;
	v52 =	vld.idx.msk [tilespmem:v9+s19+$0x0], $0xffff  }
0x3bd: {  	v54 =	vld.idx.msk [tilespmem:v21+s19+$0x0], $0xffff  }
0x3be: {  	v21 =	vor.u32 s12, v2;
	v2 =	vld [tilespmem:$0x1FFB0]  }
0x3bf: {  	v38 =	vor.u32 s12, v56;
	v56 =	vld.idx.msk [tilespmem:v27+s19+$0x0], $0xffff  }
0x3c0: {  	v27 =	vor.u32 s12, v5;
	v5 =	vld [tilespmem:$0x1FF40]  }
0x3c1: {  	v9 =	vld [tilespmem:$0x1FF00]  }
0x3c2: {  	v20 =	vld [tilespmem:$0x1FEE0]  }
0x3c3: {  	v10 =	vor.u32 s12, v2;
	v2 =	vld [tilespmem:$0x1FFF0]  }
0x3c4: {  	v24 =	vor.u32 s12, v57;
	v57 =	vor.u32 s12, v7;
	v22 =	vld.idx.msk [tilespmem:v22+s19+$0x0], $0xffff  }
0x3c5: {  	v39 =	vor.u32 s12, v58;
	v58 =	vor.u32 s12, v5;
	v5 =	vld [tilespmem:$0x1FF80]  }
0x3c6: {  	v23 =	vld.idx.msk [tilespmem:v23+s19+$0x0], $0xffff  }
0x3c7: {  	v29 =	vor.u32 s12, v4;
	v4 =	vld [tilespmem:$0x1FFA0];
	v9 =	vor.u32 s12, v9;
	v28 =	vor.u32 s12, v20  }
0x3c8: {  	v20 =	vor.u32 s12, v55;
	v55 =	vor.u32 s12, v8;
	v8 =	vor.u32 s12, v2;
	v2 =	vld [tilespmem:$0x1FC10]  }
0x3c9: {  	v57 =	vld.idx.msk [tilespmem:v57+s19+$0x0], $0xffff  }
0x3ca: {  	v43 =	vor.u32 s12, v5;
	v5 =	vld [tilespmem:$0x1FFC0]  }
0x3cb: {  	v53 =	vld.idx.msk [tilespmem:v25+s19+$0x0], $0xffff  }
0x3cc: {  	v40 =	vor.u32 s12, v60;
	v60 =	vld.idx.msk [tilespmem:v9+s19+$0x0], $0xffff  }
0x3cd: {  	v9 =	vor.u32 s12, v2;
	v2 =	vld [tilespmem:$0x1FC20]  }
0x3ce: {  	v25 =	vor.u32 s12, v59;
	v59 =	vld.idx.msk [tilespmem:v28+s19+$0x0], $0xffff  }
0x3cf: {  	v28 =	vor.u32 s12, v5;
	v5 =	vld [tilespmem:$0x1FF50]  }
0x3d0: {  	v24 =	vld.idx.msk [tilespmem:v24+s19+$0x0], $0xffff  }
0x3d1: {  	[tilespmem:s28+$0xFFFFFE60] =	vst v14;
	v14 =	vor.u32 s12, v4;
	v4 =	vor.u32 s12, v1;
	v1 =	vld [tilespmem:$0x1FC60]  }
0x3d2: {  	v7 =	vor.u32 s12, v2;
	v2 =	vld [tilespmem:$0x1FC30]  }
0x3d3: {  	v6 =	vld.idx.msk [tilespmem:v6+s19+$0x0], $0xffff  }
0x3d4: {  	v26 =	vor.u32 s12, v61;
	v25 =	vld.idx.msk [tilespmem:v25+s19+$0x0], $0xffff;
	v61 =	vor.u32 s12, v5  }
0x3d5: {  	v55 =	vld.idx.msk [tilespmem:v55+s19+$0x0], $0xffff  }
0x3d6: {  	v58 =	vld.idx.msk [tilespmem:v58+s19+$0x0], $0xffff  }
0x3d7: {  	v5 =	vor.u32 s12, v2;
	v2 =	vor.u32 s12, v1;
	v1 =	vor.u32 s12, v0;
	v0 =	vld [tilespmem:$0x1FC90]  }
0x3d8: {  	v7 =	vld.idx.msk [tilespmem:v7+s19+$0x0], $0xffff  }
0x3d9: {  	s28 =	sadd.s32 $0x400, s28;
	v61 =	vld.idx.msk [tilespmem:v61+s19+$0x0], $0xffff  }
0x3da: {  	[tilespmem:s28+$0x0] =	vst v59;
	v59 =	vld [tilespmem:$0x1FF60]  }
0x3db: {  	[tilespmem:s28+$0xFFFFFF20] =	vst v48;
	v48 =	vld [tilespmem:$0x1FCD0]  }
0x3dc: {  	[tilespmem:s28+$0xFFFFFF30] =	vst v49;
	v49 =	vld [tilespmem:$0x1FDC0]  }
0x3dd: {  	[tilespmem:s28+$0xFFFFFF40] =	vst v50;
	v50 =	vld [tilespmem:$0x1FDD0]  }
0x3de: {  	[tilespmem:s28+$0xFFFFFF50] =	vst v51;
	v51 =	vld [tilespmem:$0x1FDE0]  }
0x3df: {  	[tilespmem:s28+$0xFFFFFF60] =	vst v52;
	v52 =	vld [tilespmem:$0x1FDF0]  }
0x3e0: {  	[tilespmem:s28+$0xFFFFFF70] =	vst v53;
	v53 =	vld [tilespmem:$0x1FE00]  }
0x3e1: {  	[tilespmem:s28+$0xFFFFFF80] =	vst v54;
	v54 =	vld [tilespmem:$0x1FE10]  }
0x3e2: {  	[tilespmem:s28+$0xFFFFFF90] =	vst v56;
	v56 =	vld [tilespmem:$0x1FE30]  }
0x3e3: {  	[tilespmem:s28+$0xFFFFFFA0] =	vst v60;
	v60 =	vld [tilespmem:$0x1FE70]  }
0x3e4: {  	[tilespmem:s28+$0xFFFFFFC0] =	vst v55;
	v55 =	vld [tilespmem:$0x1FE20];
	v59 =	vor.u32 s12, v59  }
0x3e5: {  	[tilespmem:s28+$0xFFFFFFD0] =	vst v57;
	v57 =	vld [tilespmem:$0x1FE40]  }
0x3e6: {  	[tilespmem:s28+$0xFFFFFFE0] =	vst v58;
	v58 =	vld [tilespmem:$0x1FE50]  }
0x3e7: {  	v5 =	vld.idx.msk [tilespmem:v5+s19+$0x0], $0xffff  }
0x3e8: {  	[tilespmem:s28+$0xFFFFFFF0] =	vst v61;
	v61 =	vld [tilespmem:$0x1FE80]  }
0x3e9: {  	[tilespmem:s28+$0xFFFFFF10] =	vst v47;
	v47 =	vld.idx.msk [tilespmem:v59+s19+$0x0], $0xffff  }
0x3ea: {  	v59 =	vld [tilespmem:$0x1FE60]  }
0x3eb: {  	[tilespmem:s28+$0xFFFFFC50] =	vst v37;
	v37 =	vld [tilespmem:$0x1FCA0]  }
0x3ec: {  	[tilespmem:s28+$0xFFFFFC60] =	vst v46;
	v46 =	vld [tilespmem:$0x1FCB0]  }
0x3ed: {  	[tilespmem:s28+$0xFFFFFC80] =	vst v30;
	v30 =	vld.idx.msk [tilespmem:v20+s19+$0x0], $0xffff  }
0x3ee: {  	[tilespmem:s28+$0xFFFFFC30] =	vst v36;
	v36 =	vld.idx.msk [tilespmem:v38+s19+$0x0], $0xffff  }
0x3ef: {  	v38 =	vld [tilespmem:$0x1FD60]  }
0x3f0: {  	[tilespmem:s28+$0xFFFFFCA0] =	vst v31;
	v31 =	vld.idx.msk [tilespmem:v39+s19+$0x0], $0xffff  }
0x3f1: {  	v39 =	vld [tilespmem:$0x1FD70]  }
0x3f2: {  	[tilespmem:s28+$0xFFFFFC40] =	vst v45;
	v45 =	vld.idx.msk [tilespmem:v40+s19+$0x0], $0xffff  }
0x3f3: {  	v40 =	vld [tilespmem:$0x1FD80]  }
0x3f4: {  	[tilespmem:s28+$0xFFFFFCE0] =	vst v33;
	v33 =	vld [tilespmem:$0x1FD30]  }
0x3f5: {  	v20 =	vld.idx.msk [tilespmem:v26+s19+$0x0], $0xffff  }
0x3f6: {  	[tilespmem:s28+$0xFFFFFC70] =	vst v15;
	v15 =	vld.idx.msk [tilespmem:v41+s19+$0x0], $0xffff  }
0x3f7: {  	v41 =	vld [tilespmem:$0x1FD90]  }
0x3f8: {  	[tilespmem:s28+$0xFFFFFD00] =	vst v34;
	v34 =	vld [tilespmem:$0x1FD40]  }
0x3f9: {  	[tilespmem:s28+$0xFFFFFC90] =	vst v16;
	v16 =	vld.idx.msk [tilespmem:v27+s19+$0x0], $0xffff  }
0x3fa: {  	[tilespmem:s28+$0xFFFFFFB0] =	vst v62;
	v27 =	vld [tilespmem:$0x1FCE0]  }
0x3fb: {  	[tilespmem:s28+$0xFFFFFCB0] =	vst v17;
	v17 =	vld.idx.msk [tilespmem:v43+s19+$0x0], $0xffff  }
0x3fc: {  	[tilespmem:s28+$0xFFFFFC20] =	vst v44;
	v43 =	vld [tilespmem:$0x1FDB0]  }
0x3fd: {  	[tilespmem:s28+$0xFFFFFCD0] =	vst v18;
	v18 =	vld.idx.msk [tilespmem:v28+s19+$0x0], $0xffff  }
0x3fe: {  	[tilespmem:s28+$0xFFFFFCC0] =	vst v32;
	v28 =	vld [tilespmem:$0x1FCF0]  }
0x3ff: {  	[tilespmem:s28+$0xFFFFFCF0] =	vst v19;
	v19 =	vld.idx.msk [tilespmem:v42+s19+$0x0], $0xffff  }
0x400: {  	[tilespmem:s28+$0xFFFFFD10] =	vst v11;
	v42 =	vld [tilespmem:$0x1FDA0]  }
0x401: {  	[tilespmem:s28+$0xFFFFFD20] =	vst v22;
	v11 =	vld.idx.msk [tilespmem:v29+s19+$0x0], $0xffff  }
0x402: {  	[tilespmem:s28+$0xFFFFFD30] =	vst v12;
	v29 =	vld [tilespmem:$0x1FE90]  }
0x403: {  	[tilespmem:s28+$0xFFFFFD40] =	vst v23;
	v12 =	vld.idx.msk [tilespmem:v14+s19+$0x0], $0xffff  }
0x404: {  	[tilespmem:s28+$0xFFFFFD60] =	vst v35;
	v35 =	vld [tilespmem:$0x1FD50]  }
0x405: {  	[tilespmem:s28+$0xFFFFFD50] =	vst v13;
	v13 =	vld.idx.msk [tilespmem:v21+s19+$0x0], $0xffff  }
0x406: {  	s31 =	sadd.s32 $0x4, s31;
	v14 =	vld.idx.msk [tilespmem:v10+s19+$0x0], $0xffff;
	[tilespmem:s28+$0xFFFFFD90] =	vst v24  }
0x407: {  	p1 =	slt.u32 s31, $0xC;
	v10 =	vld.idx.msk [tilespmem:v8+s19+$0x0], $0xffff;
	[tilespmem:s28+$0xFFFFFDB0] =	vst v25  }
.Ltmp3:
0x408: {  	v8 =	vld.idx.msk [tilespmem:v9+s19+$0x0], $0xffff;
	[tilespmem:s28+$0xFFFFFC10] =	vst v47;
	(pc) =	sbr.rel @p1 .LBB2_9-.Ltmp3, $4  }
0x409: {  	v32 =	vld [tilespmem:$0x1FD20];
	[tilespmem:s28+$0xFFFFFD70] =	vst v30  }
0x40a: {  	v47 =	vld [tilespmem:$0x1FCC0];
	[tilespmem:s28+$0xFFFFFD80] =	vst v36  }
0x40b: {  	v30 =	vld [tilespmem:$0x1FD00];
	[tilespmem:s28+$0xFFFFFDA0] =	vst v31  }
0x40c: {  	v0 =	vor.u32 s12, v0;
	v62 =	vmov v63;
	s12 =	sadd.s32 $0x8, s12;
	v31 =	vld [tilespmem:$0x1FD10];
	[tilespmem:s28+$0xFFFFFDC0] =	vst v45  }
0x40d: {  	_ =	sdelay $0x3  }
0x40e: {  	v4 =	vld.idx.msk [tilespmem:v4+s19+$0x0], $0xffff;
	[tilespmem:s28+$0xFFFFFDD0] =	vst v20  }
0x40f: {  	v2 =	vld.idx.msk [tilespmem:v2+s19+$0x0], $0xffff;
	[tilespmem:s28+$0xFFFFFDE0] =	vst v15  }
0x410: {  	v3 =	vld.idx.msk [tilespmem:v3+s19+$0x0], $0xffff;
	[tilespmem:s28+$0xFFFFFDF0] =	vst v16  }
0x411: {  	v1 =	vld.idx.msk [tilespmem:v1+s19+$0x0], $0xffff;
	[tilespmem:s28+$0xFFFFFE00] =	vst v17  }
0x412: {  	v0 =	vld.idx.msk [tilespmem:v0+s19+$0x0], $0xffff;
	[tilespmem:s28+$0xFFFFFE10] =	vst v18  }
0x413: {  	[tilespmem:s28+$0xFFFFFE20] =	vst v19  }
0x414: {  	[tilespmem:s28+$0xFFFFFE30] =	vst v11  }
0x415: {  	[tilespmem:s28+$0xFFFFFE40] =	vst v12  }
0x416: {  	[tilespmem:s28+$0xFFFFFE50] =	vst v13  }
0x417: {  	[tilespmem:s28+$0xFFFFFE60] =	vst v14  }
0x418: {  	[tilespmem:s28+$0xFFFFFE70] =	vst v10  }
0x419: {  	[tilespmem:s28+$0xFFFFFE80] =	vst v8  }
0x41a: {  	[tilespmem:s28+$0xFFFFFE90] =	vst v7  }
0x41b: {  	[tilespmem:s28+$0xFFFFFEA0] =	vst v5  }
0x41c: {  	[tilespmem:s28+$0xFFFFFEB0] =	vst v6  }
0x41d: {  	[tilespmem:s28+$0xFFFFFEC0] =	vst v4  }
0x41e: {  	[tilespmem:s28+$0xFFFFFED0] =	vst v2  }
0x41f: {  	s3 =	sadd.s32 s9, s10;
	[tilespmem:s28+$0xFFFFFEE0] =	vst v3  }
0x420: {  	s3 =	sshrl.u32 s3, $0x3;
	[tilespmem:s28+$0xFFFFFEF0] =	vst v1  }
0x421: {  	s31 =	simm.s32 $0xE400;
	s3 =	sadd.s32 s2, s3;
	[tilespmem:s28+$0xFFFFFF00] =	vst v0  }
0x422: {  	[hbm4b:s3+s22] =	stream.strided.scatter [tilespmem:s31], [sflag:$0x9], $0x1000, s23, s22, $0x38;
	[tilespmem:$0x10400] =	vst v63  }
0x423: {  	_ =	swait.ge [sflag:s16], $0x1000  }
0x424: {  	s10 =	simm.s32 @!p0 $0x80;
	[sflag:s16] =	ssyncset.done $0x0  }
0x425: {  	s3 =	sadd.s32 @!p0 $0x400, s24;
	s24 =	simm.s32 @!p0 $0x9400;
	[sflag:s16] =	ssyncadd.s32 $0xFFFFF000  }
0x426: {  	[tilespmem:s24], [sflag:$0x4] =	stream.indirect.gather @!p0 [hbm4b:s4+s10], $0x20, s3, s10, $0xb8;
	[tilespmem:$0x10400] =	vst v63  }
0x427: {  	_ =	swait.ge [sflag:s18], $0x1000  }
0x428: {  	v4 =	vld [tilespmem:$0x1FEA0]  }
0x429: {  	v5 =	vld [tilespmem:$0x1FEB0]  }
0x42a: {  	v6 =	vld [tilespmem:$0x1FEC0]  }
0x42b: {  	v7 =	vld [tilespmem:$0x1FED0]  }
0x42c: {  	v8 =	vld [tilespmem:$0x1FEF0]  }
0x42d: {  	v9 =	vld [tilespmem:$0x1FEE0]  }
0x42e: {  	s12 =	simm.s32 $0x0;
	v10 =	vld [tilespmem:$0x1FF00]  }
0x42f: {  	v0 =	vor.u32 s12, v37;
	v11 =	vld [tilespmem:$0x1FF10]  }
0x430: {  	v1 =	vor.u32 s12, v46;
	v12 =	vld [tilespmem:$0x1FF20]  }
0x431: {  	v2 =	vor.u32 s12, v47;
	v13 =	vld [tilespmem:$0x1FF30]  }
0x432: {  	v3 =	vor.u32 s12, v48;
	[sflag:s18] =	ssyncset.done $0x0;
	v14 =	vld [tilespmem:$0x1FF40]  }
0x433: {  	v16 =	vor.u32 s12, v27;
	v15 =	vld [tilespmem:$0x1FF50];
	[sflag:s18] =	ssyncadd.s32 $0xFFFFF000  }
0x434: {  	v0 =	vld.idx.msk [tilespmem:v0+s20+$0x0], $0xffff;
	v4 =	vor.u32 s12, v4  }
0x435: {  	v1 =	vld.idx.msk [tilespmem:v1+s20+$0x0], $0xffff;
	v5 =	vor.u32 s12, v5  }
0x436: {  	v2 =	vld.idx.msk [tilespmem:v2+s20+$0x0], $0xffff;
	v6 =	vor.u32 s12, v6  }
0x437: {  	v3 =	vld.idx.msk [tilespmem:v3+s20+$0x0], $0xffff;
	v7 =	vor.u32 s12, v7  }
0x438: {  	v16 =	vld.idx.msk [tilespmem:v16+s20+$0x0], $0xffff;
	v8 =	vor.u32 s12, v8  }
0x439: {  	v9 =	vor.u32 s12, v9;
	v4 =	vld.idx.msk [tilespmem:v4+s20+$0x0], $0xffff  }
0x43a: {  	v10 =	vor.u32 s12, v10;
	v5 =	vld.idx.msk [tilespmem:v5+s20+$0x0], $0xffff  }
0x43b: {  	v11 =	vor.u32 s12, v11;
	v6 =	vld.idx.msk [tilespmem:v6+s20+$0x0], $0xffff  }
0x43c: {  	v12 =	vor.u32 s12, v12;
	v7 =	vld.idx.msk [tilespmem:v7+s20+$0x0], $0xffff  }
0x43d: {  	v13 =	vor.u32 s12, v13;
	v8 =	vld.idx.msk [tilespmem:v8+s20+$0x0], $0xffff  }
0x43e: {  	v14 =	vor.u32 s12, v14;
	v9 =	vld.idx.msk [tilespmem:v9+s20+$0x0], $0xffff  }
0x43f: {  	v15 =	vor.u32 s12, v15;
	v10 =	vld.idx.msk [tilespmem:v10+s20+$0x0], $0xffff  }
0x440: {  	v11 =	vld.idx.msk [tilespmem:v11+s20+$0x0], $0xffff  }
0x441: {  	v17 =	vor.u32 s12, v28;
	v12 =	vld.idx.msk [tilespmem:v12+s20+$0x0], $0xffff  }
0x442: {  	v18 =	vor.u32 s12, v29;
	v13 =	vld.idx.msk [tilespmem:v13+s20+$0x0], $0xffff  }
0x443: {  	v19 =	vor.u32 s12, v30;
	s10 =	simm.s32 $0xF400;
	v14 =	vld.idx.msk [tilespmem:v14+s20+$0x0], $0xffff  }
0x444: {  	v20 =	vor.u32 s12, v31;
	v15 =	vld.idx.msk [tilespmem:v15+s20+$0x0], $0xffff;
	[tilespmem:s10+$0x3F0] =	vst v9  }
0x445: {  	v9 =	vld [tilespmem:$0x1FF60];
	[tilespmem:s10+$0x300] =	vst v0;
	v0 =	vor.u32 s12, v32  }
0x446: {  	v17 =	vld.idx.msk [tilespmem:v17+s20+$0x0], $0xffff;
	[tilespmem:s10+$0x310] =	vst v1;
	v1 =	vor.u32 s12, v33  }
0x447: {  	v18 =	vld.idx.msk [tilespmem:v18+s20+$0x0], $0xffff;
	[tilespmem:s10+$0x320] =	vst v2;
	v2 =	vor.u32 s12, v34  }
0x448: {  	v19 =	vld.idx.msk [tilespmem:v19+s20+$0x0], $0xffff;
	[tilespmem:s10+$0x330] =	vst v3;
	v3 =	vor.u32 s12, v35  }
0x449: {  	v20 =	vld.idx.msk [tilespmem:v20+s20+$0x0], $0xffff;
	[tilespmem:s10+$0x340] =	vst v4;
	v4 =	vor.u32 s12, v38  }
0x44a: {  	[tilespmem:s10+$0x350] =	vst v5;
	v5 =	vor.u32 s12, v39;
	v0 =	vld.idx.msk [tilespmem:v0+s20+$0x0], $0xffff  }
0x44b: {  	[tilespmem:s10+$0x360] =	vst v6;
	v6 =	vor.u32 s12, v40;
	v1 =	vld.idx.msk [tilespmem:v1+s20+$0x0], $0xffff  }
0x44c: {  	[tilespmem:s10+$0x370] =	vst v7;
	v7 =	vor.u32 s12, v41;
	v2 =	vld.idx.msk [tilespmem:v2+s20+$0x0], $0xffff  }
0x44d: {  	[tilespmem:s10+$0x380] =	vst v8;
	v8 =	vor.u32 s12, v42;
	v3 =	vld.idx.msk [tilespmem:v3+s20+$0x0], $0xffff  }
0x44e: {  	[tilespmem:s10+$0x390] =	vst v10;
	v10 =	vor.u32 s12, v43;
	v4 =	vld.idx.msk [tilespmem:v4+s20+$0x0], $0xffff  }
0x44f: {  	[tilespmem:s10+$0x3A0] =	vst v11;
	v9 =	vor.u32 s12, v9;
	v5 =	vld.idx.msk [tilespmem:v5+s20+$0x0], $0xffff  }
0x450: {  	[tilespmem:s10+$0x3E0] =	vst v15;
	v15 =	vor.u32 s12, v53;
	v6 =	vld.idx.msk [tilespmem:v6+s20+$0x0], $0xffff  }
0x451: {  	v11 =	vor.u32 s12, v49;
	[tilespmem:s10+$0x3B0] =	vst v12;
	v7 =	vld.idx.msk [tilespmem:v7+s20+$0x0], $0xffff  }
0x452: {  	v12 =	vor.u32 s12, v50;
	[tilespmem:s10+$0x3C0] =	vst v13;
	v8 =	vld.idx.msk [tilespmem:v8+s20+$0x0], $0xffff  }
0x453: {  	v13 =	vor.u32 s12, v51;
	[tilespmem:s10+$0x3D0] =	vst v14;
	v10 =	vld.idx.msk [tilespmem:v10+s20+$0x0], $0xffff  }
0x454: {  	v14 =	vor.u32 s12, v52;
	v9 =	vld.idx.msk [tilespmem:v9+s20+$0x0], $0xffff;
	[tilespmem:s10+$0x10] =	vst v16  }
0x455: {  	v21 =	vld.idx.msk [tilespmem:v15+s20+$0x0], $0xffff;
	v15 =	vor.u32 s12, v59;
	[tilespmem:s10+$0x20] =	vst v17  }
0x456: {  	v11 =	vld.idx.msk [tilespmem:v11+s20+$0x0], $0xffff;
	v16 =	vor.u32 s12, v55;
	[tilespmem:s10+$0x30] =	vst v18  }
0x457: {  	v12 =	vld.idx.msk [tilespmem:v12+s20+$0x0], $0xffff;
	v17 =	vor.u32 s12, v56;
	[tilespmem:s10+$0x40] =	vst v19  }
0x458: {  	v13 =	vld.idx.msk [tilespmem:v13+s20+$0x0], $0xffff;
	v18 =	vor.u32 s12, v57;
	[tilespmem:s10+$0x50] =	vst v20  }
0x459: {  	v14 =	vld.idx.msk [tilespmem:v14+s20+$0x0], $0xffff;
	[tilespmem:s10+$0x60] =	vst v0  }
0x45a: {  	v19 =	vor.u32 s12, v58;
	[tilespmem:s10+$0x70] =	vst v1;
	v26 =	vld.idx.msk [tilespmem:v15+s20+$0x0], $0xffff  }
0x45b: {  	[tilespmem:s10+$0x80] =	vst v2;
	v22 =	vld.idx.msk [tilespmem:v16+s20+$0x0], $0xffff  }
0x45c: {  	v0 =	vor.u32 s12, v60;
	[tilespmem:s10+$0x90] =	vst v3;
	v23 =	vld.idx.msk [tilespmem:v17+s20+$0x0], $0xffff  }
0x45d: {  	[tilespmem:s10+$0x0] =	vst v9;
	v24 =	vld.idx.msk [tilespmem:v18+s20+$0x0], $0xffff  }
0x45e: {  	v1 =	vor.u32 s12, v61;
	v3 =	vld [tilespmem:$0x1FF70]  }
0x45f: {  	v25 =	vld.idx.msk [tilespmem:v19+s20+$0x0], $0xffff;
	[tilespmem:s10+$0xA0] =	vst v4  }
0x460: {  	v2 =	vor.u32 s12, v62;
	v4 =	vld [tilespmem:$0x1FF80];
	[tilespmem:s10+$0xB0] =	vst v5  }
0x461: {  	v9 =	vor.u32 s12, v54;
	v0 =	vld.idx.msk [tilespmem:v0+s20+$0x0], $0xffff;
	[tilespmem:s10+$0xC0] =	vst v6  }
0x462: {  	v5 =	vld [tilespmem:$0x1FFC0]  }
0x463: {  	v20 =	vld.idx.msk [tilespmem:v1+s20+$0x0], $0xffff;
	[tilespmem:s10+$0xD0] =	vst v7;
	v3 =	vor.u32 s12, v3  }
0x464: {  	v1 =	vld [tilespmem:$0x1FF90]  }
0x465: {  	v15 =	vld.idx.msk [tilespmem:v2+s20+$0x0], $0xffff;
	v4 =	vor.u32 s12, v4  }
0x466: {  	[tilespmem:s10+$0xE0] =	vst v8;
	v9 =	vld.idx.msk [tilespmem:v9+s20+$0x0], $0xffff  }
0x467: {  	v2 =	vld [tilespmem:$0x1FFD0];
	v5 =	vor.u32 s12, v5  }
0x468: {  	[tilespmem:s10+$0xF0] =	vst v10;
	v16 =	vld.idx.msk [tilespmem:v3+s20+$0x0], $0xffff  }
0x469: {  	v1 =	vor.u32 s12, v1;
	v3 =	vld [tilespmem:$0x1FFA0]  }
0x46a: {  	v17 =	vld.idx.msk [tilespmem:v4+s20+$0x0], $0xffff;
	[tilespmem:s10+$0x100] =	vst v11  }
0x46b: {  	v4 =	vld [tilespmem:$0x1FFE0]  }
0x46c: {  	[tilespmem:s10+$0x110] =	vst v12;
	v18 =	vld.idx.msk [tilespmem:v5+s20+$0x0], $0xffff  }
0x46d: {  	v6 =	vld [tilespmem:$0x1FFB0]  }
0x46e: {  	v2 =	vor.u32 s12, v2;
	[tilespmem:s10+$0x120] =	vst v13;
	v19 =	vld.idx.msk [tilespmem:v1+s20+$0x0], $0xffff  }
0x46f: {  	v5 =	vld [tilespmem:$0x1FFF0];
	[tilespmem:s10+$0x130] =	vst v14  }
0x470: {  	v3 =	vor.u32 s12, v3;
	v1 =	vld [tilespmem:$0x1FC10];
	_ =	sdelay $0x1  }
0x471: {  	v4 =	vor.u32 s12, v4  }
0x472: {  	v11 =	vld.idx.msk [tilespmem:v2+s20+$0x0], $0xffff;
	[tilespmem:s10+$0x140] =	vst v21  }
0x473: {  	v2 =	vld [tilespmem:$0x1FC20]  }
0x474: {  	[tilespmem:s10+$0x150] =	vst v9;
	v1 =	vor.u32 s12, v1;
	v12 =	vld.idx.msk [tilespmem:v3+s20+$0x0], $0xffff  }
0x475: {  	v3 =	vld [tilespmem:$0x1FC30]  }
0x476: {  	[tilespmem:s10+$0x160] =	vst v22;
	v13 =	vld.idx.msk [tilespmem:v4+s20+$0x0], $0xffff  }
0x477: {  	v4 =	vld [tilespmem:$0x1FC40];
	[tilespmem:s10+$0x170] =	vst v23  }
0x478: {  	[tilespmem:s10+$0x180] =	vst v24  }
0x479: {  	[tilespmem:s10+$0x190] =	vst v25;
	v8 =	vld.idx.msk [tilespmem:v1+s20+$0x0], $0xffff  }
0x47a: {  	v1 =	vld [tilespmem:$0x1FC50];
	_ =	sdelay $0x3  }
0x47b: {  	v2 =	vor.u32 s12, v2  }
0x47c: {  	v9 =	vor.u32 s12, v4;
	v4 =	vor.u32 s12, v1;
	v1 =	vld [tilespmem:$0x1FC60];
	_ =	sdelay $0x2  }
0x47d: {  	v5 =	vor.u32 s12, v5  }
0x47e: {  	v3 =	vor.u32 s12, v3;
	v7 =	vld.idx.msk [tilespmem:v2+s20+$0x0], $0xffff;
	[tilespmem:s10+$0x1A0] =	vst v26  }
0x47f: {  	v2 =	vor.u32 s12, v1;
	v1 =	vld [tilespmem:$0x1FC70];
	_ =	sdelay $0x2  }
0x480: {  	v10 =	vld.idx.msk [tilespmem:v5+s20+$0x0], $0xffff  }
0x481: {  	v5 =	vld.idx.msk [tilespmem:v3+s20+$0x0], $0xffff  }
0x482: {  	v6 =	vor.u32 s12, v6;
	v3 =	vor.u32 s12, v1;
	v1 =	vld [tilespmem:$0x1FC80];
	[tilespmem:s10+$0x1B0] =	vst v0  }
0x483: {  	v0 =	vld [tilespmem:$0x1FC90];
	_ =	sdelay $0x3  }
0x484: {  	v14 =	vld.idx.msk [tilespmem:v6+s20+$0x0], $0xffff  }
0x485: {  	s24 =	simm.s32 $0x0;
	v6 =	vld.idx.msk [tilespmem:v9+s20+$0x0], $0xffff;
	v1 =	vor.u32 s12, v1;
	v0 =	vor.u32 s12, v0;
	s12 =	simm.s32 $0x8  }
.LBB2_11:
0x486: {  	v9 =	vld [tilespmem:$0x1FCA0]  }
0x487: {  	v4 =	vld.idx.msk [tilespmem:v4+s20+$0x0], $0xffff  }
0x488: {  	v2 =	vld.idx.msk [tilespmem:v2+s20+$0x0], $0xffff  }
0x489: {  	v21 =	vld [tilespmem:$0x1FCC0]  }
0x48a: {  	v3 =	vld.idx.msk [tilespmem:v3+s20+$0x0], $0xffff  }
0x48b: {  	v22 =	vld [tilespmem:$0x1FCD0]  }
0x48c: {  	v1 =	vld.idx.msk [tilespmem:v1+s20+$0x0], $0xffff  }
0x48d: {  	v0 =	vld.idx.msk [tilespmem:v0+s20+$0x0], $0xffff  }
0x48e: {  	[tilespmem:s10+$0x1C0] =	vst v20;
	v20 =	vld [tilespmem:$0x1FCB0]  }
0x48f: {  	[tilespmem:s10+$0x260] =	vst v10;
	v10 =	vld [tilespmem:$0x1FF10]  }
0x490: {  	[tilespmem:s10+$0x270] =	vst v8;
	v8 =	vld [tilespmem:$0x1FF20]  }
0x491: {  	[tilespmem:s10+$0x280] =	vst v7;
	v7 =	vld [tilespmem:$0x1FF30]  }
0x492: {  	[tilespmem:s10+$0x290] =	vst v5;
	v5 =	vld [tilespmem:$0x1FF70]  }
0x493: {  	v44 =	vor.u32 s12, v27;
	v23 =	vor.u32 s12, v22;
	v22 =	vld [tilespmem:$0x1FEA0]  }
0x494: {  	v36 =	vor.u32 s12, v28;
	[tilespmem:s10+$0x2B0] =	vst v4;
	v4 =	vld [tilespmem:$0x1FF90]  }
0x495: {  	v45 =	vor.u32 s12, v29;
	[tilespmem:s10+$0x2C0] =	vst v2;
	v2 =	vld [tilespmem:$0x1FFE0]  }
0x496: {  	v37 =	vor.u32 s12, v30;
	[tilespmem:s10+$0x2E0] =	vst v1;
	v1 =	vld [tilespmem:$0x1FC40]  }
0x497: {  	v46 =	vor.u32 s12, v31;
	[tilespmem:s10+$0x2F0] =	vst v0;
	v0 =	vld [tilespmem:$0x1FC70]  }
0x498: {  	[tilespmem:s10+$0x1D0] =	vst v15;
	v15 =	vor.u32 s12, v32;
	v44 =	vld.idx.msk [tilespmem:v44+s20+$0x0], $0xffff  }
0x499: {  	v30 =	vor.u32 s12, v33;
	v36 =	vld.idx.msk [tilespmem:v36+s20+$0x0], $0xffff  }
0x49a: {  	[tilespmem:s10+$0x1E0] =	vst v16;
	v16 =	vor.u32 s12, v34;
	v45 =	vld.idx.msk [tilespmem:v45+s20+$0x0], $0xffff  }
0x49b: {  	v31 =	vor.u32 s12, v35;
	v37 =	vld.idx.msk [tilespmem:v37+s20+$0x0], $0xffff  }
0x49c: {  	[tilespmem:s10+$0x1F0] =	vst v17;
	v17 =	vor.u32 s12, v38;
	v46 =	vld.idx.msk [tilespmem:v46+s20+$0x0], $0xffff  }
0x49d: {  	v32 =	vor.u32 s12, v39;
	v15 =	vld.idx.msk [tilespmem:v15+s20+$0x0], $0xffff  }
0x49e: {  	[tilespmem:s10+$0x200] =	vst v18;
	v18 =	vor.u32 s12, v40;
	v30 =	vld.idx.msk [tilespmem:v30+s20+$0x0], $0xffff  }
0x49f: {  	v33 =	vor.u32 s12, v41;
	v16 =	vld.idx.msk [tilespmem:v16+s20+$0x0], $0xffff  }
0x4a0: {  	[tilespmem:s10+$0x210] =	vst v19;
	v19 =	vor.u32 s12, v42;
	v31 =	vld.idx.msk [tilespmem:v31+s20+$0x0], $0xffff  }
0x4a1: {  	v20 =	vor.u32 s12, v20;
	v17 =	vld.idx.msk [tilespmem:v17+s20+$0x0], $0xffff  }
0x4a2: {  	v32 =	vld.idx.msk [tilespmem:v32+s20+$0x0], $0xffff  }
0x4a3: {  	v34 =	vor.u32 s12, v43;
	v18 =	vld.idx.msk [tilespmem:v18+s20+$0x0], $0xffff  }
0x4a4: {  	[tilespmem:s10+$0x220] =	vst v11;
	v11 =	vor.u32 s12, v49;
	v33 =	vld.idx.msk [tilespmem:v33+s20+$0x0], $0xffff  }
0x4a5: {  	[tilespmem:s10+$0x230] =	vst v12;
	v12 =	vor.u32 s12, v51;
	v19 =	vld.idx.msk [tilespmem:v19+s20+$0x0], $0xffff  }
0x4a6: {  	[tilespmem:s10+$0x240] =	vst v13;
	v13 =	vor.u32 s12, v53;
	v48 =	vld.idx.msk [tilespmem:v20+s20+$0x0], $0xffff  }
0x4a7: {  	v20 =	vld [tilespmem:$0x1FEC0]  }
0x4a8: {  	v9 =	vor.u32 s12, v9;
	v34 =	vld.idx.msk [tilespmem:v34+s20+$0x0], $0xffff  }
0x4a9: {  	v11 =	vld.idx.msk [tilespmem:v11+s20+$0x0], $0xffff  }
0x4aa: {  	v35 =	vor.u32 s12, v54;
	v12 =	vld.idx.msk [tilespmem:v12+s20+$0x0], $0xffff  }
0x4ab: {  	v21 =	vor.u32 s12, v21;
	v13 =	vld.idx.msk [tilespmem:v13+s20+$0x0], $0xffff  }
0x4ac: {  	v25 =	vor.u32 s12, v20;
	v20 =	vld [tilespmem:$0x1FED0]  }
0x4ad: {  	v47 =	vld.idx.msk [tilespmem:v9+s20+$0x0], $0xffff  }
0x4ae: {  	v9 =	vld [tilespmem:$0x1FEB0]  }
0x4af: {  	v35 =	vld.idx.msk [tilespmem:v35+s20+$0x0], $0xffff  }
0x4b0: {  	v49 =	vld.idx.msk [tilespmem:v21+s20+$0x0], $0xffff  }
0x4b1: {  	v10 =	vor.u32 s12, v10;
	v21 =	vor.u32 s12, v20;
	v20 =	vld [tilespmem:$0x1FEF0]  }
0x4b2: {  	v24 =	vor.u32 s12, v22;
	v22 =	vor.u32 s12, v50;
	v50 =	vld.idx.msk [tilespmem:v23+s20+$0x0], $0xffff  }
0x4b3: {  	v42 =	vor.u32 s12, v4;
	v4 =	vld [tilespmem:$0x1FFD0];
	v9 =	vor.u32 s12, v9  }
0x4b4: {  	[tilespmem:s10+$0x2A0] =	vst v6;
	v6 =	vor.u32 s12, v1;
	v1 =	vld [tilespmem:$0x1FC50]  }
0x4b5: {  	[tilespmem:s10+$0x2D0] =	vst v3;
	v3 =	vor.u32 s12, v0;
	v0 =	vld [tilespmem:$0x1FC80]  }
0x4b6: {  	v41 =	vor.u32 s12, v62;
	v62 =	vld.idx.msk [tilespmem:v10+s20+$0x0], $0xffff;
	v27 =	vor.u32 s12, v20  }
0x4b7: {  	v51 =	vld.idx.msk [tilespmem:v24+s20+$0x0], $0xffff  }
0x4b8: {  	v23 =	vor.u32 s12, v52;
	v52 =	vld.idx.msk [tilespmem:v9+s20+$0x0], $0xffff  }
0x4b9: {  	v54 =	vld.idx.msk [tilespmem:v21+s20+$0x0], $0xffff  }
0x4ba: {  	v21 =	vor.u32 s12, v2;
	v2 =	vld [tilespmem:$0x1FFB0]  }
0x4bb: {  	v38 =	vor.u32 s12, v56;
	v56 =	vld.idx.msk [tilespmem:v27+s20+$0x0], $0xffff  }
0x4bc: {  	v27 =	vor.u32 s12, v5;
	v5 =	vld [tilespmem:$0x1FF40]  }
0x4bd: {  	v9 =	vld [tilespmem:$0x1FF00]  }
0x4be: {  	v20 =	vld [tilespmem:$0x1FEE0]  }
0x4bf: {  	v10 =	vor.u32 s12, v2;
	v2 =	vld [tilespmem:$0x1FFF0]  }
0x4c0: {  	v29 =	vor.u32 s12, v4;
	v4 =	vld [tilespmem:$0x1FFA0]  }
0x4c1: {  	v39 =	vor.u32 s12, v58;
	v58 =	vor.u32 s12, v5;
	v5 =	vld [tilespmem:$0x1FF80]  }
0x4c2: {  	v22 =	vld.idx.msk [tilespmem:v22+s20+$0x0], $0xffff  }
0x4c3: {  	v23 =	vld.idx.msk [tilespmem:v23+s20+$0x0], $0xffff;
	v9 =	vor.u32 s12, v9;
	v28 =	vor.u32 s12, v20  }
0x4c4: {  	[tilespmem:s10+$0x250] =	vst v14;
	v20 =	vor.u32 s12, v55;
	v55 =	vor.u32 s12, v8;
	v8 =	vor.u32 s12, v2;
	v2 =	vld [tilespmem:$0x1FC10]  }
0x4c5: {  	v6 =	vld.idx.msk [tilespmem:v6+s20+$0x0], $0xffff  }
0x4c6: {  	v43 =	vor.u32 s12, v5;
	v5 =	vld [tilespmem:$0x1FFC0]  }
0x4c7: {  	v24 =	vor.u32 s12, v57;
	v57 =	vor.u32 s12, v7;
	v53 =	vld.idx.msk [tilespmem:v25+s20+$0x0], $0xffff  }
0x4c8: {  	v40 =	vor.u32 s12, v60;
	v60 =	vld.idx.msk [tilespmem:v9+s20+$0x0], $0xffff  }
0x4c9: {  	v9 =	vor.u32 s12, v2;
	v2 =	vld [tilespmem:$0x1FC20]  }
0x4ca: {  	v25 =	vor.u32 s12, v59;
	v59 =	vld.idx.msk [tilespmem:v28+s20+$0x0], $0xffff  }
0x4cb: {  	v28 =	vor.u32 s12, v5;
	v5 =	vld [tilespmem:$0x1FF50]  }
0x4cc: {  	v57 =	vld.idx.msk [tilespmem:v57+s20+$0x0], $0xffff  }
0x4cd: {  	v14 =	vor.u32 s12, v4;
	v4 =	vor.u32 s12, v1;
	v1 =	vld [tilespmem:$0x1FC60]  }
0x4ce: {  	v7 =	vor.u32 s12, v2;
	v2 =	vld [tilespmem:$0x1FC30]  }
0x4cf: {  	v24 =	vld.idx.msk [tilespmem:v24+s20+$0x0], $0xffff  }
0x4d0: {  	v26 =	vor.u32 s12, v61;
	v25 =	vld.idx.msk [tilespmem:v25+s20+$0x0], $0xffff;
	v61 =	vor.u32 s12, v5  }
0x4d1: {  	v55 =	vld.idx.msk [tilespmem:v55+s20+$0x0], $0xffff  }
0x4d2: {  	v58 =	vld.idx.msk [tilespmem:v58+s20+$0x0], $0xffff  }
0x4d3: {  	v5 =	vor.u32 s12, v2;
	v2 =	vor.u32 s12, v1;
	v1 =	vor.u32 s12, v0;
	v0 =	vld [tilespmem:$0x1FC90]  }
0x4d4: {  	v7 =	vld.idx.msk [tilespmem:v7+s20+$0x0], $0xffff  }
0x4d5: {  	s10 =	sadd.s32 $0x400, s10;
	v61 =	vld.idx.msk [tilespmem:v61+s20+$0x0], $0xffff  }
0x4d6: {  	[tilespmem:s10+$0x3F0] =	vst v59;
	v59 =	vld [tilespmem:$0x1FF60]  }
0x4d7: {  	[tilespmem:s10+$0x320] =	vst v49;
	v49 =	vld [tilespmem:$0x1FDC0]  }
0x4d8: {  	[tilespmem:s10+$0x330] =	vst v50;
	v50 =	vld [tilespmem:$0x1FDD0]  }
0x4d9: {  	[tilespmem:s10+$0x340] =	vst v51;
	v51 =	vld [tilespmem:$0x1FDE0]  }
0x4da: {  	[tilespmem:s10+$0x350] =	vst v52;
	v52 =	vld [tilespmem:$0x1FDF0]  }
0x4db: {  	[tilespmem:s10+$0x360] =	vst v53;
	v53 =	vld [tilespmem:$0x1FE00]  }
0x4dc: {  	[tilespmem:s10+$0x370] =	vst v54;
	v54 =	vld [tilespmem:$0x1FE10]  }
0x4dd: {  	[tilespmem:s10+$0x380] =	vst v56;
	v56 =	vld [tilespmem:$0x1FE30]  }
0x4de: {  	[tilespmem:s10+$0x390] =	vst v60;
	v60 =	vld [tilespmem:$0x1FE70]  }
0x4df: {  	[tilespmem:s10+$0x3B0] =	vst v55;
	v55 =	vld [tilespmem:$0x1FE20]  }
0x4e0: {  	[tilespmem:s10+$0x3C0] =	vst v57;
	v57 =	vld [tilespmem:$0x1FE40]  }
0x4e1: {  	[tilespmem:s10+$0x3D0] =	vst v58;
	v58 =	vld [tilespmem:$0x1FE50];
	v59 =	vor.u32 s12, v59  }
0x4e2: {  	[tilespmem:s10+$0x300] =	vst v47;
	v47 =	vld.idx.msk [tilespmem:v38+s20+$0x0], $0xffff  }
0x4e3: {  	v38 =	vld [tilespmem:$0x1FD60]  }
0x4e4: {  	v5 =	vld.idx.msk [tilespmem:v5+s20+$0x0], $0xffff  }
0x4e5: {  	[tilespmem:s10+$0x3E0] =	vst v61;
	v61 =	vld [tilespmem:$0x1FE80]  }
0x4e6: {  	[tilespmem:s10+$0x310] =	vst v48;
	v48 =	vld.idx.msk [tilespmem:v59+s20+$0x0], $0xffff  }
0x4e7: {  	v59 =	vld [tilespmem:$0x1FE60]  }
0x4e8: {  	[tilespmem:s10+$0x70] =	vst v30;
	v30 =	vld.idx.msk [tilespmem:v20+s20+$0x0], $0xffff  }
0x4e9: {  	[tilespmem:s10+$0x90] =	vst v31;
	v31 =	vld.idx.msk [tilespmem:v39+s20+$0x0], $0xffff  }
0x4ea: {  	[tilespmem:s10+$0x3A0] =	vst v62;
	v39 =	vld [tilespmem:$0x1FD70]  }
0x4eb: {  	[tilespmem:s10+$0xD0] =	vst v33;
	v33 =	vld [tilespmem:$0x1FD30]  }
0x4ec: {  	[tilespmem:s10+$0x10] =	vst v44;
	v20 =	vld.idx.msk [tilespmem:v26+s20+$0x0], $0xffff  }
0x4ed: {  	[tilespmem:s10+$0x60] =	vst v15;
	v15 =	vld.idx.msk [tilespmem:v41+s20+$0x0], $0xffff  }
0x4ee: {  	[tilespmem:s10+$0x20] =	vst v36;
	v41 =	vld [tilespmem:$0x1FD90]  }
0x4ef: {  	[tilespmem:s10+$0xF0] =	vst v34;
	v34 =	vld [tilespmem:$0x1FD40]  }
0x4f0: {  	[tilespmem:s10+$0x80] =	vst v16;
	v16 =	vld.idx.msk [tilespmem:v27+s20+$0x0], $0xffff  }
0x4f1: {  	[tilespmem:s10+$0x30] =	vst v45;
	v27 =	vld [tilespmem:$0x1FCE0]  }
0x4f2: {  	[tilespmem:s10+$0xA0] =	vst v17;
	v17 =	vld.idx.msk [tilespmem:v43+s20+$0x0], $0xffff  }
0x4f3: {  	[tilespmem:s10+$0x40] =	vst v37;
	v43 =	vld [tilespmem:$0x1FDB0]  }
0x4f4: {  	[tilespmem:s10+$0xC0] =	vst v18;
	v18 =	vld.idx.msk [tilespmem:v28+s20+$0x0], $0xffff  }
0x4f5: {  	[tilespmem:s10+$0x50] =	vst v46;
	v28 =	vld [tilespmem:$0x1FCF0]  }
0x4f6: {  	[tilespmem:s10+$0xE0] =	vst v19;
	v19 =	vld.idx.msk [tilespmem:v42+s20+$0x0], $0xffff  }
0x4f7: {  	[tilespmem:s10+$0xB0] =	vst v32;
	v42 =	vld [tilespmem:$0x1FDA0]  }
0x4f8: {  	v32 =	vld [tilespmem:$0x1FD20];
	[tilespmem:s10+$0x0] =	vst v48  }
0x4f9: {  	v48 =	vld.idx.msk [tilespmem:v40+s20+$0x0], $0xffff;
	[tilespmem:s10+$0x100] =	vst v11  }
0x4fa: {  	v40 =	vld [tilespmem:$0x1FD80];
	[tilespmem:s10+$0x110] =	vst v22  }
0x4fb: {  	[tilespmem:s10+$0x120] =	vst v12;
	v11 =	vld.idx.msk [tilespmem:v29+s20+$0x0], $0xffff  }
0x4fc: {  	[tilespmem:s10+$0x130] =	vst v23;
	v29 =	vld [tilespmem:$0x1FE90]  }
0x4fd: {  	[tilespmem:s10+$0x140] =	vst v13;
	v12 =	vld.idx.msk [tilespmem:v14+s20+$0x0], $0xffff  }
0x4fe: {  	s24 =	sadd.s32 $0x4, s24;
	[tilespmem:s10+$0x150] =	vst v35;
	v35 =	vld [tilespmem:$0x1FD50]  }
0x4ff: {  	p0 =	slt.u32 s24, $0xC;
	v13 =	vld.idx.msk [tilespmem:v21+s20+$0x0], $0xffff;
	[tilespmem:s10+$0x160] =	vst v30  }
.Ltmp4:
0x500: {  	v30 =	vld [tilespmem:$0x1FD00];
	[tilespmem:s10+$0x170] =	vst v47;
	(pc) =	sbr.rel @p0 .LBB2_11-.Ltmp4, $4  }
0x501: {  	v14 =	vld.idx.msk [tilespmem:v10+s20+$0x0], $0xffff;
	[tilespmem:s10+$0x180] =	vst v24  }
0x502: {  	v10 =	vld.idx.msk [tilespmem:v8+s20+$0x0], $0xffff;
	[tilespmem:s10+$0x190] =	vst v31  }
0x503: {  	v8 =	vld.idx.msk [tilespmem:v9+s20+$0x0], $0xffff;
	[tilespmem:s10+$0x1A0] =	vst v25  }
0x504: {  	v0 =	vor.u32 s12, v0;
	v62 =	vmov v63;
	s12 =	sadd.s32 $0x8, s12;
	v31 =	vld [tilespmem:$0x1FD10];
	[tilespmem:s10+$0x1B0] =	vst v48  }
0x505: {  	_ =	sdelay $0x3  }
0x506: {  	v4 =	vld.idx.msk [tilespmem:v4+s20+$0x0], $0xffff;
	[tilespmem:s10+$0x1C0] =	vst v20  }
0x507: {  	v2 =	vld.idx.msk [tilespmem:v2+s20+$0x0], $0xffff;
	[tilespmem:s10+$0x1D0] =	vst v15  }
0x508: {  	v3 =	vld.idx.msk [tilespmem:v3+s20+$0x0], $0xffff;
	[tilespmem:s10+$0x1E0] =	vst v16  }
0x509: {  	v1 =	vld.idx.msk [tilespmem:v1+s20+$0x0], $0xffff;
	[tilespmem:s10+$0x1F0] =	vst v17  }
0x50a: {  	v0 =	vld.idx.msk [tilespmem:v0+s20+$0x0], $0xffff;
	[tilespmem:s10+$0x200] =	vst v18  }
0x50b: {  	[tilespmem:s10+$0x210] =	vst v19  }
0x50c: {  	[tilespmem:s10+$0x220] =	vst v11  }
0x50d: {  	[tilespmem:s10+$0x230] =	vst v12  }
0x50e: {  	[tilespmem:s10+$0x240] =	vst v13  }
0x50f: {  	[tilespmem:s10+$0x280] =	vst v7  }
0x510: {  	[tilespmem:s10+$0x290] =	vst v5  }
0x511: {  	[tilespmem:s10+$0x2A0] =	vst v6  }
0x512: {  	[tilespmem:s10+$0x250] =	vst v14  }
0x513: {  	[tilespmem:s10+$0x260] =	vst v10  }
0x514: {  	[tilespmem:s10+$0x270] =	vst v8  }
0x515: {  	[tilespmem:s10+$0x2B0] =	vst v4  }
0x516: {  	[tilespmem:s10+$0x2C0] =	vst v2  }
0x517: {  	[tilespmem:s10+$0x2D0] =	vst v3  }
0x518: {  	[tilespmem:s10+$0x2E0] =	vst v1  }
0x519: {  	[tilespmem:s10+$0x2F0] =	vst v0  }
0x51a: {  	v21 =	vld [tilespmem:$0x1FF60]  }
0x51b: {  	v25 =	vld [tilespmem:$0x1FF70]  }
0x51c: {  	v26 =	vld [tilespmem:$0x1FF80]  }
0x51d: {  	v36 =	vld [tilespmem:$0x1FFC0]  }
0x51e: {  	v37 =	vld [tilespmem:$0x1FF90]  }
0x51f: {  	v44 =	vld [tilespmem:$0x1FFD0]  }
0x520: {  	v45 =	vld [tilespmem:$0x1FFA0]  }
0x521: {  	v46 =	vld [tilespmem:$0x1FFE0]  }
0x522: {  	v47 =	vld [tilespmem:$0x1FFB0]  }
0x523: {  	v48 =	vld [tilespmem:$0x1FFF0]  }
0x524: {  	v4 =	vld [tilespmem:$0x1FEA0]  }
0x525: {  	v5 =	vld [tilespmem:$0x1FEB0]  }
0x526: {  	v6 =	vld [tilespmem:$0x1FEC0]  }
0x527: {  	v7 =	vld [tilespmem:$0x1FED0]  }
0x528: {  	v8 =	vld [tilespmem:$0x1FEF0]  }
0x529: {  	s13 =	sadd.s32 $0x1, s13;
	v10 =	vld [tilespmem:$0x1FF00]  }
0x52a: {  	p0 =	sne.s32 s13, $0x28;
	v11 =	vld [tilespmem:$0x1FF10]  }
.Ltmp5:
0x52b: {  	s3 =	sshll.u32 s6, $0x11;
	v12 =	vld [tilespmem:$0x1FF20];
	(pc) =	sbr.rel @p0 .LBB2_2-.Ltmp5, $4  }
0x52c: {  	s3 =	sor.u32 s5, s3;
	v13 =	vld [tilespmem:$0x1FF30]  }
0x52d: {  	s3 =	sshrl.u32 s3, $0x3;
	v14 =	vld [tilespmem:$0x1FF40]  }
0x52e: {  	s31 =	simm.s32 $0xF400;
	s3 =	sadd.s32 s2, s3;
	v15 =	vld [tilespmem:$0x1FF50]  }
0x52f: {  	[hbm4b:s3+s22] =	stream.strided.scatter [tilespmem:s31], [sflag:$0xA], $0x1000, s23, s22, $0x38;
	v9 =	vld [tilespmem:$0x1FEE0]  }
0x530: {  	s6 =	simm.s32 $0xA  }
0x531: {  	_ =	swait.ge [sflag:s6], $0x1000  }
0x532: {  	s10 =	rddreg [dreg:$0x5]  }
0x533: {  	s3 =	rddreg [dreg:$0x4];
	s10 =	sadd.s32 $0x1, s10  }
0x534: {  	p0 =	sne.s32 s10, s3  }
.Ltmp6:
0x535: {  	_ = 	snop;
	(pc) =	sbr.rel @p0 .LBB2_1-.Ltmp6, $3  }
0x536: {  	_ =	sdelay $0x1  }
0x537: {  	[sflag:s6] =	ssyncset.done $0x0  }
0x538: {  	[sflag:s6] =	ssyncadd.s32 $0xFFFFF000  }
0x539: {  	_ =	sfence.sel $0x180000  }
0x53a: {  	[bflag:$0x0] =	sbarrier.arrive $0xFFFF  }
0x53b: {  	_ =	strace $0x9000004A  }
0x53c: {  	s0 =	stileid.u32;
	[bflag:$0x2] =	sbarrier.arrive $0xFFFF  }
0x53d: {  	p0 =	sne.s32 s0, $0x0;
	s0 =	rddreg [dreg:$0x2]  }
0x53e: {  	s0 =	sadd.s32 @!p0 $0x100000, s0  }
0x53f: {  	[sflag:s0] =	ssyncadd.tile.s32 @!p0 $0x1;
	_ =	shalt  }
.Lfunc_end2:
_tile_overlayer_lowered:
.L_overlay_start_2:
0x540: {  	(tag) =	ssettag $0x2  }
0x541: {  	s0 =	rddreg [dreg:$0x0];
	s2 =	stileid.u32  }
0x542: {  	s1 =	rddreg [dreg:$0x1];
	p0 =	sne.s32 s2, $0x0  }
0x543: {  	s3 =	rddreg [dreg:$0x2];
	[bflag:$0x3] =	sbarrier.arrive $0xFFFF;
	s2 =	simm.s32 @!p0 $0x1C0B  }
0x544: {  	[timem:s3], [sflag:s2] =	dma.local @!p0 [hbm:s0], s1  }
0x545: {  	s0 =	simm.s32 @!p0 $0xB  }
0x546: {  	_ =	swait.ge @!p0 [sflag:s0], s1  }
0x547: {  	s1 =	ssub.s32 @!p0 $0x0, s1;
	[sflag:s0] =	ssyncset.done @!p0 $0x0  }
0x548: {  	[sflag:s0] =	ssyncadd.s32 @!p0 s1  }
0x549: {  	[bflag:$0x3] =	sbarrier.arrive $0xFFFF  }
0x54a: {  	_ =	shalt  }

</sc_bundles>
